<compile_context>
chip_gen: v7x
topology: tpu7x:2x2x1
jax: 0.10.2.dev20260603
libtpu: 0.0.44.dev20260713+nightly
codegen_flags: <defaults>
</compile_context>

<pallas_src>
import functools

import jax
import jax.numpy as jnp
from jax import lax
from jax.experimental import pallas as pl
from jax.experimental.pallas import tpu as pltpu
from jax.experimental.pallas import tpu_sc as plsc

N, E, D = 10000, 320000, 128
NC, NS = 2, 16
NW = NC * NS
NPAD = NS * 640
ROWS_T = 624
ROWS_TAIL = N - NS * ROWS_T
K = 128
NCHUNK = E // K
GFULL = NCHUNK // NW
GREM = NCHUNK - GFULL * NW
NBUF = 3
EPS = 1e-5

_mesh = plsc.VectorSubcoreMesh(
    core_axis_name="c", subcore_axis_name="s", num_cores=NC, num_subcores=NS
)


@functools.partial(
    pl.kernel,
    out_type=jax.ShapeDtypeStruct((NC * NPAD,), jnp.float32),
    mesh=_mesh,
    scratch_types=[
        pltpu.VMEM_SHARED((NPAD,), jnp.float32),
        pltpu.VMEM((640,), jnp.float32),
        pltpu.VMEM((K,), jnp.float32),
        [pltpu.VMEM((K,), jnp.int32) for _ in range(2)],
        [pltpu.VMEM((K,), jnp.int32) for _ in range(2)],
        [pltpu.SemaphoreType.DMA for _ in range(2)],
        [pltpu.SemaphoreType.DMA for _ in range(2)],
    ],
)
def _deg_kernel(col_hbm, out_hbm, deg_sh, stage_v, ones_v, cidxs, cidxss,
                sem_is, sem_ss):
    c = lax.axis_index("c")
    s = lax.axis_index("s")
    t = c * NS + s
    ones16 = jnp.ones((16,), jnp.float32)
    for j in range(K // 16):
        ones_v[pl.ds(j * 16, 16)] = ones16
    initv = jnp.where(c == 0, 1.0, 0.0).astype(jnp.float32) * ones16
    for j in range(640 // 16):
        stage_v[pl.ds(j * 16, 16)] = initv
    pltpu.sync_copy(stage_v, deg_sh.at[pl.ds(s * 640, 640)])
    plsc.subcore_barrier()

    def issue_idx(j, cidx, sem):
        off = (t + j * NW) * K
        pltpu.async_copy(col_hbm.at[pl.ds(off, K)], cidx, sem)

    def vcopy(src, dst):
        for i in range(K // 16):
            sl = pl.ds(i * 16, 16)
            dst[sl] = src[sl]

    bufs = tuple(zip(cidxs, cidxss, sem_is, sem_ss))
    for b, (cidx, cidxs_, sem_i, sem_s) in enumerate(bufs):
        issue_idx(b, cidx, sem_i)

    def body(m, carry):
        base = 6 * m
        descs = [None, None]
        for k in range(6):
            b = k % 2
            cidx, cidxs_, sem_i, sem_s = bufs[b]
            pltpu.make_async_copy(col_hbm.at[pl.ds(0, K)], cidx, sem_i).wait()
            if descs[b] is not None:
                descs[b].wait()
            vcopy(cidx, cidxs_)
            descs[b] = pltpu.async_copy(ones_v, deg_sh.at[cidxs_], sem_s,
                                        add=True)
            issue_idx(base + k + 2, cidx, sem_i)
        descs[0].wait()
        descs[1].wait()
        return carry

    lax.fori_loop(0, GFULL // 6, body, 0)

    for cidx, cidxs_, sem_i, sem_s in bufs:
        pltpu.make_async_copy(col_hbm.at[pl.ds(0, K)], cidx, sem_i).wait()

    @pl.when(t < GREM)
    def _():
        pltpu.sync_copy(ones_v, deg_sh.at[cidxs[0]], add=True)

    plsc.subcore_barrier()
    pltpu.sync_copy(deg_sh.at[pl.ds(s * 640, 640)], stage_v)
    pltpu.sync_copy(stage_v, out_hbm.at[pl.ds(c * NPAD + s * 640, 640)])


@functools.partial(
    pl.kernel,
    out_type=jax.ShapeDtypeStruct((NC * N, D), jnp.float32),
    mesh=_mesh,
    scratch_types=[
        pltpu.VMEM_SHARED((N, D), jnp.float32),
        [pltpu.VMEM((K,), jnp.int32) for _ in range(NBUF)],
        [pltpu.VMEM((K,), jnp.int32) for _ in range(NBUF)],
        [pltpu.VMEM((K,), jnp.int32) for _ in range(NBUF)],
        [pltpu.VMEM((K, D), jnp.float32) for _ in range(NBUF)],
        [pltpu.SemaphoreType.DMA for _ in range(NBUF)],
        [pltpu.SemaphoreType.DMA for _ in range(NBUF)],
        [pltpu.SemaphoreType.DMA for _ in range(NBUF)],
    ],
)
def _msg_kernel(y_hbm, row_hbm, col_hbm, out_hbm, acc_sh,
                ridxs, cidxs, cidxss, gaths, sem_is, sem_gs, sem_ss):
    c = lax.axis_index("c")
    s = lax.axis_index("s")
    t = c * NS + s
    gath0 = gaths[0]
    NROW_CHUNKS = N // K

    def stage_init(j, carry):
        cid = s + j * NS
        @pl.when(cid < NROW_CHUNKS)
        def _():
            row0 = cid * K
            pltpu.sync_copy(y_hbm.at[pl.ds(row0, K)], gath0)
            pltpu.sync_copy(gath0, acc_sh.at[pl.ds(row0, K)])
        return carry

    lax.fori_loop(0, (NROW_CHUNKS + NS - 1) // NS, stage_init, 0)

    @pl.when(s == NS - 1)
    def _():
        tail0 = NROW_CHUNKS * K
        pltpu.sync_copy(y_hbm.at[pl.ds(tail0, ROWS_TAIL)],
                        gath0.at[pl.ds(0, ROWS_TAIL)])
        pltpu.sync_copy(gath0.at[pl.ds(0, ROWS_TAIL)],
                        acc_sh.at[pl.ds(tail0, ROWS_TAIL)])

    plsc.subcore_barrier()

    def issue_idx(j, ridx, cidx, sem):
        off = (t + j * NW) * K
        pltpu.async_copy(row_hbm.at[pl.ds(off, K)], ridx, sem)
        pltpu.async_copy(col_hbm.at[pl.ds(off, K)], cidx, sem)

    def wait_idx(ridx, cidx, sem):
        pltpu.make_async_copy(row_hbm.at[pl.ds(0, K)], ridx, sem).wait()
        pltpu.make_async_copy(col_hbm.at[pl.ds(0, K)], cidx, sem).wait()

    def vcopy(src, dst):
        for i in range(K // 16):
            sl = pl.ds(i * 16, 16)
            dst[sl] = src[sl]

    bufs = tuple(zip(ridxs, cidxs, cidxss, gaths, sem_is, sem_gs, sem_ss))
    for b, (ridx, cidx, cidxs_, gath, sem_i, sem_g, sem_s) in enumerate(bufs):
        issue_idx(b, ridx, cidx, sem_i)

    def half(base, scat_prev):
        gath_descs = []
        for b, (ridx, cidx, cidxs_, gath, sem_i, sem_g, sem_s) in enumerate(bufs):
            wait_idx(ridx, cidx, sem_i)
            if scat_prev is not None:
                scat_prev[b].wait()
            gath_descs.append(pltpu.async_copy(y_hbm.at[ridx], gath, sem_g))
        scat_descs = []
        for b, (ridx, cidx, cidxs_, gath, sem_i, sem_g, sem_s) in enumerate(bufs):
            gath_descs[b].wait()
            vcopy(cidx, cidxs_)
            scat_descs.append(
                pltpu.async_copy(gath, acc_sh.at[cidxs_], sem_s, add=True))
            issue_idx(base + b + NBUF, ridx, cidx, sem_i)
        return scat_descs

    NBODY = GFULL // (2 * NBUF)

    def body(m, carry):
        base = 2 * NBUF * m
        scat = half(base, None)
        scat2 = half(base + NBUF, scat)
        for d in scat2:
            d.wait()
        return carry

    lax.fori_loop(0, NBODY, body, 0)

    for ridx, cidx, cidxs_, gath, sem_i, sem_g, sem_s in bufs:
        wait_idx(ridx, cidx, sem_i)

    @pl.when(t < GREM)
    def _():
        pltpu.async_copy(y_hbm.at[ridxs[0]], gaths[0], sem_gs[0]).wait()
        pltpu.sync_copy(gaths[0], acc_sh.at[cidxs[0]], add=True)

    plsc.subcore_barrier()

    def stage_out(j, carry):
        cid = s + j * NS
        @pl.when(cid < NROW_CHUNKS)
        def _():
            row0 = cid * K
            pltpu.sync_copy(acc_sh.at[pl.ds(row0, K)], gath0)
            pltpu.sync_copy(gath0, out_hbm.at[pl.ds(c * N + row0, K)])
        return carry

    lax.fori_loop(0, (NROW_CHUNKS + NS - 1) // NS, stage_out, 0)

    @pl.when(s == NS - 1)
    def _():
        tail0 = NROW_CHUNKS * K
        pltpu.sync_copy(acc_sh.at[pl.ds(tail0, ROWS_TAIL)],
                        gath0.at[pl.ds(0, ROWS_TAIL)])
        pltpu.sync_copy(gath0.at[pl.ds(0, ROWS_TAIL)],
                        out_hbm.at[pl.ds(c * N + tail0, ROWS_TAIL)])


def _dis_from_parts(degp):
    deg = degp.reshape(NC, NPAD)[:, :N].sum(axis=0)
    return lax.rsqrt(deg)[:, None]


def _tc1_body(x_ref, w_ref, degp_ref, y_ref):
    dis = _dis_from_parts(degp_ref[...])
    xw = jnp.dot(x_ref[...], w_ref[...], preferred_element_type=jnp.float32)
    y_ref[...] = dis * xw


_tc1 = pl.pallas_call(
    _tc1_body, out_shape=jax.ShapeDtypeStruct((N, D), jnp.float32)
)


def _norm_act(acc_cat, y, dis, b, g, be, a):
    h = dis * (acc_cat[:N] + acc_cat[N:] - y) + b
    mean = jnp.mean(h, axis=0)
    var = jnp.mean((h - mean) ** 2, axis=0)
    hn = g * (h - mean) / jnp.sqrt(var + EPS) + be
    return jnp.where(hn >= 0, hn, a * hn)


def _tc_mid_body(acc_ref, y_ref, degp_ref, b_ref, g_ref, be_ref, a_ref, w_ref,
                 o_ref):
    dis = _dis_from_parts(degp_ref[...])
    hp = _norm_act(acc_ref[...], y_ref[...], dis, b_ref[...], g_ref[...],
                   be_ref[...], a_ref[...])
    xw = jnp.dot(hp, w_ref[...], preferred_element_type=jnp.float32)
    o_ref[...] = dis * xw


_tc_mid = pl.pallas_call(
    _tc_mid_body, out_shape=jax.ShapeDtypeStruct((N, D), jnp.float32)
)


def _tc_out_body(acc_ref, y_ref, degp_ref, b_ref, g_ref, be_ref, a_ref, o_ref):
    dis = _dis_from_parts(degp_ref[...])
    o_ref[...] = _norm_act(acc_ref[...], y_ref[...], dis, b_ref[...], g_ref[...],
                           be_ref[...], a_ref[...])


_tc_out = pl.pallas_call(
    _tc_out_body, out_shape=jax.ShapeDtypeStruct((N, D), jnp.float32)
)


def kernel(x, edge_index, W1, b1, gamma1, beta1, a1, W2, b2, gamma2, beta2, a2):
    pad = jnp.zeros(((GFULL + NBUF) * NW - NCHUNK) * K, dtype=jnp.int32)
    row = jnp.concatenate([edge_index[0], pad])
    col = jnp.concatenate([edge_index[1], pad])
    degp = _deg_kernel(col)
    b1r, g1r, be1r = b1.reshape(1, -1), gamma1.reshape(1, -1), beta1.reshape(1, -1)
    b2r, g2r, be2r = b2.reshape(1, -1), gamma2.reshape(1, -1), beta2.reshape(1, -1)
    a1r, a2r = a1.reshape(1, 1), a2.reshape(1, 1)

    y1 = _tc1(x, W1, degp)
    acc1 = _msg_kernel(y1, row, col)
    y2 = _tc_mid(acc1, y1, degp, b1r, g1r, be1r, a1r, W2)
    acc2 = _msg_kernel(y2, row, col)
    return _tc_out(acc2, y2, degp, b2r, g2r, be2r, a2r)

# --- scband reference (transcript-rebuilt; emitter-appended) ---
"""Pipeline reference for scband-encoder-11158325035023 (READ-ONLY COPY).

The authoritative reference and input builder live on the scoring server;
editing this copy changes nothing except your own understanding.
"""

import jax, jax.numpy as jnp
import numpy as np

N, E, D_IN, D_HID, D_OUT = 10000, 320000, 128, 128, 128
EPS = 1e-5


def gcn_conv(x, edge_index, W, b):
    n = x.shape[0]
    row = jnp.concatenate([edge_index[0], jnp.arange(n, dtype=edge_index.dtype)])
    col = jnp.concatenate([edge_index[1], jnp.arange(n, dtype=edge_index.dtype)])
    ew = jnp.ones(row.shape[0], dtype=x.dtype)
    deg = jax.ops.segment_sum(ew, col, num_segments=n)
    deg_inv_sqrt = jnp.where(deg > 0, 1.0 / jnp.sqrt(deg), 0.0)
    norm = deg_inv_sqrt[row] * ew * deg_inv_sqrt[col]
    xw = x @ W
    msg = norm[:, None] * xw[row]
    out = jnp.zeros((n, W.shape[1]), dtype=x.dtype).at[col].add(msg)
    return out + b


def batch_norm(x, gamma, beta):
    mean = jnp.mean(x, axis=0)
    var = jnp.mean((x - mean) ** 2, axis=0)
    xhat = (x - mean) / jnp.sqrt(var + EPS)
    return gamma * xhat + beta


def prelu(x, a):
    return jnp.where(x >= 0, x, a * x)


def setup_inputs(seed: int = 0):
    key = jax.random.key(seed)
    ks = jax.random.split(key, 6)
    x = jax.random.normal(ks[0], (N, D_IN), dtype=jnp.float32)
    edge_index = jax.random.randint(ks[1], (2, E), 0, N, dtype=jnp.int32)
    s1 = float(np.sqrt(1.0 / D_IN))
    s2 = float(np.sqrt(1.0 / D_HID))
    W1 = jax.random.uniform(ks[2], (D_IN, D_HID), dtype=jnp.float32, minval=-s1, maxval=s1)
    b1 = jnp.zeros((D_HID,), dtype=jnp.float32)
    W2 = jax.random.uniform(ks[3], (D_HID, D_OUT), dtype=jnp.float32, minval=-s2, maxval=s2)
    b2 = jnp.zeros((D_OUT,), dtype=jnp.float32)
    gamma1 = jnp.ones((D_HID,), dtype=jnp.float32)
    beta1 = jnp.zeros((D_HID,), dtype=jnp.float32)
    gamma2 = jnp.ones((D_OUT,), dtype=jnp.float32)
    beta2 = jnp.zeros((D_OUT,), dtype=jnp.float32)
    a1 = jnp.full((1,), 0.25, dtype=jnp.float32)
    a2 = jnp.full((1,), 0.25, dtype=jnp.float32)
    return {"x": x, "edge_index": edge_index, "W1": W1, "b1": b1, "gamma1": gamma1, "beta1": beta1, "a1": a1, "W2": W2, "b2": b2, "gamma2": gamma2, "beta2": beta2, "a2": a2}


def reference(x, edge_index, W1, b1, gamma1, beta1, a1, W2, b2, gamma2, beta2, a2):
    h = gcn_conv(x, edge_index, W1, b1)
    h = prelu(batch_norm(h, gamma1, beta1), a1)
    h = gcn_conv(h, edge_index, W2, b2)
    h = prelu(batch_norm(h, gamma2, beta2), a2)
    return h

if __name__ == "__main__":
    import jax
    _d = setup_inputs()
    print(jax.jit(kernel)(*tuple(_d.values())))

</pallas_src>

<mosaic_0001>
#map = affine_map<(d0, d1) -> (0, 0)>
#map1 = affine_map<(d0, d1) -> (0)>
module attributes {stable_mosaic.version = 14 : i64} {
  func.func @_msg_kernel(%arg0: i32, %arg1: i32, %arg2: memref<10000x128xf32, #tpu.memory_space<hbm>>, %arg3: memref<331776xi32, #tpu.memory_space<hbm>>, %arg4: memref<331776xi32, #tpu.memory_space<hbm>>, %arg5: memref<20000x128xf32, #tpu.memory_space<hbm>>, %arg6: memref<10000x128xf32, #tpu.memory_space<vmem_shared>>, %arg7: memref<128xi32, #tpu.memory_space<vmem>>, %arg8: memref<128xi32, #tpu.memory_space<vmem>>, %arg9: memref<128xi32, #tpu.memory_space<vmem>>, %arg10: memref<128xi32, #tpu.memory_space<vmem>>, %arg11: memref<128xi32, #tpu.memory_space<vmem>>, %arg12: memref<128xi32, #tpu.memory_space<vmem>>, %arg13: memref<128xi32, #tpu.memory_space<vmem>>, %arg14: memref<128xi32, #tpu.memory_space<vmem>>, %arg15: memref<128xi32, #tpu.memory_space<vmem>>, %arg16: memref<128x128xf32, #tpu.memory_space<vmem>>, %arg17: memref<128x128xf32, #tpu.memory_space<vmem>>, %arg18: memref<128x128xf32, #tpu.memory_space<vmem>>, %arg19: memref<!tpu.dma_semaphore, #tpu.memory_space<semaphore_mem>>, %arg20: memref<!tpu.dma_semaphore, #tpu.memory_space<semaphore_mem>>, %arg21: memref<!tpu.dma_semaphore, #tpu.memory_space<semaphore_mem>>, %arg22: memref<!tpu.dma_semaphore, #tpu.memory_space<semaphore_mem>>, %arg23: memref<!tpu.dma_semaphore, #tpu.memory_space<semaphore_mem>>, %arg24: memref<!tpu.dma_semaphore, #tpu.memory_space<semaphore_mem>>, %arg25: memref<!tpu.dma_semaphore, #tpu.memory_space<semaphore_mem>>, %arg26: memref<!tpu.dma_semaphore, #tpu.memory_space<semaphore_mem>>, %arg27: memref<!tpu.dma_semaphore, #tpu.memory_space<semaphore_mem>>) attributes {dimension_semantics = [#tpu.dimension_semantics<core_parallel>, #tpu.dimension_semantics<subcore_parallel>], iteration_bounds = array<i64: 2, 16>, scalar_prefetch = 0 : i64, scratch_operands = 22 : i64, tpu.core_type = #tpu.core_type<sc_vector_subcore>, window_params = [{transform_indices = #map}, {transform_indices = #map1}, {transform_indices = #map1}, {transform_indices = #map}]} {
    %mul3A = arith.constant 16 : i32
    %mul3A_0 = arith.muli %arg0, %mul3A : i32
    %add3A = arith.addi %mul3A_0, %arg1 : i32
    %scan3A = arith.constant 0 : i32
    %scan3A_1 = arith.constant 0 : i32
    %scan3A_2 = arith.constant 5 : i32
    %scan3A_3 = arith.addi %scan3A_1, %scan3A_2 : i32
    %scan3A_4 = arith.constant 1 : i32
    scf.for %scan3A_76 = %scan3A_1 to %scan3A_3 step %scan3A_4  : i32 {
      %mul3A_77 = arith.constant 16 : i32
      %mul3A_78 = arith.muli %scan3A_76, %mul3A_77 : i32
      %add3A_79 = arith.addi %arg1, %mul3A_78 : i32
      %lt3A_80 = arith.constant 78 : i32
      %lt3A_81 = arith.cmpi slt, %add3A_79, %lt3A_80 : i32
      %convert_element_type3A_82 = arith.extui %lt3A_81 : i1 to i32
      %cond3A_83 = arith.constant 0 : i32
      %cond3A_84 = arith.cmpi ne, %convert_element_type3A_82, %cond3A_83 : i32
      scf.if %cond3A_84 {
        %mul3A_85 = arith.constant 128 : i32
        %mul3A_86 = arith.muli %add3A_79, %mul3A_85 : i32
        "tpu.region"() ({
          %run_scoped3A = tpu.sem_alloc : memref<!tpu.dma_semaphore, #tpu.memory_space<semaphore_mem>>
          %dma_start3A_87 = arith.constant 0 : i32
          %dma_start3A_88 = tpu.memref_slice %arg2[%mul3A_86, %dma_start3A_87] : memref<10000x128xf32, #tpu.memory_space<hbm>> -> memref<128x128xf32, #tpu.memory_space<hbm>>
          %dma_start3A_89 = arith.constant 0 : i32
          %dma_start3A_90 = tpu.memref_slice %arg2[%mul3A_86, %dma_start3A_89] : memref<10000x128xf32, #tpu.memory_space<hbm>> -> memref<128x128xf32, #tpu.memory_space<hbm>>
          tpu.enqueue_dma source(%dma_start3A_90 : memref<128x128xf32, #tpu.memory_space<hbm>>) target(%arg16 : memref<128x128xf32, #tpu.memory_space<vmem>>) target_semaphore(%run_scoped3A : memref<!tpu.dma_semaphore, #tpu.memory_space<semaphore_mem>>)
          %dma_wait3A_91 = arith.constant 0 : i32
          %dma_wait3A_92 = tpu.memref_slice %arg2[%mul3A_86, %dma_wait3A_91] : memref<10000x128xf32, #tpu.memory_space<hbm>> -> memref<128x128xf32, #tpu.memory_space<hbm>>
          %dma_wait3A_93 = arith.constant 0 : i32
          %dma_wait3A_94 = tpu.memref_slice %arg2[%mul3A_86, %dma_wait3A_93] : memref<10000x128xf32, #tpu.memory_space<hbm>> -> memref<128x128xf32, #tpu.memory_space<hbm>>
          tpu.wait_dma2 semaphore(%run_scoped3A : memref<!tpu.dma_semaphore, #tpu.memory_space<semaphore_mem>>) src(%dma_wait3A_94 : memref<128x128xf32, #tpu.memory_space<hbm>>) dst(%arg16 : memref<128x128xf32, #tpu.memory_space<vmem>>)
          tpu.yield
        }) : () -> ()
        "tpu.region"() ({
          %run_scoped3A = tpu.sem_alloc : memref<!tpu.dma_semaphore, #tpu.memory_space<semaphore_mem>>
          %dma_start3A_87 = arith.constant 0 : i32
          %dma_start3A_88 = tpu.memref_slice %arg6[%mul3A_86, %dma_start3A_87] : memref<10000x128xf32, #tpu.memory_space<vmem_shared>> -> memref<128x128xf32, #tpu.memory_space<vmem_shared>>
          %dma_start3A_89 = arith.constant 0 : i32
          %dma_start3A_90 = tpu.memref_slice %arg6[%mul3A_86, %dma_start3A_89] : memref<10000x128xf32, #tpu.memory_space<vmem_shared>> -> memref<128x128xf32, #tpu.memory_space<vmem_shared>>
          tpu.enqueue_dma source(%arg16 : memref<128x128xf32, #tpu.memory_space<vmem>>) target(%dma_start3A_90 : memref<128x128xf32, #tpu.memory_space<vmem_shared>>) target_semaphore(%run_scoped3A : memref<!tpu.dma_semaphore, #tpu.memory_space<semaphore_mem>>)
          %dma_wait3A_91 = arith.constant 0 : i32
          %dma_wait3A_92 = tpu.memref_slice %arg6[%mul3A_86, %dma_wait3A_91] : memref<10000x128xf32, #tpu.memory_space<vmem_shared>> -> memref<128x128xf32, #tpu.memory_space<vmem_shared>>
          %dma_wait3A_93 = arith.constant 0 : i32
          %dma_wait3A_94 = tpu.memref_slice %arg6[%mul3A_86, %dma_wait3A_93] : memref<10000x128xf32, #tpu.memory_space<vmem_shared>> -> memref<128x128xf32, #tpu.memory_space<vmem_shared>>
          tpu.wait_dma2 semaphore(%run_scoped3A : memref<!tpu.dma_semaphore, #tpu.memory_space<semaphore_mem>>) src(%arg16 : memref<128x128xf32, #tpu.memory_space<vmem>>) dst(%dma_wait3A_94 : memref<128x128xf32, #tpu.memory_space<vmem_shared>>)
          tpu.yield
        }) : () -> ()
      } else {
      }
    }
    %scan3A_5 = arith.constant 5 : i32
    %eq3A = arith.constant 15 : i32
    %eq3A_6 = arith.cmpi eq, %arg1, %eq3A : i32
    %convert_element_type3A = arith.extui %eq3A_6 : i1 to i32
    %cond3A = arith.constant 0 : i32
    %cond3A_7 = arith.cmpi ne, %convert_element_type3A, %cond3A : i32
    scf.if %cond3A_7 {
      "tpu.region"() ({
        %run_scoped3A = tpu.sem_alloc : memref<!tpu.dma_semaphore, #tpu.memory_space<semaphore_mem>>
        %dma_start3A_76 = arith.constant 0 : i32
        %dma_start3A_77 = arith.constant 0 : i32
        %dma_start3A_78 = tpu.memref_slice %arg16[%dma_start3A_76, %dma_start3A_77] : memref<128x128xf32, #tpu.memory_space<vmem>> -> memref<16x128xf32, #tpu.memory_space<vmem>>
        %dma_start3A_79 = arith.constant 9984 : i32
        %dma_start3A_80 = arith.constant 0 : i32
        %dma_start3A_81 = tpu.memref_slice %arg2[%dma_start3A_79, %dma_start3A_80] : memref<10000x128xf32, #tpu.memory_space<hbm>> -> memref<16x128xf32, #tpu.memory_space<hbm>>
        %dma_start3A_82 = arith.constant 0 : i32
        %dma_start3A_83 = arith.constant 0 : i32
        %dma_start3A_84 = tpu.memref_slice %arg16[%dma_start3A_82, %dma_start3A_83] : memref<128x128xf32, #tpu.memory_space<vmem>> -> memref<16x128xf32, #tpu.memory_space<vmem>>
        %dma_start3A_85 = arith.constant 9984 : i32
        %dma_start3A_86 = arith.constant 0 : i32
        %dma_start3A_87 = tpu.memref_slice %arg2[%dma_start3A_85, %dma_start3A_86] : memref<10000x128xf32, #tpu.memory_space<hbm>> -> memref<16x128xf32, #tpu.memory_space<hbm>>
        tpu.enqueue_dma source(%dma_start3A_87 : memref<16x128xf32, #tpu.memory_space<hbm>>) target(%dma_start3A_84 : memref<16x128xf32, #tpu.memory_space<vmem>>) target_semaphore(%run_scoped3A : memref<!tpu.dma_semaphore, #tpu.memory_space<semaphore_mem>>)
        %dma_wait3A_88 = arith.constant 0 : i32
        %dma_wait3A_89 = arith.constant 0 : i32
        %dma_wait3A_90 = tpu.memref_slice %arg16[%dma_wait3A_88, %dma_wait3A_89] : memref<128x128xf32, #tpu.memory_space<vmem>> -> memref<16x128xf32, #tpu.memory_space<vmem>>
        %dma_wait3A_91 = arith.constant 9984 : i32
        %dma_wait3A_92 = arith.constant 0 : i32
        %dma_wait3A_93 = tpu.memref_slice %arg2[%dma_wait3A_91, %dma_wait3A_92] : memref<10000x128xf32, #tpu.memory_space<hbm>> -> memref<16x128xf32, #tpu.memory_space<hbm>>
        %dma_wait3A_94 = arith.constant 0 : i32
        %dma_wait3A_95 = arith.constant 0 : i32
        %dma_wait3A_96 = tpu.memref_slice %arg16[%dma_wait3A_94, %dma_wait3A_95] : memref<128x128xf32, #tpu.memory_space<vmem>> -> memref<16x128xf32, #tpu.memory_space<vmem>>
        %dma_wait3A_97 = arith.constant 9984 : i32
        %dma_wait3A_98 = arith.constant 0 : i32
        %dma_wait3A_99 = tpu.memref_slice %arg2[%dma_wait3A_97, %dma_wait3A_98] : memref<10000x128xf32, #tpu.memory_space<hbm>> -> memref<16x128xf32, #tpu.memory_space<hbm>>
        tpu.wait_dma2 semaphore(%run_scoped3A : memref<!tpu.dma_semaphore, #tpu.memory_space<semaphore_mem>>) src(%dma_wait3A_99 : memref<16x128xf32, #tpu.memory_space<hbm>>) dst(%dma_wait3A_96 : memref<16x128xf32, #tpu.memory_space<vmem>>)
        tpu.yield
      }) : () -> ()
      "tpu.region"() ({
        %run_scoped3A = tpu.sem_alloc : memref<!tpu.dma_semaphore, #tpu.memory_space<semaphore_mem>>
        %dma_start3A_76 = arith.constant 0 : i32
        %dma_start3A_77 = arith.constant 0 : i32
        %dma_start3A_78 = tpu.memref_slice %arg16[%dma_start3A_76, %dma_start3A_77] : memref<128x128xf32, #tpu.memory_space<vmem>> -> memref<16x128xf32, #tpu.memory_space<vmem>>
        %dma_start3A_79 = arith.constant 9984 : i32
        %dma_start3A_80 = arith.constant 0 : i32
        %dma_start3A_81 = tpu.memref_slice %arg6[%dma_start3A_79, %dma_start3A_80] : memref<10000x128xf32, #tpu.memory_space<vmem_shared>> -> memref<16x128xf32, #tpu.memory_space<vmem_shared>>
        %dma_start3A_82 = arith.constant 9984 : i32
        %dma_start3A_83 = arith.constant 0 : i32
        %dma_start3A_84 = tpu.memref_slice %arg6[%dma_start3A_82, %dma_start3A_83] : memref<10000x128xf32, #tpu.memory_space<vmem_shared>> -> memref<16x128xf32, #tpu.memory_space<vmem_shared>>
        %dma_start3A_85 = arith.constant 0 : i32
        %dma_start3A_86 = arith.constant 0 : i32
        %dma_start3A_87 = tpu.memref_slice %arg16[%dma_start3A_85, %dma_start3A_86] : memref<128x128xf32, #tpu.memory_space<vmem>> -> memref<16x128xf32, #tpu.memory_space<vmem>>
        tpu.enqueue_dma source(%dma_start3A_87 : memref<16x128xf32, #tpu.memory_space<vmem>>) target(%dma_start3A_84 : memref<16x128xf32, #tpu.memory_space<vmem_shared>>) target_semaphore(%run_scoped3A : memref<!tpu.dma_semaphore, #tpu.memory_space<semaphore_mem>>)
        %dma_wait3A_88 = arith.constant 0 : i32
        %dma_wait3A_89 = arith.constant 0 : i32
        %dma_wait3A_90 = tpu.memref_slice %arg16[%dma_wait3A_88, %dma_wait3A_89] : memref<128x128xf32, #tpu.memory_space<vmem>> -> memref<16x128xf32, #tpu.memory_space<vmem>>
        %dma_wait3A_91 = arith.constant 9984 : i32
        %dma_wait3A_92 = arith.constant 0 : i32
        %dma_wait3A_93 = tpu.memref_slice %arg6[%dma_wait3A_91, %dma_wait3A_92] : memref<10000x128xf32, #tpu.memory_space<vmem_shared>> -> memref<16x128xf32, #tpu.memory_space<vmem_shared>>
        %dma_wait3A_94 = arith.constant 9984 : i32
        %dma_wait3A_95 = arith.constant 0 : i32
        %dma_wait3A_96 = tpu.memref_slice %arg6[%dma_wait3A_94, %dma_wait3A_95] : memref<10000x128xf32, #tpu.memory_space<vmem_shared>> -> memref<16x128xf32, #tpu.memory_space<vmem_shared>>
        %dma_wait3A_97 = arith.constant 0 : i32
        %dma_wait3A_98 = arith.constant 0 : i32
        %dma_wait3A_99 = tpu.memref_slice %arg16[%dma_wait3A_97, %dma_wait3A_98] : memref<128x128xf32, #tpu.memory_space<vmem>> -> memref<16x128xf32, #tpu.memory_space<vmem>>
        tpu.wait_dma2 semaphore(%run_scoped3A : memref<!tpu.dma_semaphore, #tpu.memory_space<semaphore_mem>>) src(%dma_wait3A_99 : memref<16x128xf32, #tpu.memory_space<vmem>>) dst(%dma_wait3A_96 : memref<16x128xf32, #tpu.memory_space<vmem_shared>>)
        tpu.yield
      }) : () -> ()
    } else {
    }
    %barrier3A = arith.constant 0 : index
    tpu.barrier barrier_id(%barrier3A)
    %add3A_8 = arith.constant 0 : i32
    %add3A_9 = arith.addi %add3A, %add3A_8 : i32
    %mul3A_10 = arith.constant 128 : i32
    %mul3A_11 = arith.muli %add3A_9, %mul3A_10 : i32
    %dma_start3A = tpu.memref_slice %arg3[%mul3A_11] : memref<331776xi32, #tpu.memory_space<hbm>> -> memref<128xi32, #tpu.memory_space<hbm>>
    %dma_start3A_12 = tpu.memref_slice %arg3[%mul3A_11] : memref<331776xi32, #tpu.memory_space<hbm>> -> memref<128xi32, #tpu.memory_space<hbm>>
    tpu.enqueue_dma source(%dma_start3A_12 : memref<128xi32, #tpu.memory_space<hbm>>) target(%arg7 : memref<128xi32, #tpu.memory_space<vmem>>) target_semaphore(%arg19 : memref<!tpu.dma_semaphore, #tpu.memory_space<semaphore_mem>>)
    %dma_start3A_13 = tpu.memref_slice %arg4[%mul3A_11] : memref<331776xi32, #tpu.memory_space<hbm>> -> memref<128xi32, #tpu.memory_space<hbm>>
    %dma_start3A_14 = tpu.memref_slice %arg4[%mul3A_11] : memref<331776xi32, #tpu.memory_space<hbm>> -> memref<128xi32, #tpu.memory_space<hbm>>
    tpu.enqueue_dma source(%dma_start3A_14 : memref<128xi32, #tpu.memory_space<hbm>>) target(%arg10 : memref<128xi32, #tpu.memory_space<vmem>>) target_semaphore(%arg19 : memref<!tpu.dma_semaphore, #tpu.memory_space<semaphore_mem>>)
    %add3A_15 = arith.constant 32 : i32
    %add3A_16 = arith.addi %add3A, %add3A_15 : i32
    %mul3A_17 = arith.constant 128 : i32
    %mul3A_18 = arith.muli %add3A_16, %mul3A_17 : i32
    %dma_start3A_19 = tpu.memref_slice %arg3[%mul3A_18] : memref<331776xi32, #tpu.memory_space<hbm>> -> memref<128xi32, #tpu.memory_space<hbm>>
    %dma_start3A_20 = tpu.memref_slice %arg3[%mul3A_18] : memref<331776xi32, #tpu.memory_space<hbm>> -> memref<128xi32, #tpu.memory_space<hbm>>
    tpu.enqueue_dma source(%dma_start3A_20 : memref<128xi32, #tpu.memory_space<hbm>>) target(%arg8 : memref<128xi32, #tpu.memory_space<vmem>>) target_semaphore(%arg20 : memref<!tpu.dma_semaphore, #tpu.memory_space<semaphore_mem>>)
    %dma_start3A_21 = tpu.memref_slice %arg4[%mul3A_18] : memref<331776xi32, #tpu.memory_space<hbm>> -> memref<128xi32, #tpu.memory_space<hbm>>
    %dma_start3A_22 = tpu.memref_slice %arg4[%mul3A_18] : memref<331776xi32, #tpu.memory_space<hbm>> -> memref<128xi32, #tpu.memory_space<hbm>>
    tpu.enqueue_dma source(%dma_start3A_22 : memref<128xi32, #tpu.memory_space<hbm>>) target(%arg11 : memref<128xi32, #tpu.memory_space<vmem>>) target_semaphore(%arg20 : memref<!tpu.dma_semaphore, #tpu.memory_space<semaphore_mem>>)
    %add3A_23 = arith.constant 64 : i32
    %add3A_24 = arith.addi %add3A, %add3A_23 : i32
    %mul3A_25 = arith.constant 128 : i32
    %mul3A_26 = arith.muli %add3A_24, %mul3A_25 : i32
    %dma_start3A_27 = tpu.memref_slice %arg3[%mul3A_26] : memref<331776xi32, #tpu.memory_space<hbm>> -> memref<128xi32, #tpu.memory_space<hbm>>
    %dma_start3A_28 = tpu.memref_slice %arg3[%mul3A_26] : memref<331776xi32, #tpu.memory_space<hbm>> -> memref<128xi32, #tpu.memory_space<hbm>>
    tpu.enqueue_dma source(%dma_start3A_28 : memref<128xi32, #tpu.memory_space<hbm>>) target(%arg9 : memref<128xi32, #tpu.memory_space<vmem>>) target_semaphore(%arg21 : memref<!tpu.dma_semaphore, #tpu.memory_space<semaphore_mem>>)
    %dma_start3A_29 = tpu.memref_slice %arg4[%mul3A_26] : memref<331776xi32, #tpu.memory_space<hbm>> -> memref<128xi32, #tpu.memory_space<hbm>>
    %dma_start3A_30 = tpu.memref_slice %arg4[%mul3A_26] : memref<331776xi32, #tpu.memory_space<hbm>> -> memref<128xi32, #tpu.memory_space<hbm>>
    tpu.enqueue_dma source(%dma_start3A_30 : memref<128xi32, #tpu.memory_space<hbm>>) target(%arg12 : memref<128xi32, #tpu.memory_space<vmem>>) target_semaphore(%arg21 : memref<!tpu.dma_semaphore, #tpu.memory_space<semaphore_mem>>)
    %scan3A_31 = arith.constant 0 : i32
    %scan3A_32 = arith.constant 0 : i32
    %scan3A_33 = arith.constant 13 : i32
    %scan3A_34 = arith.addi %scan3A_32, %scan3A_33 : i32
    %scan3A_35 = arith.constant 1 : i32
    scf.for %scan3A_76 = %scan3A_32 to %scan3A_34 step %scan3A_35  : i32 {
      %mul3A_77 = arith.constant 6 : i32
      %mul3A_78 = arith.muli %mul3A_77, %scan3A_76 : i32
      %dma_wait3A_79 = arith.constant 0 : i32
      %dma_wait3A_80 = tpu.memref_slice %arg3[%dma_wait3A_79] : memref<331776xi32, #tpu.memory_space<hbm>> -> memref<128xi32, #tpu.memory_space<hbm>>
      %dma_wait3A_81 = arith.constant 0 : i32
      %dma_wait3A_82 = tpu.memref_slice %arg3[%dma_wait3A_81] : memref<331776xi32, #tpu.memory_space<hbm>> -> memref<128xi32, #tpu.memory_space<hbm>>
      tpu.wait_dma2 semaphore(%arg19 : memref<!tpu.dma_semaphore, #tpu.memory_space<semaphore_mem>>) src(%dma_wait3A_82 : memref<128xi32, #tpu.memory_space<hbm>>) dst(%arg7 : memref<128xi32, #tpu.memory_space<vmem>>)
      %dma_wait3A_83 = arith.constant 0 : i32
      %dma_wait3A_84 = tpu.memref_slice %arg4[%dma_wait3A_83] : memref<331776xi32, #tpu.memory_space<hbm>> -> memref<128xi32, #tpu.memory_space<hbm>>
      %dma_wait3A_85 = arith.constant 0 : i32
      %dma_wait3A_86 = tpu.memref_slice %arg4[%dma_wait3A_85] : memref<331776xi32, #tpu.memory_space<hbm>> -> memref<128xi32, #tpu.memory_space<hbm>>
      tpu.wait_dma2 semaphore(%arg19 : memref<!tpu.dma_semaphore, #tpu.memory_space<semaphore_mem>>) src(%dma_wait3A_86 : memref<128xi32, #tpu.memory_space<hbm>>) dst(%arg10 : memref<128xi32, #tpu.memory_space<vmem>>)
      %dma_start3A_87 = arith.constant 0 : i32
      %dma_start3A_88 = arith.constant 0 : i32
      %dma_start3A_89 = tpu.memref_slice %arg2[%dma_start3A_87, %dma_start3A_88] : memref<10000x128xf32, #tpu.memory_space<hbm>> -> memref<10000x128xf32, #tpu.memory_space<hbm>>
      tpu.enqueue_indirect_dma source(%dma_start3A_89 : memref<10000x128xf32, #tpu.memory_space<hbm>>) target(%arg16 : memref<128x128xf32, #tpu.memory_space<vmem>>) offsets(%arg7 : memref<128xi32, #tpu.memory_space<vmem>>) semaphore(%arg22 : memref<!tpu.dma_semaphore, #tpu.memory_space<semaphore_mem>>)
      %dma_wait3A_90 = arith.constant 0 : i32
      %dma_wait3A_91 = tpu.memref_slice %arg3[%dma_wait3A_90] : memref<331776xi32, #tpu.memory_space<hbm>> -> memref<128xi32, #tpu.memory_space<hbm>>
      %dma_wait3A_92 = arith.constant 0 : i32
      %dma_wait3A_93 = tpu.memref_slice %arg3[%dma_wait3A_92] : memref<331776xi32, #tpu.memory_space<hbm>> -> memref<128xi32, #tpu.memory_space<hbm>>
      tpu.wait_dma2 semaphore(%arg20 : memref<!tpu.dma_semaphore, #tpu.memory_space<semaphore_mem>>) src(%dma_wait3A_93 : memref<128xi32, #tpu.memory_space<hbm>>) dst(%arg8 : memref<128xi32, #tpu.memory_space<vmem>>)
      %dma_wait3A_94 = arith.constant 0 : i32
      %dma_wait3A_95 = tpu.memref_slice %arg4[%dma_wait3A_94] : memref<331776xi32, #tpu.memory_space<hbm>> -> memref<128xi32, #tpu.memory_space<hbm>>
      %dma_wait3A_96 = arith.constant 0 : i32
      %dma_wait3A_97 = tpu.memref_slice %arg4[%dma_wait3A_96] : memref<331776xi32, #tpu.memory_space<hbm>> -> memref<128xi32, #tpu.memory_space<hbm>>
      tpu.wait_dma2 semaphore(%arg20 : memref<!tpu.dma_semaphore, #tpu.memory_space<semaphore_mem>>) src(%dma_wait3A_97 : memref<128xi32, #tpu.memory_space<hbm>>) dst(%arg11 : memref<128xi32, #tpu.memory_space<vmem>>)
      %dma_start3A_98 = arith.constant 0 : i32
      %dma_start3A_99 = arith.constant 0 : i32
      %dma_start3A_100 = tpu.memref_slice %arg2[%dma_start3A_98, %dma_start3A_99] : memref<10000x128xf32, #tpu.memory_space<hbm>> -> memref<10000x128xf32, #tpu.memory_space<hbm>>
      tpu.enqueue_indirect_dma source(%dma_start3A_100 : memref<10000x128xf32, #tpu.memory_space<hbm>>) target(%arg17 : memref<128x128xf32, #tpu.memory_space<vmem>>) offsets(%arg8 : memref<128xi32, #tpu.memory_space<vmem>>) semaphore(%arg23 : memref<!tpu.dma_semaphore, #tpu.memory_space<semaphore_mem>>)
      %dma_wait3A_101 = arith.constant 0 : i32
      %dma_wait3A_102 = tpu.memref_slice %arg3[%dma_wait3A_101] : memref<331776xi32, #tpu.memory_space<hbm>> -> memref<128xi32, #tpu.memory_space<hbm>>
      %dma_wait3A_103 = arith.constant 0 : i32
      %dma_wait3A_104 = tpu.memref_slice %arg3[%dma_wait3A_103] : memref<331776xi32, #tpu.memory_space<hbm>> -> memref<128xi32, #tpu.memory_space<hbm>>
      tpu.wait_dma2 semaphore(%arg21 : memref<!tpu.dma_semaphore, #tpu.memory_space<semaphore_mem>>) src(%dma_wait3A_104 : memref<128xi32, #tpu.memory_space<hbm>>) dst(%arg9 : memref<128xi32, #tpu.memory_space<vmem>>)
      %dma_wait3A_105 = arith.constant 0 : i32
      %dma_wait3A_106 = tpu.memref_slice %arg4[%dma_wait3A_105] : memref<331776xi32, #tpu.memory_space<hbm>> -> memref<128xi32, #tpu.memory_space<hbm>>
      %dma_wait3A_107 = arith.constant 0 : i32
      %dma_wait3A_108 = tpu.memref_slice %arg4[%dma_wait3A_107] : memref<331776xi32, #tpu.memory_space<hbm>> -> memref<128xi32, #tpu.memory_space<hbm>>
      tpu.wait_dma2 semaphore(%arg21 : memref<!tpu.dma_semaphore, #tpu.memory_space<semaphore_mem>>) src(%dma_wait3A_108 : memref<128xi32, #tpu.memory_space<hbm>>) dst(%arg12 : memref<128xi32, #tpu.memory_space<vmem>>)
      %dma_start3A_109 = arith.constant 0 : i32
      %dma_start3A_110 = arith.constant 0 : i32
      %dma_start3A_111 = tpu.memref_slice %arg2[%dma_start3A_109, %dma_start3A_110] : memref<10000x128xf32, #tpu.memory_space<hbm>> -> memref<10000x128xf32, #tpu.memory_space<hbm>>
      tpu.enqueue_indirect_dma source(%dma_start3A_111 : memref<10000x128xf32, #tpu.memory_space<hbm>>) target(%arg18 : memref<128x128xf32, #tpu.memory_space<vmem>>) offsets(%arg9 : memref<128xi32, #tpu.memory_space<vmem>>) semaphore(%arg24 : memref<!tpu.dma_semaphore, #tpu.memory_space<semaphore_mem>>)
      %dma_wait3A_112 = arith.constant 0 : i32
      %dma_wait3A_113 = arith.constant 0 : i32
      %dma_wait3A_114 = tpu.memref_slice %arg2[%dma_wait3A_112, %dma_wait3A_113] : memref<10000x128xf32, #tpu.memory_space<hbm>> -> memref<10000x128xf32, #tpu.memory_space<hbm>>
      tpu.wait_indirect_dma semaphore(%arg22 : memref<!tpu.dma_semaphore, #tpu.memory_space<semaphore_mem>>) src(%dma_wait3A_114 : memref<10000x128xf32, #tpu.memory_space<hbm>>) dst(%arg16 : memref<128x128xf32, #tpu.memory_space<vmem>>)
      %get3A = arith.constant 0 : index
      %get3A_115 = tpu.vector_load %arg10[%get3A] {strides = array<i32>} : memref<128xi32, #tpu.memory_space<vmem>>, vector<16xi32>,
      %get3A_116 = vector.shape_cast %get3A_115 : vector<16xi32> to vector<16xi32>
      %swap3A = arith.constant 0 : index
      %swap3A_117 = tpu.vector_load %arg13[%swap3A] {strides = array<i32>} : memref<128xi32, #tpu.memory_space<vmem>>, vector<16xi32>,
      %swap3A_118 = vector.shape_cast %swap3A_117 : vector<16xi32> to vector<16xi32>
      %swap3A_119 = vector.shape_cast %get3A_116 : vector<16xi32> to vector<16xi32>
      tpu.vector_store %arg13[%swap3A], %swap3A_119 {strides = array<i32>} : memref<128xi32, #tpu.memory_space<vmem>>, vector<16xi32>,
      %get3A_120 = arith.constant 16 : index
      %get3A_121 = tpu.vector_load %arg10[%get3A_120] {strides = array<i32>} : memref<128xi32, #tpu.memory_space<vmem>>, vector<16xi32>,
      %get3A_122 = vector.shape_cast %get3A_121 : vector<16xi32> to vector<16xi32>
      %swap3A_123 = arith.constant 16 : index
      %swap3A_124 = tpu.vector_load %arg13[%swap3A_123] {strides = array<i32>} : memref<128xi32, #tpu.memory_space<vmem>>, vector<16xi32>,
      %swap3A_125 = vector.shape_cast %swap3A_124 : vector<16xi32> to vector<16xi32>
      %swap3A_126 = vector.shape_cast %get3A_122 : vector<16xi32> to vector<16xi32>
      tpu.vector_store %arg13[%swap3A_123], %swap3A_126 {strides = array<i32>} : memref<128xi32, #tpu.memory_space<vmem>>, vector<16xi32>,
      %get3A_127 = arith.constant 32 : index
      %get3A_128 = tpu.vector_load %arg10[%get3A_127] {strides = array<i32>} : memref<128xi32, #tpu.memory_space<vmem>>, vector<16xi32>,
      %get3A_129 = vector.shape_cast %get3A_128 : vector<16xi32> to vector<16xi32>
      %swap3A_130 = arith.constant 32 : index
      %swap3A_131 = tpu.vector_load %arg13[%swap3A_130] {strides = array<i32>} : memref<128xi32, #tpu.memory_space<vmem>>, vector<16xi32>,
      %swap3A_132 = vector.shape_cast %swap3A_131 : vector<16xi32> to vector<16xi32>
      %swap3A_133 = vector.shape_cast %get3A_129 : vector<16xi32> to vector<16xi32>
      tpu.vector_store %arg13[%swap3A_130], %swap3A_133 {strides = array<i32>} : memref<128xi32, #tpu.memory_space<vmem>>, vector<16xi32>,
      %get3A_134 = arith.constant 48 : index
      %get3A_135 = tpu.vector_load %arg10[%get3A_134] {strides = array<i32>} : memref<128xi32, #tpu.memory_space<vmem>>, vector<16xi32>,
      %get3A_136 = vector.shape_cast %get3A_135 : vector<16xi32> to vector<16xi32>
      %swap3A_137 = arith.constant 48 : index
      %swap3A_138 = tpu.vector_load %arg13[%swap3A_137] {strides = array<i32>} : memref<128xi32, #tpu.memory_space<vmem>>, vector<16xi32>,
      %swap3A_139 = vector.shape_cast %swap3A_138 : vector<16xi32> to vector<16xi32>
      %swap3A_140 = vector.shape_cast %get3A_136 : vector<16xi32> to vector<16xi32>
      tpu.vector_store %arg13[%swap3A_137], %swap3A_140 {strides = array<i32>} : memref<128xi32, #tpu.memory_space<vmem>>, vector<16xi32>,
      %get3A_141 = arith.constant 64 : index
      %get3A_142 = tpu.vector_load %arg10[%get3A_141] {strides = array<i32>} : memref<128xi32, #tpu.memory_space<vmem>>, vector<16xi32>,
      %get3A_143 = vector.shape_cast %get3A_142 : vector<16xi32> to vector<16xi32>
      %swap3A_144 = arith.constant 64 : index
      %swap3A_145 = tpu.vector_load %arg13[%swap3A_144] {strides = array<i32>} : memref<128xi32, #tpu.memory_space<vmem>>, vector<16xi32>,
      %swap3A_146 = vector.shape_cast %swap3A_145 : vector<16xi32> to vector<16xi32>
      %swap3A_147 = vector.shape_cast %get3A_143 : vector<16xi32> to vector<16xi32>
      tpu.vector_store %arg13[%swap3A_144], %swap3A_147 {strides = array<i32>} : memref<128xi32, #tpu.memory_space<vmem>>, vector<16xi32>,
      %get3A_148 = arith.constant 80 : index
      %get3A_149 = tpu.vector_load %arg10[%get3A_148] {strides = array<i32>} : memref<128xi32, #tpu.memory_space<vmem>>, vector<16xi32>,
      %get3A_150 = vector.shape_cast %get3A_149 : vector<16xi32> to vector<16xi32>
      %swap3A_151 = arith.constant 80 : index
      %swap3A_152 = tpu.vector_load %arg13[%swap3A_151] {strides = array<i32>} : memref<128xi32, #tpu.memory_space<vmem>>, vector<16xi32>,
      %swap3A_153 = vector.shape_cast %swap3A_152 : vector<16xi32> to vector<16xi32>
      %swap3A_154 = vector.shape_cast %get3A_150 : vector<16xi32> to vector<16xi32>
      tpu.vector_store %arg13[%swap3A_151], %swap3A_154 {strides = array<i32>} : memref<128xi32, #tpu.memory_space<vmem>>, vector<16xi32>,
      %get3A_155 = arith.constant 96 : index
      %get3A_156 = tpu.vector_load %arg10[%get3A_155] {strides = array<i32>} : memref<128xi32, #tpu.memory_space<vmem>>, vector<16xi32>,
      %get3A_157 = vector.shape_cast %get3A_156 : vector<16xi32> to vector<16xi32>
      %swap3A_158 = arith.constant 96 : index
      %swap3A_159 = tpu.vector_load %arg13[%swap3A_158] {strides = array<i32>} : memref<128xi32, #tpu.memory_space<vmem>>, vector<16xi32>,
      %swap3A_160 = vector.shape_cast %swap3A_159 : vector<16xi32> to vector<16xi32>
      %swap3A_161 = vector.shape_cast %get3A_157 : vector<16xi32> to vector<16xi32>
      tpu.vector_store %arg13[%swap3A_158], %swap3A_161 {strides = array<i32>} : memref<128xi32, #tpu.memory_space<vmem>>, vector<16xi32>,
      %get3A_162 = arith.constant 112 : index
      %get3A_163 = tpu.vector_load %arg10[%get3A_162] {strides = array<i32>} : memref<128xi32, #tpu.memory_space<vmem>>, vector<16xi32>,
      %get3A_164 = vector.shape_cast %get3A_163 : vector<16xi32> to vector<16xi32>
      %swap3A_165 = arith.constant 112 : index
      %swap3A_166 = tpu.vector_load %arg13[%swap3A_165] {strides = array<i32>} : memref<128xi32, #tpu.memory_space<vmem>>, vector<16xi32>,
      %swap3A_167 = vector.shape_cast %swap3A_166 : vector<16xi32> to vector<16xi32>
      %swap3A_168 = vector.shape_cast %get3A_164 : vector<16xi32> to vector<16xi32>
      tpu.vector_store %arg13[%swap3A_165], %swap3A_168 {strides = array<i32>} : memref<128xi32, #tpu.memory_space<vmem>>, vector<16xi32>,
      %dma_start3A_169 = arith.constant 0 : i32
      %dma_start3A_170 = arith.constant 0 : i32
      %dma_start3A_171 = tpu.memref_slice %arg6[%dma_start3A_169, %dma_start3A_170] : memref<10000x128xf32, #tpu.memory_space<vmem_shared>> -> memref<10000x128xf32, #tpu.memory_space<vmem_shared>>
      tpu.enqueue_indirect_dma source(%arg16 : memref<128x128xf32, #tpu.memory_space<vmem>>) target(%dma_start3A_171 : memref<10000x128xf32, #tpu.memory_space<vmem_shared>>) offsets(%arg13 : memref<128xi32, #tpu.memory_space<vmem>>) semaphore(%arg25 : memref<!tpu.dma_semaphore, #tpu.memory_space<semaphore_mem>>) {add = true}
      %add3A_172 = arith.constant 0 : i32
      %add3A_173 = arith.addi %mul3A_78, %add3A_172 : i32
      %add3A_174 = arith.constant 3 : i32
      %add3A_175 = arith.addi %add3A_173, %add3A_174 : i32
      %mul3A_176 = arith.constant 32 : i32
      %mul3A_177 = arith.muli %add3A_175, %mul3A_176 : i32
      %add3A_178 = arith.addi %add3A, %mul3A_177 : i32
      %mul3A_179 = arith.constant 128 : i32
      %mul3A_180 = arith.muli %add3A_178, %mul3A_179 : i32
      %dma_start3A_181 = tpu.memref_slice %arg3[%mul3A_180] : memref<331776xi32, #tpu.memory_space<hbm>> -> memref<128xi32, #tpu.memory_space<hbm>>
      %dma_start3A_182 = tpu.memref_slice %arg3[%mul3A_180] : memref<331776xi32, #tpu.memory_space<hbm>> -> memref<128xi32, #tpu.memory_space<hbm>>
      tpu.enqueue_dma source(%dma_start3A_182 : memref<128xi32, #tpu.memory_space<hbm>>) target(%arg7 : memref<128xi32, #tpu.memory_space<vmem>>) target_semaphore(%arg19 : memref<!tpu.dma_semaphore, #tpu.memory_space<semaphore_mem>>)
      %dma_start3A_183 = tpu.memref_slice %arg4[%mul3A_180] : memref<331776xi32, #tpu.memory_space<hbm>> -> memref<128xi32, #tpu.memory_space<hbm>>
      %dma_start3A_184 = tpu.memref_slice %arg4[%mul3A_180] : memref<331776xi32, #tpu.memory_space<hbm>> -> memref<128xi32, #tpu.memory_space<hbm>>
      tpu.enqueue_dma source(%dma_start3A_184 : memref<128xi32, #tpu.memory_space<hbm>>) target(%arg10 : memref<128xi32, #tpu.memory_space<vmem>>) target_semaphore(%arg19 : memref<!tpu.dma_semaphore, #tpu.memory_space<semaphore_mem>>)
      %dma_wait3A_185 = arith.constant 0 : i32
      %dma_wait3A_186 = arith.constant 0 : i32
      %dma_wait3A_187 = tpu.memref_slice %arg2[%dma_wait3A_185, %dma_wait3A_186] : memref<10000x128xf32, #tpu.memory_space<hbm>> -> memref<10000x128xf32, #tpu.memory_space<hbm>>
      tpu.wait_indirect_dma semaphore(%arg23 : memref<!tpu.dma_semaphore, #tpu.memory_space<semaphore_mem>>) src(%dma_wait3A_187 : memref<10000x128xf32, #tpu.memory_space<hbm>>) dst(%arg17 : memref<128x128xf32, #tpu.memory_space<vmem>>)
      %get3A_188 = arith.constant 0 : index
      %get3A_189 = tpu.vector_load %arg11[%get3A_188] {strides = array<i32>} : memref<128xi32, #tpu.memory_space<vmem>>, vector<16xi32>,
      %get3A_190 = vector.shape_cast %get3A_189 : vector<16xi32> to vector<16xi32>
      %swap3A_191 = arith.constant 0 : index
      %swap3A_192 = tpu.vector_load %arg14[%swap3A_191] {strides = array<i32>} : memref<128xi32, #tpu.memory_space<vmem>>, vector<16xi32>,
      %swap3A_193 = vector.shape_cast %swap3A_192 : vector<16xi32> to vector<16xi32>
      %swap3A_194 = vector.shape_cast %get3A_190 : vector<16xi32> to vector<16xi32>
      tpu.vector_store %arg14[%swap3A_191], %swap3A_194 {strides = array<i32>} : memref<128xi32, #tpu.memory_space<vmem>>, vector<16xi32>,
      %get3A_195 = arith.constant 16 : index
      %get3A_196 = tpu.vector_load %arg11[%get3A_195] {strides = array<i32>} : memref<128xi32, #tpu.memory_space<vmem>>, vector<16xi32>,
      %get3A_197 = vector.shape_cast %get3A_196 : vector<16xi32> to vector<16xi32>
      %swap3A_198 = arith.constant 16 : index
      %swap3A_199 = tpu.vector_load %arg14[%swap3A_198] {strides = array<i32>} : memref<128xi32, #tpu.memory_space<vmem>>, vector<16xi32>,
      %swap3A_200 = vector.shape_cast %swap3A_199 : vector<16xi32> to vector<16xi32>
      %swap3A_201 = vector.shape_cast %get3A_197 : vector<16xi32> to vector<16xi32>
      tpu.vector_store %arg14[%swap3A_198], %swap3A_201 {strides = array<i32>} : memref<128xi32, #tpu.memory_space<vmem>>, vector<16xi32>,
      %get3A_202 = arith.constant 32 : index
      %get3A_203 = tpu.vector_load %arg11[%get3A_202] {strides = array<i32>} : memref<128xi32, #tpu.memory_space<vmem>>, vector<16xi32>,
      %get3A_204 = vector.shape_cast %get3A_203 : vector<16xi32> to vector<16xi32>
      %swap3A_205 = arith.constant 32 : index
      %swap3A_206 = tpu.vector_load %arg14[%swap3A_205] {strides = array<i32>} : memref<128xi32, #tpu.memory_space<vmem>>, vector<16xi32>,
      %swap3A_207 = vector.shape_cast %swap3A_206 : vector<16xi32> to vector<16xi32>
      %swap3A_208 = vector.shape_cast %get3A_204 : vector<16xi32> to vector<16xi32>
      tpu.vector_store %arg14[%swap3A_205], %swap3A_208 {strides = array<i32>} : memref<128xi32, #tpu.memory_space<vmem>>, vector<16xi32>,
      %get3A_209 = arith.constant 48 : index
      %get3A_210 = tpu.vector_load %arg11[%get3A_209] {strides = array<i32>} : memref<128xi32, #tpu.memory_space<vmem>>, vector<16xi32>,
      %get3A_211 = vector.shape_cast %get3A_210 : vector<16xi32> to vector<16xi32>
      %swap3A_212 = arith.constant 48 : index
      %swap3A_213 = tpu.vector_load %arg14[%swap3A_212] {strides = array<i32>} : memref<128xi32, #tpu.memory_space<vmem>>, vector<16xi32>,
      %swap3A_214 = vector.shape_cast %swap3A_213 : vector<16xi32> to vector<16xi32>
      %swap3A_215 = vector.shape_cast %get3A_211 : vector<16xi32> to vector<16xi32>
      tpu.vector_store %arg14[%swap3A_212], %swap3A_215 {strides = array<i32>} : memref<128xi32, #tpu.memory_space<vmem>>, vector<16xi32>,
      %get3A_216 = arith.constant 64 : index
      %get3A_217 = tpu.vector_load %arg11[%get3A_216] {strides = array<i32>} : memref<128xi32, #tpu.memory_space<vmem>>, vector<16xi32>,
      %get3A_218 = vector.shape_cast %get3A_217 : vector<16xi32> to vector<16xi32>
      %swap3A_219 = arith.constant 64 : index
      %swap3A_220 = tpu.vector_load %arg14[%swap3A_219] {strides = array<i32>} : memref<128xi32, #tpu.memory_space<vmem>>, vector<16xi32>,
      %swap3A_221 = vector.shape_cast %swap3A_220 : vector<16xi32> to vector<16xi32>
      %swap3A_222 = vector.shape_cast %get3A_218 : vector<16xi32> to vector<16xi32>
      tpu.vector_store %arg14[%swap3A_219], %swap3A_222 {strides = array<i32>} : memref<128xi32, #tpu.memory_space<vmem>>, vector<16xi32>,
      %get3A_223 = arith.constant 80 : index
      %get3A_224 = tpu.vector_load %arg11[%get3A_223] {strides = array<i32>} : memref<128xi32, #tpu.memory_space<vmem>>, vector<16xi32>,
      %get3A_225 = vector.shape_cast %get3A_224 : vector<16xi32> to vector<16xi32>
      %swap3A_226 = arith.constant 80 : index
      %swap3A_227 = tpu.vector_load %arg14[%swap3A_226] {strides = array<i32>} : memref<128xi32, #tpu.memory_space<vmem>>, vector<16xi32>,
      %swap3A_228 = vector.shape_cast %swap3A_227 : vector<16xi32> to vector<16xi32>
      %swap3A_229 = vector.shape_cast %get3A_225 : vector<16xi32> to vector<16xi32>
      tpu.vector_store %arg14[%swap3A_226], %swap3A_229 {strides = array<i32>} : memref<128xi32, #tpu.memory_space<vmem>>, vector<16xi32>,
      %get3A_230 = arith.constant 96 : index
      %get3A_231 = tpu.vector_load %arg11[%get3A_230] {strides = array<i32>} : memref<128xi32, #tpu.memory_space<vmem>>, vector<16xi32>,
      %get3A_232 = vector.shape_cast %get3A_231 : vector<16xi32> to vector<16xi32>
      %swap3A_233 = arith.constant 96 : index
      %swap3A_234 = tpu.vector_load %arg14[%swap3A_233] {strides = array<i32>} : memref<128xi32, #tpu.memory_space<vmem>>, vector<16xi32>,
      %swap3A_235 = vector.shape_cast %swap3A_234 : vector<16xi32> to vector<16xi32>
      %swap3A_236 = vector.shape_cast %get3A_232 : vector<16xi32> to vector<16xi32>
      tpu.vector_store %arg14[%swap3A_233], %swap3A_236 {strides = array<i32>} : memref<128xi32, #tpu.memory_space<vmem>>, vector<16xi32>,
      %get3A_237 = arith.constant 112 : index
      %get3A_238 = tpu.vector_load %arg11[%get3A_237] {strides = array<i32>} : memref<128xi32, #tpu.memory_space<vmem>>, vector<16xi32>,
      %get3A_239 = vector.shape_cast %get3A_238 : vector<16xi32> to vector<16xi32>
      %swap3A_240 = arith.constant 112 : index
      %swap3A_241 = tpu.vector_load %arg14[%swap3A_240] {strides = array<i32>} : memref<128xi32, #tpu.memory_space<vmem>>, vector<16xi32>,
      %swap3A_242 = vector.shape_cast %swap3A_241 : vector<16xi32> to vector<16xi32>
      %swap3A_243 = vector.shape_cast %get3A_239 : vector<16xi32> to vector<16xi32>
      tpu.vector_store %arg14[%swap3A_240], %swap3A_243 {strides = array<i32>} : memref<128xi32, #tpu.memory_space<vmem>>, vector<16xi32>,
      %dma_start3A_244 = arith.constant 0 : i32
      %dma_start3A_245 = arith.constant 0 : i32
      %dma_start3A_246 = tpu.memref_slice %arg6[%dma_start3A_244, %dma_start3A_245] : memref<10000x128xf32, #tpu.memory_space<vmem_shared>> -> memref<10000x128xf32, #tpu.memory_space<vmem_shared>>
      tpu.enqueue_indirect_dma source(%arg17 : memref<128x128xf32, #tpu.memory_space<vmem>>) target(%dma_start3A_246 : memref<10000x128xf32, #tpu.memory_space<vmem_shared>>) offsets(%arg14 : memref<128xi32, #tpu.memory_space<vmem>>) semaphore(%arg26 : memref<!tpu.dma_semaphore, #tpu.memory_space<semaphore_mem>>) {add = true}
      %add3A_247 = arith.constant 1 : i32
      %add3A_248 = arith.addi %mul3A_78, %add3A_247 : i32
      %add3A_249 = arith.constant 3 : i32
      %add3A_250 = arith.addi %add3A_248, %add3A_249 : i32
      %mul3A_251 = arith.constant 32 : i32
      %mul3A_252 = arith.muli %add3A_250, %mul3A_251 : i32
      %add3A_253 = arith.addi %add3A, %mul3A_252 : i32
      %mul3A_254 = arith.constant 128 : i32
      %mul3A_255 = arith.muli %add3A_253, %mul3A_254 : i32
      %dma_start3A_256 = tpu.memref_slice %arg3[%mul3A_255] : memref<331776xi32, #tpu.memory_space<hbm>> -> memref<128xi32, #tpu.memory_space<hbm>>
      %dma_start3A_257 = tpu.memref_slice %arg3[%mul3A_255] : memref<331776xi32, #tpu.memory_space<hbm>> -> memref<128xi32, #tpu.memory_space<hbm>>
      tpu.enqueue_dma source(%dma_start3A_257 : memref<128xi32, #tpu.memory_space<hbm>>) target(%arg8 : memref<128xi32, #tpu.memory_space<vmem>>) target_semaphore(%arg20 : memref<!tpu.dma_semaphore, #tpu.memory_space<semaphore_mem>>)
      %dma_start3A_258 = tpu.memref_slice %arg4[%mul3A_255] : memref<331776xi32, #tpu.memory_space<hbm>> -> memref<128xi32, #tpu.memory_space<hbm>>
      %dma_start3A_259 = tpu.memref_slice %arg4[%mul3A_255] : memref<331776xi32, #tpu.memory_space<hbm>> -> memref<128xi32, #tpu.memory_space<hbm>>
      tpu.enqueue_dma source(%dma_start3A_259 : memref<128xi32, #tpu.memory_space<hbm>>) target(%arg11 : memref<128xi32, #tpu.memory_space<vmem>>) target_semaphore(%arg20 : memref<!tpu.dma_semaphore, #tpu.memory_space<semaphore_mem>>)
      %dma_wait3A_260 = arith.constant 0 : i32
      %dma_wait3A_261 = arith.constant 0 : i32
      %dma_wait3A_262 = tpu.memref_slice %arg2[%dma_wait3A_260, %dma_wait3A_261] : memref<10000x128xf32, #tpu.memory_space<hbm>> -> memref<10000x128xf32, #tpu.memory_space<hbm>>
      tpu.wait_indirect_dma semaphore(%arg24 : memref<!tpu.dma_semaphore, #tpu.memory_space<semaphore_mem>>) src(%dma_wait3A_262 : memref<10000x128xf32, #tpu.memory_space<hbm>>) dst(%arg18 : memref<128x128xf32, #tpu.memory_space<vmem>>)
      %get3A_263 = arith.constant 0 : index
      %get3A_264 = tpu.vector_load %arg12[%get3A_263] {strides = array<i32>} : memref<128xi32, #tpu.memory_space<vmem>>, vector<16xi32>,
      %get3A_265 = vector.shape_cast %get3A_264 : vector<16xi32> to vector<16xi32>
      %swap3A_266 = arith.constant 0 : index
      %swap3A_267 = tpu.vector_load %arg15[%swap3A_266] {strides = array<i32>} : memref<128xi32, #tpu.memory_space<vmem>>, vector<16xi32>,
      %swap3A_268 = vector.shape_cast %swap3A_267 : vector<16xi32> to vector<16xi32>
      %swap3A_269 = vector.shape_cast %get3A_265 : vector<16xi32> to vector<16xi32>
      tpu.vector_store %arg15[%swap3A_266], %swap3A_269 {strides = array<i32>} : memref<128xi32, #tpu.memory_space<vmem>>, vector<16xi32>,
      %get3A_270 = arith.constant 16 : index
      %get3A_271 = tpu.vector_load %arg12[%get3A_270] {strides = array<i32>} : memref<128xi32, #tpu.memory_space<vmem>>, vector<16xi32>,
      %get3A_272 = vector.shape_cast %get3A_271 : vector<16xi32> to vector<16xi32>
      %swap3A_273 = arith.constant 16 : index
      %swap3A_274 = tpu.vector_load %arg15[%swap3A_273] {strides = array<i32>} : memref<128xi32, #tpu.memory_space<vmem>>, vector<16xi32>,
      %swap3A_275 = vector.shape_cast %swap3A_274 : vector<16xi32> to vector<16xi32>
      %swap3A_276 = vector.shape_cast %get3A_272 : vector<16xi32> to vector<16xi32>
      tpu.vector_store %arg15[%swap3A_273], %swap3A_276 {strides = array<i32>} : memref<128xi32, #tpu.memory_space<vmem>>, vector<16xi32>,
      %get3A_277 = arith.constant 32 : index
      %get3A_278 = tpu.vector_load %arg12[%get3A_277] {strides = array<i32>} : memref<128xi32, #tpu.memory_space<vmem>>, vector<16xi32>,
      %get3A_279 = vector.shape_cast %get3A_278 : vector<16xi32> to vector<16xi32>
      %swap3A_280 = arith.constant 32 : index
      %swap3A_281 = tpu.vector_load %arg15[%swap3A_280] {strides = array<i32>} : memref<128xi32, #tpu.memory_space<vmem>>, vector<16xi32>,
      %swap3A_282 = vector.shape_cast %swap3A_281 : vector<16xi32> to vector<16xi32>
      %swap3A_283 = vector.shape_cast %get3A_279 : vector<16xi32> to vector<16xi32>
      tpu.vector_store %arg15[%swap3A_280], %swap3A_283 {strides = array<i32>} : memref<128xi32, #tpu.memory_space<vmem>>, vector<16xi32>,
      %get3A_284 = arith.constant 48 : index
      %get3A_285 = tpu.vector_load %arg12[%get3A_284] {strides = array<i32>} : memref<128xi32, #tpu.memory_space<vmem>>, vector<16xi32>,
      %get3A_286 = vector.shape_cast %get3A_285 : vector<16xi32> to vector<16xi32>
      %swap3A_287 = arith.constant 48 : index
      %swap3A_288 = tpu.vector_load %arg15[%swap3A_287] {strides = array<i32>} : memref<128xi32, #tpu.memory_space<vmem>>, vector<16xi32>,
      %swap3A_289 = vector.shape_cast %swap3A_288 : vector<16xi32> to vector<16xi32>
      %swap3A_290 = vector.shape_cast %get3A_286 : vector<16xi32> to vector<16xi32>
      tpu.vector_store %arg15[%swap3A_287], %swap3A_290 {strides = array<i32>} : memref<128xi32, #tpu.memory_space<vmem>>, vector<16xi32>,
      %get3A_291 = arith.constant 64 : index
      %get3A_292 = tpu.vector_load %arg12[%get3A_291] {strides = array<i32>} : memref<128xi32, #tpu.memory_space<vmem>>, vector<16xi32>,
      %get3A_293 = vector.shape_cast %get3A_292 : vector<16xi32> to vector<16xi32>
      %swap3A_294 = arith.constant 64 : index
      %swap3A_295 = tpu.vector_load %arg15[%swap3A_294] {strides = array<i32>} : memref<128xi32, #tpu.memory_space<vmem>>, vector<16xi32>,
      %swap3A_296 = vector.shape_cast %swap3A_295 : vector<16xi32> to vector<16xi32>
      %swap3A_297 = vector.shape_cast %get3A_293 : vector<16xi32> to vector<16xi32>
      tpu.vector_store %arg15[%swap3A_294], %swap3A_297 {strides = array<i32>} : memref<128xi32, #tpu.memory_space<vmem>>, vector<16xi32>,
      %get3A_298 = arith.constant 80 : index
      %get3A_299 = tpu.vector_load %arg12[%get3A_298] {strides = array<i32>} : memref<128xi32, #tpu.memory_space<vmem>>, vector<16xi32>,
      %get3A_300 = vector.shape_cast %get3A_299 : vector<16xi32> to vector<16xi32>
      %swap3A_301 = arith.constant 80 : index
      %swap3A_302 = tpu.vector_load %arg15[%swap3A_301] {strides = array<i32>} : memref<128xi32, #tpu.memory_space<vmem>>, vector<16xi32>,
      %swap3A_303 = vector.shape_cast %swap3A_302 : vector<16xi32> to vector<16xi32>
      %swap3A_304 = vector.shape_cast %get3A_300 : vector<16xi32> to vector<16xi32>
      tpu.vector_store %arg15[%swap3A_301], %swap3A_304 {strides = array<i32>} : memref<128xi32, #tpu.memory_space<vmem>>, vector<16xi32>,
      %get3A_305 = arith.constant 96 : index
      %get3A_306 = tpu.vector_load %arg12[%get3A_305] {strides = array<i32>} : memref<128xi32, #tpu.memory_space<vmem>>, vector<16xi32>,
      %get3A_307 = vector.shape_cast %get3A_306 : vector<16xi32> to vector<16xi32>
      %swap3A_308 = arith.constant 96 : index
      %swap3A_309 = tpu.vector_load %arg15[%swap3A_308] {strides = array<i32>} : memref<128xi32, #tpu.memory_space<vmem>>, vector<16xi32>,
      %swap3A_310 = vector.shape_cast %swap3A_309 : vector<16xi32> to vector<16xi32>
      %swap3A_311 = vector.shape_cast %get3A_307 : vector<16xi32> to vector<16xi32>
      tpu.vector_store %arg15[%swap3A_308], %swap3A_311 {strides = array<i32>} : memref<128xi32, #tpu.memory_space<vmem>>, vector<16xi32>,
      %get3A_312 = arith.constant 112 : index
      %get3A_313 = tpu.vector_load %arg12[%get3A_312] {strides = array<i32>} : memref<128xi32, #tpu.memory_space<vmem>>, vector<16xi32>,
      %get3A_314 = vector.shape_cast %get3A_313 : vector<16xi32> to vector<16xi32>
      %swap3A_315 = arith.constant 112 : index
      %swap3A_316 = tpu.vector_load %arg15[%swap3A_315] {strides = array<i32>} : memref<128xi32, #tpu.memory_space<vmem>>, vector<16xi32>,
      %swap3A_317 = vector.shape_cast %swap3A_316 : vector<16xi32> to vector<16xi32>
      %swap3A_318 = vector.shape_cast %get3A_314 : vector<16xi32> to vector<16xi32>
      tpu.vector_store %arg15[%swap3A_315], %swap3A_318 {strides = array<i32>} : memref<128xi32, #tpu.memory_space<vmem>>, vector<16xi32>,
      %dma_start3A_319 = arith.constant 0 : i32
      %dma_start3A_320 = arith.constant 0 : i32
      %dma_start3A_321 = tpu.memref_slice %arg6[%dma_start3A_319, %dma_start3A_320] : memref<10000x128xf32, #tpu.memory_space<vmem_shared>> -> memref<10000x128xf32, #tpu.memory_space<vmem_shared>>
      tpu.enqueue_indirect_dma source(%arg18 : memref<128x128xf32, #tpu.memory_space<vmem>>) target(%dma_start3A_321 : memref<10000x128xf32, #tpu.memory_space<vmem_shared>>) offsets(%arg15 : memref<128xi32, #tpu.memory_space<vmem>>) semaphore(%arg27 : memref<!tpu.dma_semaphore, #tpu.memory_space<semaphore_mem>>) {add = true}
      %add3A_322 = arith.constant 2 : i32
      %add3A_323 = arith.addi %mul3A_78, %add3A_322 : i32
      %add3A_324 = arith.constant 3 : i32
      %add3A_325 = arith.addi %add3A_323, %add3A_324 : i32
      %mul3A_326 = arith.constant 32 : i32
      %mul3A_327 = arith.muli %add3A_325, %mul3A_326 : i32
      %add3A_328 = arith.addi %add3A, %mul3A_327 : i32
      %mul3A_329 = arith.constant 128 : i32
      %mul3A_330 = arith.muli %add3A_328, %mul3A_329 : i32
      %dma_start3A_331 = tpu.memref_slice %arg3[%mul3A_330] : memref<331776xi32, #tpu.memory_space<hbm>> -> memref<128xi32, #tpu.memory_space<hbm>>
      %dma_start3A_332 = tpu.memref_slice %arg3[%mul3A_330] : memref<331776xi32, #tpu.memory_space<hbm>> -> memref<128xi32, #tpu.memory_space<hbm>>
      tpu.enqueue_dma source(%dma_start3A_332 : memref<128xi32, #tpu.memory_space<hbm>>) target(%arg9 : memref<128xi32, #tpu.memory_space<vmem>>) target_semaphore(%arg21 : memref<!tpu.dma_semaphore, #tpu.memory_space<semaphore_mem>>)
      %dma_start3A_333 = tpu.memref_slice %arg4[%mul3A_330] : memref<331776xi32, #tpu.memory_space<hbm>> -> memref<128xi32, #tpu.memory_space<hbm>>
      %dma_start3A_334 = tpu.memref_slice %arg4[%mul3A_330] : memref<331776xi32, #tpu.memory_space<hbm>> -> memref<128xi32, #tpu.memory_space<hbm>>
      tpu.enqueue_dma source(%dma_start3A_334 : memref<128xi32, #tpu.memory_space<hbm>>) target(%arg12 : memref<128xi32, #tpu.memory_space<vmem>>) target_semaphore(%arg21 : memref<!tpu.dma_semaphore, #tpu.memory_space<semaphore_mem>>)
      %add3A_335 = arith.constant 3 : i32
      %add3A_336 = arith.addi %mul3A_78, %add3A_335 : i32
      %dma_wait3A_337 = arith.constant 0 : i32
      %dma_wait3A_338 = tpu.memref_slice %arg3[%dma_wait3A_337] : memref<331776xi32, #tpu.memory_space<hbm>> -> memref<128xi32, #tpu.memory_space<hbm>>
      %dma_wait3A_339 = arith.constant 0 : i32
      %dma_wait3A_340 = tpu.memref_slice %arg3[%dma_wait3A_339] : memref<331776xi32, #tpu.memory_space<hbm>> -> memref<128xi32, #tpu.memory_space<hbm>>
      tpu.wait_dma2 semaphore(%arg19 : memref<!tpu.dma_semaphore, #tpu.memory_space<semaphore_mem>>) src(%dma_wait3A_340 : memref<128xi32, #tpu.memory_space<hbm>>) dst(%arg7 : memref<128xi32, #tpu.memory_space<vmem>>)
      %dma_wait3A_341 = arith.constant 0 : i32
      %dma_wait3A_342 = tpu.memref_slice %arg4[%dma_wait3A_341] : memref<331776xi32, #tpu.memory_space<hbm>> -> memref<128xi32, #tpu.memory_space<hbm>>
      %dma_wait3A_343 = arith.constant 0 : i32
      %dma_wait3A_344 = tpu.memref_slice %arg4[%dma_wait3A_343] : memref<331776xi32, #tpu.memory_space<hbm>> -> memref<128xi32, #tpu.memory_space<hbm>>
      tpu.wait_dma2 semaphore(%arg19 : memref<!tpu.dma_semaphore, #tpu.memory_space<semaphore_mem>>) src(%dma_wait3A_344 : memref<128xi32, #tpu.memory_space<hbm>>) dst(%arg10 : memref<128xi32, #tpu.memory_space<vmem>>)
      %dma_wait3A_345 = arith.constant 0 : i32
      %dma_wait3A_346 = arith.constant 0 : i32
      %dma_wait3A_347 = tpu.memref_slice %arg6[%dma_wait3A_345, %dma_wait3A_346] : memref<10000x128xf32, #tpu.memory_space<vmem_shared>> -> memref<10000x128xf32, #tpu.memory_space<vmem_shared>>
      tpu.wait_indirect_dma semaphore(%arg25 : memref<!tpu.dma_semaphore, #tpu.memory_space<semaphore_mem>>) src(%arg16 : memref<128x128xf32, #tpu.memory_space<vmem>>) dst(%dma_wait3A_347 : memref<10000x128xf32, #tpu.memory_space<vmem_shared>>)
      %dma_start3A_348 = arith.constant 0 : i32
      %dma_start3A_349 = arith.constant 0 : i32
      %dma_start3A_350 = tpu.memref_slice %arg2[%dma_start3A_348, %dma_start3A_349] : memref<10000x128xf32, #tpu.memory_space<hbm>> -> memref<10000x128xf32, #tpu.memory_space<hbm>>
      tpu.enqueue_indirect_dma source(%dma_start3A_350 : memref<10000x128xf32, #tpu.memory_space<hbm>>) target(%arg16 : memref<128x128xf32, #tpu.memory_space<vmem>>) offsets(%arg7 : memref<128xi32, #tpu.memory_space<vmem>>) semaphore(%arg22 : memref<!tpu.dma_semaphore, #tpu.memory_space<semaphore_mem>>)
      %dma_wait3A_351 = arith.constant 0 : i32
      %dma_wait3A_352 = tpu.memref_slice %arg3[%dma_wait3A_351] : memref<331776xi32, #tpu.memory_space<hbm>> -> memref<128xi32, #tpu.memory_space<hbm>>
      %dma_wait3A_353 = arith.constant 0 : i32
      %dma_wait3A_354 = tpu.memref_slice %arg3[%dma_wait3A_353] : memref<331776xi32, #tpu.memory_space<hbm>> -> memref<128xi32, #tpu.memory_space<hbm>>
      tpu.wait_dma2 semaphore(%arg20 : memref<!tpu.dma_semaphore, #tpu.memory_space<semaphore_mem>>) src(%dma_wait3A_354 : memref<128xi32, #tpu.memory_space<hbm>>) dst(%arg8 : memref<128xi32, #tpu.memory_space<vmem>>)
      %dma_wait3A_355 = arith.constant 0 : i32
      %dma_wait3A_356 = tpu.memref_slice %arg4[%dma_wait3A_355] : memref<331776xi32, #tpu.memory_space<hbm>> -> memref<128xi32, #tpu.memory_space<hbm>>
      %dma_wait3A_357 = arith.constant 0 : i32
      %dma_wait3A_358 = tpu.memref_slice %arg4[%dma_wait3A_357] : memref<331776xi32, #tpu.memory_space<hbm>> -> memref<128xi32, #tpu.memory_space<hbm>>
      tpu.wait_dma2 semaphore(%arg20 : memref<!tpu.dma_semaphore, #tpu.memory_space<semaphore_mem>>) src(%dma_wait3A_358 : memref<128xi32, #tpu.memory_space<hbm>>) dst(%arg11 : memref<128xi32, #tpu.memory_space<vmem>>)
      %dma_wait3A_359 = arith.constant 0 : i32
      %dma_wait3A_360 = arith.constant 0 : i32
      %dma_wait3A_361 = tpu.memref_slice %arg6[%dma_wait3A_359, %dma_wait3A_360] : memref<10000x128xf32, #tpu.memory_space<vmem_shared>> -> memref<10000x128xf32, #tpu.memory_space<vmem_shared>>
      tpu.wait_indirect_dma semaphore(%arg26 : memref<!tpu.dma_semaphore, #tpu.memory_space<semaphore_mem>>) src(%arg17 : memref<128x128xf32, #tpu.memory_space<vmem>>) dst(%dma_wait3A_361 : memref<10000x128xf32, #tpu.memory_space<vmem_shared>>)
      %dma_start3A_362 = arith.constant 0 : i32
      %dma_start3A_363 = arith.constant 0 : i32
      %dma_start3A_364 = tpu.memref_slice %arg2[%dma_start3A_362, %dma_start3A_363] : memref<10000x128xf32, #tpu.memory_space<hbm>> -> memref<10000x128xf32, #tpu.memory_space<hbm>>
      tpu.enqueue_indirect_dma source(%dma_start3A_364 : memref<10000x128xf32, #tpu.memory_space<hbm>>) target(%arg17 : memref<128x128xf32, #tpu.memory_space<vmem>>) offsets(%arg8 : memref<128xi32, #tpu.memory_space<vmem>>) semaphore(%arg23 : memref<!tpu.dma_semaphore, #tpu.memory_space<semaphore_mem>>)
      %dma_wait3A_365 = arith.constant 0 : i32
      %dma_wait3A_366 = tpu.memref_slice %arg3[%dma_wait3A_365] : memref<331776xi32, #tpu.memory_space<hbm>> -> memref<128xi32, #tpu.memory_space<hbm>>
      %dma_wait3A_367 = arith.constant 0 : i32
      %dma_wait3A_368 = tpu.memref_slice %arg3[%dma_wait3A_367] : memref<331776xi32, #tpu.memory_space<hbm>> -> memref<128xi32, #tpu.memory_space<hbm>>
      tpu.wait_dma2 semaphore(%arg21 : memref<!tpu.dma_semaphore, #tpu.memory_space<semaphore_mem>>) src(%dma_wait3A_368 : memref<128xi32, #tpu.memory_space<hbm>>) dst(%arg9 : memref<128xi32, #tpu.memory_space<vmem>>)
      %dma_wait3A_369 = arith.constant 0 : i32
      %dma_wait3A_370 = tpu.memref_slice %arg4[%dma_wait3A_369] : memref<331776xi32, #tpu.memory_space<hbm>> -> memref<128xi32, #tpu.memory_space<hbm>>
      %dma_wait3A_371 = arith.constant 0 : i32
      %dma_wait3A_372 = tpu.memref_slice %arg4[%dma_wait3A_371] : memref<331776xi32, #tpu.memory_space<hbm>> -> memref<128xi32, #tpu.memory_space<hbm>>
      tpu.wait_dma2 semaphore(%arg21 : memref<!tpu.dma_semaphore, #tpu.memory_space<semaphore_mem>>) src(%dma_wait3A_372 : memref<128xi32, #tpu.memory_space<hbm>>) dst(%arg12 : memref<128xi32, #tpu.memory_space<vmem>>)
      %dma_wait3A_373 = arith.constant 0 : i32
      %dma_wait3A_374 = arith.constant 0 : i32
      %dma_wait3A_375 = tpu.memref_slice %arg6[%dma_wait3A_373, %dma_wait3A_374] : memref<10000x128xf32, #tpu.memory_space<vmem_shared>> -> memref<10000x128xf32, #tpu.memory_space<vmem_shared>>
      tpu.wait_indirect_dma semaphore(%arg27 : memref<!tpu.dma_semaphore, #tpu.memory_space<semaphore_mem>>) src(%arg18 : memref<128x128xf32, #tpu.memory_space<vmem>>) dst(%dma_wait3A_375 : memref<10000x128xf32, #tpu.memory_space<vmem_shared>>)
      %dma_start3A_376 = arith.constant 0 : i32
      %dma_start3A_377 = arith.constant 0 : i32
      %dma_start3A_378 = tpu.memref_slice %arg2[%dma_start3A_376, %dma_start3A_377] : memref<10000x128xf32, #tpu.memory_space<hbm>> -> memref<10000x128xf32, #tpu.memory_space<hbm>>
      tpu.enqueue_indirect_dma source(%dma_start3A_378 : memref<10000x128xf32, #tpu.memory_space<hbm>>) target(%arg18 : memref<128x128xf32, #tpu.memory_space<vmem>>) offsets(%arg9 : memref<128xi32, #tpu.memory_space<vmem>>) semaphore(%arg24 : memref<!tpu.dma_semaphore, #tpu.memory_space<semaphore_mem>>)
      %dma_wait3A_379 = arith.constant 0 : i32
      %dma_wait3A_380 = arith.constant 0 : i32
      %dma_wait3A_381 = tpu.memref_slice %arg2[%dma_wait3A_379, %dma_wait3A_380] : memref<10000x128xf32, #tpu.memory_space<hbm>> -> memref<10000x128xf32, #tpu.memory_space<hbm>>
      tpu.wait_indirect_dma semaphore(%arg22 : memref<!tpu.dma_semaphore, #tpu.memory_space<semaphore_mem>>) src(%dma_wait3A_381 : memref<10000x128xf32, #tpu.memory_space<hbm>>) dst(%arg16 : memref<128x128xf32, #tpu.memory_space<vmem>>)
      %get3A_382 = arith.constant 0 : index
      %get3A_383 = tpu.vector_load %arg10[%get3A_382] {strides = array<i32>} : memref<128xi32, #tpu.memory_space<vmem>>, vector<16xi32>,
      %get3A_384 = vector.shape_cast %get3A_383 : vector<16xi32> to vector<16xi32>
      %swap3A_385 = arith.constant 0 : index
      %swap3A_386 = tpu.vector_load %arg13[%swap3A_385] {strides = array<i32>} : memref<128xi32, #tpu.memory_space<vmem>>, vector<16xi32>,
      %swap3A_387 = vector.shape_cast %swap3A_386 : vector<16xi32> to vector<16xi32>
      %swap3A_388 = vector.shape_cast %get3A_384 : vector<16xi32> to vector<16xi32>
      tpu.vector_store %arg13[%swap3A_385], %swap3A_388 {strides = array<i32>} : memref<128xi32, #tpu.memory_space<vmem>>, vector<16xi32>,
      %get3A_389 = arith.constant 16 : index
      %get3A_390 = tpu.vector_load %arg10[%get3A_389] {strides = array<i32>} : memref<128xi32, #tpu.memory_space<vmem>>, vector<16xi32>,
      %get3A_391 = vector.shape_cast %get3A_390 : vector<16xi32> to vector<16xi32>
      %swap3A_392 = arith.constant 16 : index
      %swap3A_393 = tpu.vector_load %arg13[%swap3A_392] {strides = array<i32>} : memref<128xi32, #tpu.memory_space<vmem>>, vector<16xi32>,
      %swap3A_394 = vector.shape_cast %swap3A_393 : vector<16xi32> to vector<16xi32>
      %swap3A_395 = vector.shape_cast %get3A_391 : vector<16xi32> to vector<16xi32>
      tpu.vector_store %arg13[%swap3A_392], %swap3A_395 {strides = array<i32>} : memref<128xi32, #tpu.memory_space<vmem>>, vector<16xi32>,
      %get3A_396 = arith.constant 32 : index
      %get3A_397 = tpu.vector_load %arg10[%get3A_396] {strides = array<i32>} : memref<128xi32, #tpu.memory_space<vmem>>, vector<16xi32>,
      %get3A_398 = vector.shape_cast %get3A_397 : vector<16xi32> to vector<16xi32>
      %swap3A_399 = arith.constant 32 : index
      %swap3A_400 = tpu.vector_load %arg13[%swap3A_399] {strides = array<i32>} : memref<128xi32, #tpu.memory_space<vmem>>, vector<16xi32>,
      %swap3A_401 = vector.shape_cast %swap3A_400 : vector<16xi32> to vector<16xi32>
      %swap3A_402 = vector.shape_cast %get3A_398 : vector<16xi32> to vector<16xi32>
      tpu.vector_store %arg13[%swap3A_399], %swap3A_402 {strides = array<i32>} : memref<128xi32, #tpu.memory_space<vmem>>, vector<16xi32>,
      %get3A_403 = arith.constant 48 : index
      %get3A_404 = tpu.vector_load %arg10[%get3A_403] {strides = array<i32>} : memref<128xi32, #tpu.memory_space<vmem>>, vector<16xi32>,
      %get3A_405 = vector.shape_cast %get3A_404 : vector<16xi32> to vector<16xi32>
      %swap3A_406 = arith.constant 48 : index
      %swap3A_407 = tpu.vector_load %arg13[%swap3A_406] {strides = array<i32>} : memref<128xi32, #tpu.memory_space<vmem>>, vector<16xi32>,
      %swap3A_408 = vector.shape_cast %swap3A_407 : vector<16xi32> to vector<16xi32>
      %swap3A_409 = vector.shape_cast %get3A_405 : vector<16xi32> to vector<16xi32>
      tpu.vector_store %arg13[%swap3A_406], %swap3A_409 {strides = array<i32>} : memref<128xi32, #tpu.memory_space<vmem>>, vector<16xi32>,
      %get3A_410 = arith.constant 64 : index
      %get3A_411 = tpu.vector_load %arg10[%get3A_410] {strides = array<i32>} : memref<128xi32, #tpu.memory_space<vmem>>, vector<16xi32>,
      %get3A_412 = vector.shape_cast %get3A_411 : vector<16xi32> to vector<16xi32>
      %swap3A_413 = arith.constant 64 : index
      %swap3A_414 = tpu.vector_load %arg13[%swap3A_413] {strides = array<i32>} : memref<128xi32, #tpu.memory_space<vmem>>, vector<16xi32>,
      %swap3A_415 = vector.shape_cast %swap3A_414 : vector<16xi32> to vector<16xi32>
      %swap3A_416 = vector.shape_cast %get3A_412 : vector<16xi32> to vector<16xi32>
      tpu.vector_store %arg13[%swap3A_413], %swap3A_416 {strides = array<i32>} : memref<128xi32, #tpu.memory_space<vmem>>, vector<16xi32>,
      %get3A_417 = arith.constant 80 : index
      %get3A_418 = tpu.vector_load %arg10[%get3A_417] {strides = array<i32>} : memref<128xi32, #tpu.memory_space<vmem>>, vector<16xi32>,
      %get3A_419 = vector.shape_cast %get3A_418 : vector<16xi32> to vector<16xi32>
      %swap3A_420 = arith.constant 80 : index
      %swap3A_421 = tpu.vector_load %arg13[%swap3A_420] {strides = array<i32>} : memref<128xi32, #tpu.memory_space<vmem>>, vector<16xi32>,
      %swap3A_422 = vector.shape_cast %swap3A_421 : vector<16xi32> to vector<16xi32>
      %swap3A_423 = vector.shape_cast %get3A_419 : vector<16xi32> to vector<16xi32>
      tpu.vector_store %arg13[%swap3A_420], %swap3A_423 {strides = array<i32>} : memref<128xi32, #tpu.memory_space<vmem>>, vector<16xi32>,
      %get3A_424 = arith.constant 96 : index
      %get3A_425 = tpu.vector_load %arg10[%get3A_424] {strides = array<i32>} : memref<128xi32, #tpu.memory_space<vmem>>, vector<16xi32>,
      %get3A_426 = vector.shape_cast %get3A_425 : vector<16xi32> to vector<16xi32>
      %swap3A_427 = arith.constant 96 : index
      %swap3A_428 = tpu.vector_load %arg13[%swap3A_427] {strides = array<i32>} : memref<128xi32, #tpu.memory_space<vmem>>, vector<16xi32>,
      %swap3A_429 = vector.shape_cast %swap3A_428 : vector<16xi32> to vector<16xi32>
      %swap3A_430 = vector.shape_cast %get3A_426 : vector<16xi32> to vector<16xi32>
      tpu.vector_store %arg13[%swap3A_427], %swap3A_430 {strides = array<i32>} : memref<128xi32, #tpu.memory_space<vmem>>, vector<16xi32>,
      %get3A_431 = arith.constant 112 : index
      %get3A_432 = tpu.vector_load %arg10[%get3A_431] {strides = array<i32>} : memref<128xi32, #tpu.memory_space<vmem>>, vector<16xi32>,
      %get3A_433 = vector.shape_cast %get3A_432 : vector<16xi32> to vector<16xi32>
      %swap3A_434 = arith.constant 112 : index
      %swap3A_435 = tpu.vector_load %arg13[%swap3A_434] {strides = array<i32>} : memref<128xi32, #tpu.memory_space<vmem>>, vector<16xi32>,
      %swap3A_436 = vector.shape_cast %swap3A_435 : vector<16xi32> to vector<16xi32>
      %swap3A_437 = vector.shape_cast %get3A_433 : vector<16xi32> to vector<16xi32>
      tpu.vector_store %arg13[%swap3A_434], %swap3A_437 {strides = array<i32>} : memref<128xi32, #tpu.memory_space<vmem>>, vector<16xi32>,
      %dma_start3A_438 = arith.constant 0 : i32
      %dma_start3A_439 = arith.constant 0 : i32
      %dma_start3A_440 = tpu.memref_slice %arg6[%dma_start3A_438, %dma_start3A_439] : memref<10000x128xf32, #tpu.memory_space<vmem_shared>> -> memref<10000x128xf32, #tpu.memory_space<vmem_shared>>
      tpu.enqueue_indirect_dma source(%arg16 : memref<128x128xf32, #tpu.memory_space<vmem>>) target(%dma_start3A_440 : memref<10000x128xf32, #tpu.memory_space<vmem_shared>>) offsets(%arg13 : memref<128xi32, #tpu.memory_space<vmem>>) semaphore(%arg25 : memref<!tpu.dma_semaphore, #tpu.memory_space<semaphore_mem>>) {add = true}
      %add3A_441 = arith.constant 0 : i32
      %add3A_442 = arith.addi %add3A_336, %add3A_441 : i32
      %add3A_443 = arith.constant 3 : i32
      %add3A_444 = arith.addi %add3A_442, %add3A_443 : i32
      %mul3A_445 = arith.constant 32 : i32
      %mul3A_446 = arith.muli %add3A_444, %mul3A_445 : i32
      %add3A_447 = arith.addi %add3A, %mul3A_446 : i32
      %mul3A_448 = arith.constant 128 : i32
      %mul3A_449 = arith.muli %add3A_447, %mul3A_448 : i32
      %dma_start3A_450 = tpu.memref_slice %arg3[%mul3A_449] : memref<331776xi32, #tpu.memory_space<hbm>> -> memref<128xi32, #tpu.memory_space<hbm>>
      %dma_start3A_451 = tpu.memref_slice %arg3[%mul3A_449] : memref<331776xi32, #tpu.memory_space<hbm>> -> memref<128xi32, #tpu.memory_space<hbm>>
      tpu.enqueue_dma source(%dma_start3A_451 : memref<128xi32, #tpu.memory_space<hbm>>) target(%arg7 : memref<128xi32, #tpu.memory_space<vmem>>) target_semaphore(%arg19 : memref<!tpu.dma_semaphore, #tpu.memory_space<semaphore_mem>>)
      %dma_start3A_452 = tpu.memref_slice %arg4[%mul3A_449] : memref<331776xi32, #tpu.memory_space<hbm>> -> memref<128xi32, #tpu.memory_space<hbm>>
      %dma_start3A_453 = tpu.memref_slice %arg4[%mul3A_449] : memref<331776xi32, #tpu.memory_space<hbm>> -> memref<128xi32, #tpu.memory_space<hbm>>
      tpu.enqueue_dma source(%dma_start3A_453 : memref<128xi32, #tpu.memory_space<hbm>>) target(%arg10 : memref<128xi32, #tpu.memory_space<vmem>>) target_semaphore(%arg19 : memref<!tpu.dma_semaphore, #tpu.memory_space<semaphore_mem>>)
      %dma_wait3A_454 = arith.constant 0 : i32
      %dma_wait3A_455 = arith.constant 0 : i32
      %dma_wait3A_456 = tpu.memref_slice %arg2[%dma_wait3A_454, %dma_wait3A_455] : memref<10000x128xf32, #tpu.memory_space<hbm>> -> memref<10000x128xf32, #tpu.memory_space<hbm>>
      tpu.wait_indirect_dma semaphore(%arg23 : memref<!tpu.dma_semaphore, #tpu.memory_space<semaphore_mem>>) src(%dma_wait3A_456 : memref<10000x128xf32, #tpu.memory_space<hbm>>) dst(%arg17 : memref<128x128xf32, #tpu.memory_space<vmem>>)
      %get3A_457 = arith.constant 0 : index
      %get3A_458 = tpu.vector_load %arg11[%get3A_457] {strides = array<i32>} : memref<128xi32, #tpu.memory_space<vmem>>, vector<16xi32>,
      %get3A_459 = vector.shape_cast %get3A_458 : vector<16xi32> to vector<16xi32>
      %swap3A_460 = arith.constant 0 : index
      %swap3A_461 = tpu.vector_load %arg14[%swap3A_460] {strides = array<i32>} : memref<128xi32, #tpu.memory_space<vmem>>, vector<16xi32>,
      %swap3A_462 = vector.shape_cast %swap3A_461 : vector<16xi32> to vector<16xi32>
      %swap3A_463 = vector.shape_cast %get3A_459 : vector<16xi32> to vector<16xi32>
      tpu.vector_store %arg14[%swap3A_460], %swap3A_463 {strides = array<i32>} : memref<128xi32, #tpu.memory_space<vmem>>, vector<16xi32>,
      %get3A_464 = arith.constant 16 : index
      %get3A_465 = tpu.vector_load %arg11[%get3A_464] {strides = array<i32>} : memref<128xi32, #tpu.memory_space<vmem>>, vector<16xi32>,
      %get3A_466 = vector.shape_cast %get3A_465 : vector<16xi32> to vector<16xi32>
      %swap3A_467 = arith.constant 16 : index
      %swap3A_468 = tpu.vector_load %arg14[%swap3A_467] {strides = array<i32>} : memref<128xi32, #tpu.memory_space<vmem>>, vector<16xi32>,
      %swap3A_469 = vector.shape_cast %swap3A_468 : vector<16xi32> to vector<16xi32>
      %swap3A_470 = vector.shape_cast %get3A_466 : vector<16xi32> to vector<16xi32>
      tpu.vector_store %arg14[%swap3A_467], %swap3A_470 {strides = array<i32>} : memref<128xi32, #tpu.memory_space<vmem>>, vector<16xi32>,
      %get3A_471 = arith.constant 32 : index
      %get3A_472 = tpu.vector_load %arg11[%get3A_471] {strides = array<i32>} : memref<128xi32, #tpu.memory_space<vmem>>, vector<16xi32>,
      %get3A_473 = vector.shape_cast %get3A_472 : vector<16xi32> to vector<16xi32>
      %swap3A_474 = arith.constant 32 : index
      %swap3A_475 = tpu.vector_load %arg14[%swap3A_474] {strides = array<i32>} : memref<128xi32, #tpu.memory_space<vmem>>, vector<16xi32>,
      %swap3A_476 = vector.shape_cast %swap3A_475 : vector<16xi32> to vector<16xi32>
      %swap3A_477 = vector.shape_cast %get3A_473 : vector<16xi32> to vector<16xi32>
      tpu.vector_store %arg14[%swap3A_474], %swap3A_477 {strides = array<i32>} : memref<128xi32, #tpu.memory_space<vmem>>, vector<16xi32>,
      %get3A_478 = arith.constant 48 : index
      %get3A_479 = tpu.vector_load %arg11[%get3A_478] {strides = array<i32>} : memref<128xi32, #tpu.memory_space<vmem>>, vector<16xi32>,
      %get3A_480 = vector.shape_cast %get3A_479 : vector<16xi32> to vector<16xi32>
      %swap3A_481 = arith.constant 48 : index
      %swap3A_482 = tpu.vector_load %arg14[%swap3A_481] {strides = array<i32>} : memref<128xi32, #tpu.memory_space<vmem>>, vector<16xi32>,
      %swap3A_483 = vector.shape_cast %swap3A_482 : vector<16xi32> to vector<16xi32>
      %swap3A_484 = vector.shape_cast %get3A_480 : vector<16xi32> to vector<16xi32>
      tpu.vector_store %arg14[%swap3A_481], %swap3A_484 {strides = array<i32>} : memref<128xi32, #tpu.memory_space<vmem>>, vector<16xi32>,
      %get3A_485 = arith.constant 64 : index
      %get3A_486 = tpu.vector_load %arg11[%get3A_485] {strides = array<i32>} : memref<128xi32, #tpu.memory_space<vmem>>, vector<16xi32>,
      %get3A_487 = vector.shape_cast %get3A_486 : vector<16xi32> to vector<16xi32>
      %swap3A_488 = arith.constant 64 : index
      %swap3A_489 = tpu.vector_load %arg14[%swap3A_488] {strides = array<i32>} : memref<128xi32, #tpu.memory_space<vmem>>, vector<16xi32>,
      %swap3A_490 = vector.shape_cast %swap3A_489 : vector<16xi32> to vector<16xi32>
      %swap3A_491 = vector.shape_cast %get3A_487 : vector<16xi32> to vector<16xi32>
      tpu.vector_store %arg14[%swap3A_488], %swap3A_491 {strides = array<i32>} : memref<128xi32, #tpu.memory_space<vmem>>, vector<16xi32>,
      %get3A_492 = arith.constant 80 : index
      %get3A_493 = tpu.vector_load %arg11[%get3A_492] {strides = array<i32>} : memref<128xi32, #tpu.memory_space<vmem>>, vector<16xi32>,
      %get3A_494 = vector.shape_cast %get3A_493 : vector<16xi32> to vector<16xi32>
      %swap3A_495 = arith.constant 80 : index
      %swap3A_496 = tpu.vector_load %arg14[%swap3A_495] {strides = array<i32>} : memref<128xi32, #tpu.memory_space<vmem>>, vector<16xi32>,
      %swap3A_497 = vector.shape_cast %swap3A_496 : vector<16xi32> to vector<16xi32>
      %swap3A_498 = vector.shape_cast %get3A_494 : vector<16xi32> to vector<16xi32>
      tpu.vector_store %arg14[%swap3A_495], %swap3A_498 {strides = array<i32>} : memref<128xi32, #tpu.memory_space<vmem>>, vector<16xi32>,
      %get3A_499 = arith.constant 96 : index
      %get3A_500 = tpu.vector_load %arg11[%get3A_499] {strides = array<i32>} : memref<128xi32, #tpu.memory_space<vmem>>, vector<16xi32>,
      %get3A_501 = vector.shape_cast %get3A_500 : vector<16xi32> to vector<16xi32>
      %swap3A_502 = arith.constant 96 : index
      %swap3A_503 = tpu.vector_load %arg14[%swap3A_502] {strides = array<i32>} : memref<128xi32, #tpu.memory_space<vmem>>, vector<16xi32>,
      %swap3A_504 = vector.shape_cast %swap3A_503 : vector<16xi32> to vector<16xi32>
      %swap3A_505 = vector.shape_cast %get3A_501 : vector<16xi32> to vector<16xi32>
      tpu.vector_store %arg14[%swap3A_502], %swap3A_505 {strides = array<i32>} : memref<128xi32, #tpu.memory_space<vmem>>, vector<16xi32>,
      %get3A_506 = arith.constant 112 : index
      %get3A_507 = tpu.vector_load %arg11[%get3A_506] {strides = array<i32>} : memref<128xi32, #tpu.memory_space<vmem>>, vector<16xi32>,
      %get3A_508 = vector.shape_cast %get3A_507 : vector<16xi32> to vector<16xi32>
      %swap3A_509 = arith.constant 112 : index
      %swap3A_510 = tpu.vector_load %arg14[%swap3A_509] {strides = array<i32>} : memref<128xi32, #tpu.memory_space<vmem>>, vector<16xi32>,
      %swap3A_511 = vector.shape_cast %swap3A_510 : vector<16xi32> to vector<16xi32>
      %swap3A_512 = vector.shape_cast %get3A_508 : vector<16xi32> to vector<16xi32>
      tpu.vector_store %arg14[%swap3A_509], %swap3A_512 {strides = array<i32>} : memref<128xi32, #tpu.memory_space<vmem>>, vector<16xi32>,
      %dma_start3A_513 = arith.constant 0 : i32
      %dma_start3A_514 = arith.constant 0 : i32
      %dma_start3A_515 = tpu.memref_slice %arg6[%dma_start3A_513, %dma_start3A_514] : memref<10000x128xf32, #tpu.memory_space<vmem_shared>> -> memref<10000x128xf32, #tpu.memory_space<vmem_shared>>
      tpu.enqueue_indirect_dma source(%arg17 : memref<128x128xf32, #tpu.memory_space<vmem>>) target(%dma_start3A_515 : memref<10000x128xf32, #tpu.memory_space<vmem_shared>>) offsets(%arg14 : memref<128xi32, #tpu.memory_space<vmem>>) semaphore(%arg26 : memref<!tpu.dma_semaphore, #tpu.memory_space<semaphore_mem>>) {add = true}
      %add3A_516 = arith.constant 1 : i32
      %add3A_517 = arith.addi %add3A_336, %add3A_516 : i32
      %add3A_518 = arith.constant 3 : i32
      %add3A_519 = arith.addi %add3A_517, %add3A_518 : i32
      %mul3A_520 = arith.constant 32 : i32
      %mul3A_521 = arith.muli %add3A_519, %mul3A_520 : i32
      %add3A_522 = arith.addi %add3A, %mul3A_521 : i32
      %mul3A_523 = arith.constant 128 : i32
      %mul3A_524 = arith.muli %add3A_522, %mul3A_523 : i32
      %dma_start3A_525 = tpu.memref_slice %arg3[%mul3A_524] : memref<331776xi32, #tpu.memory_space<hbm>> -> memref<128xi32, #tpu.memory_space<hbm>>
      %dma_start3A_526 = tpu.memref_slice %arg3[%mul3A_524] : memref<331776xi32, #tpu.memory_space<hbm>> -> memref<128xi32, #tpu.memory_space<hbm>>
      tpu.enqueue_dma source(%dma_start3A_526 : memref<128xi32, #tpu.memory_space<hbm>>) target(%arg8 : memref<128xi32, #tpu.memory_space<vmem>>) target_semaphore(%arg20 : memref<!tpu.dma_semaphore, #tpu.memory_space<semaphore_mem>>)
      %dma_start3A_527 = tpu.memref_slice %arg4[%mul3A_524] : memref<331776xi32, #tpu.memory_space<hbm>> -> memref<128xi32, #tpu.memory_space<hbm>>
      %dma_start3A_528 = tpu.memref_slice %arg4[%mul3A_524] : memref<331776xi32, #tpu.memory_space<hbm>> -> memref<128xi32, #tpu.memory_space<hbm>>
      tpu.enqueue_dma source(%dma_start3A_528 : memref<128xi32, #tpu.memory_space<hbm>>) target(%arg11 : memref<128xi32, #tpu.memory_space<vmem>>) target_semaphore(%arg20 : memref<!tpu.dma_semaphore, #tpu.memory_space<semaphore_mem>>)
      %dma_wait3A_529 = arith.constant 0 : i32
      %dma_wait3A_530 = arith.constant 0 : i32
      %dma_wait3A_531 = tpu.memref_slice %arg2[%dma_wait3A_529, %dma_wait3A_530] : memref<10000x128xf32, #tpu.memory_space<hbm>> -> memref<10000x128xf32, #tpu.memory_space<hbm>>
      tpu.wait_indirect_dma semaphore(%arg24 : memref<!tpu.dma_semaphore, #tpu.memory_space<semaphore_mem>>) src(%dma_wait3A_531 : memref<10000x128xf32, #tpu.memory_space<hbm>>) dst(%arg18 : memref<128x128xf32, #tpu.memory_space<vmem>>)
      %get3A_532 = arith.constant 0 : index
      %get3A_533 = tpu.vector_load %arg12[%get3A_532] {strides = array<i32>} : memref<128xi32, #tpu.memory_space<vmem>>, vector<16xi32>,
      %get3A_534 = vector.shape_cast %get3A_533 : vector<16xi32> to vector<16xi32>
      %swap3A_535 = arith.constant 0 : index
      %swap3A_536 = tpu.vector_load %arg15[%swap3A_535] {strides = array<i32>} : memref<128xi32, #tpu.memory_space<vmem>>, vector<16xi32>,
      %swap3A_537 = vector.shape_cast %swap3A_536 : vector<16xi32> to vector<16xi32>
      %swap3A_538 = vector.shape_cast %get3A_534 : vector<16xi32> to vector<16xi32>
      tpu.vector_store %arg15[%swap3A_535], %swap3A_538 {strides = array<i32>} : memref<128xi32, #tpu.memory_space<vmem>>, vector<16xi32>,
      %get3A_539 = arith.constant 16 : index
      %get3A_540 = tpu.vector_load %arg12[%get3A_539] {strides = array<i32>} : memref<128xi32, #tpu.memory_space<vmem>>, vector<16xi32>,
      %get3A_541 = vector.shape_cast %get3A_540 : vector<16xi32> to vector<16xi32>
      %swap3A_542 = arith.constant 16 : index
      %swap3A_543 = tpu.vector_load %arg15[%swap3A_542] {strides = array<i32>} : memref<128xi32, #tpu.memory_space<vmem>>, vector<16xi32>,
      %swap3A_544 = vector.shape_cast %swap3A_543 : vector<16xi32> to vector<16xi32>
      %swap3A_545 = vector.shape_cast %get3A_541 : vector<16xi32> to vector<16xi32>
      tpu.vector_store %arg15[%swap3A_542], %swap3A_545 {strides = array<i32>} : memref<128xi32, #tpu.memory_space<vmem>>, vector<16xi32>,
      %get3A_546 = arith.constant 32 : index
      %get3A_547 = tpu.vector_load %arg12[%get3A_546] {strides = array<i32>} : memref<128xi32, #tpu.memory_space<vmem>>, vector<16xi32>,
      %get3A_548 = vector.shape_cast %get3A_547 : vector<16xi32> to vector<16xi32>
      %swap3A_549 = arith.constant 32 : index
      %swap3A_550 = tpu.vector_load %arg15[%swap3A_549] {strides = array<i32>} : memref<128xi32, #tpu.memory_space<vmem>>, vector<16xi32>,
      %swap3A_551 = vector.shape_cast %swap3A_550 : vector<16xi32> to vector<16xi32>
      %swap3A_552 = vector.shape_cast %get3A_548 : vector<16xi32> to vector<16xi32>
      tpu.vector_store %arg15[%swap3A_549], %swap3A_552 {strides = array<i32>} : memref<128xi32, #tpu.memory_space<vmem>>, vector<16xi32>,
      %get3A_553 = arith.constant 48 : index
      %get3A_554 = tpu.vector_load %arg12[%get3A_553] {strides = array<i32>} : memref<128xi32, #tpu.memory_space<vmem>>, vector<16xi32>,
      %get3A_555 = vector.shape_cast %get3A_554 : vector<16xi32> to vector<16xi32>
      %swap3A_556 = arith.constant 48 : index
      %swap3A_557 = tpu.vector_load %arg15[%swap3A_556] {strides = array<i32>} : memref<128xi32, #tpu.memory_space<vmem>>, vector<16xi32>,
      %swap3A_558 = vector.shape_cast %swap3A_557 : vector<16xi32> to vector<16xi32>
      %swap3A_559 = vector.shape_cast %get3A_555 : vector<16xi32> to vector<16xi32>
      tpu.vector_store %arg15[%swap3A_556], %swap3A_559 {strides = array<i32>} : memref<128xi32, #tpu.memory_space<vmem>>, vector<16xi32>,
      %get3A_560 = arith.constant 64 : index
      %get3A_561 = tpu.vector_load %arg12[%get3A_560] {strides = array<i32>} : memref<128xi32, #tpu.memory_space<vmem>>, vector<16xi32>,
      %get3A_562 = vector.shape_cast %get3A_561 : vector<16xi32> to vector<16xi32>
      %swap3A_563 = arith.constant 64 : index
      %swap3A_564 = tpu.vector_load %arg15[%swap3A_563] {strides = array<i32>} : memref<128xi32, #tpu.memory_space<vmem>>, vector<16xi32>,
      %swap3A_565 = vector.shape_cast %swap3A_564 : vector<16xi32> to vector<16xi32>
      %swap3A_566 = vector.shape_cast %get3A_562 : vector<16xi32> to vector<16xi32>
      tpu.vector_store %arg15[%swap3A_563], %swap3A_566 {strides = array<i32>} : memref<128xi32, #tpu.memory_space<vmem>>, vector<16xi32>,
      %get3A_567 = arith.constant 80 : index
      %get3A_568 = tpu.vector_load %arg12[%get3A_567] {strides = array<i32>} : memref<128xi32, #tpu.memory_space<vmem>>, vector<16xi32>,
      %get3A_569 = vector.shape_cast %get3A_568 : vector<16xi32> to vector<16xi32>
      %swap3A_570 = arith.constant 80 : index
      %swap3A_571 = tpu.vector_load %arg15[%swap3A_570] {strides = array<i32>} : memref<128xi32, #tpu.memory_space<vmem>>, vector<16xi32>,
      %swap3A_572 = vector.shape_cast %swap3A_571 : vector<16xi32> to vector<16xi32>
      %swap3A_573 = vector.shape_cast %get3A_569 : vector<16xi32> to vector<16xi32>
      tpu.vector_store %arg15[%swap3A_570], %swap3A_573 {strides = array<i32>} : memref<128xi32, #tpu.memory_space<vmem>>, vector<16xi32>,
      %get3A_574 = arith.constant 96 : index
      %get3A_575 = tpu.vector_load %arg12[%get3A_574] {strides = array<i32>} : memref<128xi32, #tpu.memory_space<vmem>>, vector<16xi32>,
      %get3A_576 = vector.shape_cast %get3A_575 : vector<16xi32> to vector<16xi32>
      %swap3A_577 = arith.constant 96 : index
      %swap3A_578 = tpu.vector_load %arg15[%swap3A_577] {strides = array<i32>} : memref<128xi32, #tpu.memory_space<vmem>>, vector<16xi32>,
      %swap3A_579 = vector.shape_cast %swap3A_578 : vector<16xi32> to vector<16xi32>
      %swap3A_580 = vector.shape_cast %get3A_576 : vector<16xi32> to vector<16xi32>
      tpu.vector_store %arg15[%swap3A_577], %swap3A_580 {strides = array<i32>} : memref<128xi32, #tpu.memory_space<vmem>>, vector<16xi32>,
      %get3A_581 = arith.constant 112 : index
      %get3A_582 = tpu.vector_load %arg12[%get3A_581] {strides = array<i32>} : memref<128xi32, #tpu.memory_space<vmem>>, vector<16xi32>,
      %get3A_583 = vector.shape_cast %get3A_582 : vector<16xi32> to vector<16xi32>
      %swap3A_584 = arith.constant 112 : index
      %swap3A_585 = tpu.vector_load %arg15[%swap3A_584] {strides = array<i32>} : memref<128xi32, #tpu.memory_space<vmem>>, vector<16xi32>,
      %swap3A_586 = vector.shape_cast %swap3A_585 : vector<16xi32> to vector<16xi32>
      %swap3A_587 = vector.shape_cast %get3A_583 : vector<16xi32> to vector<16xi32>
      tpu.vector_store %arg15[%swap3A_584], %swap3A_587 {strides = array<i32>} : memref<128xi32, #tpu.memory_space<vmem>>, vector<16xi32>,
      %dma_start3A_588 = arith.constant 0 : i32
      %dma_start3A_589 = arith.constant 0 : i32
      %dma_start3A_590 = tpu.memref_slice %arg6[%dma_start3A_588, %dma_start3A_589] : memref<10000x128xf32, #tpu.memory_space<vmem_shared>> -> memref<10000x128xf32, #tpu.memory_space<vmem_shared>>
      tpu.enqueue_indirect_dma source(%arg18 : memref<128x128xf32, #tpu.memory_space<vmem>>) target(%dma_start3A_590 : memref<10000x128xf32, #tpu.memory_space<vmem_shared>>) offsets(%arg15 : memref<128xi32, #tpu.memory_space<vmem>>) semaphore(%arg27 : memref<!tpu.dma_semaphore, #tpu.memory_space<semaphore_mem>>) {add = true}
      %add3A_591 = arith.constant 2 : i32
      %add3A_592 = arith.addi %add3A_336, %add3A_591 : i32
      %add3A_593 = arith.constant 3 : i32
      %add3A_594 = arith.addi %add3A_592, %add3A_593 : i32
      %mul3A_595 = arith.constant 32 : i32
      %mul3A_596 = arith.muli %add3A_594, %mul3A_595 : i32
      %add3A_597 = arith.addi %add3A, %mul3A_596 : i32
      %mul3A_598 = arith.constant 128 : i32
      %mul3A_599 = arith.muli %add3A_597, %mul3A_598 : i32
      %dma_start3A_600 = tpu.memref_slice %arg3[%mul3A_599] : memref<331776xi32, #tpu.memory_space<hbm>> -> memref<128xi32, #tpu.memory_space<hbm>>
      %dma_start3A_601 = tpu.memref_slice %arg3[%mul3A_599] : memref<331776xi32, #tpu.memory_space<hbm>> -> memref<128xi32, #tpu.memory_space<hbm>>
      tpu.enqueue_dma source(%dma_start3A_601 : memref<128xi32, #tpu.memory_space<hbm>>) target(%arg9 : memref<128xi32, #tpu.memory_space<vmem>>) target_semaphore(%arg21 : memref<!tpu.dma_semaphore, #tpu.memory_space<semaphore_mem>>)
      %dma_start3A_602 = tpu.memref_slice %arg4[%mul3A_599] : memref<331776xi32, #tpu.memory_space<hbm>> -> memref<128xi32, #tpu.memory_space<hbm>>
      %dma_start3A_603 = tpu.memref_slice %arg4[%mul3A_599] : memref<331776xi32, #tpu.memory_space<hbm>> -> memref<128xi32, #tpu.memory_space<hbm>>
      tpu.enqueue_dma source(%dma_start3A_603 : memref<128xi32, #tpu.memory_space<hbm>>) target(%arg12 : memref<128xi32, #tpu.memory_space<vmem>>) target_semaphore(%arg21 : memref<!tpu.dma_semaphore, #tpu.memory_space<semaphore_mem>>)
      %dma_wait3A_604 = arith.constant 0 : i32
      %dma_wait3A_605 = arith.constant 0 : i32
      %dma_wait3A_606 = tpu.memref_slice %arg6[%dma_wait3A_604, %dma_wait3A_605] : memref<10000x128xf32, #tpu.memory_space<vmem_shared>> -> memref<10000x128xf32, #tpu.memory_space<vmem_shared>>
      tpu.wait_indirect_dma semaphore(%arg25 : memref<!tpu.dma_semaphore, #tpu.memory_space<semaphore_mem>>) src(%arg16 : memref<128x128xf32, #tpu.memory_space<vmem>>) dst(%dma_wait3A_606 : memref<10000x128xf32, #tpu.memory_space<vmem_shared>>)
      %dma_wait3A_607 = arith.constant 0 : i32
      %dma_wait3A_608 = arith.constant 0 : i32
      %dma_wait3A_609 = tpu.memref_slice %arg6[%dma_wait3A_607, %dma_wait3A_608] : memref<10000x128xf32, #tpu.memory_space<vmem_shared>> -> memref<10000x128xf32, #tpu.memory_space<vmem_shared>>
      tpu.wait_indirect_dma semaphore(%arg26 : memref<!tpu.dma_semaphore, #tpu.memory_space<semaphore_mem>>) src(%arg17 : memref<128x128xf32, #tpu.memory_space<vmem>>) dst(%dma_wait3A_609 : memref<10000x128xf32, #tpu.memory_space<vmem_shared>>)
      %dma_wait3A_610 = arith.constant 0 : i32
      %dma_wait3A_611 = arith.constant 0 : i32
      %dma_wait3A_612 = tpu.memref_slice %arg6[%dma_wait3A_610, %dma_wait3A_611] : memref<10000x128xf32, #tpu.memory_space<vmem_shared>> -> memref<10000x128xf32, #tpu.memory_space<vmem_shared>>
      tpu.wait_indirect_dma semaphore(%arg27 : memref<!tpu.dma_semaphore, #tpu.memory_space<semaphore_mem>>) src(%arg18 : memref<128x128xf32, #tpu.memory_space<vmem>>) dst(%dma_wait3A_612 : memref<10000x128xf32, #tpu.memory_space<vmem_shared>>)
    }
    %scan3A_36 = arith.constant 13 : i32
    %dma_wait3A = arith.constant 0 : i32
    %dma_wait3A_37 = tpu.memref_slice %arg3[%dma_wait3A] : memref<331776xi32, #tpu.memory_space<hbm>> -> memref<128xi32, #tpu.memory_space<hbm>>
    %dma_wait3A_38 = arith.constant 0 : i32
    %dma_wait3A_39 = tpu.memref_slice %arg3[%dma_wait3A_38] : memref<331776xi32, #tpu.memory_space<hbm>> -> memref<128xi32, #tpu.memory_space<hbm>>
    tpu.wait_dma2 semaphore(%arg19 : memref<!tpu.dma_semaphore, #tpu.memory_space<semaphore_mem>>) src(%dma_wait3A_39 : memref<128xi32, #tpu.memory_space<hbm>>) dst(%arg7 : memref<128xi32, #tpu.memory_space<vmem>>)
    %dma_wait3A_40 = arith.constant 0 : i32
    %dma_wait3A_41 = tpu.memref_slice %arg4[%dma_wait3A_40] : memref<331776xi32, #tpu.memory_space<hbm>> -> memref<128xi32, #tpu.memory_space<hbm>>
    %dma_wait3A_42 = arith.constant 0 : i32
    %dma_wait3A_43 = tpu.memref_slice %arg4[%dma_wait3A_42] : memref<331776xi32, #tpu.memory_space<hbm>> -> memref<128xi32, #tpu.memory_space<hbm>>
    tpu.wait_dma2 semaphore(%arg19 : memref<!tpu.dma_semaphore, #tpu.memory_space<semaphore_mem>>) src(%dma_wait3A_43 : memref<128xi32, #tpu.memory_space<hbm>>) dst(%arg10 : memref<128xi32, #tpu.memory_space<vmem>>)
    %dma_wait3A_44 = arith.constant 0 : i32
    %dma_wait3A_45 = tpu.memref_slice %arg3[%dma_wait3A_44] : memref<331776xi32, #tpu.memory_space<hbm>> -> memref<128xi32, #tpu.memory_space<hbm>>
    %dma_wait3A_46 = arith.constant 0 : i32
    %dma_wait3A_47 = tpu.memref_slice %arg3[%dma_wait3A_46] : memref<331776xi32, #tpu.memory_space<hbm>> -> memref<128xi32, #tpu.memory_space<hbm>>
    tpu.wait_dma2 semaphore(%arg20 : memref<!tpu.dma_semaphore, #tpu.memory_space<semaphore_mem>>) src(%dma_wait3A_47 : memref<128xi32, #tpu.memory_space<hbm>>) dst(%arg8 : memref<128xi32, #tpu.memory_space<vmem>>)
    %dma_wait3A_48 = arith.constant 0 : i32
    %dma_wait3A_49 = tpu.memref_slice %arg4[%dma_wait3A_48] : memref<331776xi32, #tpu.memory_space<hbm>> -> memref<128xi32, #tpu.memory_space<hbm>>
    %dma_wait3A_50 = arith.constant 0 : i32
    %dma_wait3A_51 = tpu.memref_slice %arg4[%dma_wait3A_50] : memref<331776xi32, #tpu.memory_space<hbm>> -> memref<128xi32, #tpu.memory_space<hbm>>
    tpu.wait_dma2 semaphore(%arg20 : memref<!tpu.dma_semaphore, #tpu.memory_space<semaphore_mem>>) src(%dma_wait3A_51 : memref<128xi32, #tpu.memory_space<hbm>>) dst(%arg11 : memref<128xi32, #tpu.memory_space<vmem>>)
    %dma_wait3A_52 = arith.constant 0 : i32
    %dma_wait3A_53 = tpu.memref_slice %arg3[%dma_wait3A_52] : memref<331776xi32, #tpu.memory_space<hbm>> -> memref<128xi32, #tpu.memory_space<hbm>>
    %dma_wait3A_54 = arith.constant 0 : i32
    %dma_wait3A_55 = tpu.memref_slice %arg3[%dma_wait3A_54] : memref<331776xi32, #tpu.memory_space<hbm>> -> memref<128xi32, #tpu.memory_space<hbm>>
    tpu.wait_dma2 semaphore(%arg21 : memref<!tpu.dma_semaphore, #tpu.memory_space<semaphore_mem>>) src(%dma_wait3A_55 : memref<128xi32, #tpu.memory_space<hbm>>) dst(%arg9 : memref<128xi32, #tpu.memory_space<vmem>>)
    %dma_wait3A_56 = arith.constant 0 : i32
    %dma_wait3A_57 = tpu.memref_slice %arg4[%dma_wait3A_56] : memref<331776xi32, #tpu.memory_space<hbm>> -> memref<128xi32, #tpu.memory_space<hbm>>
    %dma_wait3A_58 = arith.constant 0 : i32
    %dma_wait3A_59 = tpu.memref_slice %arg4[%dma_wait3A_58] : memref<331776xi32, #tpu.memory_space<hbm>> -> memref<128xi32, #tpu.memory_space<hbm>>
    tpu.wait_dma2 semaphore(%arg21 : memref<!tpu.dma_semaphore, #tpu.memory_space<semaphore_mem>>) src(%dma_wait3A_59 : memref<128xi32, #tpu.memory_space<hbm>>) dst(%arg12 : memref<128xi32, #tpu.memory_space<vmem>>)
    %lt3A = arith.constant 4 : i32
    %lt3A_60 = arith.cmpi slt, %add3A, %lt3A : i32
    %convert_element_type3A_61 = arith.extui %lt3A_60 : i1 to i32
    %cond3A_62 = arith.constant 0 : i32
    %cond3A_63 = arith.cmpi ne, %convert_element_type3A_61, %cond3A_62 : i32
    scf.if %cond3A_63 {
      %dma_start3A_76 = arith.constant 0 : i32
      %dma_start3A_77 = arith.constant 0 : i32
      %dma_start3A_78 = tpu.memref_slice %arg2[%dma_start3A_76, %dma_start3A_77] : memref<10000x128xf32, #tpu.memory_space<hbm>> -> memref<10000x128xf32, #tpu.memory_space<hbm>>
      tpu.enqueue_indirect_dma source(%dma_start3A_78 : memref<10000x128xf32, #tpu.memory_space<hbm>>) target(%arg16 : memref<128x128xf32, #tpu.memory_space<vmem>>) offsets(%arg7 : memref<128xi32, #tpu.memory_space<vmem>>) semaphore(%arg22 : memref<!tpu.dma_semaphore, #tpu.memory_space<semaphore_mem>>)
      %dma_wait3A_79 = arith.constant 0 : i32
      %dma_wait3A_80 = arith.constant 0 : i32
      %dma_wait3A_81 = tpu.memref_slice %arg2[%dma_wait3A_79, %dma_wait3A_80] : memref<10000x128xf32, #tpu.memory_space<hbm>> -> memref<10000x128xf32, #tpu.memory_space<hbm>>
      tpu.wait_indirect_dma semaphore(%arg22 : memref<!tpu.dma_semaphore, #tpu.memory_space<semaphore_mem>>) src(%dma_wait3A_81 : memref<10000x128xf32, #tpu.memory_space<hbm>>) dst(%arg16 : memref<128x128xf32, #tpu.memory_space<vmem>>)
      "tpu.region"() ({
        %run_scoped3A = tpu.sem_alloc : memref<!tpu.dma_semaphore, #tpu.memory_space<semaphore_mem>>
        %dma_start3A_82 = arith.constant 0 : i32
        %dma_start3A_83 = arith.constant 0 : i32
        %dma_start3A_84 = tpu.memref_slice %arg6[%dma_start3A_82, %dma_start3A_83] : memref<10000x128xf32, #tpu.memory_space<vmem_shared>> -> memref<10000x128xf32, #tpu.memory_space<vmem_shared>>
        tpu.enqueue_indirect_dma source(%arg16 : memref<128x128xf32, #tpu.memory_space<vmem>>) target(%dma_start3A_84 : memref<10000x128xf32, #tpu.memory_space<vmem_shared>>) offsets(%arg10 : memref<128xi32, #tpu.memory_space<vmem>>) semaphore(%run_scoped3A : memref<!tpu.dma_semaphore, #tpu.memory_space<semaphore_mem>>) {add = true}
        %dma_wait3A_85 = arith.constant 0 : i32
        %dma_wait3A_86 = arith.constant 0 : i32
        %dma_wait3A_87 = tpu.memref_slice %arg6[%dma_wait3A_85, %dma_wait3A_86] : memref<10000x128xf32, #tpu.memory_space<vmem_shared>> -> memref<10000x128xf32, #tpu.memory_space<vmem_shared>>
        tpu.wait_indirect_dma semaphore(%run_scoped3A : memref<!tpu.dma_semaphore, #tpu.memory_space<semaphore_mem>>) src(%arg16 : memref<128x128xf32, #tpu.memory_space<vmem>>) dst(%dma_wait3A_87 : memref<10000x128xf32, #tpu.memory_space<vmem_shared>>)
        tpu.yield
      }) : () -> ()
    } else {
    }
    %barrier3A_64 = arith.constant 0 : index
    tpu.barrier barrier_id(%barrier3A_64)
    %scan3A_65 = arith.constant 0 : i32
    %scan3A_66 = arith.constant 0 : i32
    %scan3A_67 = arith.constant 5 : i32
    %scan3A_68 = arith.addi %scan3A_66, %scan3A_67 : i32
    %scan3A_69 = arith.constant 1 : i32
    scf.for %scan3A_76 = %scan3A_66 to %scan3A_68 step %scan3A_69  : i32 {
      %mul3A_77 = arith.constant 16 : i32
      %mul3A_78 = arith.muli %scan3A_76, %mul3A_77 : i32
      %add3A_79 = arith.addi %arg1, %mul3A_78 : i32
      %lt3A_80 = arith.constant 78 : i32
      %lt3A_81 = arith.cmpi slt, %add3A_79, %lt3A_80 : i32
      %convert_element_type3A_82 = arith.extui %lt3A_81 : i1 to i32
      %cond3A_83 = arith.constant 0 : i32
      %cond3A_84 = arith.cmpi ne, %convert_element_type3A_82, %cond3A_83 : i32
      scf.if %cond3A_84 {
        %mul3A_85 = arith.constant 128 : i32
        %mul3A_86 = arith.muli %add3A_79, %mul3A_85 : i32
        "tpu.region"() ({
          %run_scoped3A = tpu.sem_alloc : memref<!tpu.dma_semaphore, #tpu.memory_space<semaphore_mem>>
          %dma_start3A_90 = arith.constant 0 : i32
          %dma_start3A_91 = tpu.memref_slice %arg6[%mul3A_86, %dma_start3A_90] : memref<10000x128xf32, #tpu.memory_space<vmem_shared>> -> memref<128x128xf32, #tpu.memory_space<vmem_shared>>
          %dma_start3A_92 = arith.constant 0 : i32
          %dma_start3A_93 = tpu.memref_slice %arg6[%mul3A_86, %dma_start3A_92] : memref<10000x128xf32, #tpu.memory_space<vmem_shared>> -> memref<128x128xf32, #tpu.memory_space<vmem_shared>>
          tpu.enqueue_dma source(%dma_start3A_93 : memref<128x128xf32, #tpu.memory_space<vmem_shared>>) target(%arg16 : memref<128x128xf32, #tpu.memory_space<vmem>>) target_semaphore(%run_scoped3A : memref<!tpu.dma_semaphore, #tpu.memory_space<semaphore_mem>>)
          %dma_wait3A_94 = arith.constant 0 : i32
          %dma_wait3A_95 = tpu.memref_slice %arg6[%mul3A_86, %dma_wait3A_94] : memref<10000x128xf32, #tpu.memory_space<vmem_shared>> -> memref<128x128xf32, #tpu.memory_space<vmem_shared>>
          %dma_wait3A_96 = arith.constant 0 : i32
          %dma_wait3A_97 = tpu.memref_slice %arg6[%mul3A_86, %dma_wait3A_96] : memref<10000x128xf32, #tpu.memory_space<vmem_shared>> -> memref<128x128xf32, #tpu.memory_space<vmem_shared>>
          tpu.wait_dma2 semaphore(%run_scoped3A : memref<!tpu.dma_semaphore, #tpu.memory_space<semaphore_mem>>) src(%dma_wait3A_97 : memref<128x128xf32, #tpu.memory_space<vmem_shared>>) dst(%arg16 : memref<128x128xf32, #tpu.memory_space<vmem>>)
          tpu.yield
        }) : () -> ()
        %mul3A_87 = arith.constant 10000 : i32
        %mul3A_88 = arith.muli %arg0, %mul3A_87 : i32
        %add3A_89 = arith.addi %mul3A_88, %mul3A_86 : i32
        "tpu.region"() ({
          %run_scoped3A = tpu.sem_alloc : memref<!tpu.dma_semaphore, #tpu.memory_space<semaphore_mem>>
          %dma_start3A_90 = arith.constant 0 : i32
          %dma_start3A_91 = tpu.memref_slice %arg5[%add3A_89, %dma_start3A_90] : memref<20000x128xf32, #tpu.memory_space<hbm>> -> memref<128x128xf32, #tpu.memory_space<hbm>>
          %dma_start3A_92 = arith.constant 0 : i32
          %dma_start3A_93 = tpu.memref_slice %arg5[%add3A_89, %dma_start3A_92] : memref<20000x128xf32, #tpu.memory_space<hbm>> -> memref<128x128xf32, #tpu.memory_space<hbm>>
          tpu.enqueue_dma source(%arg16 : memref<128x128xf32, #tpu.memory_space<vmem>>) target(%dma_start3A_93 : memref<128x128xf32, #tpu.memory_space<hbm>>) target_semaphore(%run_scoped3A : memref<!tpu.dma_semaphore, #tpu.memory_space<semaphore_mem>>)
          %dma_wait3A_94 = arith.constant 0 : i32
          %dma_wait3A_95 = tpu.memref_slice %arg5[%add3A_89, %dma_wait3A_94] : memref<20000x128xf32, #tpu.memory_space<hbm>> -> memref<128x128xf32, #tpu.memory_space<hbm>>
          %dma_wait3A_96 = arith.constant 0 : i32
          %dma_wait3A_97 = tpu.memref_slice %arg5[%add3A_89, %dma_wait3A_96] : memref<20000x128xf32, #tpu.memory_space<hbm>> -> memref<128x128xf32, #tpu.memory_space<hbm>>
          tpu.wait_dma2 semaphore(%run_scoped3A : memref<!tpu.dma_semaphore, #tpu.memory_space<semaphore_mem>>) src(%arg16 : memref<128x128xf32, #tpu.memory_space<vmem>>) dst(%dma_wait3A_97 : memref<128x128xf32, #tpu.memory_space<hbm>>)
          tpu.yield
        }) : () -> ()
      } else {
      }
    }
    %scan3A_70 = arith.constant 5 : i32
    %eq3A_71 = arith.constant 15 : i32
    %eq3A_72 = arith.cmpi eq, %arg1, %eq3A_71 : i32
    %convert_element_type3A_73 = arith.extui %eq3A_72 : i1 to i32
    %cond3A_74 = arith.constant 0 : i32
    %cond3A_75 = arith.cmpi ne, %convert_element_type3A_73, %cond3A_74 : i32
    scf.if %cond3A_75 {
      "tpu.region"() ({
        %run_scoped3A = tpu.sem_alloc : memref<!tpu.dma_semaphore, #tpu.memory_space<semaphore_mem>>
        %dma_start3A_80 = arith.constant 0 : i32
        %dma_start3A_81 = arith.constant 0 : i32
        %dma_start3A_82 = tpu.memref_slice %arg16[%dma_start3A_80, %dma_start3A_81] : memref<128x128xf32, #tpu.memory_space<vmem>> -> memref<16x128xf32, #tpu.memory_space<vmem>>
        %dma_start3A_83 = arith.constant 9984 : i32
        %dma_start3A_84 = arith.constant 0 : i32
        %dma_start3A_85 = tpu.memref_slice %arg6[%dma_start3A_83, %dma_start3A_84] : memref<10000x128xf32, #tpu.memory_space<vmem_shared>> -> memref<16x128xf32, #tpu.memory_space<vmem_shared>>
        %dma_start3A_86 = arith.constant 0 : i32
        %dma_start3A_87 = arith.constant 0 : i32
        %dma_start3A_88 = tpu.memref_slice %arg16[%dma_start3A_86, %dma_start3A_87] : memref<128x128xf32, #tpu.memory_space<vmem>> -> memref<16x128xf32, #tpu.memory_space<vmem>>
        %dma_start3A_89 = arith.constant 9984 : i32
        %dma_start3A_90 = arith.constant 0 : i32
        %dma_start3A_91 = tpu.memref_slice %arg6[%dma_start3A_89, %dma_start3A_90] : memref<10000x128xf32, #tpu.memory_space<vmem_shared>> -> memref<16x128xf32, #tpu.memory_space<vmem_shared>>
        tpu.enqueue_dma source(%dma_start3A_91 : memref<16x128xf32, #tpu.memory_space<vmem_shared>>) target(%dma_start3A_88 : memref<16x128xf32, #tpu.memory_space<vmem>>) target_semaphore(%run_scoped3A : memref<!tpu.dma_semaphore, #tpu.memory_space<semaphore_mem>>)
        %dma_wait3A_92 = arith.constant 0 : i32
        %dma_wait3A_93 = arith.constant 0 : i32
        %dma_wait3A_94 = tpu.memref_slice %arg16[%dma_wait3A_92, %dma_wait3A_93] : memref<128x128xf32, #tpu.memory_space<vmem>> -> memref<16x128xf32, #tpu.memory_space<vmem>>
        %dma_wait3A_95 = arith.constant 9984 : i32
        %dma_wait3A_96 = arith.constant 0 : i32
        %dma_wait3A_97 = tpu.memref_slice %arg6[%dma_wait3A_95, %dma_wait3A_96] : memref<10000x128xf32, #tpu.memory_space<vmem_shared>> -> memref<16x128xf32, #tpu.memory_space<vmem_shared>>
        %dma_wait3A_98 = arith.constant 0 : i32
        %dma_wait3A_99 = arith.constant 0 : i32
        %dma_wait3A_100 = tpu.memref_slice %arg16[%dma_wait3A_98, %dma_wait3A_99] : memref<128x128xf32, #tpu.memory_space<vmem>> -> memref<16x128xf32, #tpu.memory_space<vmem>>
        %dma_wait3A_101 = arith.constant 9984 : i32
        %dma_wait3A_102 = arith.constant 0 : i32
        %dma_wait3A_103 = tpu.memref_slice %arg6[%dma_wait3A_101, %dma_wait3A_102] : memref<10000x128xf32, #tpu.memory_space<vmem_shared>> -> memref<16x128xf32, #tpu.memory_space<vmem_shared>>
        tpu.wait_dma2 semaphore(%run_scoped3A : memref<!tpu.dma_semaphore, #tpu.memory_space<semaphore_mem>>) src(%dma_wait3A_103 : memref<16x128xf32, #tpu.memory_space<vmem_shared>>) dst(%dma_wait3A_100 : memref<16x128xf32, #tpu.memory_space<vmem>>)
        tpu.yield
      }) : () -> ()
      %mul3A_76 = arith.constant 10000 : i32
      %mul3A_77 = arith.muli %arg0, %mul3A_76 : i32
      %add3A_78 = arith.constant 9984 : i32
      %add3A_79 = arith.addi %mul3A_77, %add3A_78 : i32
      "tpu.region"() ({
        %run_scoped3A = tpu.sem_alloc : memref<!tpu.dma_semaphore, #tpu.memory_space<semaphore_mem>>
        %dma_start3A_80 = arith.constant 0 : i32
        %dma_start3A_81 = arith.constant 0 : i32
        %dma_start3A_82 = tpu.memref_slice %arg16[%dma_start3A_80, %dma_start3A_81] : memref<128x128xf32, #tpu.memory_space<vmem>> -> memref<16x128xf32, #tpu.memory_space<vmem>>
        %dma_start3A_83 = arith.constant 0 : i32
        %dma_start3A_84 = tpu.memref_slice %arg5[%add3A_79, %dma_start3A_83] : memref<20000x128xf32, #tpu.memory_space<hbm>> -> memref<16x128xf32, #tpu.memory_space<hbm>>
        %dma_start3A_85 = arith.constant 0 : i32
        %dma_start3A_86 = tpu.memref_slice %arg5[%add3A_79, %dma_start3A_85] : memref<20000x128xf32, #tpu.memory_space<hbm>> -> memref<16x128xf32, #tpu.memory_space<hbm>>
        %dma_start3A_87 = arith.constant 0 : i32
        %dma_start3A_88 = arith.constant 0 : i32
        %dma_start3A_89 = tpu.memref_slice %arg16[%dma_start3A_87, %dma_start3A_88] : memref<128x128xf32, #tpu.memory_space<vmem>> -> memref<16x128xf32, #tpu.memory_space<vmem>>
        tpu.enqueue_dma source(%dma_start3A_89 : memref<16x128xf32, #tpu.memory_space<vmem>>) target(%dma_start3A_86 : memref<16x128xf32, #tpu.memory_space<hbm>>) target_semaphore(%run_scoped3A : memref<!tpu.dma_semaphore, #tpu.memory_space<semaphore_mem>>)
        %dma_wait3A_90 = arith.constant 0 : i32
        %dma_wait3A_91 = arith.constant 0 : i32
        %dma_wait3A_92 = tpu.memref_slice %arg16[%dma_wait3A_90, %dma_wait3A_91] : memref<128x128xf32, #tpu.memory_space<vmem>> -> memref<16x128xf32, #tpu.memory_space<vmem>>
        %dma_wait3A_93 = arith.constant 0 : i32
        %dma_wait3A_94 = tpu.memref_slice %arg5[%add3A_79, %dma_wait3A_93] : memref<20000x128xf32, #tpu.memory_space<hbm>> -> memref<16x128xf32, #tpu.memory_space<hbm>>
        %dma_wait3A_95 = arith.constant 0 : i32
        %dma_wait3A_96 = tpu.memref_slice %arg5[%add3A_79, %dma_wait3A_95] : memref<20000x128xf32, #tpu.memory_space<hbm>> -> memref<16x128xf32, #tpu.memory_space<hbm>>
        %dma_wait3A_97 = arith.constant 0 : i32
        %dma_wait3A_98 = arith.constant 0 : i32
        %dma_wait3A_99 = tpu.memref_slice %arg16[%dma_wait3A_97, %dma_wait3A_98] : memref<128x128xf32, #tpu.memory_space<vmem>> -> memref<16x128xf32, #tpu.memory_space<vmem>>
        tpu.wait_dma2 semaphore(%run_scoped3A : memref<!tpu.dma_semaphore, #tpu.memory_space<semaphore_mem>>) src(%dma_wait3A_99 : memref<16x128xf32, #tpu.memory_space<vmem>>) dst(%dma_wait3A_96 : memref<16x128xf32, #tpu.memory_space<hbm>>)
        tpu.yield
      }) : () -> ()
    } else {
    }
    return
  }
}

#map = affine_map<(d0, d1) -> (0, 0)>
#map1 = affine_map<(d0, d1) -> (0)>
module attributes {stable_mosaic.version = 14 : i64} {
  func.func @_msg_kernel(%arg0: i32, %arg1: i32, %arg2: memref<10000x128xf32, #tpu.memory_space<hbm>>, %arg3: memref<331776xi32, #tpu.memory_space<hbm>>, %arg4: memref<331776xi32, #tpu.memory_space<hbm>>, %arg5: memref<20000x128xf32, #tpu.memory_space<hbm>>, %arg6: memref<10000x128xf32, #tpu.memory_space<vmem_shared>>, %arg7: memref<128xi32, #tpu.memory_space<vmem>>, %arg8: memref<128xi32, #tpu.memory_space<vmem>>, %arg9: memref<128xi32, #tpu.memory_space<vmem>>, %arg10: memref<128xi32, #tpu.memory_space<vmem>>, %arg11: memref<128xi32, #tpu.memory_space<vmem>>, %arg12: memref<128xi32, #tpu.memory_space<vmem>>, %arg13: memref<128xi32, #tpu.memory_space<vmem>>, %arg14: memref<128xi32, #tpu.memory_space<vmem>>, %arg15: memref<128xi32, #tpu.memory_space<vmem>>, %arg16: memref<128x128xf32, #tpu.memory_space<vmem>>, %arg17: memref<128x128xf32, #tpu.memory_space<vmem>>, %arg18: memref<128x128xf32, #tpu.memory_space<vmem>>, %arg19: memref<!tpu.dma_semaphore, #tpu.memory_space<semaphore_mem>>, %arg20: memref<!tpu.dma_semaphore, #tpu.memory_space<semaphore_mem>>, %arg21: memref<!tpu.dma_semaphore, #tpu.memory_space<semaphore_mem>>, %arg22: memref<!tpu.dma_semaphore, #tpu.memory_space<semaphore_mem>>, %arg23: memref<!tpu.dma_semaphore, #tpu.memory_space<semaphore_mem>>, %arg24: memref<!tpu.dma_semaphore, #tpu.memory_space<semaphore_mem>>, %arg25: memref<!tpu.dma_semaphore, #tpu.memory_space<semaphore_mem>>, %arg26: memref<!tpu.dma_semaphore, #tpu.memory_space<semaphore_mem>>, %arg27: memref<!tpu.dma_semaphore, #tpu.memory_space<semaphore_mem>>) attributes {dimension_semantics = [#tpu.dimension_semantics<core_parallel>, #tpu.dimension_semantics<subcore_parallel>], iteration_bounds = array<i64: 2, 16>, scalar_prefetch = 0 : i64, scratch_operands = 22 : i64, tpu.core_type = #tpu.core_type<sc_vector_subcore>, window_params = [{transform_indices = #map}, {transform_indices = #map1}, {transform_indices = #map1}, {transform_indices = #map}]} {
    %mul3A = arith.constant 16 : i32
    %mul3A_0 = arith.muli %arg0, %mul3A : i32
    %add3A = arith.addi %mul3A_0, %arg1 : i32
    %scan3A = arith.constant 0 : i32
    %scan3A_1 = arith.constant 0 : i32
    %scan3A_2 = arith.constant 5 : i32
    %scan3A_3 = arith.addi %scan3A_1, %scan3A_2 : i32
    %scan3A_4 = arith.constant 1 : i32
    scf.for %scan3A_76 = %scan3A_1 to %scan3A_3 step %scan3A_4  : i32 {
      %mul3A_77 = arith.constant 16 : i32
      %mul3A_78 = arith.muli %scan3A_76, %mul3A_77 : i32
      %add3A_79 = arith.addi %arg1, %mul3A_78 : i32
      %lt3A_80 = arith.constant 78 : i32
      %lt3A_81 = arith.cmpi slt, %add3A_79, %lt3A_80 : i32
      %convert_element_type3A_82 = arith.extui %lt3A_81 : i1 to i32
      %cond3A_83 = arith.constant 0 : i32
      %cond3A_84 = arith.cmpi ne, %convert_element_type3A_82, %cond3A_83 : i32
      scf.if %cond3A_84 {
        %mul3A_85 = arith.constant 128 : i32
        %mul3A_86 = arith.muli %add3A_79, %mul3A_85 : i32
        "tpu.region"() ({
          %run_scoped3A = tpu.sem_alloc : memref<!tpu.dma_semaphore, #tpu.memory_space<semaphore_mem>>
          %dma_start3A_87 = arith.constant 0 : i32
          %dma_start3A_88 = tpu.memref_slice %arg2[%mul3A_86, %dma_start3A_87] : memref<10000x128xf32, #tpu.memory_space<hbm>> -> memref<128x128xf32, #tpu.memory_space<hbm>>
          %dma_start3A_89 = arith.constant 0 : i32
          %dma_start3A_90 = tpu.memref_slice %arg2[%mul3A_86, %dma_start3A_89] : memref<10000x128xf32, #tpu.memory_space<hbm>> -> memref<128x128xf32, #tpu.memory_space<hbm>>
          tpu.enqueue_dma source(%dma_start3A_90 : memref<128x128xf32, #tpu.memory_space<hbm>>) target(%arg16 : memref<128x128xf32, #tpu.memory_space<vmem>>) target_semaphore(%run_scoped3A : memref<!tpu.dma_semaphore, #tpu.memory_space<semaphore_mem>>)
          %dma_wait3A_91 = arith.constant 0 : i32
          %dma_wait3A_92 = tpu.memref_slice %arg2[%mul3A_86, %dma_wait3A_91] : memref<10000x128xf32, #tpu.memory_space<hbm>> -> memref<128x128xf32, #tpu.memory_space<hbm>>
          %dma_wait3A_93 = arith.constant 0 : i32
          %dma_wait3A_94 = tpu.memref_slice %arg2[%mul3A_86, %dma_wait3A_93] : memref<10000x128xf32, #tpu.memory_space<hbm>> -> memref<128x128xf32, #tpu.memory_space<hbm>>
          tpu.wait_dma2 semaphore(%run_scoped3A : memref<!tpu.dma_semaphore, #tpu.memory_space<semaphore_mem>>) src(%dma_wait3A_94 : memref<128x128xf32, #tpu.memory_space<hbm>>) dst(%arg16 : memref<128x128xf32, #tpu.memory_space<vmem>>)
          tpu.yield
        }) : () -> ()
        "tpu.region"() ({
          %run_scoped3A = tpu.sem_alloc : memref<!tpu.dma_semaphore, #tpu.memory_space<semaphore_mem>>
          %dma_start3A_87 = arith.constant 0 : i32
          %dma_start3A_88 = tpu.memref_slice %arg6[%mul3A_86, %dma_start3A_87] : memref<10000x128xf32, #tpu.memory_space<vmem_shared>> -> memref<128x128xf32, #tpu.memory_space<vmem_shared>>
          %dma_start3A_89 = arith.constant 0 : i32
          %dma_start3A_90 = tpu.memref_slice %arg6[%mul3A_86, %dma_start3A_89] : memref<10000x128xf32, #tpu.memory_space<vmem_shared>> -> memref<128x128xf32, #tpu.memory_space<vmem_shared>>
          tpu.enqueue_dma source(%arg16 : memref<128x128xf32, #tpu.memory_space<vmem>>) target(%dma_start3A_90 : memref<128x128xf32, #tpu.memory_space<vmem_shared>>) target_semaphore(%run_scoped3A : memref<!tpu.dma_semaphore, #tpu.memory_space<semaphore_mem>>)
          %dma_wait3A_91 = arith.constant 0 : i32
          %dma_wait3A_92 = tpu.memref_slice %arg6[%mul3A_86, %dma_wait3A_91] : memref<10000x128xf32, #tpu.memory_space<vmem_shared>> -> memref<128x128xf32, #tpu.memory_space<vmem_shared>>
          %dma_wait3A_93 = arith.constant 0 : i32
          %dma_wait3A_94 = tpu.memref_slice %arg6[%mul3A_86, %dma_wait3A_93] : memref<10000x128xf32, #tpu.memory_space<vmem_shared>> -> memref<128x128xf32, #tpu.memory_space<vmem_shared>>
          tpu.wait_dma2 semaphore(%run_scoped3A : memref<!tpu.dma_semaphore, #tpu.memory_space<semaphore_mem>>) src(%arg16 : memref<128x128xf32, #tpu.memory_space<vmem>>) dst(%dma_wait3A_94 : memref<128x128xf32, #tpu.memory_space<vmem_shared>>)
          tpu.yield
        }) : () -> ()
      } else {
      }
    }
    %scan3A_5 = arith.constant 5 : i32
    %eq3A = arith.constant 15 : i32
    %eq3A_6 = arith.cmpi eq, %arg1, %eq3A : i32
    %convert_element_type3A = arith.extui %eq3A_6 : i1 to i32
    %cond3A = arith.constant 0 : i32
    %cond3A_7 = arith.cmpi ne, %convert_element_type3A, %cond3A : i32
    scf.if %cond3A_7 {
      "tpu.region"() ({
        %run_scoped3A = tpu.sem_alloc : memref<!tpu.dma_semaphore, #tpu.memory_space<semaphore_mem>>
        %dma_start3A_76 = arith.constant 0 : i32
        %dma_start3A_77 = arith.constant 0 : i32
        %dma_start3A_78 = tpu.memref_slice %arg16[%dma_start3A_76, %dma_start3A_77] : memref<128x128xf32, #tpu.memory_space<vmem>> -> memref<16x128xf32, #tpu.memory_space<vmem>>
        %dma_start3A_79 = arith.constant 9984 : i32
        %dma_start3A_80 = arith.constant 0 : i32
        %dma_start3A_81 = tpu.memref_slice %arg2[%dma_start3A_79, %dma_start3A_80] : memref<10000x128xf32, #tpu.memory_space<hbm>> -> memref<16x128xf32, #tpu.memory_space<hbm>>
        %dma_start3A_82 = arith.constant 0 : i32
        %dma_start3A_83 = arith.constant 0 : i32
        %dma_start3A_84 = tpu.memref_slice %arg16[%dma_start3A_82, %dma_start3A_83] : memref<128x128xf32, #tpu.memory_space<vmem>> -> memref<16x128xf32, #tpu.memory_space<vmem>>
        %dma_start3A_85 = arith.constant 9984 : i32
        %dma_start3A_86 = arith.constant 0 : i32
        %dma_start3A_87 = tpu.memref_slice %arg2[%dma_start3A_85, %dma_start3A_86] : memref<10000x128xf32, #tpu.memory_space<hbm>> -> memref<16x128xf32, #tpu.memory_space<hbm>>
        tpu.enqueue_dma source(%dma_start3A_87 : memref<16x128xf32, #tpu.memory_space<hbm>>) target(%dma_start3A_84 : memref<16x128xf32, #tpu.memory_space<vmem>>) target_semaphore(%run_scoped3A : memref<!tpu.dma_semaphore, #tpu.memory_space<semaphore_mem>>)
        %dma_wait3A_88 = arith.constant 0 : i32
        %dma_wait3A_89 = arith.constant 0 : i32
        %dma_wait3A_90 = tpu.memref_slice %arg16[%dma_wait3A_88, %dma_wait3A_89] : memref<128x128xf32, #tpu.memory_space<vmem>> -> memref<16x128xf32, #tpu.memory_space<vmem>>
        %dma_wait3A_91 = arith.constant 9984 : i32
        %dma_wait3A_92 = arith.constant 0 : i32
        %dma_wait3A_93 = tpu.memref_slice %arg2[%dma_wait3A_91, %dma_wait3A_92] : memref<10000x128xf32, #tpu.memory_space<hbm>> -> memref<16x128xf32, #tpu.memory_space<hbm>>
        %dma_wait3A_94 = arith.constant 0 : i32
        %dma_wait3A_95 = arith.constant 0 : i32
        %dma_wait3A_96 = tpu.memref_slice %arg16[%dma_wait3A_94, %dma_wait3A_95] : memref<128x128xf32, #tpu.memory_space<vmem>> -> memref<16x128xf32, #tpu.memory_space<vmem>>
        %dma_wait3A_97 = arith.constant 9984 : i32
        %dma_wait3A_98 = arith.constant 0 : i32
        %dma_wait3A_99 = tpu.memref_slice %arg2[%dma_wait3A_97, %dma_wait3A_98] : memref<10000x128xf32, #tpu.memory_space<hbm>> -> memref<16x128xf32, #tpu.memory_space<hbm>>
        tpu.wait_dma2 semaphore(%run_scoped3A : memref<!tpu.dma_semaphore, #tpu.memory_space<semaphore_mem>>) src(%dma_wait3A_99 : memref<16x128xf32, #tpu.memory_space<hbm>>) dst(%dma_wait3A_96 : memref<16x128xf32, #tpu.memory_space<vmem>>)
        tpu.yield
      }) : () -> ()
      "tpu.region"() ({
        %run_scoped3A = tpu.sem_alloc : memref<!tpu.dma_semaphore, #tpu.memory_space<semaphore_mem>>
        %dma_start3A_76 = arith.constant 0 : i32
        %dma_start3A_77 = arith.constant 0 : i32
        %dma_start3A_78 = tpu.memref_slice %arg16[%dma_start3A_76, %dma_start3A_77] : memref<128x128xf32, #tpu.memory_space<vmem>> -> memref<16x128xf32, #tpu.memory_space<vmem>>
        %dma_start3A_79 = arith.constant 9984 : i32
        %dma_start3A_80 = arith.constant 0 : i32
        %dma_start3A_81 = tpu.memref_slice %arg6[%dma_start3A_79, %dma_start3A_80] : memref<10000x128xf32, #tpu.memory_space<vmem_shared>> -> memref<16x128xf32, #tpu.memory_space<vmem_shared>>
        %dma_start3A_82 = arith.constant 9984 : i32
        %dma_start3A_83 = arith.constant 0 : i32
        %dma_start3A_84 = tpu.memref_slice %arg6[%dma_start3A_82, %dma_start3A_83] : memref<10000x128xf32, #tpu.memory_space<vmem_shared>> -> memref<16x128xf32, #tpu.memory_space<vmem_shared>>
        %dma_start3A_85 = arith.constant 0 : i32
        %dma_start3A_86 = arith.constant 0 : i32
        %dma_start3A_87 = tpu.memref_slice %arg16[%dma_start3A_85, %dma_start3A_86] : memref<128x128xf32, #tpu.memory_space<vmem>> -> memref<16x128xf32, #tpu.memory_space<vmem>>
        tpu.enqueue_dma source(%dma_start3A_87 : memref<16x128xf32, #tpu.memory_space<vmem>>) target(%dma_start3A_84 : memref<16x128xf32, #tpu.memory_space<vmem_shared>>) target_semaphore(%run_scoped3A : memref<!tpu.dma_semaphore, #tpu.memory_space<semaphore_mem>>)
        %dma_wait3A_88 = arith.constant 0 : i32
        %dma_wait3A_89 = arith.constant 0 : i32
        %dma_wait3A_90 = tpu.memref_slice %arg16[%dma_wait3A_88, %dma_wait3A_89] : memref<128x128xf32, #tpu.memory_space<vmem>> -> memref<16x128xf32, #tpu.memory_space<vmem>>
        %dma_wait3A_91 = arith.constant 9984 : i32
        %dma_wait3A_92 = arith.constant 0 : i32
        %dma_wait3A_93 = tpu.memref_slice %arg6[%dma_wait3A_91, %dma_wait3A_92] : memref<10000x128xf32, #tpu.memory_space<vmem_shared>> -> memref<16x128xf32, #tpu.memory_space<vmem_shared>>
        %dma_wait3A_94 = arith.constant 9984 : i32
        %dma_wait3A_95 = arith.constant 0 : i32
        %dma_wait3A_96 = tpu.memref_slice %arg6[%dma_wait3A_94, %dma_wait3A_95] : memref<10000x128xf32, #tpu.memory_space<vmem_shared>> -> memref<16x128xf32, #tpu.memory_space<vmem_shared>>
        %dma_wait3A_97 = arith.constant 0 : i32
        %dma_wait3A_98 = arith.constant 0 : i32
        %dma_wait3A_99 = tpu.memref_slice %arg16[%dma_wait3A_97, %dma_wait3A_98] : memref<128x128xf32, #tpu.memory_space<vmem>> -> memref<16x128xf32, #tpu.memory_space<vmem>>
        tpu.wait_dma2 semaphore(%run_scoped3A : memref<!tpu.dma_semaphore, #tpu.memory_space<semaphore_mem>>) src(%dma_wait3A_99 : memref<16x128xf32, #tpu.memory_space<vmem>>) dst(%dma_wait3A_96 : memref<16x128xf32, #tpu.memory_space<vmem_shared>>)
        tpu.yield
      }) : () -> ()
    } else {
    }
    %barrier3A = arith.constant 0 : index
    tpu.barrier barrier_id(%barrier3A)
    %add3A_8 = arith.constant 0 : i32
    %add3A_9 = arith.addi %add3A, %add3A_8 : i32
    %mul3A_10 = arith.constant 128 : i32
    %mul3A_11 = arith.muli %add3A_9, %mul3A_10 : i32
    %dma_start3A = tpu.memref_slice %arg3[%mul3A_11] : memref<331776xi32, #tpu.memory_space<hbm>> -> memref<128xi32, #tpu.memory_space<hbm>>
    %dma_start3A_12 = tpu.memref_slice %arg3[%mul3A_11] : memref<331776xi32, #tpu.memory_space<hbm>> -> memref<128xi32, #tpu.memory_space<hbm>>
    tpu.enqueue_dma source(%dma_start3A_12 : memref<128xi32, #tpu.memory_space<hbm>>) target(%arg7 : memref<128xi32, #tpu.memory_space<vmem>>) target_semaphore(%arg19 : memref<!tpu.dma_semaphore, #tpu.memory_space<semaphore_mem>>)
    %dma_start3A_13 = tpu.memref_slice %arg4[%mul3A_11] : memref<331776xi32, #tpu.memory_space<hbm>> -> memref<128xi32, #tpu.memory_space<hbm>>
    %dma_start3A_14 = tpu.memref_slice %arg4[%mul3A_11] : memref<331776xi32, #tpu.memory_space<hbm>> -> memref<128xi32, #tpu.memory_space<hbm>>
    tpu.enqueue_dma source(%dma_start3A_14 : memref<128xi32, #tpu.memory_space<hbm>>) target(%arg10 : memref<128xi32, #tpu.memory_space<vmem>>) target_semaphore(%arg19 : memref<!tpu.dma_semaphore, #tpu.memory_space<semaphore_mem>>)
    %add3A_15 = arith.constant 32 : i32
    %add3A_16 = arith.addi %add3A, %add3A_15 : i32
    %mul3A_17 = arith.constant 128 : i32
    %mul3A_18 = arith.muli %add3A_16, %mul3A_17 : i32
    %dma_start3A_19 = tpu.memref_slice %arg3[%mul3A_18] : memref<331776xi32, #tpu.memory_space<hbm>> -> memref<128xi32, #tpu.memory_space<hbm>>
    %dma_start3A_20 = tpu.memref_slice %arg3[%mul3A_18] : memref<331776xi32, #tpu.memory_space<hbm>> -> memref<128xi32, #tpu.memory_space<hbm>>
    tpu.enqueue_dma source(%dma_start3A_20 : memref<128xi32, #tpu.memory_space<hbm>>) target(%arg8 : memref<128xi32, #tpu.memory_space<vmem>>) target_semaphore(%arg20 : memref<!tpu.dma_semaphore, #tpu.memory_space<semaphore_mem>>)
    %dma_start3A_21 = tpu.memref_slice %arg4[%mul3A_18] : memref<331776xi32, #tpu.memory_space<hbm>> -> memref<128xi32, #tpu.memory_space<hbm>>
    %dma_start3A_22 = tpu.memref_slice %arg4[%mul3A_18] : memref<331776xi32, #tpu.memory_space<hbm>> -> memref<128xi32, #tpu.memory_space<hbm>>
    tpu.enqueue_dma source(%dma_start3A_22 : memref<128xi32, #tpu.memory_space<hbm>>) target(%arg11 : memref<128xi32, #tpu.memory_space<vmem>>) target_semaphore(%arg20 : memref<!tpu.dma_semaphore, #tpu.memory_space<semaphore_mem>>)
    %add3A_23 = arith.constant 64 : i32
    %add3A_24 = arith.addi %add3A, %add3A_23 : i32
    %mul3A_25 = arith.constant 128 : i32
    %mul3A_26 = arith.muli %add3A_24, %mul3A_25 : i32
    %dma_start3A_27 = tpu.memref_slice %arg3[%mul3A_26] : memref<331776xi32, #tpu.memory_space<hbm>> -> memref<128xi32, #tpu.memory_space<hbm>>
    %dma_start3A_28 = tpu.memref_slice %arg3[%mul3A_26] : memref<331776xi32, #tpu.memory_space<hbm>> -> memref<128xi32, #tpu.memory_space<hbm>>
    tpu.enqueue_dma source(%dma_start3A_28 : memref<128xi32, #tpu.memory_space<hbm>>) target(%arg9 : memref<128xi32, #tpu.memory_space<vmem>>) target_semaphore(%arg21 : memref<!tpu.dma_semaphore, #tpu.memory_space<semaphore_mem>>)
    %dma_start3A_29 = tpu.memref_slice %arg4[%mul3A_26] : memref<331776xi32, #tpu.memory_space<hbm>> -> memref<128xi32, #tpu.memory_space<hbm>>
    %dma_start3A_30 = tpu.memref_slice %arg4[%mul3A_26] : memref<331776xi32, #tpu.memory_space<hbm>> -> memref<128xi32, #tpu.memory_space<hbm>>
    tpu.enqueue_dma source(%dma_start3A_30 : memref<128xi32, #tpu.memory_space<hbm>>) target(%arg12 : memref<128xi32, #tpu.memory_space<vmem>>) target_semaphore(%arg21 : memref<!tpu.dma_semaphore, #tpu.memory_space<semaphore_mem>>)
    %scan3A_31 = arith.constant 0 : i32
    %scan3A_32 = arith.constant 0 : i32
    %scan3A_33 = arith.constant 13 : i32
    %scan3A_34 = arith.addi %scan3A_32, %scan3A_33 : i32
    %scan3A_35 = arith.constant 1 : i32
    scf.for %scan3A_76 = %scan3A_32 to %scan3A_34 step %scan3A_35  : i32 {
      %mul3A_77 = arith.constant 6 : i32
      %mul3A_78 = arith.muli %mul3A_77, %scan3A_76 : i32
      %dma_wait3A_79 = arith.constant 0 : i32
      %dma_wait3A_80 = tpu.memref_slice %arg3[%dma_wait3A_79] : memref<331776xi32, #tpu.memory_space<hbm>> -> memref<128xi32, #tpu.memory_space<hbm>>
      %dma_wait3A_81 = arith.constant 0 : i32
      %dma_wait3A_82 = tpu.memref_slice %arg3[%dma_wait3A_81] : memref<331776xi32, #tpu.memory_space<hbm>> -> memref<128xi32, #tpu.memory_space<hbm>>
      tpu.wait_dma2 semaphore(%arg19 : memref<!tpu.dma_semaphore, #tpu.memory_space<semaphore_mem>>) src(%dma_wait3A_82 : memref<128xi32, #tpu.memory_space<hbm>>) dst(%arg7 : memref<128xi32, #tpu.memory_space<vmem>>)
      %dma_wait3A_83 = arith.constant 0 : i32
      %dma_wait3A_84 = tpu.memref_slice %arg4[%dma_wait3A_83] : memref<331776xi32, #tpu.memory_space<hbm>> -> memref<128xi32, #tpu.memory_space<hbm>>
      %dma_wait3A_85 = arith.constant 0 : i32
      %dma_wait3A_86 = tpu.memref_slice %arg4[%dma_wait3A_85] : memref<331776xi32, #tpu.memory_space<hbm>> -> memref<128xi32, #tpu.memory_space<hbm>>
      tpu.wait_dma2 semaphore(%arg19 : memref<!tpu.dma_semaphore, #tpu.memory_space<semaphore_mem>>) src(%dma_wait3A_86 : memref<128xi32, #tpu.memory_space<hbm>>) dst(%arg10 : memref<128xi32, #tpu.memory_space<vmem>>)
      %dma_start3A_87 = arith.constant 0 : i32
      %dma_start3A_88 = arith.constant 0 : i32
      %dma_start3A_89 = tpu.memref_slice %arg2[%dma_start3A_87, %dma_start3A_88] : memref<10000x128xf32, #tpu.memory_space<hbm>> -> memref<10000x128xf32, #tpu.memory_space<hbm>>
      tpu.enqueue_indirect_dma source(%dma_start3A_89 : memref<10000x128xf32, #tpu.memory_space<hbm>>) target(%arg16 : memref<128x128xf32, #tpu.memory_space<vmem>>) offsets(%arg7 : memref<128xi32, #tpu.memory_space<vmem>>) semaphore(%arg22 : memref<!tpu.dma_semaphore, #tpu.memory_space<semaphore_mem>>)
      %dma_wait3A_90 = arith.constant 0 : i32
      %dma_wait3A_91 = tpu.memref_slice %arg3[%dma_wait3A_90] : memref<331776xi32, #tpu.memory_space<hbm>> -> memref<128xi32, #tpu.memory_space<hbm>>
      %dma_wait3A_92 = arith.constant 0 : i32
      %dma_wait3A_93 = tpu.memref_slice %arg3[%dma_wait3A_92] : memref<331776xi32, #tpu.memory_space<hbm>> -> memref<128xi32, #tpu.memory_space<hbm>>
      tpu.wait_dma2 semaphore(%arg20 : memref<!tpu.dma_semaphore, #tpu.memory_space<semaphore_mem>>) src(%dma_wait3A_93 : memref<128xi32, #tpu.memory_space<hbm>>) dst(%arg8 : memref<128xi32, #tpu.memory_space<vmem>>)
      %dma_wait3A_94 = arith.constant 0 : i32
      %dma_wait3A_95 = tpu.memref_slice %arg4[%dma_wait3A_94] : memref<331776xi32, #tpu.memory_space<hbm>> -> memref<128xi32, #tpu.memory_space<hbm>>
      %dma_wait3A_96 = arith.constant 0 : i32
      %dma_wait3A_97 = tpu.memref_slice %arg4[%dma_wait3A_96] : memref<331776xi32, #tpu.memory_space<hbm>> -> memref<128xi32, #tpu.memory_space<hbm>>
      tpu.wait_dma2 semaphore(%arg20 : memref<!tpu.dma_semaphore, #tpu.memory_space<semaphore_mem>>) src(%dma_wait3A_97 : memref<128xi32, #tpu.memory_space<hbm>>) dst(%arg11 : memref<128xi32, #tpu.memory_space<vmem>>)
      %dma_start3A_98 = arith.constant 0 : i32
      %dma_start3A_99 = arith.constant 0 : i32
      %dma_start3A_100 = tpu.memref_slice %arg2[%dma_start3A_98, %dma_start3A_99] : memref<10000x128xf32, #tpu.memory_space<hbm>> -> memref<10000x128xf32, #tpu.memory_space<hbm>>
      tpu.enqueue_indirect_dma source(%dma_start3A_100 : memref<10000x128xf32, #tpu.memory_space<hbm>>) target(%arg17 : memref<128x128xf32, #tpu.memory_space<vmem>>) offsets(%arg8 : memref<128xi32, #tpu.memory_space<vmem>>) semaphore(%arg23 : memref<!tpu.dma_semaphore, #tpu.memory_space<semaphore_mem>>)
      %dma_wait3A_101 = arith.constant 0 : i32
      %dma_wait3A_102 = tpu.memref_slice %arg3[%dma_wait3A_101] : memref<331776xi32, #tpu.memory_space<hbm>> -> memref<128xi32, #tpu.memory_space<hbm>>
      %dma_wait3A_103 = arith.constant 0 : i32
      %dma_wait3A_104 = tpu.memref_slice %arg3[%dma_wait3A_103] : memref<331776xi32, #tpu.memory_space<hbm>> -> memref<128xi32, #tpu.memory_space<hbm>>
      tpu.wait_dma2 semaphore(%arg21 : memref<!tpu.dma_semaphore, #tpu.memory_space<semaphore_mem>>) src(%dma_wait3A_104 : memref<128xi32, #tpu.memory_space<hbm>>) dst(%arg9 : memref<128xi32, #tpu.memory_space<vmem>>)
      %dma_wait3A_105 = arith.constant 0 : i32
      %dma_wait3A_106 = tpu.memref_slice %arg4[%dma_wait3A_105] : memref<331776xi32, #tpu.memory_space<hbm>> -> memref<128xi32, #tpu.memory_space<hbm>>
      %dma_wait3A_107 = arith.constant 0 : i32
      %dma_wait3A_108 = tpu.memref_slice %arg4[%dma_wait3A_107] : memref<331776xi32, #tpu.memory_space<hbm>> -> memref<128xi32, #tpu.memory_space<hbm>>
      tpu.wait_dma2 semaphore(%arg21 : memref<!tpu.dma_semaphore, #tpu.memory_space<semaphore_mem>>) src(%dma_wait3A_108 : memref<128xi32, #tpu.memory_space<hbm>>) dst(%arg12 : memref<128xi32, #tpu.memory_space<vmem>>)
      %dma_start3A_109 = arith.constant 0 : i32
      %dma_start3A_110 = arith.constant 0 : i32
      %dma_start3A_111 = tpu.memref_slice %arg2[%dma_start3A_109, %dma_start3A_110] : memref<10000x128xf32, #tpu.memory_space<hbm>> -> memref<10000x128xf32, #tpu.memory_space<hbm>>
      tpu.enqueue_indirect_dma source(%dma_start3A_111 : memref<10000x128xf32, #tpu.memory_space<hbm>>) target(%arg18 : memref<128x128xf32, #tpu.memory_space<vmem>>) offsets(%arg9 : memref<128xi32, #tpu.memory_space<vmem>>) semaphore(%arg24 : memref<!tpu.dma_semaphore, #tpu.memory_space<semaphore_mem>>)
      %dma_wait3A_112 = arith.constant 0 : i32
      %dma_wait3A_113 = arith.constant 0 : i32
      %dma_wait3A_114 = tpu.memref_slice %arg2[%dma_wait3A_112, %dma_wait3A_113] : memref<10000x128xf32, #tpu.memory_space<hbm>> -> memref<10000x128xf32, #tpu.memory_space<hbm>>
      tpu.wait_indirect_dma semaphore(%arg22 : memref<!tpu.dma_semaphore, #tpu.memory_space<semaphore_mem>>) src(%dma_wait3A_114 : memref<10000x128xf32, #tpu.memory_space<hbm>>) dst(%arg16 : memref<128x128xf32, #tpu.memory_space<vmem>>)
      %get3A = arith.constant 0 : index
      %get3A_115 = tpu.vector_load %arg10[%get3A] {strides = array<i32>} : memref<128xi32, #tpu.memory_space<vmem>>, vector<16xi32>,
      %get3A_116 = vector.shape_cast %get3A_115 : vector<16xi32> to vector<16xi32>
      %swap3A = arith.constant 0 : index
      %swap3A_117 = tpu.vector_load %arg13[%swap3A] {strides = array<i32>} : memref<128xi32, #tpu.memory_space<vmem>>, vector<16xi32>,
      %swap3A_118 = vector.shape_cast %swap3A_117 : vector<16xi32> to vector<16xi32>
      %swap3A_119 = vector.shape_cast %get3A_116 : vector<16xi32> to vector<16xi32>
      tpu.vector_store %arg13[%swap3A], %swap3A_119 {strides = array<i32>} : memref<128xi32, #tpu.memory_space<vmem>>, vector<16xi32>,
      %get3A_120 = arith.constant 16 : index
      %get3A_121 = tpu.vector_load %arg10[%get3A_120] {strides = array<i32>} : memref<128xi32, #tpu.memory_space<vmem>>, vector<16xi32>,
      %get3A_122 = vector.shape_cast %get3A_121 : vector<16xi32> to vector<16xi32>
      %swap3A_123 = arith.constant 16 : index
      %swap3A_124 = tpu.vector_load %arg13[%swap3A_123] {strides = array<i32>} : memref<128xi32, #tpu.memory_space<vmem>>, vector<16xi32>,
      %swap3A_125 = vector.shape_cast %swap3A_124 : vector<16xi32> to vector<16xi32>
      %swap3A_126 = vector.shape_cast %get3A_122 : vector<16xi32> to vector<16xi32>
      tpu.vector_store %arg13[%swap3A_123], %swap3A_126 {strides = array<i32>} : memref<128xi32, #tpu.memory_space<vmem>>, vector<16xi32>,
      %get3A_127 = arith.constant 32 : index
      %get3A_128 = tpu.vector_load %arg10[%get3A_127] {strides = array<i32>} : memref<128xi32, #tpu.memory_space<vmem>>, vector<16xi32>,
      %get3A_129 = vector.shape_cast %get3A_128 : vector<16xi32> to vector<16xi32>
      %swap3A_130 = arith.constant 32 : index
      %swap3A_131 = tpu.vector_load %arg13[%swap3A_130] {strides = array<i32>} : memref<128xi32, #tpu.memory_space<vmem>>, vector<16xi32>,
      %swap3A_132 = vector.shape_cast %swap3A_131 : vector<16xi32> to vector<16xi32>
      %swap3A_133 = vector.shape_cast %get3A_129 : vector<16xi32> to vector<16xi32>
      tpu.vector_store %arg13[%swap3A_130], %swap3A_133 {strides = array<i32>} : memref<128xi32, #tpu.memory_space<vmem>>, vector<16xi32>,
      %get3A_134 = arith.constant 48 : index
      %get3A_135 = tpu.vector_load %arg10[%get3A_134] {strides = array<i32>} : memref<128xi32, #tpu.memory_space<vmem>>, vector<16xi32>,
      %get3A_136 = vector.shape_cast %get3A_135 : vector<16xi32> to vector<16xi32>
      %swap3A_137 = arith.constant 48 : index
      %swap3A_138 = tpu.vector_load %arg13[%swap3A_137] {strides = array<i32>} : memref<128xi32, #tpu.memory_space<vmem>>, vector<16xi32>,
      %swap3A_139 = vector.shape_cast %swap3A_138 : vector<16xi32> to vector<16xi32>
      %swap3A_140 = vector.shape_cast %get3A_136 : vector<16xi32> to vector<16xi32>
      tpu.vector_store %arg13[%swap3A_137], %swap3A_140 {strides = array<i32>} : memref<128xi32, #tpu.memory_space<vmem>>, vector<16xi32>,
      %get3A_141 = arith.constant 64 : index
      %get3A_142 = tpu.vector_load %arg10[%get3A_141] {strides = array<i32>} : memref<128xi32, #tpu.memory_space<vmem>>, vector<16xi32>,
      %get3A_143 = vector.shape_cast %get3A_142 : vector<16xi32> to vector<16xi32>
      %swap3A_144 = arith.constant 64 : index
      %swap3A_145 = tpu.vector_load %arg13[%swap3A_144] {strides = array<i32>} : memref<128xi32, #tpu.memory_space<vmem>>, vector<16xi32>,
      %swap3A_146 = vector.shape_cast %swap3A_145 : vector<16xi32> to vector<16xi32>
      %swap3A_147 = vector.shape_cast %get3A_143 : vector<16xi32> to vector<16xi32>
      tpu.vector_store %arg13[%swap3A_144], %swap3A_147 {strides = array<i32>} : memref<128xi32, #tpu.memory_space<vmem>>, vector<16xi32>,
      %get3A_148 = arith.constant 80 : index
      %get3A_149 = tpu.vector_load %arg10[%get3A_148] {strides = array<i32>} : memref<128xi32, #tpu.memory_space<vmem>>, vector<16xi32>,
      %get3A_150 = vector.shape_cast %get3A_149 : vector<16xi32> to vector<16xi32>
      %swap3A_151 = arith.constant 80 : index
      %swap3A_152 = tpu.vector_load %arg13[%swap3A_151] {strides = array<i32>} : memref<128xi32, #tpu.memory_space<vmem>>, vector<16xi32>,
      %swap3A_153 = vector.shape_cast %swap3A_152 : vector<16xi32> to vector<16xi32>
      %swap3A_154 = vector.shape_cast %get3A_150 : vector<16xi32> to vector<16xi32>
      tpu.vector_store %arg13[%swap3A_151], %swap3A_154 {strides = array<i32>} : memref<128xi32, #tpu.memory_space<vmem>>, vector<16xi32>,
      %get3A_155 = arith.constant 96 : index
      %get3A_156 = tpu.vector_load %arg10[%get3A_155] {strides = array<i32>} : memref<128xi32, #tpu.memory_space<vmem>>, vector<16xi32>,
      %get3A_157 = vector.shape_cast %get3A_156 : vector<16xi32> to vector<16xi32>
      %swap3A_158 = arith.constant 96 : index
      %swap3A_159 = tpu.vector_load %arg13[%swap3A_158] {strides = array<i32>} : memref<128xi32, #tpu.memory_space<vmem>>, vector<16xi32>,
      %swap3A_160 = vector.shape_cast %swap3A_159 : vector<16xi32> to vector<16xi32>
      %swap3A_161 = vector.shape_cast %get3A_157 : vector<16xi32> to vector<16xi32>
      tpu.vector_store %arg13[%swap3A_158], %swap3A_161 {strides = array<i32>} : memref<128xi32, #tpu.memory_space<vmem>>, vector<16xi32>,
      %get3A_162 = arith.constant 112 : index
      %get3A_163 = tpu.vector_load %arg10[%get3A_162] {strides = array<i32>} : memref<128xi32, #tpu.memory_space<vmem>>, vector<16xi32>,
      %get3A_164 = vector.shape_cast %get3A_163 : vector<16xi32> to vector<16xi32>
      %swap3A_165 = arith.constant 112 : index
      %swap3A_166 = tpu.vector_load %arg13[%swap3A_165] {strides = array<i32>} : memref<128xi32, #tpu.memory_space<vmem>>, vector<16xi32>,
      %swap3A_167 = vector.shape_cast %swap3A_166 : vector<16xi32> to vector<16xi32>
      %swap3A_168 = vector.shape_cast %get3A_164 : vector<16xi32> to vector<16xi32>
      tpu.vector_store %arg13[%swap3A_165], %swap3A_168 {strides = array<i32>} : memref<128xi32, #tpu.memory_space<vmem>>, vector<16xi32>,
      %dma_start3A_169 = arith.constant 0 : i32
      %dma_start3A_170 = arith.constant 0 : i32
      %dma_start3A_171 = tpu.memref_slice %arg6[%dma_start3A_169, %dma_start3A_170] : memref<10000x128xf32, #tpu.memory_space<vmem_shared>> -> memref<10000x128xf32, #tpu.memory_space<vmem_shared>>
      tpu.enqueue_indirect_dma source(%arg16 : memref<128x128xf32, #tpu.memory_space<vmem>>) target(%dma_start3A_171 : memref<10000x128xf32, #tpu.memory_space<vmem_shared>>) offsets(%arg13 : memref<128xi32, #tpu.memory_space<vmem>>) semaphore(%arg25 : memref<!tpu.dma_semaphore, #tpu.memory_space<semaphore_mem>>) {add = true}
      %add3A_172 = arith.constant 0 : i32
      %add3A_173 = arith.addi %mul3A_78, %add3A_172 : i32
      %add3A_174 = arith.constant 3 : i32
      %add3A_175 = arith.addi %add3A_173, %add3A_174 : i32
      %mul3A_176 = arith.constant 32 : i32
      %mul3A_177 = arith.muli %add3A_175, %mul3A_176 : i32
      %add3A_178 = arith.addi %add3A, %mul3A_177 : i32
      %mul3A_179 = arith.constant 128 : i32
      %mul3A_180 = arith.muli %add3A_178, %mul3A_179 : i32
      %dma_start3A_181 = tpu.memref_slice %arg3[%mul3A_180] : memref<331776xi32, #tpu.memory_space<hbm>> -> memref<128xi32, #tpu.memory_space<hbm>>
      %dma_start3A_182 = tpu.memref_slice %arg3[%mul3A_180] : memref<331776xi32, #tpu.memory_space<hbm>> -> memref<128xi32, #tpu.memory_space<hbm>>
      tpu.enqueue_dma source(%dma_start3A_182 : memref<128xi32, #tpu.memory_space<hbm>>) target(%arg7 : memref<128xi32, #tpu.memory_space<vmem>>) target_semaphore(%arg19 : memref<!tpu.dma_semaphore, #tpu.memory_space<semaphore_mem>>)
      %dma_start3A_183 = tpu.memref_slice %arg4[%mul3A_180] : memref<331776xi32, #tpu.memory_space<hbm>> -> memref<128xi32, #tpu.memory_space<hbm>>
      %dma_start3A_184 = tpu.memref_slice %arg4[%mul3A_180] : memref<331776xi32, #tpu.memory_space<hbm>> -> memref<128xi32, #tpu.memory_space<hbm>>
      tpu.enqueue_dma source(%dma_start3A_184 : memref<128xi32, #tpu.memory_space<hbm>>) target(%arg10 : memref<128xi32, #tpu.memory_space<vmem>>) target_semaphore(%arg19 : memref<!tpu.dma_semaphore, #tpu.memory_space<semaphore_mem>>)
      %dma_wait3A_185 = arith.constant 0 : i32
      %dma_wait3A_186 = arith.constant 0 : i32
      %dma_wait3A_187 = tpu.memref_slice %arg2[%dma_wait3A_185, %dma_wait3A_186] : memref<10000x128xf32, #tpu.memory_space<hbm>> -> memref<10000x128xf32, #tpu.memory_space<hbm>>
      tpu.wait_indirect_dma semaphore(%arg23 : memref<!tpu.dma_semaphore, #tpu.memory_space<semaphore_mem>>) src(%dma_wait3A_187 : memref<10000x128xf32, #tpu.memory_space<hbm>>) dst(%arg17 : memref<128x128xf32, #tpu.memory_space<vmem>>)
      %get3A_188 = arith.constant 0 : index
      %get3A_189 = tpu.vector_load %arg11[%get3A_188] {strides = array<i32>} : memref<128xi32, #tpu.memory_space<vmem>>, vector<16xi32>,
      %get3A_190 = vector.shape_cast %get3A_189 : vector<16xi32> to vector<16xi32>
      %swap3A_191 = arith.constant 0 : index
      %swap3A_192 = tpu.vector_load %arg14[%swap3A_191] {strides = array<i32>} : memref<128xi32, #tpu.memory_space<vmem>>, vector<16xi32>,
      %swap3A_193 = vector.shape_cast %swap3A_192 : vector<16xi32> to vector<16xi32>
      %swap3A_194 = vector.shape_cast %get3A_190 : vector<16xi32> to vector<16xi32>
      tpu.vector_store %arg14[%swap3A_191], %swap3A_194 {strides = array<i32>} : memref<128xi32, #tpu.memory_space<vmem>>, vector<16xi32>,
      %get3A_195 = arith.constant 16 : index
      %get3A_196 = tpu.vector_load %arg11[%get3A_195] {strides = array<i32>} : memref<128xi32, #tpu.memory_space<vmem>>, vector<16xi32>,
      %get3A_197 = vector.shape_cast %get3A_196 : vector<16xi32> to vector<16xi32>
      %swap3A_198 = arith.constant 16 : index
      %swap3A_199 = tpu.vector_load %arg14[%swap3A_198] {strides = array<i32>} : memref<128xi32, #tpu.memory_space<vmem>>, vector<16xi32>,
      %swap3A_200 = vector.shape_cast %swap3A_199 : vector<16xi32> to vector<16xi32>
      %swap3A_201 = vector.shape_cast %get3A_197 : vector<16xi32> to vector<16xi32>
      tpu.vector_store %arg14[%swap3A_198], %swap3A_201 {strides = array<i32>} : memref<128xi32, #tpu.memory_space<vmem>>, vector<16xi32>,
      %get3A_202 = arith.constant 32 : index
      %get3A_203 = tpu.vector_load %arg11[%get3A_202] {strides = array<i32>} : memref<128xi32, #tpu.memory_space<vmem>>, vector<16xi32>,
      %get3A_204 = vector.shape_cast %get3A_203 : vector<16xi32> to vector<16xi32>
      %swap3A_205 = arith.constant 32 : index
      %swap3A_206 = tpu.vector_load %arg14[%swap3A_205] {strides = array<i32>} : memref<128xi32, #tpu.memory_space<vmem>>, vector<16xi32>,
      %swap3A_207 = vector.shape_cast %swap3A_206 : vector<16xi32> to vector<16xi32>
      %swap3A_208 = vector.shape_cast %get3A_204 : vector<16xi32> to vector<16xi32>
      tpu.vector_store %arg14[%swap3A_205], %swap3A_208 {strides = array<i32>} : memref<128xi32, #tpu.memory_space<vmem>>, vector<16xi32>,
      %get3A_209 = arith.constant 48 : index
      %get3A_210 = tpu.vector_load %arg11[%get3A_209] {strides = array<i32>} : memref<128xi32, #tpu.memory_space<vmem>>, vector<16xi32>,
      %get3A_211 = vector.shape_cast %get3A_210 : vector<16xi32> to vector<16xi32>
      %swap3A_212 = arith.constant 48 : index
      %swap3A_213 = tpu.vector_load %arg14[%swap3A_212] {strides = array<i32>} : memref<128xi32, #tpu.memory_space<vmem>>, vector<16xi32>,
      %swap3A_214 = vector.shape_cast %swap3A_213 : vector<16xi32> to vector<16xi32>
      %swap3A_215 = vector.shape_cast %get3A_211 : vector<16xi32> to vector<16xi32>
      tpu.vector_store %arg14[%swap3A_212], %swap3A_215 {strides = array<i32>} : memref<128xi32, #tpu.memory_space<vmem>>, vector<16xi32>,
      %get3A_216 = arith.constant 64 : index
      %get3A_217 = tpu.vector_load %arg11[%get3A_216] {strides = array<i32>} : memref<128xi32, #tpu.memory_space<vmem>>, vector<16xi32>,
      %get3A_218 = vector.shape_cast %get3A_217 : vector<16xi32> to vector<16xi32>
      %swap3A_219 = arith.constant 64 : index
      %swap3A_220 = tpu.vector_load %arg14[%swap3A_219] {strides = array<i32>} : memref<128xi32, #tpu.memory_space<vmem>>, vector<16xi32>,
      %swap3A_221 = vector.shape_cast %swap3A_220 : vector<16xi32> to vector<16xi32>
      %swap3A_222 = vector.shape_cast %get3A_218 : vector<16xi32> to vector<16xi32>
      tpu.vector_store %arg14[%swap3A_219], %swap3A_222 {strides = array<i32>} : memref<128xi32, #tpu.memory_space<vmem>>, vector<16xi32>,
      %get3A_223 = arith.constant 80 : index
      %get3A_224 = tpu.vector_load %arg11[%get3A_223] {strides = array<i32>} : memref<128xi32, #tpu.memory_space<vmem>>, vector<16xi32>,
      %get3A_225 = vector.shape_cast %get3A_224 : vector<16xi32> to vector<16xi32>
      %swap3A_226 = arith.constant 80 : index
      %swap3A_227 = tpu.vector_load %arg14[%swap3A_226] {strides = array<i32>} : memref<128xi32, #tpu.memory_space<vmem>>, vector<16xi32>,
      %swap3A_228 = vector.shape_cast %swap3A_227 : vector<16xi32> to vector<16xi32>
      %swap3A_229 = vector.shape_cast %get3A_225 : vector<16xi32> to vector<16xi32>
      tpu.vector_store %arg14[%swap3A_226], %swap3A_229 {strides = array<i32>} : memref<128xi32, #tpu.memory_space<vmem>>, vector<16xi32>,
      %get3A_230 = arith.constant 96 : index
      %get3A_231 = tpu.vector_load %arg11[%get3A_230] {strides = array<i32>} : memref<128xi32, #tpu.memory_space<vmem>>, vector<16xi32>,
      %get3A_232 = vector.shape_cast %get3A_231 : vector<16xi32> to vector<16xi32>
      %swap3A_233 = arith.constant 96 : index
      %swap3A_234 = tpu.vector_load %arg14[%swap3A_233] {strides = array<i32>} : memref<128xi32, #tpu.memory_space<vmem>>, vector<16xi32>,
      %swap3A_235 = vector.shape_cast %swap3A_234 : vector<16xi32> to vector<16xi32>
      %swap3A_236 = vector.shape_cast %get3A_232 : vector<16xi32> to vector<16xi32>
      tpu.vector_store %arg14[%swap3A_233], %swap3A_236 {strides = array<i32>} : memref<128xi32, #tpu.memory_space<vmem>>, vector<16xi32>,
      %get3A_237 = arith.constant 112 : index
      %get3A_238 = tpu.vector_load %arg11[%get3A_237] {strides = array<i32>} : memref<128xi32, #tpu.memory_space<vmem>>, vector<16xi32>,
      %get3A_239 = vector.shape_cast %get3A_238 : vector<16xi32> to vector<16xi32>
      %swap3A_240 = arith.constant 112 : index
      %swap3A_241 = tpu.vector_load %arg14[%swap3A_240] {strides = array<i32>} : memref<128xi32, #tpu.memory_space<vmem>>, vector<16xi32>,
      %swap3A_242 = vector.shape_cast %swap3A_241 : vector<16xi32> to vector<16xi32>
      %swap3A_243 = vector.shape_cast %get3A_239 : vector<16xi32> to vector<16xi32>
      tpu.vector_store %arg14[%swap3A_240], %swap3A_243 {strides = array<i32>} : memref<128xi32, #tpu.memory_space<vmem>>, vector<16xi32>,
      %dma_start3A_244 = arith.constant 0 : i32
      %dma_start3A_245 = arith.constant 0 : i32
      %dma_start3A_246 = tpu.memref_slice %arg6[%dma_start3A_244, %dma_start3A_245] : memref<10000x128xf32, #tpu.memory_space<vmem_shared>> -> memref<10000x128xf32, #tpu.memory_space<vmem_shared>>
      tpu.enqueue_indirect_dma source(%arg17 : memref<128x128xf32, #tpu.memory_space<vmem>>) target(%dma_start3A_246 : memref<10000x128xf32, #tpu.memory_space<vmem_shared>>) offsets(%arg14 : memref<128xi32, #tpu.memory_space<vmem>>) semaphore(%arg26 : memref<!tpu.dma_semaphore, #tpu.memory_space<semaphore_mem>>) {add = true}
      %add3A_247 = arith.constant 1 : i32
      %add3A_248 = arith.addi %mul3A_78, %add3A_247 : i32
      %add3A_249 = arith.constant 3 : i32
      %add3A_250 = arith.addi %add3A_248, %add3A_249 : i32
      %mul3A_251 = arith.constant 32 : i32
      %mul3A_252 = arith.muli %add3A_250, %mul3A_251 : i32
      %add3A_253 = arith.addi %add3A, %mul3A_252 : i32
      %mul3A_254 = arith.constant 128 : i32
      %mul3A_255 = arith.muli %add3A_253, %mul3A_254 : i32
      %dma_start3A_256 = tpu.memref_slice %arg3[%mul3A_255] : memref<331776xi32, #tpu.memory_space<hbm>> -> memref<128xi32, #tpu.memory_space<hbm>>
      %dma_start3A_257 = tpu.memref_slice %arg3[%mul3A_255] : memref<331776xi32, #tpu.memory_space<hbm>> -> memref<128xi32, #tpu.memory_space<hbm>>
      tpu.enqueue_dma source(%dma_start3A_257 : memref<128xi32, #tpu.memory_space<hbm>>) target(%arg8 : memref<128xi32, #tpu.memory_space<vmem>>) target_semaphore(%arg20 : memref<!tpu.dma_semaphore, #tpu.memory_space<semaphore_mem>>)
      %dma_start3A_258 = tpu.memref_slice %arg4[%mul3A_255] : memref<331776xi32, #tpu.memory_space<hbm>> -> memref<128xi32, #tpu.memory_space<hbm>>
      %dma_start3A_259 = tpu.memref_slice %arg4[%mul3A_255] : memref<331776xi32, #tpu.memory_space<hbm>> -> memref<128xi32, #tpu.memory_space<hbm>>
      tpu.enqueue_dma source(%dma_start3A_259 : memref<128xi32, #tpu.memory_space<hbm>>) target(%arg11 : memref<128xi32, #tpu.memory_space<vmem>>) target_semaphore(%arg20 : memref<!tpu.dma_semaphore, #tpu.memory_space<semaphore_mem>>)
      %dma_wait3A_260 = arith.constant 0 : i32
      %dma_wait3A_261 = arith.constant 0 : i32
      %dma_wait3A_262 = tpu.memref_slice %arg2[%dma_wait3A_260, %dma_wait3A_261] : memref<10000x128xf32, #tpu.memory_space<hbm>> -> memref<10000x128xf32, #tpu.memory_space<hbm>>
      tpu.wait_indirect_dma semaphore(%arg24 : memref<!tpu.dma_semaphore, #tpu.memory_space<semaphore_mem>>) src(%dma_wait3A_262 : memref<10000x128xf32, #tpu.memory_space<hbm>>) dst(%arg18 : memref<128x128xf32, #tpu.memory_space<vmem>>)
      %get3A_263 = arith.constant 0 : index
      %get3A_264 = tpu.vector_load %arg12[%get3A_263] {strides = array<i32>} : memref<128xi32, #tpu.memory_space<vmem>>, vector<16xi32>,
      %get3A_265 = vector.shape_cast %get3A_264 : vector<16xi32> to vector<16xi32>
      %swap3A_266 = arith.constant 0 : index
      %swap3A_267 = tpu.vector_load %arg15[%swap3A_266] {strides = array<i32>} : memref<128xi32, #tpu.memory_space<vmem>>, vector<16xi32>,
      %swap3A_268 = vector.shape_cast %swap3A_267 : vector<16xi32> to vector<16xi32>
      %swap3A_269 = vector.shape_cast %get3A_265 : vector<16xi32> to vector<16xi32>
      tpu.vector_store %arg15[%swap3A_266], %swap3A_269 {strides = array<i32>} : memref<128xi32, #tpu.memory_space<vmem>>, vector<16xi32>,
      %get3A_270 = arith.constant 16 : index
      %get3A_271 = tpu.vector_load %arg12[%get3A_270] {strides = array<i32>} : memref<128xi32, #tpu.memory_space<vmem>>, vector<16xi32>,
      %get3A_272 = vector.shape_cast %get3A_271 : vector<16xi32> to vector<16xi32>
      %swap3A_273 = arith.constant 16 : index
      %swap3A_274 = tpu.vector_load %arg15[%swap3A_273] {strides = array<i32>} : memref<128xi32, #tpu.memory_space<vmem>>, vector<16xi32>,
      %swap3A_275 = vector.shape_cast %swap3A_274 : vector<16xi32> to vector<16xi32>
      %swap3A_276 = vector.shape_cast %get3A_272 : vector<16xi32> to vector<16xi32>
      tpu.vector_store %arg15[%swap3A_273], %swap3A_276 {strides = array<i32>} : memref<128xi32, #tpu.memory_space<vmem>>, vector<16xi32>,
      %get3A_277 = arith.constant 32 : index
      %get3A_278 = tpu.vector_load %arg12[%get3A_277] {strides = array<i32>} : memref<128xi32, #tpu.memory_space<vmem>>, vector<16xi32>,
      %get3A_279 = vector.shape_cast %get3A_278 : vector<16xi32> to vector<16xi32>
      %swap3A_280 = arith.constant 32 : index
      %swap3A_281 = tpu.vector_load %arg15[%swap3A_280] {strides = array<i32>} : memref<128xi32, #tpu.memory_space<vmem>>, vector<16xi32>,
      %swap3A_282 = vector.shape_cast %swap3A_281 : vector<16xi32> to vector<16xi32>
      %swap3A_283 = vector.shape_cast %get3A_279 : vector<16xi32> to vector<16xi32>
      tpu.vector_store %arg15[%swap3A_280], %swap3A_283 {strides = array<i32>} : memref<128xi32, #tpu.memory_space<vmem>>, vector<16xi32>,
      %get3A_284 = arith.constant 48 : index
      %get3A_285 = tpu.vector_load %arg12[%get3A_284] {strides = array<i32>} : memref<128xi32, #tpu.memory_space<vmem>>, vector<16xi32>,
      %get3A_286 = vector.shape_cast %get3A_285 : vector<16xi32> to vector<16xi32>
      %swap3A_287 = arith.constant 48 : index
      %swap3A_288 = tpu.vector_load %arg15[%swap3A_287] {strides = array<i32>} : memref<128xi32, #tpu.memory_space<vmem>>, vector<16xi32>,
      %swap3A_289 = vector.shape_cast %swap3A_288 : vector<16xi32> to vector<16xi32>
      %swap3A_290 = vector.shape_cast %get3A_286 : vector<16xi32> to vector<16xi32>
      tpu.vector_store %arg15[%swap3A_287], %swap3A_290 {strides = array<i32>} : memref<128xi32, #tpu.memory_space<vmem>>, vector<16xi32>,
      %get3A_291 = arith.constant 64 : index
      %get3A_292 = tpu.vector_load %arg12[%get3A_291] {strides = array<i32>} : memref<128xi32, #tpu.memory_space<vmem>>, vector<16xi32>,
      %get3A_293 = vector.shape_cast %get3A_292 : vector<16xi32> to vector<16xi32>
      %swap3A_294 = arith.constant 64 : index
      %swap3A_295 = tpu.vector_load %arg15[%swap3A_294] {strides = array<i32>} : memref<128xi32, #tpu.memory_space<vmem>>, vector<16xi32>,
      %swap3A_296 = vector.shape_cast %swap3A_295 : vector<16xi32> to vector<16xi32>
      %swap3A_297 = vector.shape_cast %get3A_293 : vector<16xi32> to vector<16xi32>
      tpu.vector_store %arg15[%swap3A_294], %swap3A_297 {strides = array<i32>} : memref<128xi32, #tpu.memory_space<vmem>>, vector<16xi32>,
      %get3A_298 = arith.constant 80 : index
      %get3A_299 = tpu.vector_load %arg12[%get3A_298] {strides = array<i32>} : memref<128xi32, #tpu.memory_space<vmem>>, vector<16xi32>,
      %get3A_300 = vector.shape_cast %get3A_299 : vector<16xi32> to vector<16xi32>
      %swap3A_301 = arith.constant 80 : index
      %swap3A_302 = tpu.vector_load %arg15[%swap3A_301] {strides = array<i32>} : memref<128xi32, #tpu.memory_space<vmem>>, vector<16xi32>,
      %swap3A_303 = vector.shape_cast %swap3A_302 : vector<16xi32> to vector<16xi32>
      %swap3A_304 = vector.shape_cast %get3A_300 : vector<16xi32> to vector<16xi32>
      tpu.vector_store %arg15[%swap3A_301], %swap3A_304 {strides = array<i32>} : memref<128xi32, #tpu.memory_space<vmem>>, vector<16xi32>,
      %get3A_305 = arith.constant 96 : index
      %get3A_306 = tpu.vector_load %arg12[%get3A_305] {strides = array<i32>} : memref<128xi32, #tpu.memory_space<vmem>>, vector<16xi32>,
      %get3A_307 = vector.shape_cast %get3A_306 : vector<16xi32> to vector<16xi32>
      %swap3A_308 = arith.constant 96 : index
      %swap3A_309 = tpu.vector_load %arg15[%swap3A_308] {strides = array<i32>} : memref<128xi32, #tpu.memory_space<vmem>>, vector<16xi32>,
      %swap3A_310 = vector.shape_cast %swap3A_309 : vector<16xi32> to vector<16xi32>
      %swap3A_311 = vector.shape_cast %get3A_307 : vector<16xi32> to vector<16xi32>
      tpu.vector_store %arg15[%swap3A_308], %swap3A_311 {strides = array<i32>} : memref<128xi32, #tpu.memory_space<vmem>>, vector<16xi32>,
      %get3A_312 = arith.constant 112 : index
      %get3A_313 = tpu.vector_load %arg12[%get3A_312] {strides = array<i32>} : memref<128xi32, #tpu.memory_space<vmem>>, vector<16xi32>,
      %get3A_314 = vector.shape_cast %get3A_313 : vector<16xi32> to vector<16xi32>
      %swap3A_315 = arith.constant 112 : index
      %swap3A_316 = tpu.vector_load %arg15[%swap3A_315] {strides = array<i32>} : memref<128xi32, #tpu.memory_space<vmem>>, vector<16xi32>,
      %swap3A_317 = vector.shape_cast %swap3A_316 : vector<16xi32> to vector<16xi32>
      %swap3A_318 = vector.shape_cast %get3A_314 : vector<16xi32> to vector<16xi32>
      tpu.vector_store %arg15[%swap3A_315], %swap3A_318 {strides = array<i32>} : memref<128xi32, #tpu.memory_space<vmem>>, vector<16xi32>,
      %dma_start3A_319 = arith.constant 0 : i32
      %dma_start3A_320 = arith.constant 0 : i32
      %dma_start3A_321 = tpu.memref_slice %arg6[%dma_start3A_319, %dma_start3A_320] : memref<10000x128xf32, #tpu.memory_space<vmem_shared>> -> memref<10000x128xf32, #tpu.memory_space<vmem_shared>>
      tpu.enqueue_indirect_dma source(%arg18 : memref<128x128xf32, #tpu.memory_space<vmem>>) target(%dma_start3A_321 : memref<10000x128xf32, #tpu.memory_space<vmem_shared>>) offsets(%arg15 : memref<128xi32, #tpu.memory_space<vmem>>) semaphore(%arg27 : memref<!tpu.dma_semaphore, #tpu.memory_space<semaphore_mem>>) {add = true}
      %add3A_322 = arith.constant 2 : i32
      %add3A_323 = arith.addi %mul3A_78, %add3A_322 : i32
      %add3A_324 = arith.constant 3 : i32
      %add3A_325 = arith.addi %add3A_323, %add3A_324 : i32
      %mul3A_326 = arith.constant 32 : i32
      %mul3A_327 = arith.muli %add3A_325, %mul3A_326 : i32
      %add3A_328 = arith.addi %add3A, %mul3A_327 : i32
      %mul3A_329 = arith.constant 128 : i32
      %mul3A_330 = arith.muli %add3A_328, %mul3A_329 : i32
      %dma_start3A_331 = tpu.memref_slice %arg3[%mul3A_330] : memref<331776xi32, #tpu.memory_space<hbm>> -> memref<128xi32, #tpu.memory_space<hbm>>
      %dma_start3A_332 = tpu.memref_slice %arg3[%mul3A_330] : memref<331776xi32, #tpu.memory_space<hbm>> -> memref<128xi32, #tpu.memory_space<hbm>>
      tpu.enqueue_dma source(%dma_start3A_332 : memref<128xi32, #tpu.memory_space<hbm>>) target(%arg9 : memref<128xi32, #tpu.memory_space<vmem>>) target_semaphore(%arg21 : memref<!tpu.dma_semaphore, #tpu.memory_space<semaphore_mem>>)
      %dma_start3A_333 = tpu.memref_slice %arg4[%mul3A_330] : memref<331776xi32, #tpu.memory_space<hbm>> -> memref<128xi32, #tpu.memory_space<hbm>>
      %dma_start3A_334 = tpu.memref_slice %arg4[%mul3A_330] : memref<331776xi32, #tpu.memory_space<hbm>> -> memref<128xi32, #tpu.memory_space<hbm>>
      tpu.enqueue_dma source(%dma_start3A_334 : memref<128xi32, #tpu.memory_space<hbm>>) target(%arg12 : memref<128xi32, #tpu.memory_space<vmem>>) target_semaphore(%arg21 : memref<!tpu.dma_semaphore, #tpu.memory_space<semaphore_mem>>)
      %add3A_335 = arith.constant 3 : i32
      %add3A_336 = arith.addi %mul3A_78, %add3A_335 : i32
      %dma_wait3A_337 = arith.constant 0 : i32
      %dma_wait3A_338 = tpu.memref_slice %arg3[%dma_wait3A_337] : memref<331776xi32, #tpu.memory_space<hbm>> -> memref<128xi32, #tpu.memory_space<hbm>>
      %dma_wait3A_339 = arith.constant 0 : i32
      %dma_wait3A_340 = tpu.memref_slice %arg3[%dma_wait3A_339] : memref<331776xi32, #tpu.memory_space<hbm>> -> memref<128xi32, #tpu.memory_space<hbm>>
      tpu.wait_dma2 semaphore(%arg19 : memref<!tpu.dma_semaphore, #tpu.memory_space<semaphore_mem>>) src(%dma_wait3A_340 : memref<128xi32, #tpu.memory_space<hbm>>) dst(%arg7 : memref<128xi32, #tpu.memory_space<vmem>>)
      %dma_wait3A_341 = arith.constant 0 : i32
      %dma_wait3A_342 = tpu.memref_slice %arg4[%dma_wait3A_341] : memref<331776xi32, #tpu.memory_space<hbm>> -> memref<128xi32, #tpu.memory_space<hbm>>
      %dma_wait3A_343 = arith.constant 0 : i32
      %dma_wait3A_344 = tpu.memref_slice %arg4[%dma_wait3A_343] : memref<331776xi32, #tpu.memory_space<hbm>> -> memref<128xi32, #tpu.memory_space<hbm>>
      tpu.wait_dma2 semaphore(%arg19 : memref<!tpu.dma_semaphore, #tpu.memory_space<semaphore_mem>>) src(%dma_wait3A_344 : memref<128xi32, #tpu.memory_space<hbm>>) dst(%arg10 : memref<128xi32, #tpu.memory_space<vmem>>)
      %dma_wait3A_345 = arith.constant 0 : i32
      %dma_wait3A_346 = arith.constant 0 : i32
      %dma_wait3A_347 = tpu.memref_slice %arg6[%dma_wait3A_345, %dma_wait3A_346] : memref<10000x128xf32, #tpu.memory_space<vmem_shared>> -> memref<10000x128xf32, #tpu.memory_space<vmem_shared>>
      tpu.wait_indirect_dma semaphore(%arg25 : memref<!tpu.dma_semaphore, #tpu.memory_space<semaphore_mem>>) src(%arg16 : memref<128x128xf32, #tpu.memory_space<vmem>>) dst(%dma_wait3A_347 : memref<10000x128xf32, #tpu.memory_space<vmem_shared>>)
      %dma_start3A_348 = arith.constant 0 : i32
      %dma_start3A_349 = arith.constant 0 : i32
      %dma_start3A_350 = tpu.memref_slice %arg2[%dma_start3A_348, %dma_start3A_349] : memref<10000x128xf32, #tpu.memory_space<hbm>> -> memref<10000x128xf32, #tpu.memory_space<hbm>>
      tpu.enqueue_indirect_dma source(%dma_start3A_350 : memref<10000x128xf32, #tpu.memory_space<hbm>>) target(%arg16 : memref<128x128xf32, #tpu.memory_space<vmem>>) offsets(%arg7 : memref<128xi32, #tpu.memory_space<vmem>>) semaphore(%arg22 : memref<!tpu.dma_semaphore, #tpu.memory_space<semaphore_mem>>)
      %dma_wait3A_351 = arith.constant 0 : i32
      %dma_wait3A_352 = tpu.memref_slice %arg3[%dma_wait3A_351] : memref<331776xi32, #tpu.memory_space<hbm>> -> memref<128xi32, #tpu.memory_space<hbm>>
      %dma_wait3A_353 = arith.constant 0 : i32
      %dma_wait3A_354 = tpu.memref_slice %arg3[%dma_wait3A_353] : memref<331776xi32, #tpu.memory_space<hbm>> -> memref<128xi32, #tpu.memory_space<hbm>>
      tpu.wait_dma2 semaphore(%arg20 : memref<!tpu.dma_semaphore, #tpu.memory_space<semaphore_mem>>) src(%dma_wait3A_354 : memref<128xi32, #tpu.memory_space<hbm>>) dst(%arg8 : memref<128xi32, #tpu.memory_space<vmem>>)
      %dma_wait3A_355 = arith.constant 0 : i32
      %dma_wait3A_356 = tpu.memref_slice %arg4[%dma_wait3A_355] : memref<331776xi32, #tpu.memory_space<hbm>> -> memref<128xi32, #tpu.memory_space<hbm>>
      %dma_wait3A_357 = arith.constant 0 : i32
      %dma_wait3A_358 = tpu.memref_slice %arg4[%dma_wait3A_357] : memref<331776xi32, #tpu.memory_space<hbm>> -> memref<128xi32, #tpu.memory_space<hbm>>
      tpu.wait_dma2 semaphore(%arg20 : memref<!tpu.dma_semaphore, #tpu.memory_space<semaphore_mem>>) src(%dma_wait3A_358 : memref<128xi32, #tpu.memory_space<hbm>>) dst(%arg11 : memref<128xi32, #tpu.memory_space<vmem>>)
      %dma_wait3A_359 = arith.constant 0 : i32
      %dma_wait3A_360 = arith.constant 0 : i32
      %dma_wait3A_361 = tpu.memref_slice %arg6[%dma_wait3A_359, %dma_wait3A_360] : memref<10000x128xf32, #tpu.memory_space<vmem_shared>> -> memref<10000x128xf32, #tpu.memory_space<vmem_shared>>
      tpu.wait_indirect_dma semaphore(%arg26 : memref<!tpu.dma_semaphore, #tpu.memory_space<semaphore_mem>>) src(%arg17 : memref<128x128xf32, #tpu.memory_space<vmem>>) dst(%dma_wait3A_361 : memref<10000x128xf32, #tpu.memory_space<vmem_shared>>)
      %dma_start3A_362 = arith.constant 0 : i32
      %dma_start3A_363 = arith.constant 0 : i32
      %dma_start3A_364 = tpu.memref_slice %arg2[%dma_start3A_362, %dma_start3A_363] : memref<10000x128xf32, #tpu.memory_space<hbm>> -> memref<10000x128xf32, #tpu.memory_space<hbm>>
      tpu.enqueue_indirect_dma source(%dma_start3A_364 : memref<10000x128xf32, #tpu.memory_space<hbm>>) target(%arg17 : memref<128x128xf32, #tpu.memory_space<vmem>>) offsets(%arg8 : memref<128xi32, #tpu.memory_space<vmem>>) semaphore(%arg23 : memref<!tpu.dma_semaphore, #tpu.memory_space<semaphore_mem>>)
      %dma_wait3A_365 = arith.constant 0 : i32
      %dma_wait3A_366 = tpu.memref_slice %arg3[%dma_wait3A_365] : memref<331776xi32, #tpu.memory_space<hbm>> -> memref<128xi32, #tpu.memory_space<hbm>>
      %dma_wait3A_367 = arith.constant 0 : i32
      %dma_wait3A_368 = tpu.memref_slice %arg3[%dma_wait3A_367] : memref<331776xi32, #tpu.memory_space<hbm>> -> memref<128xi32, #tpu.memory_space<hbm>>
      tpu.wait_dma2 semaphore(%arg21 : memref<!tpu.dma_semaphore, #tpu.memory_space<semaphore_mem>>) src(%dma_wait3A_368 : memref<128xi32, #tpu.memory_space<hbm>>) dst(%arg9 : memref<128xi32, #tpu.memory_space<vmem>>)
      %dma_wait3A_369 = arith.constant 0 : i32
      %dma_wait3A_370 = tpu.memref_slice %arg4[%dma_wait3A_369] : memref<331776xi32, #tpu.memory_space<hbm>> -> memref<128xi32, #tpu.memory_space<hbm>>
      %dma_wait3A_371 = arith.constant 0 : i32
      %dma_wait3A_372 = tpu.memref_slice %arg4[%dma_wait3A_371] : memref<331776xi32, #tpu.memory_space<hbm>> -> memref<128xi32, #tpu.memory_space<hbm>>
      tpu.wait_dma2 semaphore(%arg21 : memref<!tpu.dma_semaphore, #tpu.memory_space<semaphore_mem>>) src(%dma_wait3A_372 : memref<128xi32, #tpu.memory_space<hbm>>) dst(%arg12 : memref<128xi32, #tpu.memory_space<vmem>>)
      %dma_wait3A_373 = arith.constant 0 : i32
      %dma_wait3A_374 = arith.constant 0 : i32
      %dma_wait3A_375 = tpu.memref_slice %arg6[%dma_wait3A_373, %dma_wait3A_374] : memref<10000x128xf32, #tpu.memory_space<vmem_shared>> -> memref<10000x128xf32, #tpu.memory_space<vmem_shared>>
      tpu.wait_indirect_dma semaphore(%arg27 : memref<!tpu.dma_semaphore, #tpu.memory_space<semaphore_mem>>) src(%arg18 : memref<128x128xf32, #tpu.memory_space<vmem>>) dst(%dma_wait3A_375 : memref<10000x128xf32, #tpu.memory_space<vmem_shared>>)
      %dma_start3A_376 = arith.constant 0 : i32
      %dma_start3A_377 = arith.constant 0 : i32
      %dma_start3A_378 = tpu.memref_slice %arg2[%dma_start3A_376, %dma_start3A_377] : memref<10000x128xf32, #tpu.memory_space<hbm>> -> memref<10000x128xf32, #tpu.memory_space<hbm>>
      tpu.enqueue_indirect_dma source(%dma_start3A_378 : memref<10000x128xf32, #tpu.memory_space<hbm>>) target(%arg18 : memref<128x128xf32, #tpu.memory_space<vmem>>) offsets(%arg9 : memref<128xi32, #tpu.memory_space<vmem>>) semaphore(%arg24 : memref<!tpu.dma_semaphore, #tpu.memory_space<semaphore_mem>>)
      %dma_wait3A_379 = arith.constant 0 : i32
      %dma_wait3A_380 = arith.constant 0 : i32
      %dma_wait3A_381 = tpu.memref_slice %arg2[%dma_wait3A_379, %dma_wait3A_380] : memref<10000x128xf32, #tpu.memory_space<hbm>> -> memref<10000x128xf32, #tpu.memory_space<hbm>>
      tpu.wait_indirect_dma semaphore(%arg22 : memref<!tpu.dma_semaphore, #tpu.memory_space<semaphore_mem>>) src(%dma_wait3A_381 : memref<10000x128xf32, #tpu.memory_space<hbm>>) dst(%arg16 : memref<128x128xf32, #tpu.memory_space<vmem>>)
      %get3A_382 = arith.constant 0 : index
      %get3A_383 = tpu.vector_load %arg10[%get3A_382] {strides = array<i32>} : memref<128xi32, #tpu.memory_space<vmem>>, vector<16xi32>,
      %get3A_384 = vector.shape_cast %get3A_383 : vector<16xi32> to vector<16xi32>
      %swap3A_385 = arith.constant 0 : index
      %swap3A_386 = tpu.vector_load %arg13[%swap3A_385] {strides = array<i32>} : memref<128xi32, #tpu.memory_space<vmem>>, vector<16xi32>,
      %swap3A_387 = vector.shape_cast %swap3A_386 : vector<16xi32> to vector<16xi32>
      %swap3A_388 = vector.shape_cast %get3A_384 : vector<16xi32> to vector<16xi32>
      tpu.vector_store %arg13[%swap3A_385], %swap3A_388 {strides = array<i32>} : memref<128xi32, #tpu.memory_space<vmem>>, vector<16xi32>,
      %get3A_389 = arith.constant 16 : index
      %get3A_390 = tpu.vector_load %arg10[%get3A_389] {strides = array<i32>} : memref<128xi32, #tpu.memory_space<vmem>>, vector<16xi32>,
      %get3A_391 = vector.shape_cast %get3A_390 : vector<16xi32> to vector<16xi32>
      %swap3A_392 = arith.constant 16 : index
      %swap3A_393 = tpu.vector_load %arg13[%swap3A_392] {strides = array<i32>} : memref<128xi32, #tpu.memory_space<vmem>>, vector<16xi32>,
      %swap3A_394 = vector.shape_cast %swap3A_393 : vector<16xi32> to vector<16xi32>
      %swap3A_395 = vector.shape_cast %get3A_391 : vector<16xi32> to vector<16xi32>
      tpu.vector_store %arg13[%swap3A_392], %swap3A_395 {strides = array<i32>} : memref<128xi32, #tpu.memory_space<vmem>>, vector<16xi32>,
      %get3A_396 = arith.constant 32 : index
      %get3A_397 = tpu.vector_load %arg10[%get3A_396] {strides = array<i32>} : memref<128xi32, #tpu.memory_space<vmem>>, vector<16xi32>,
      %get3A_398 = vector.shape_cast %get3A_397 : vector<16xi32> to vector<16xi32>
      %swap3A_399 = arith.constant 32 : index
      %swap3A_400 = tpu.vector_load %arg13[%swap3A_399] {strides = array<i32>} : memref<128xi32, #tpu.memory_space<vmem>>, vector<16xi32>,
      %swap3A_401 = vector.shape_cast %swap3A_400 : vector<16xi32> to vector<16xi32>
      %swap3A_402 = vector.shape_cast %get3A_398 : vector<16xi32> to vector<16xi32>
      tpu.vector_store %arg13[%swap3A_399], %swap3A_402 {strides = array<i32>} : memref<128xi32, #tpu.memory_space<vmem>>, vector<16xi32>,
      %get3A_403 = arith.constant 48 : index
      %get3A_404 = tpu.vector_load %arg10[%get3A_403] {strides = array<i32>} : memref<128xi32, #tpu.memory_space<vmem>>, vector<16xi32>,
      %get3A_405 = vector.shape_cast %get3A_404 : vector<16xi32> to vector<16xi32>
      %swap3A_406 = arith.constant 48 : index
      %swap3A_407 = tpu.vector_load %arg13[%swap3A_406] {strides = array<i32>} : memref<128xi32, #tpu.memory_space<vmem>>, vector<16xi32>,
      %swap3A_408 = vector.shape_cast %swap3A_407 : vector<16xi32> to vector<16xi32>
      %swap3A_409 = vector.shape_cast %get3A_405 : vector<16xi32> to vector<16xi32>
      tpu.vector_store %arg13[%swap3A_406], %swap3A_409 {strides = array<i32>} : memref<128xi32, #tpu.memory_space<vmem>>, vector<16xi32>,
      %get3A_410 = arith.constant 64 : index
      %get3A_411 = tpu.vector_load %arg10[%get3A_410] {strides = array<i32>} : memref<128xi32, #tpu.memory_space<vmem>>, vector<16xi32>,
      %get3A_412 = vector.shape_cast %get3A_411 : vector<16xi32> to vector<16xi32>
      %swap3A_413 = arith.constant 64 : index
      %swap3A_414 = tpu.vector_load %arg13[%swap3A_413] {strides = array<i32>} : memref<128xi32, #tpu.memory_space<vmem>>, vector<16xi32>,
      %swap3A_415 = vector.shape_cast %swap3A_414 : vector<16xi32> to vector<16xi32>
      %swap3A_416 = vector.shape_cast %get3A_412 : vector<16xi32> to vector<16xi32>
      tpu.vector_store %arg13[%swap3A_413], %swap3A_416 {strides = array<i32>} : memref<128xi32, #tpu.memory_space<vmem>>, vector<16xi32>,
      %get3A_417 = arith.constant 80 : index
      %get3A_418 = tpu.vector_load %arg10[%get3A_417] {strides = array<i32>} : memref<128xi32, #tpu.memory_space<vmem>>, vector<16xi32>,
      %get3A_419 = vector.shape_cast %get3A_418 : vector<16xi32> to vector<16xi32>
      %swap3A_420 = arith.constant 80 : index
      %swap3A_421 = tpu.vector_load %arg13[%swap3A_420] {strides = array<i32>} : memref<128xi32, #tpu.memory_space<vmem>>, vector<16xi32>,
      %swap3A_422 = vector.shape_cast %swap3A_421 : vector<16xi32> to vector<16xi32>
      %swap3A_423 = vector.shape_cast %get3A_419 : vector<16xi32> to vector<16xi32>
      tpu.vector_store %arg13[%swap3A_420], %swap3A_423 {strides = array<i32>} : memref<128xi32, #tpu.memory_space<vmem>>, vector<16xi32>,
      %get3A_424 = arith.constant 96 : index
      %get3A_425 = tpu.vector_load %arg10[%get3A_424] {strides = array<i32>} : memref<128xi32, #tpu.memory_space<vmem>>, vector<16xi32>,
      %get3A_426 = vector.shape_cast %get3A_425 : vector<16xi32> to vector<16xi32>
      %swap3A_427 = arith.constant 96 : index
      %swap3A_428 = tpu.vector_load %arg13[%swap3A_427] {strides = array<i32>} : memref<128xi32, #tpu.memory_space<vmem>>, vector<16xi32>,
      %swap3A_429 = vector.shape_cast %swap3A_428 : vector<16xi32> to vector<16xi32>
      %swap3A_430 = vector.shape_cast %get3A_426 : vector<16xi32> to vector<16xi32>
      tpu.vector_store %arg13[%swap3A_427], %swap3A_430 {strides = array<i32>} : memref<128xi32, #tpu.memory_space<vmem>>, vector<16xi32>,
      %get3A_431 = arith.constant 112 : index
      %get3A_432 = tpu.vector_load %arg10[%get3A_431] {strides = array<i32>} : memref<128xi32, #tpu.memory_space<vmem>>, vector<16xi32>,
      %get3A_433 = vector.shape_cast %get3A_432 : vector<16xi32> to vector<16xi32>
      %swap3A_434 = arith.constant 112 : index
      %swap3A_435 = tpu.vector_load %arg13[%swap3A_434] {strides = array<i32>} : memref<128xi32, #tpu.memory_space<vmem>>, vector<16xi32>,
      %swap3A_436 = vector.shape_cast %swap3A_435 : vector<16xi32> to vector<16xi32>
      %swap3A_437 = vector.shape_cast %get3A_433 : vector<16xi32> to vector<16xi32>
      tpu.vector_store %arg13[%swap3A_434], %swap3A_437 {strides = array<i32>} : memref<128xi32, #tpu.memory_space<vmem>>, vector<16xi32>,
      %dma_start3A_438 = arith.constant 0 : i32
      %dma_start3A_439 = arith.constant 0 : i32
      %dma_start3A_440 = tpu.memref_slice %arg6[%dma_start3A_438, %dma_start3A_439] : memref<10000x128xf32, #tpu.memory_space<vmem_shared>> -> memref<10000x128xf32, #tpu.memory_space<vmem_shared>>
      tpu.enqueue_indirect_dma source(%arg16 : memref<128x128xf32, #tpu.memory_space<vmem>>) target(%dma_start3A_440 : memref<10000x128xf32, #tpu.memory_space<vmem_shared>>) offsets(%arg13 : memref<128xi32, #tpu.memory_space<vmem>>) semaphore(%arg25 : memref<!tpu.dma_semaphore, #tpu.memory_space<semaphore_mem>>) {add = true}
      %add3A_441 = arith.constant 0 : i32
      %add3A_442 = arith.addi %add3A_336, %add3A_441 : i32
      %add3A_443 = arith.constant 3 : i32
      %add3A_444 = arith.addi %add3A_442, %add3A_443 : i32
      %mul3A_445 = arith.constant 32 : i32
      %mul3A_446 = arith.muli %add3A_444, %mul3A_445 : i32
      %add3A_447 = arith.addi %add3A, %mul3A_446 : i32
      %mul3A_448 = arith.constant 128 : i32
      %mul3A_449 = arith.muli %add3A_447, %mul3A_448 : i32
      %dma_start3A_450 = tpu.memref_slice %arg3[%mul3A_449] : memref<331776xi32, #tpu.memory_space<hbm>> -> memref<128xi32, #tpu.memory_space<hbm>>
      %dma_start3A_451 = tpu.memref_slice %arg3[%mul3A_449] : memref<331776xi32, #tpu.memory_space<hbm>> -> memref<128xi32, #tpu.memory_space<hbm>>
      tpu.enqueue_dma source(%dma_start3A_451 : memref<128xi32, #tpu.memory_space<hbm>>) target(%arg7 : memref<128xi32, #tpu.memory_space<vmem>>) target_semaphore(%arg19 : memref<!tpu.dma_semaphore, #tpu.memory_space<semaphore_mem>>)
      %dma_start3A_452 = tpu.memref_slice %arg4[%mul3A_449] : memref<331776xi32, #tpu.memory_space<hbm>> -> memref<128xi32, #tpu.memory_space<hbm>>
      %dma_start3A_453 = tpu.memref_slice %arg4[%mul3A_449] : memref<331776xi32, #tpu.memory_space<hbm>> -> memref<128xi32, #tpu.memory_space<hbm>>
      tpu.enqueue_dma source(%dma_start3A_453 : memref<128xi32, #tpu.memory_space<hbm>>) target(%arg10 : memref<128xi32, #tpu.memory_space<vmem>>) target_semaphore(%arg19 : memref<!tpu.dma_semaphore, #tpu.memory_space<semaphore_mem>>)
      %dma_wait3A_454 = arith.constant 0 : i32
      %dma_wait3A_455 = arith.constant 0 : i32
      %dma_wait3A_456 = tpu.memref_slice %arg2[%dma_wait3A_454, %dma_wait3A_455] : memref<10000x128xf32, #tpu.memory_space<hbm>> -> memref<10000x128xf32, #tpu.memory_space<hbm>>
      tpu.wait_indirect_dma semaphore(%arg23 : memref<!tpu.dma_semaphore, #tpu.memory_space<semaphore_mem>>) src(%dma_wait3A_456 : memref<10000x128xf32, #tpu.memory_space<hbm>>) dst(%arg17 : memref<128x128xf32, #tpu.memory_space<vmem>>)
      %get3A_457 = arith.constant 0 : index
      %get3A_458 = tpu.vector_load %arg11[%get3A_457] {strides = array<i32>} : memref<128xi32, #tpu.memory_space<vmem>>, vector<16xi32>,
      %get3A_459 = vector.shape_cast %get3A_458 : vector<16xi32> to vector<16xi32>
      %swap3A_460 = arith.constant 0 : index
      %swap3A_461 = tpu.vector_load %arg14[%swap3A_460] {strides = array<i32>} : memref<128xi32, #tpu.memory_space<vmem>>, vector<16xi32>,
      %swap3A_462 = vector.shape_cast %swap3A_461 : vector<16xi32> to vector<16xi32>
      %swap3A_463 = vector.shape_cast %get3A_459 : vector<16xi32> to vector<16xi32>
      tpu.vector_store %arg14[%swap3A_460], %swap3A_463 {strides = array<i32>} : memref<128xi32, #tpu.memory_space<vmem>>, vector<16xi32>,
      %get3A_464 = arith.constant 16 : index
      %get3A_465 = tpu.vector_load %arg11[%get3A_464] {strides = array<i32>} : memref<128xi32, #tpu.memory_space<vmem>>, vector<16xi32>,
      %get3A_466 = vector.shape_cast %get3A_465 : vector<16xi32> to vector<16xi32>
      %swap3A_467 = arith.constant 16 : index
      %swap3A_468 = tpu.vector_load %arg14[%swap3A_467] {strides = array<i32>} : memref<128xi32, #tpu.memory_space<vmem>>, vector<16xi32>,
      %swap3A_469 = vector.shape_cast %swap3A_468 : vector<16xi32> to vector<16xi32>
      %swap3A_470 = vector.shape_cast %get3A_466 : vector<16xi32> to vector<16xi32>
      tpu.vector_store %arg14[%swap3A_467], %swap3A_470 {strides = array<i32>} : memref<128xi32, #tpu.memory_space<vmem>>, vector<16xi32>,
      %get3A_471 = arith.constant 32 : index
      %get3A_472 = tpu.vector_load %arg11[%get3A_471] {strides = array<i32>} : memref<128xi32, #tpu.memory_space<vmem>>, vector<16xi32>,
      %get3A_473 = vector.shape_cast %get3A_472 : vector<16xi32> to vector<16xi32>
      %swap3A_474 = arith.constant 32 : index
      %swap3A_475 = tpu.vector_load %arg14[%swap3A_474] {strides = array<i32>} : memref<128xi32, #tpu.memory_space<vmem>>, vector<16xi32>,
      %swap3A_476 = vector.shape_cast %swap3A_475 : vector<16xi32> to vector<16xi32>
      %swap3A_477 = vector.shape_cast %get3A_473 : vector<16xi32> to vector<16xi32>
      tpu.vector_store %arg14[%swap3A_474], %swap3A_477 {strides = array<i32>} : memref<128xi32, #tpu.memory_space<vmem>>, vector<16xi32>,
      %get3A_478 = arith.constant 48 : index
      %get3A_479 = tpu.vector_load %arg11[%get3A_478] {strides = array<i32>} : memref<128xi32, #tpu.memory_space<vmem>>, vector<16xi32>,
      %get3A_480 = vector.shape_cast %get3A_479 : vector<16xi32> to vector<16xi32>
      %swap3A_481 = arith.constant 48 : index
      %swap3A_482 = tpu.vector_load %arg14[%swap3A_481] {strides = array<i32>} : memref<128xi32, #tpu.memory_space<vmem>>, vector<16xi32>,
      %swap3A_483 = vector.shape_cast %swap3A_482 : vector<16xi32> to vector<16xi32>
      %swap3A_484 = vector.shape_cast %get3A_480 : vector<16xi32> to vector<16xi32>
      tpu.vector_store %arg14[%swap3A_481], %swap3A_484 {strides = array<i32>} : memref<128xi32, #tpu.memory_space<vmem>>, vector<16xi32>,
      %get3A_485 = arith.constant 64 : index
      %get3A_486 = tpu.vector_load %arg11[%get3A_485] {strides = array<i32>} : memref<128xi32, #tpu.memory_space<vmem>>, vector<16xi32>,
      %get3A_487 = vector.shape_cast %get3A_486 : vector<16xi32> to vector<16xi32>
      %swap3A_488 = arith.constant 64 : index
      %swap3A_489 = tpu.vector_load %arg14[%swap3A_488] {strides = array<i32>} : memref<128xi32, #tpu.memory_space<vmem>>, vector<16xi32>,
      %swap3A_490 = vector.shape_cast %swap3A_489 : vector<16xi32> to vector<16xi32>
      %swap3A_491 = vector.shape_cast %get3A_487 : vector<16xi32> to vector<16xi32>
      tpu.vector_store %arg14[%swap3A_488], %swap3A_491 {strides = array<i32>} : memref<128xi32, #tpu.memory_space<vmem>>, vector<16xi32>,
      %get3A_492 = arith.constant 80 : index
      %get3A_493 = tpu.vector_load %arg11[%get3A_492] {strides = array<i32>} : memref<128xi32, #tpu.memory_space<vmem>>, vector<16xi32>,
      %get3A_494 = vector.shape_cast %get3A_493 : vector<16xi32> to vector<16xi32>
      %swap3A_495 = arith.constant 80 : index
      %swap3A_496 = tpu.vector_load %arg14[%swap3A_495] {strides = array<i32>} : memref<128xi32, #tpu.memory_space<vmem>>, vector<16xi32>,
      %swap3A_497 = vector.shape_cast %swap3A_496 : vector<16xi32> to vector<16xi32>
      %swap3A_498 = vector.shape_cast %get3A_494 : vector<16xi32> to vector<16xi32>
      tpu.vector_store %arg14[%swap3A_495], %swap3A_498 {strides = array<i32>} : memref<128xi32, #tpu.memory_space<vmem>>, vector<16xi32>,
      %get3A_499 = arith.constant 96 : index
      %get3A_500 = tpu.vector_load %arg11[%get3A_499] {strides = array<i32>} : memref<128xi32, #tpu.memory_space<vmem>>, vector<16xi32>,
      %get3A_501 = vector.shape_cast %get3A_500 : vector<16xi32> to vector<16xi32>
      %swap3A_502 = arith.constant 96 : index
      %swap3A_503 = tpu.vector_load %arg14[%swap3A_502] {strides = array<i32>} : memref<128xi32, #tpu.memory_space<vmem>>, vector<16xi32>,
      %swap3A_504 = vector.shape_cast %swap3A_503 : vector<16xi32> to vector<16xi32>
      %swap3A_505 = vector.shape_cast %get3A_501 : vector<16xi32> to vector<16xi32>
      tpu.vector_store %arg14[%swap3A_502], %swap3A_505 {strides = array<i32>} : memref<128xi32, #tpu.memory_space<vmem>>, vector<16xi32>,
      %get3A_506 = arith.constant 112 : index
      %get3A_507 = tpu.vector_load %arg11[%get3A_506] {strides = array<i32>} : memref<128xi32, #tpu.memory_space<vmem>>, vector<16xi32>,
      %get3A_508 = vector.shape_cast %get3A_507 : vector<16xi32> to vector<16xi32>
      %swap3A_509 = arith.constant 112 : index
      %swap3A_510 = tpu.vector_load %arg14[%swap3A_509] {strides = array<i32>} : memref<128xi32, #tpu.memory_space<vmem>>, vector<16xi32>,
      %swap3A_511 = vector.shape_cast %swap3A_510 : vector<16xi32> to vector<16xi32>
      %swap3A_512 = vector.shape_cast %get3A_508 : vector<16xi32> to vector<16xi32>
      tpu.vector_store %arg14[%swap3A_509], %swap3A_512 {strides = array<i32>} : memref<128xi32, #tpu.memory_space<vmem>>, vector<16xi32>,
      %dma_start3A_513 = arith.constant 0 : i32
      %dma_start3A_514 = arith.constant 0 : i32
      %dma_start3A_515 = tpu.memref_slice %arg6[%dma_start3A_513, %dma_start3A_514] : memref<10000x128xf32, #tpu.memory_space<vmem_shared>> -> memref<10000x128xf32, #tpu.memory_space<vmem_shared>>
      tpu.enqueue_indirect_dma source(%arg17 : memref<128x128xf32, #tpu.memory_space<vmem>>) target(%dma_start3A_515 : memref<10000x128xf32, #tpu.memory_space<vmem_shared>>) offsets(%arg14 : memref<128xi32, #tpu.memory_space<vmem>>) semaphore(%arg26 : memref<!tpu.dma_semaphore, #tpu.memory_space<semaphore_mem>>) {add = true}
      %add3A_516 = arith.constant 1 : i32
      %add3A_517 = arith.addi %add3A_336, %add3A_516 : i32
      %add3A_518 = arith.constant 3 : i32
      %add3A_519 = arith.addi %add3A_517, %add3A_518 : i32
      %mul3A_520 = arith.constant 32 : i32
      %mul3A_521 = arith.muli %add3A_519, %mul3A_520 : i32
      %add3A_522 = arith.addi %add3A, %mul3A_521 : i32
      %mul3A_523 = arith.constant 128 : i32
      %mul3A_524 = arith.muli %add3A_522, %mul3A_523 : i32
      %dma_start3A_525 = tpu.memref_slice %arg3[%mul3A_524] : memref<331776xi32, #tpu.memory_space<hbm>> -> memref<128xi32, #tpu.memory_space<hbm>>
      %dma_start3A_526 = tpu.memref_slice %arg3[%mul3A_524] : memref<331776xi32, #tpu.memory_space<hbm>> -> memref<128xi32, #tpu.memory_space<hbm>>
      tpu.enqueue_dma source(%dma_start3A_526 : memref<128xi32, #tpu.memory_space<hbm>>) target(%arg8 : memref<128xi32, #tpu.memory_space<vmem>>) target_semaphore(%arg20 : memref<!tpu.dma_semaphore, #tpu.memory_space<semaphore_mem>>)
      %dma_start3A_527 = tpu.memref_slice %arg4[%mul3A_524] : memref<331776xi32, #tpu.memory_space<hbm>> -> memref<128xi32, #tpu.memory_space<hbm>>
      %dma_start3A_528 = tpu.memref_slice %arg4[%mul3A_524] : memref<331776xi32, #tpu.memory_space<hbm>> -> memref<128xi32, #tpu.memory_space<hbm>>
      tpu.enqueue_dma source(%dma_start3A_528 : memref<128xi32, #tpu.memory_space<hbm>>) target(%arg11 : memref<128xi32, #tpu.memory_space<vmem>>) target_semaphore(%arg20 : memref<!tpu.dma_semaphore, #tpu.memory_space<semaphore_mem>>)
      %dma_wait3A_529 = arith.constant 0 : i32
      %dma_wait3A_530 = arith.constant 0 : i32
      %dma_wait3A_531 = tpu.memref_slice %arg2[%dma_wait3A_529, %dma_wait3A_530] : memref<10000x128xf32, #tpu.memory_space<hbm>> -> memref<10000x128xf32, #tpu.memory_space<hbm>>
      tpu.wait_indirect_dma semaphore(%arg24 : memref<!tpu.dma_semaphore, #tpu.memory_space<semaphore_mem>>) src(%dma_wait3A_531 : memref<10000x128xf32, #tpu.memory_space<hbm>>) dst(%arg18 : memref<128x128xf32, #tpu.memory_space<vmem>>)
      %get3A_532 = arith.constant 0 : index
      %get3A_533 = tpu.vector_load %arg12[%get3A_532] {strides = array<i32>} : memref<128xi32, #tpu.memory_space<vmem>>, vector<16xi32>,
      %get3A_534 = vector.shape_cast %get3A_533 : vector<16xi32> to vector<16xi32>
      %swap3A_535 = arith.constant 0 : index
      %swap3A_536 = tpu.vector_load %arg15[%swap3A_535] {strides = array<i32>} : memref<128xi32, #tpu.memory_space<vmem>>, vector<16xi32>,
      %swap3A_537 = vector.shape_cast %swap3A_536 : vector<16xi32> to vector<16xi32>
      %swap3A_538 = vector.shape_cast %get3A_534 : vector<16xi32> to vector<16xi32>
      tpu.vector_store %arg15[%swap3A_535], %swap3A_538 {strides = array<i32>} : memref<128xi32, #tpu.memory_space<vmem>>, vector<16xi32>,
      %get3A_539 = arith.constant 16 : index
      %get3A_540 = tpu.vector_load %arg12[%get3A_539] {strides = array<i32>} : memref<128xi32, #tpu.memory_space<vmem>>, vector<16xi32>,
      %get3A_541 = vector.shape_cast %get3A_540 : vector<16xi32> to vector<16xi32>
      %swap3A_542 = arith.constant 16 : index
      %swap3A_543 = tpu.vector_load %arg15[%swap3A_542] {strides = array<i32>} : memref<128xi32, #tpu.memory_space<vmem>>, vector<16xi32>,
      %swap3A_544 = vector.shape_cast %swap3A_543 : vector<16xi32> to vector<16xi32>
      %swap3A_545 = vector.shape_cast %get3A_541 : vector<16xi32> to vector<16xi32>
      tpu.vector_store %arg15[%swap3A_542], %swap3A_545 {strides = array<i32>} : memref<128xi32, #tpu.memory_space<vmem>>, vector<16xi32>,
      %get3A_546 = arith.constant 32 : index
      %get3A_547 = tpu.vector_load %arg12[%get3A_546] {strides = array<i32>} : memref<128xi32, #tpu.memory_space<vmem>>, vector<16xi32>,
      %get3A_548 = vector.shape_cast %get3A_547 : vector<16xi32> to vector<16xi32>
      %swap3A_549 = arith.constant 32 : index
      %swap3A_550 = tpu.vector_load %arg15[%swap3A_549] {strides = array<i32>} : memref<128xi32, #tpu.memory_space<vmem>>, vector<16xi32>,
      %swap3A_551 = vector.shape_cast %swap3A_550 : vector<16xi32> to vector<16xi32>
      %swap3A_552 = vector.shape_cast %get3A_548 : vector<16xi32> to vector<16xi32>
      tpu.vector_store %arg15[%swap3A_549], %swap3A_552 {strides = array<i32>} : memref<128xi32, #tpu.memory_space<vmem>>, vector<16xi32>,
      %get3A_553 = arith.constant 48 : index
      %get3A_554 = tpu.vector_load %arg12[%get3A_553] {strides = array<i32>} : memref<128xi32, #tpu.memory_space<vmem>>, vector<16xi32>,
      %get3A_555 = vector.shape_cast %get3A_554 : vector<16xi32> to vector<16xi32>
      %swap3A_556 = arith.constant 48 : index
      %swap3A_557 = tpu.vector_load %arg15[%swap3A_556] {strides = array<i32>} : memref<128xi32, #tpu.memory_space<vmem>>, vector<16xi32>,
      %swap3A_558 = vector.shape_cast %swap3A_557 : vector<16xi32> to vector<16xi32>
      %swap3A_559 = vector.shape_cast %get3A_555 : vector<16xi32> to vector<16xi32>
      tpu.vector_store %arg15[%swap3A_556], %swap3A_559 {strides = array<i32>} : memref<128xi32, #tpu.memory_space<vmem>>, vector<16xi32>,
      %get3A_560 = arith.constant 64 : index
      %get3A_561 = tpu.vector_load %arg12[%get3A_560] {strides = array<i32>} : memref<128xi32, #tpu.memory_space<vmem>>, vector<16xi32>,
      %get3A_562 = vector.shape_cast %get3A_561 : vector<16xi32> to vector<16xi32>
      %swap3A_563 = arith.constant 64 : index
      %swap3A_564 = tpu.vector_load %arg15[%swap3A_563] {strides = array<i32>} : memref<128xi32, #tpu.memory_space<vmem>>, vector<16xi32>,
      %swap3A_565 = vector.shape_cast %swap3A_564 : vector<16xi32> to vector<16xi32>
      %swap3A_566 = vector.shape_cast %get3A_562 : vector<16xi32> to vector<16xi32>
      tpu.vector_store %arg15[%swap3A_563], %swap3A_566 {strides = array<i32>} : memref<128xi32, #tpu.memory_space<vmem>>, vector<16xi32>,
      %get3A_567 = arith.constant 80 : index
      %get3A_568 = tpu.vector_load %arg12[%get3A_567] {strides = array<i32>} : memref<128xi32, #tpu.memory_space<vmem>>, vector<16xi32>,
      %get3A_569 = vector.shape_cast %get3A_568 : vector<16xi32> to vector<16xi32>
      %swap3A_570 = arith.constant 80 : index
      %swap3A_571 = tpu.vector_load %arg15[%swap3A_570] {strides = array<i32>} : memref<128xi32, #tpu.memory_space<vmem>>, vector<16xi32>,
      %swap3A_572 = vector.shape_cast %swap3A_571 : vector<16xi32> to vector<16xi32>
      %swap3A_573 = vector.shape_cast %get3A_569 : vector<16xi32> to vector<16xi32>
      tpu.vector_store %arg15[%swap3A_570], %swap3A_573 {strides = array<i32>} : memref<128xi32, #tpu.memory_space<vmem>>, vector<16xi32>,
      %get3A_574 = arith.constant 96 : index
      %get3A_575 = tpu.vector_load %arg12[%get3A_574] {strides = array<i32>} : memref<128xi32, #tpu.memory_space<vmem>>, vector<16xi32>,
      %get3A_576 = vector.shape_cast %get3A_575 : vector<16xi32> to vector<16xi32>
      %swap3A_577 = arith.constant 96 : index
      %swap3A_578 = tpu.vector_load %arg15[%swap3A_577] {strides = array<i32>} : memref<128xi32, #tpu.memory_space<vmem>>, vector<16xi32>,
      %swap3A_579 = vector.shape_cast %swap3A_578 : vector<16xi32> to vector<16xi32>
      %swap3A_580 = vector.shape_cast %get3A_576 : vector<16xi32> to vector<16xi32>
      tpu.vector_store %arg15[%swap3A_577], %swap3A_580 {strides = array<i32>} : memref<128xi32, #tpu.memory_space<vmem>>, vector<16xi32>,
      %get3A_581 = arith.constant 112 : index
      %get3A_582 = tpu.vector_load %arg12[%get3A_581] {strides = array<i32>} : memref<128xi32, #tpu.memory_space<vmem>>, vector<16xi32>,
      %get3A_583 = vector.shape_cast %get3A_582 : vector<16xi32> to vector<16xi32>
      %swap3A_584 = arith.constant 112 : index
      %swap3A_585 = tpu.vector_load %arg15[%swap3A_584] {strides = array<i32>} : memref<128xi32, #tpu.memory_space<vmem>>, vector<16xi32>,
      %swap3A_586 = vector.shape_cast %swap3A_585 : vector<16xi32> to vector<16xi32>
      %swap3A_587 = vector.shape_cast %get3A_583 : vector<16xi32> to vector<16xi32>
      tpu.vector_store %arg15[%swap3A_584], %swap3A_587 {strides = array<i32>} : memref<128xi32, #tpu.memory_space<vmem>>, vector<16xi32>,
      %dma_start3A_588 = arith.constant 0 : i32
      %dma_start3A_589 = arith.constant 0 : i32
      %dma_start3A_590 = tpu.memref_slice %arg6[%dma_start3A_588, %dma_start3A_589] : memref<10000x128xf32, #tpu.memory_space<vmem_shared>> -> memref<10000x128xf32, #tpu.memory_space<vmem_shared>>
      tpu.enqueue_indirect_dma source(%arg18 : memref<128x128xf32, #tpu.memory_space<vmem>>) target(%dma_start3A_590 : memref<10000x128xf32, #tpu.memory_space<vmem_shared>>) offsets(%arg15 : memref<128xi32, #tpu.memory_space<vmem>>) semaphore(%arg27 : memref<!tpu.dma_semaphore, #tpu.memory_space<semaphore_mem>>) {add = true}
      %add3A_591 = arith.constant 2 : i32
      %add3A_592 = arith.addi %add3A_336, %add3A_591 : i32
      %add3A_593 = arith.constant 3 : i32
      %add3A_594 = arith.addi %add3A_592, %add3A_593 : i32
      %mul3A_595 = arith.constant 32 : i32
      %mul3A_596 = arith.muli %add3A_594, %mul3A_595 : i32
      %add3A_597 = arith.addi %add3A, %mul3A_596 : i32
      %mul3A_598 = arith.constant 128 : i32
      %mul3A_599 = arith.muli %add3A_597, %mul3A_598 : i32
      %dma_start3A_600 = tpu.memref_slice %arg3[%mul3A_599] : memref<331776xi32, #tpu.memory_space<hbm>> -> memref<128xi32, #tpu.memory_space<hbm>>
      %dma_start3A_601 = tpu.memref_slice %arg3[%mul3A_599] : memref<331776xi32, #tpu.memory_space<hbm>> -> memref<128xi32, #tpu.memory_space<hbm>>
      tpu.enqueue_dma source(%dma_start3A_601 : memref<128xi32, #tpu.memory_space<hbm>>) target(%arg9 : memref<128xi32, #tpu.memory_space<vmem>>) target_semaphore(%arg21 : memref<!tpu.dma_semaphore, #tpu.memory_space<semaphore_mem>>)
      %dma_start3A_602 = tpu.memref_slice %arg4[%mul3A_599] : memref<331776xi32, #tpu.memory_space<hbm>> -> memref<128xi32, #tpu.memory_space<hbm>>
      %dma_start3A_603 = tpu.memref_slice %arg4[%mul3A_599] : memref<331776xi32, #tpu.memory_space<hbm>> -> memref<128xi32, #tpu.memory_space<hbm>>
      tpu.enqueue_dma source(%dma_start3A_603 : memref<128xi32, #tpu.memory_space<hbm>>) target(%arg12 : memref<128xi32, #tpu.memory_space<vmem>>) target_semaphore(%arg21 : memref<!tpu.dma_semaphore, #tpu.memory_space<semaphore_mem>>)
      %dma_wait3A_604 = arith.constant 0 : i32
      %dma_wait3A_605 = arith.constant 0 : i32
      %dma_wait3A_606 = tpu.memref_slice %arg6[%dma_wait3A_604, %dma_wait3A_605] : memref<10000x128xf32, #tpu.memory_space<vmem_shared>> -> memref<10000x128xf32, #tpu.memory_space<vmem_shared>>
      tpu.wait_indirect_dma semaphore(%arg25 : memref<!tpu.dma_semaphore, #tpu.memory_space<semaphore_mem>>) src(%arg16 : memref<128x128xf32, #tpu.memory_space<vmem>>) dst(%dma_wait3A_606 : memref<10000x128xf32, #tpu.memory_space<vmem_shared>>)
      %dma_wait3A_607 = arith.constant 0 : i32
      %dma_wait3A_608 = arith.constant 0 : i32
      %dma_wait3A_609 = tpu.memref_slice %arg6[%dma_wait3A_607, %dma_wait3A_608] : memref<10000x128xf32, #tpu.memory_space<vmem_shared>> -> memref<10000x128xf32, #tpu.memory_space<vmem_shared>>
      tpu.wait_indirect_dma semaphore(%arg26 : memref<!tpu.dma_semaphore, #tpu.memory_space<semaphore_mem>>) src(%arg17 : memref<128x128xf32, #tpu.memory_space<vmem>>) dst(%dma_wait3A_609 : memref<10000x128xf32, #tpu.memory_space<vmem_shared>>)
      %dma_wait3A_610 = arith.constant 0 : i32
      %dma_wait3A_611 = arith.constant 0 : i32
      %dma_wait3A_612 = tpu.memref_slice %arg6[%dma_wait3A_610, %dma_wait3A_611] : memref<10000x128xf32, #tpu.memory_space<vmem_shared>> -> memref<10000x128xf32, #tpu.memory_space<vmem_shared>>
      tpu.wait_indirect_dma semaphore(%arg27 : memref<!tpu.dma_semaphore, #tpu.memory_space<semaphore_mem>>) src(%arg18 : memref<128x128xf32, #tpu.memory_space<vmem>>) dst(%dma_wait3A_612 : memref<10000x128xf32, #tpu.memory_space<vmem_shared>>)
    }
    %scan3A_36 = arith.constant 13 : i32
    %dma_wait3A = arith.constant 0 : i32
    %dma_wait3A_37 = tpu.memref_slice %arg3[%dma_wait3A] : memref<331776xi32, #tpu.memory_space<hbm>> -> memref<128xi32, #tpu.memory_space<hbm>>
    %dma_wait3A_38 = arith.constant 0 : i32
    %dma_wait3A_39 = tpu.memref_slice %arg3[%dma_wait3A_38] : memref<331776xi32, #tpu.memory_space<hbm>> -> memref<128xi32, #tpu.memory_space<hbm>>
    tpu.wait_dma2 semaphore(%arg19 : memref<!tpu.dma_semaphore, #tpu.memory_space<semaphore_mem>>) src(%dma_wait3A_39 : memref<128xi32, #tpu.memory_space<hbm>>) dst(%arg7 : memref<128xi32, #tpu.memory_space<vmem>>)
    %dma_wait3A_40 = arith.constant 0 : i32
    %dma_wait3A_41 = tpu.memref_slice %arg4[%dma_wait3A_40] : memref<331776xi32, #tpu.memory_space<hbm>> -> memref<128xi32, #tpu.memory_space<hbm>>
    %dma_wait3A_42 = arith.constant 0 : i32
    %dma_wait3A_43 = tpu.memref_slice %arg4[%dma_wait3A_42] : memref<331776xi32, #tpu.memory_space<hbm>> -> memref<128xi32, #tpu.memory_space<hbm>>
    tpu.wait_dma2 semaphore(%arg19 : memref<!tpu.dma_semaphore, #tpu.memory_space<semaphore_mem>>) src(%dma_wait3A_43 : memref<128xi32, #tpu.memory_space<hbm>>) dst(%arg10 : memref<128xi32, #tpu.memory_space<vmem>>)
    %dma_wait3A_44 = arith.constant 0 : i32
    %dma_wait3A_45 = tpu.memref_slice %arg3[%dma_wait3A_44] : memref<331776xi32, #tpu.memory_space<hbm>> -> memref<128xi32, #tpu.memory_space<hbm>>
    %dma_wait3A_46 = arith.constant 0 : i32
    %dma_wait3A_47 = tpu.memref_slice %arg3[%dma_wait3A_46] : memref<331776xi32, #tpu.memory_space<hbm>> -> memref<128xi32, #tpu.memory_space<hbm>>
    tpu.wait_dma2 semaphore(%arg20 : memref<!tpu.dma_semaphore, #tpu.memory_space<semaphore_mem>>) src(%dma_wait3A_47 : memref<128xi32, #tpu.memory_space<hbm>>) dst(%arg8 : memref<128xi32, #tpu.memory_space<vmem>>)
    %dma_wait3A_48 = arith.constant 0 : i32
    %dma_wait3A_49 = tpu.memref_slice %arg4[%dma_wait3A_48] : memref<331776xi32, #tpu.memory_space<hbm>> -> memref<128xi32, #tpu.memory_space<hbm>>
    %dma_wait3A_50 = arith.constant 0 : i32
    %dma_wait3A_51 = tpu.memref_slice %arg4[%dma_wait3A_50] : memref<331776xi32, #tpu.memory_space<hbm>> -> memref<128xi32, #tpu.memory_space<hbm>>
    tpu.wait_dma2 semaphore(%arg20 : memref<!tpu.dma_semaphore, #tpu.memory_space<semaphore_mem>>) src(%dma_wait3A_51 : memref<128xi32, #tpu.memory_space<hbm>>) dst(%arg11 : memref<128xi32, #tpu.memory_space<vmem>>)
    %dma_wait3A_52 = arith.constant 0 : i32
    %dma_wait3A_53 = tpu.memref_slice %arg3[%dma_wait3A_52] : memref<331776xi32, #tpu.memory_space<hbm>> -> memref<128xi32, #tpu.memory_space<hbm>>
    %dma_wait3A_54 = arith.constant 0 : i32
    %dma_wait3A_55 = tpu.memref_slice %arg3[%dma_wait3A_54] : memref<331776xi32, #tpu.memory_space<hbm>> -> memref<128xi32, #tpu.memory_space<hbm>>
    tpu.wait_dma2 semaphore(%arg21 : memref<!tpu.dma_semaphore, #tpu.memory_space<semaphore_mem>>) src(%dma_wait3A_55 : memref<128xi32, #tpu.memory_space<hbm>>) dst(%arg9 : memref<128xi32, #tpu.memory_space<vmem>>)
    %dma_wait3A_56 = arith.constant 0 : i32
    %dma_wait3A_57 = tpu.memref_slice %arg4[%dma_wait3A_56] : memref<331776xi32, #tpu.memory_space<hbm>> -> memref<128xi32, #tpu.memory_space<hbm>>
    %dma_wait3A_58 = arith.constant 0 : i32
    %dma_wait3A_59 = tpu.memref_slice %arg4[%dma_wait3A_58] : memref<331776xi32, #tpu.memory_space<hbm>> -> memref<128xi32, #tpu.memory_space<hbm>>
    tpu.wait_dma2 semaphore(%arg21 : memref<!tpu.dma_semaphore, #tpu.memory_space<semaphore_mem>>) src(%dma_wait3A_59 : memref<128xi32, #tpu.memory_space<hbm>>) dst(%arg12 : memref<128xi32, #tpu.memory_space<vmem>>)
    %lt3A = arith.constant 4 : i32
    %lt3A_60 = arith.cmpi slt, %add3A, %lt3A : i32
    %convert_element_type3A_61 = arith.extui %lt3A_60 : i1 to i32
    %cond3A_62 = arith.constant 0 : i32
    %cond3A_63 = arith.cmpi ne, %convert_element_type3A_61, %cond3A_62 : i32
    scf.if %cond3A_63 {
      %dma_start3A_76 = arith.constant 0 : i32
      %dma_start3A_77 = arith.constant 0 : i32
      %dma_start3A_78 = tpu.memref_slice %arg2[%dma_start3A_76, %dma_start3A_77] : memref<10000x128xf32, #tpu.memory_space<hbm>> -> memref<10000x128xf32, #tpu.memory_space<hbm>>
      tpu.enqueue_indirect_dma source(%dma_start3A_78 : memref<10000x128xf32, #tpu.memory_space<hbm>>) target(%arg16 : memref<128x128xf32, #tpu.memory_space<vmem>>) offsets(%arg7 : memref<128xi32, #tpu.memory_space<vmem>>) semaphore(%arg22 : memref<!tpu.dma_semaphore, #tpu.memory_space<semaphore_mem>>)
      %dma_wait3A_79 = arith.constant 0 : i32
      %dma_wait3A_80 = arith.constant 0 : i32
      %dma_wait3A_81 = tpu.memref_slice %arg2[%dma_wait3A_79, %dma_wait3A_80] : memref<10000x128xf32, #tpu.memory_space<hbm>> -> memref<10000x128xf32, #tpu.memory_space<hbm>>
      tpu.wait_indirect_dma semaphore(%arg22 : memref<!tpu.dma_semaphore, #tpu.memory_space<semaphore_mem>>) src(%dma_wait3A_81 : memref<10000x128xf32, #tpu.memory_space<hbm>>) dst(%arg16 : memref<128x128xf32, #tpu.memory_space<vmem>>)
      "tpu.region"() ({
        %run_scoped3A = tpu.sem_alloc : memref<!tpu.dma_semaphore, #tpu.memory_space<semaphore_mem>>
        %dma_start3A_82 = arith.constant 0 : i32
        %dma_start3A_83 = arith.constant 0 : i32
        %dma_start3A_84 = tpu.memref_slice %arg6[%dma_start3A_82, %dma_start3A_83] : memref<10000x128xf32, #tpu.memory_space<vmem_shared>> -> memref<10000x128xf32, #tpu.memory_space<vmem_shared>>
        tpu.enqueue_indirect_dma source(%arg16 : memref<128x128xf32, #tpu.memory_space<vmem>>) target(%dma_start3A_84 : memref<10000x128xf32, #tpu.memory_space<vmem_shared>>) offsets(%arg10 : memref<128xi32, #tpu.memory_space<vmem>>) semaphore(%run_scoped3A : memref<!tpu.dma_semaphore, #tpu.memory_space<semaphore_mem>>) {add = true}
        %dma_wait3A_85 = arith.constant 0 : i32
        %dma_wait3A_86 = arith.constant 0 : i32
        %dma_wait3A_87 = tpu.memref_slice %arg6[%dma_wait3A_85, %dma_wait3A_86] : memref<10000x128xf32, #tpu.memory_space<vmem_shared>> -> memref<10000x128xf32, #tpu.memory_space<vmem_shared>>
        tpu.wait_indirect_dma semaphore(%run_scoped3A : memref<!tpu.dma_semaphore, #tpu.memory_space<semaphore_mem>>) src(%arg16 : memref<128x128xf32, #tpu.memory_space<vmem>>) dst(%dma_wait3A_87 : memref<10000x128xf32, #tpu.memory_space<vmem_shared>>)
        tpu.yield
      }) : () -> ()
    } else {
    }
    %barrier3A_64 = arith.constant 0 : index
    tpu.barrier barrier_id(%barrier3A_64)
    %scan3A_65 = arith.constant 0 : i32
    %scan3A_66 = arith.constant 0 : i32
    %scan3A_67 = arith.constant 5 : i32
    %scan3A_68 = arith.addi %scan3A_66, %scan3A_67 : i32
    %scan3A_69 = arith.constant 1 : i32
    scf.for %scan3A_76 = %scan3A_66 to %scan3A_68 step %scan3A_69  : i32 {
      %mul3A_77 = arith.constant 16 : i32
      %mul3A_78 = arith.muli %scan3A_76, %mul3A_77 : i32
      %add3A_79 = arith.addi %arg1, %mul3A_78 : i32
      %lt3A_80 = arith.constant 78 : i32
      %lt3A_81 = arith.cmpi slt, %add3A_79, %lt3A_80 : i32
      %convert_element_type3A_82 = arith.extui %lt3A_81 : i1 to i32
      %cond3A_83 = arith.constant 0 : i32
      %cond3A_84 = arith.cmpi ne, %convert_element_type3A_82, %cond3A_83 : i32
      scf.if %cond3A_84 {
        %mul3A_85 = arith.constant 128 : i32
        %mul3A_86 = arith.muli %add3A_79, %mul3A_85 : i32
        "tpu.region"() ({
          %run_scoped3A = tpu.sem_alloc : memref<!tpu.dma_semaphore, #tpu.memory_space<semaphore_mem>>
          %dma_start3A_90 = arith.constant 0 : i32
          %dma_start3A_91 = tpu.memref_slice %arg6[%mul3A_86, %dma_start3A_90] : memref<10000x128xf32, #tpu.memory_space<vmem_shared>> -> memref<128x128xf32, #tpu.memory_space<vmem_shared>>
          %dma_start3A_92 = arith.constant 0 : i32
          %dma_start3A_93 = tpu.memref_slice %arg6[%mul3A_86, %dma_start3A_92] : memref<10000x128xf32, #tpu.memory_space<vmem_shared>> -> memref<128x128xf32, #tpu.memory_space<vmem_shared>>
          tpu.enqueue_dma source(%dma_start3A_93 : memref<128x128xf32, #tpu.memory_space<vmem_shared>>) target(%arg16 : memref<128x128xf32, #tpu.memory_space<vmem>>) target_semaphore(%run_scoped3A : memref<!tpu.dma_semaphore, #tpu.memory_space<semaphore_mem>>)
          %dma_wait3A_94 = arith.constant 0 : i32
          %dma_wait3A_95 = tpu.memref_slice %arg6[%mul3A_86, %dma_wait3A_94] : memref<10000x128xf32, #tpu.memory_space<vmem_shared>> -> memref<128x128xf32, #tpu.memory_space<vmem_shared>>
          %dma_wait3A_96 = arith.constant 0 : i32
          %dma_wait3A_97 = tpu.memref_slice %arg6[%mul3A_86, %dma_wait3A_96] : memref<10000x128xf32, #tpu.memory_space<vmem_shared>> -> memref<128x128xf32, #tpu.memory_space<vmem_shared>>
          tpu.wait_dma2 semaphore(%run_scoped3A : memref<!tpu.dma_semaphore, #tpu.memory_space<semaphore_mem>>) src(%dma_wait3A_97 : memref<128x128xf32, #tpu.memory_space<vmem_shared>>) dst(%arg16 : memref<128x128xf32, #tpu.memory_space<vmem>>)
          tpu.yield
        }) : () -> ()
        %mul3A_87 = arith.constant 10000 : i32
        %mul3A_88 = arith.muli %arg0, %mul3A_87 : i32
        %add3A_89 = arith.addi %mul3A_88, %mul3A_86 : i32
        "tpu.region"() ({
          %run_scoped3A = tpu.sem_alloc : memref<!tpu.dma_semaphore, #tpu.memory_space<semaphore_mem>>
          %dma_start3A_90 = arith.constant 0 : i32
          %dma_start3A_91 = tpu.memref_slice %arg5[%add3A_89, %dma_start3A_90] : memref<20000x128xf32, #tpu.memory_space<hbm>> -> memref<128x128xf32, #tpu.memory_space<hbm>>
          %dma_start3A_92 = arith.constant 0 : i32
          %dma_start3A_93 = tpu.memref_slice %arg5[%add3A_89, %dma_start3A_92] : memref<20000x128xf32, #tpu.memory_space<hbm>> -> memref<128x128xf32, #tpu.memory_space<hbm>>
          tpu.enqueue_dma source(%arg16 : memref<128x128xf32, #tpu.memory_space<vmem>>) target(%dma_start3A_93 : memref<128x128xf32, #tpu.memory_space<hbm>>) target_semaphore(%run_scoped3A : memref<!tpu.dma_semaphore, #tpu.memory_space<semaphore_mem>>)
          %dma_wait3A_94 = arith.constant 0 : i32
          %dma_wait3A_95 = tpu.memref_slice %arg5[%add3A_89, %dma_wait3A_94] : memref<20000x128xf32, #tpu.memory_space<hbm>> -> memref<128x128xf32, #tpu.memory_space<hbm>>
          %dma_wait3A_96 = arith.constant 0 : i32
          %dma_wait3A_97 = tpu.memref_slice %arg5[%add3A_89, %dma_wait3A_96] : memref<20000x128xf32, #tpu.memory_space<hbm>> -> memref<128x128xf32, #tpu.memory_space<hbm>>
          tpu.wait_dma2 semaphore(%run_scoped3A : memref<!tpu.dma_semaphore, #tpu.memory_space<semaphore_mem>>) src(%arg16 : memref<128x128xf32, #tpu.memory_space<vmem>>) dst(%dma_wait3A_97 : memref<128x128xf32, #tpu.memory_space<hbm>>)
          tpu.yield
        }) : () -> ()
      } else {
      }
    }
    %scan3A_70 = arith.constant 5 : i32
    %eq3A_71 = arith.constant 15 : i32
    %eq3A_72 = arith.cmpi eq, %arg1, %eq3A_71 : i32
    %convert_element_type3A_73 = arith.extui %eq3A_72 : i1 to i32
    %cond3A_74 = arith.constant 0 : i32
    %cond3A_75 = arith.cmpi ne, %convert_element_type3A_73, %cond3A_74 : i32
    scf.if %cond3A_75 {
      "tpu.region"() ({
        %run_scoped3A = tpu.sem_alloc : memref<!tpu.dma_semaphore, #tpu.memory_space<semaphore_mem>>
        %dma_start3A_80 = arith.constant 0 : i32
        %dma_start3A_81 = arith.constant 0 : i32
        %dma_start3A_82 = tpu.memref_slice %arg16[%dma_start3A_80, %dma_start3A_81] : memref<128x128xf32, #tpu.memory_space<vmem>> -> memref<16x128xf32, #tpu.memory_space<vmem>>
        %dma_start3A_83 = arith.constant 9984 : i32
        %dma_start3A_84 = arith.constant 0 : i32
        %dma_start3A_85 = tpu.memref_slice %arg6[%dma_start3A_83, %dma_start3A_84] : memref<10000x128xf32, #tpu.memory_space<vmem_shared>> -> memref<16x128xf32, #tpu.memory_space<vmem_shared>>
        %dma_start3A_86 = arith.constant 0 : i32
        %dma_start3A_87 = arith.constant 0 : i32
        %dma_start3A_88 = tpu.memref_slice %arg16[%dma_start3A_86, %dma_start3A_87] : memref<128x128xf32, #tpu.memory_space<vmem>> -> memref<16x128xf32, #tpu.memory_space<vmem>>
        %dma_start3A_89 = arith.constant 9984 : i32
        %dma_start3A_90 = arith.constant 0 : i32
        %dma_start3A_91 = tpu.memref_slice %arg6[%dma_start3A_89, %dma_start3A_90] : memref<10000x128xf32, #tpu.memory_space<vmem_shared>> -> memref<16x128xf32, #tpu.memory_space<vmem_shared>>
        tpu.enqueue_dma source(%dma_start3A_91 : memref<16x128xf32, #tpu.memory_space<vmem_shared>>) target(%dma_start3A_88 : memref<16x128xf32, #tpu.memory_space<vmem>>) target_semaphore(%run_scoped3A : memref<!tpu.dma_semaphore, #tpu.memory_space<semaphore_mem>>)
        %dma_wait3A_92 = arith.constant 0 : i32
        %dma_wait3A_93 = arith.constant 0 : i32
        %dma_wait3A_94 = tpu.memref_slice %arg16[%dma_wait3A_92, %dma_wait3A_93] : memref<128x128xf32, #tpu.memory_space<vmem>> -> memref<16x128xf32, #tpu.memory_space<vmem>>
        %dma_wait3A_95 = arith.constant 9984 : i32
        %dma_wait3A_96 = arith.constant 0 : i32
        %dma_wait3A_97 = tpu.memref_slice %arg6[%dma_wait3A_95, %dma_wait3A_96] : memref<10000x128xf32, #tpu.memory_space<vmem_shared>> -> memref<16x128xf32, #tpu.memory_space<vmem_shared>>
        %dma_wait3A_98 = arith.constant 0 : i32
        %dma_wait3A_99 = arith.constant 0 : i32
        %dma_wait3A_100 = tpu.memref_slice %arg16[%dma_wait3A_98, %dma_wait3A_99] : memref<128x128xf32, #tpu.memory_space<vmem>> -> memref<16x128xf32, #tpu.memory_space<vmem>>
        %dma_wait3A_101 = arith.constant 9984 : i32
        %dma_wait3A_102 = arith.constant 0 : i32
        %dma_wait3A_103 = tpu.memref_slice %arg6[%dma_wait3A_101, %dma_wait3A_102] : memref<10000x128xf32, #tpu.memory_space<vmem_shared>> -> memref<16x128xf32, #tpu.memory_space<vmem_shared>>
        tpu.wait_dma2 semaphore(%run_scoped3A : memref<!tpu.dma_semaphore, #tpu.memory_space<semaphore_mem>>) src(%dma_wait3A_103 : memref<16x128xf32, #tpu.memory_space<vmem_shared>>) dst(%dma_wait3A_100 : memref<16x128xf32, #tpu.memory_space<vmem>>)
        tpu.yield
      }) : () -> ()
      %mul3A_76 = arith.constant 10000 : i32
      %mul3A_77 = arith.muli %arg0, %mul3A_76 : i32
      %add3A_78 = arith.constant 9984 : i32
      %add3A_79 = arith.addi %mul3A_77, %add3A_78 : i32
      "tpu.region"() ({
        %run_scoped3A = tpu.sem_alloc : memref<!tpu.dma_semaphore, #tpu.memory_space<semaphore_mem>>
        %dma_start3A_80 = arith.constant 0 : i32
        %dma_start3A_81 = arith.constant 0 : i32
        %dma_start3A_82 = tpu.memref_slice %arg16[%dma_start3A_80, %dma_start3A_81] : memref<128x128xf32, #tpu.memory_space<vmem>> -> memref<16x128xf32, #tpu.memory_space<vmem>>
        %dma_start3A_83 = arith.constant 0 : i32
        %dma_start3A_84 = tpu.memref_slice %arg5[%add3A_79, %dma_start3A_83] : memref<20000x128xf32, #tpu.memory_space<hbm>> -> memref<16x128xf32, #tpu.memory_space<hbm>>
        %dma_start3A_85 = arith.constant 0 : i32
        %dma_start3A_86 = tpu.memref_slice %arg5[%add3A_79, %dma_start3A_85] : memref<20000x128xf32, #tpu.memory_space<hbm>> -> memref<16x128xf32, #tpu.memory_space<hbm>>
        %dma_start3A_87 = arith.constant 0 : i32
        %dma_start3A_88 = arith.constant 0 : i32
        %dma_start3A_89 = tpu.memref_slice %arg16[%dma_start3A_87, %dma_start3A_88] : memref<128x128xf32, #tpu.memory_space<vmem>> -> memref<16x128xf32, #tpu.memory_space<vmem>>
        tpu.enqueue_dma source(%dma_start3A_89 : memref<16x128xf32, #tpu.memory_space<vmem>>) target(%dma_start3A_86 : memref<16x128xf32, #tpu.memory_space<hbm>>) target_semaphore(%run_scoped3A : memref<!tpu.dma_semaphore, #tpu.memory_space<semaphore_mem>>)
        %dma_wait3A_90 = arith.constant 0 : i32
        %dma_wait3A_91 = arith.constant 0 : i32
        %dma_wait3A_92 = tpu.memref_slice %arg16[%dma_wait3A_90, %dma_wait3A_91] : memref<128x128xf32, #tpu.memory_space<vmem>> -> memref<16x128xf32, #tpu.memory_space<vmem>>
        %dma_wait3A_93 = arith.constant 0 : i32
        %dma_wait3A_94 = tpu.memref_slice %arg5[%add3A_79, %dma_wait3A_93] : memref<20000x128xf32, #tpu.memory_space<hbm>> -> memref<16x128xf32, #tpu.memory_space<hbm>>
        %dma_wait3A_95 = arith.constant 0 : i32
        %dma_wait3A_96 = tpu.memref_slice %arg5[%add3A_79, %dma_wait3A_95] : memref<20000x128xf32, #tpu.memory_space<hbm>> -> memref<16x128xf32, #tpu.memory_space<hbm>>
        %dma_wait3A_97 = arith.constant 0 : i32
        %dma_wait3A_98 = arith.constant 0 : i32
        %dma_wait3A_99 = tpu.memref_slice %arg16[%dma_wait3A_97, %dma_wait3A_98] : memref<128x128xf32, #tpu.memory_space<vmem>> -> memref<16x128xf32, #tpu.memory_space<vmem>>
        tpu.wait_dma2 semaphore(%run_scoped3A : memref<!tpu.dma_semaphore, #tpu.memory_space<semaphore_mem>>) src(%dma_wait3A_99 : memref<16x128xf32, #tpu.memory_space<vmem>>) dst(%dma_wait3A_96 : memref<16x128xf32, #tpu.memory_space<hbm>>)
        tpu.yield
      }) : () -> ()
    } else {
    }
    return
  }
}

#map = affine_map<(d0, d1) -> (0)>
module attributes {stable_mosaic.version = 14 : i64} {
  func.func @_deg_kernel(%arg0: i32, %arg1: i32, %arg2: memref<331776xi32, #tpu.memory_space<hbm>>, %arg3: memref<20480xf32, #tpu.memory_space<hbm>>, %arg4: memref<10240xf32, #tpu.memory_space<vmem_shared>>, %arg5: memref<640xf32, #tpu.memory_space<vmem>>, %arg6: memref<128xf32, #tpu.memory_space<vmem>>, %arg7: memref<128xi32, #tpu.memory_space<vmem>>, %arg8: memref<128xi32, #tpu.memory_space<vmem>>, %arg9: memref<128xi32, #tpu.memory_space<vmem>>, %arg10: memref<128xi32, #tpu.memory_space<vmem>>, %arg11: memref<!tpu.dma_semaphore, #tpu.memory_space<semaphore_mem>>, %arg12: memref<!tpu.dma_semaphore, #tpu.memory_space<semaphore_mem>>, %arg13: memref<!tpu.dma_semaphore, #tpu.memory_space<semaphore_mem>>, %arg14: memref<!tpu.dma_semaphore, #tpu.memory_space<semaphore_mem>>) attributes {dimension_semantics = [#tpu.dimension_semantics<core_parallel>, #tpu.dimension_semantics<subcore_parallel>], iteration_bounds = array<i64: 2, 16>, scalar_prefetch = 0 : i64, scratch_operands = 11 : i64, tpu.core_type = #tpu.core_type<sc_vector_subcore>, window_params = [{transform_indices = #map}, {transform_indices = #map}]} {
    %mul3A = arith.constant 16 : i32
    %mul3A_0 = arith.muli %arg0, %mul3A : i32
    %add3A = arith.addi %mul3A_0, %arg1 : i32
    %broadcast_in_dim3A = arith.constant 1.000000e+00 : f32
    %broadcast_in_dim3A_1 = vector.broadcast %broadcast_in_dim3A : f32 to vector<16xf32>
    %swap3A = arith.constant 0 : index
    %swap3A_2 = tpu.vector_load %arg6[%swap3A] {strides = array<i32>} : memref<128xf32, #tpu.memory_space<vmem>>, vector<16xf32>,
    %swap3A_3 = vector.shape_cast %swap3A_2 : vector<16xf32> to vector<16xf32>
    %swap3A_4 = vector.shape_cast %broadcast_in_dim3A_1 : vector<16xf32> to vector<16xf32>
    tpu.vector_store %arg6[%swap3A], %swap3A_4 {strides = array<i32>} : memref<128xf32, #tpu.memory_space<vmem>>, vector<16xf32>,
    %swap3A_5 = arith.constant 16 : index
    %swap3A_6 = tpu.vector_load %arg6[%swap3A_5] {strides = array<i32>} : memref<128xf32, #tpu.memory_space<vmem>>, vector<16xf32>,
    %swap3A_7 = vector.shape_cast %swap3A_6 : vector<16xf32> to vector<16xf32>
    %swap3A_8 = vector.shape_cast %broadcast_in_dim3A_1 : vector<16xf32> to vector<16xf32>
    tpu.vector_store %arg6[%swap3A_5], %swap3A_8 {strides = array<i32>} : memref<128xf32, #tpu.memory_space<vmem>>, vector<16xf32>,
    %swap3A_9 = arith.constant 32 : index
    %swap3A_10 = tpu.vector_load %arg6[%swap3A_9] {strides = array<i32>} : memref<128xf32, #tpu.memory_space<vmem>>, vector<16xf32>,
    %swap3A_11 = vector.shape_cast %swap3A_10 : vector<16xf32> to vector<16xf32>
    %swap3A_12 = vector.shape_cast %broadcast_in_dim3A_1 : vector<16xf32> to vector<16xf32>
    tpu.vector_store %arg6[%swap3A_9], %swap3A_12 {strides = array<i32>} : memref<128xf32, #tpu.memory_space<vmem>>, vector<16xf32>,
    %swap3A_13 = arith.constant 48 : index
    %swap3A_14 = tpu.vector_load %arg6[%swap3A_13] {strides = array<i32>} : memref<128xf32, #tpu.memory_space<vmem>>, vector<16xf32>,
    %swap3A_15 = vector.shape_cast %swap3A_14 : vector<16xf32> to vector<16xf32>
    %swap3A_16 = vector.shape_cast %broadcast_in_dim3A_1 : vector<16xf32> to vector<16xf32>
    tpu.vector_store %arg6[%swap3A_13], %swap3A_16 {strides = array<i32>} : memref<128xf32, #tpu.memory_space<vmem>>, vector<16xf32>,
    %swap3A_17 = arith.constant 64 : index
    %swap3A_18 = tpu.vector_load %arg6[%swap3A_17] {strides = array<i32>} : memref<128xf32, #tpu.memory_space<vmem>>, vector<16xf32>,
    %swap3A_19 = vector.shape_cast %swap3A_18 : vector<16xf32> to vector<16xf32>
    %swap3A_20 = vector.shape_cast %broadcast_in_dim3A_1 : vector<16xf32> to vector<16xf32>
    tpu.vector_store %arg6[%swap3A_17], %swap3A_20 {strides = array<i32>} : memref<128xf32, #tpu.memory_space<vmem>>, vector<16xf32>,
    %swap3A_21 = arith.constant 80 : index
    %swap3A_22 = tpu.vector_load %arg6[%swap3A_21] {strides = array<i32>} : memref<128xf32, #tpu.memory_space<vmem>>, vector<16xf32>,
    %swap3A_23 = vector.shape_cast %swap3A_22 : vector<16xf32> to vector<16xf32>
    %swap3A_24 = vector.shape_cast %broadcast_in_dim3A_1 : vector<16xf32> to vector<16xf32>
    tpu.vector_store %arg6[%swap3A_21], %swap3A_24 {strides = array<i32>} : memref<128xf32, #tpu.memory_space<vmem>>, vector<16xf32>,
    %swap3A_25 = arith.constant 96 : index
    %swap3A_26 = tpu.vector_load %arg6[%swap3A_25] {strides = array<i32>} : memref<128xf32, #tpu.memory_space<vmem>>, vector<16xf32>,
    %swap3A_27 = vector.shape_cast %swap3A_26 : vector<16xf32> to vector<16xf32>
    %swap3A_28 = vector.shape_cast %broadcast_in_dim3A_1 : vector<16xf32> to vector<16xf32>
    tpu.vector_store %arg6[%swap3A_25], %swap3A_28 {strides = array<i32>} : memref<128xf32, #tpu.memory_space<vmem>>, vector<16xf32>,
    %swap3A_29 = arith.constant 112 : index
    %swap3A_30 = tpu.vector_load %arg6[%swap3A_29] {strides = array<i32>} : memref<128xf32, #tpu.memory_space<vmem>>, vector<16xf32>,
    %swap3A_31 = vector.shape_cast %swap3A_30 : vector<16xf32> to vector<16xf32>
    %swap3A_32 = vector.shape_cast %broadcast_in_dim3A_1 : vector<16xf32> to vector<16xf32>
    tpu.vector_store %arg6[%swap3A_29], %swap3A_32 {strides = array<i32>} : memref<128xf32, #tpu.memory_space<vmem>>, vector<16xf32>,
    %eq3A = arith.constant 0 : i32
    %eq3A_33 = arith.cmpi eq, %arg0, %eq3A : i32
    %jit3A = arith.constant 1.000000e+00 : f32
    %jit3A_34 = arith.constant 0.000000e+00 : f32
    %select_n3A = arith.select %eq3A_33, %jit3A, %jit3A_34 : f32
    %mul3A_35 = vector.broadcast %select_n3A : f32 to vector<16xf32>
    %mul3A_36 = arith.mulf %mul3A_35, %broadcast_in_dim3A_1 : vector<16xf32>
    %swap3A_37 = arith.constant 0 : index
    %swap3A_38 = tpu.vector_load %arg5[%swap3A_37] {strides = array<i32>} : memref<640xf32, #tpu.memory_space<vmem>>, vector<16xf32>,
    %swap3A_39 = vector.shape_cast %swap3A_38 : vector<16xf32> to vector<16xf32>
    %swap3A_40 = vector.shape_cast %mul3A_36 : vector<16xf32> to vector<16xf32>
    tpu.vector_store %arg5[%swap3A_37], %swap3A_40 {strides = array<i32>} : memref<640xf32, #tpu.memory_space<vmem>>, vector<16xf32>,
    %swap3A_41 = arith.constant 16 : index
    %swap3A_42 = tpu.vector_load %arg5[%swap3A_41] {strides = array<i32>} : memref<640xf32, #tpu.memory_space<vmem>>, vector<16xf32>,
    %swap3A_43 = vector.shape_cast %swap3A_42 : vector<16xf32> to vector<16xf32>
    %swap3A_44 = vector.shape_cast %mul3A_36 : vector<16xf32> to vector<16xf32>
    tpu.vector_store %arg5[%swap3A_41], %swap3A_44 {strides = array<i32>} : memref<640xf32, #tpu.memory_space<vmem>>, vector<16xf32>,
    %swap3A_45 = arith.constant 32 : index
    %swap3A_46 = tpu.vector_load %arg5[%swap3A_45] {strides = array<i32>} : memref<640xf32, #tpu.memory_space<vmem>>, vector<16xf32>,
    %swap3A_47 = vector.shape_cast %swap3A_46 : vector<16xf32> to vector<16xf32>
    %swap3A_48 = vector.shape_cast %mul3A_36 : vector<16xf32> to vector<16xf32>
    tpu.vector_store %arg5[%swap3A_45], %swap3A_48 {strides = array<i32>} : memref<640xf32, #tpu.memory_space<vmem>>, vector<16xf32>,
    %swap3A_49 = arith.constant 48 : index
    %swap3A_50 = tpu.vector_load %arg5[%swap3A_49] {strides = array<i32>} : memref<640xf32, #tpu.memory_space<vmem>>, vector<16xf32>,
    %swap3A_51 = vector.shape_cast %swap3A_50 : vector<16xf32> to vector<16xf32>
    %swap3A_52 = vector.shape_cast %mul3A_36 : vector<16xf32> to vector<16xf32>
    tpu.vector_store %arg5[%swap3A_49], %swap3A_52 {strides = array<i32>} : memref<640xf32, #tpu.memory_space<vmem>>, vector<16xf32>,
    %swap3A_53 = arith.constant 64 : index
    %swap3A_54 = tpu.vector_load %arg5[%swap3A_53] {strides = array<i32>} : memref<640xf32, #tpu.memory_space<vmem>>, vector<16xf32>,
    %swap3A_55 = vector.shape_cast %swap3A_54 : vector<16xf32> to vector<16xf32>
    %swap3A_56 = vector.shape_cast %mul3A_36 : vector<16xf32> to vector<16xf32>
    tpu.vector_store %arg5[%swap3A_53], %swap3A_56 {strides = array<i32>} : memref<640xf32, #tpu.memory_space<vmem>>, vector<16xf32>,
    %swap3A_57 = arith.constant 80 : index
    %swap3A_58 = tpu.vector_load %arg5[%swap3A_57] {strides = array<i32>} : memref<640xf32, #tpu.memory_space<vmem>>, vector<16xf32>,
    %swap3A_59 = vector.shape_cast %swap3A_58 : vector<16xf32> to vector<16xf32>
    %swap3A_60 = vector.shape_cast %mul3A_36 : vector<16xf32> to vector<16xf32>
    tpu.vector_store %arg5[%swap3A_57], %swap3A_60 {strides = array<i32>} : memref<640xf32, #tpu.memory_space<vmem>>, vector<16xf32>,
    %swap3A_61 = arith.constant 96 : index
    %swap3A_62 = tpu.vector_load %arg5[%swap3A_61] {strides = array<i32>} : memref<640xf32, #tpu.memory_space<vmem>>, vector<16xf32>,
    %swap3A_63 = vector.shape_cast %swap3A_62 : vector<16xf32> to vector<16xf32>
    %swap3A_64 = vector.shape_cast %mul3A_36 : vector<16xf32> to vector<16xf32>
    tpu.vector_store %arg5[%swap3A_61], %swap3A_64 {strides = array<i32>} : memref<640xf32, #tpu.memory_space<vmem>>, vector<16xf32>,
    %swap3A_65 = arith.constant 112 : index
    %swap3A_66 = tpu.vector_load %arg5[%swap3A_65] {strides = array<i32>} : memref<640xf32, #tpu.memory_space<vmem>>, vector<16xf32>,
    %swap3A_67 = vector.shape_cast %swap3A_66 : vector<16xf32> to vector<16xf32>
    %swap3A_68 = vector.shape_cast %mul3A_36 : vector<16xf32> to vector<16xf32>
    tpu.vector_store %arg5[%swap3A_65], %swap3A_68 {strides = array<i32>} : memref<640xf32, #tpu.memory_space<vmem>>, vector<16xf32>,
    %swap3A_69 = arith.constant 128 : index
    %swap3A_70 = tpu.vector_load %arg5[%swap3A_69] {strides = array<i32>} : memref<640xf32, #tpu.memory_space<vmem>>, vector<16xf32>,
    %swap3A_71 = vector.shape_cast %swap3A_70 : vector<16xf32> to vector<16xf32>
    %swap3A_72 = vector.shape_cast %mul3A_36 : vector<16xf32> to vector<16xf32>
    tpu.vector_store %arg5[%swap3A_69], %swap3A_72 {strides = array<i32>} : memref<640xf32, #tpu.memory_space<vmem>>, vector<16xf32>,
    %swap3A_73 = arith.constant 144 : index
    %swap3A_74 = tpu.vector_load %arg5[%swap3A_73] {strides = array<i32>} : memref<640xf32, #tpu.memory_space<vmem>>, vector<16xf32>,
    %swap3A_75 = vector.shape_cast %swap3A_74 : vector<16xf32> to vector<16xf32>
    %swap3A_76 = vector.shape_cast %mul3A_36 : vector<16xf32> to vector<16xf32>
    tpu.vector_store %arg5[%swap3A_73], %swap3A_76 {strides = array<i32>} : memref<640xf32, #tpu.memory_space<vmem>>, vector<16xf32>,
    %swap3A_77 = arith.constant 160 : index
    %swap3A_78 = tpu.vector_load %arg5[%swap3A_77] {strides = array<i32>} : memref<640xf32, #tpu.memory_space<vmem>>, vector<16xf32>,
    %swap3A_79 = vector.shape_cast %swap3A_78 : vector<16xf32> to vector<16xf32>
    %swap3A_80 = vector.shape_cast %mul3A_36 : vector<16xf32> to vector<16xf32>
    tpu.vector_store %arg5[%swap3A_77], %swap3A_80 {strides = array<i32>} : memref<640xf32, #tpu.memory_space<vmem>>, vector<16xf32>,
    %swap3A_81 = arith.constant 176 : index
    %swap3A_82 = tpu.vector_load %arg5[%swap3A_81] {strides = array<i32>} : memref<640xf32, #tpu.memory_space<vmem>>, vector<16xf32>,
    %swap3A_83 = vector.shape_cast %swap3A_82 : vector<16xf32> to vector<16xf32>
    %swap3A_84 = vector.shape_cast %mul3A_36 : vector<16xf32> to vector<16xf32>
    tpu.vector_store %arg5[%swap3A_81], %swap3A_84 {strides = array<i32>} : memref<640xf32, #tpu.memory_space<vmem>>, vector<16xf32>,
    %swap3A_85 = arith.constant 192 : index
    %swap3A_86 = tpu.vector_load %arg5[%swap3A_85] {strides = array<i32>} : memref<640xf32, #tpu.memory_space<vmem>>, vector<16xf32>,
    %swap3A_87 = vector.shape_cast %swap3A_86 : vector<16xf32> to vector<16xf32>
    %swap3A_88 = vector.shape_cast %mul3A_36 : vector<16xf32> to vector<16xf32>
    tpu.vector_store %arg5[%swap3A_85], %swap3A_88 {strides = array<i32>} : memref<640xf32, #tpu.memory_space<vmem>>, vector<16xf32>,
    %swap3A_89 = arith.constant 208 : index
    %swap3A_90 = tpu.vector_load %arg5[%swap3A_89] {strides = array<i32>} : memref<640xf32, #tpu.memory_space<vmem>>, vector<16xf32>,
    %swap3A_91 = vector.shape_cast %swap3A_90 : vector<16xf32> to vector<16xf32>
    %swap3A_92 = vector.shape_cast %mul3A_36 : vector<16xf32> to vector<16xf32>
    tpu.vector_store %arg5[%swap3A_89], %swap3A_92 {strides = array<i32>} : memref<640xf32, #tpu.memory_space<vmem>>, vector<16xf32>,
    %swap3A_93 = arith.constant 224 : index
    %swap3A_94 = tpu.vector_load %arg5[%swap3A_93] {strides = array<i32>} : memref<640xf32, #tpu.memory_space<vmem>>, vector<16xf32>,
    %swap3A_95 = vector.shape_cast %swap3A_94 : vector<16xf32> to vector<16xf32>
    %swap3A_96 = vector.shape_cast %mul3A_36 : vector<16xf32> to vector<16xf32>
    tpu.vector_store %arg5[%swap3A_93], %swap3A_96 {strides = array<i32>} : memref<640xf32, #tpu.memory_space<vmem>>, vector<16xf32>,
    %swap3A_97 = arith.constant 240 : index
    %swap3A_98 = tpu.vector_load %arg5[%swap3A_97] {strides = array<i32>} : memref<640xf32, #tpu.memory_space<vmem>>, vector<16xf32>,
    %swap3A_99 = vector.shape_cast %swap3A_98 : vector<16xf32> to vector<16xf32>
    %swap3A_100 = vector.shape_cast %mul3A_36 : vector<16xf32> to vector<16xf32>
    tpu.vector_store %arg5[%swap3A_97], %swap3A_100 {strides = array<i32>} : memref<640xf32, #tpu.memory_space<vmem>>, vector<16xf32>,
    %swap3A_101 = arith.constant 256 : index
    %swap3A_102 = tpu.vector_load %arg5[%swap3A_101] {strides = array<i32>} : memref<640xf32, #tpu.memory_space<vmem>>, vector<16xf32>,
    %swap3A_103 = vector.shape_cast %swap3A_102 : vector<16xf32> to vector<16xf32>
    %swap3A_104 = vector.shape_cast %mul3A_36 : vector<16xf32> to vector<16xf32>
    tpu.vector_store %arg5[%swap3A_101], %swap3A_104 {strides = array<i32>} : memref<640xf32, #tpu.memory_space<vmem>>, vector<16xf32>,
    %swap3A_105 = arith.constant 272 : index
    %swap3A_106 = tpu.vector_load %arg5[%swap3A_105] {strides = array<i32>} : memref<640xf32, #tpu.memory_space<vmem>>, vector<16xf32>,
    %swap3A_107 = vector.shape_cast %swap3A_106 : vector<16xf32> to vector<16xf32>
    %swap3A_108 = vector.shape_cast %mul3A_36 : vector<16xf32> to vector<16xf32>
    tpu.vector_store %arg5[%swap3A_105], %swap3A_108 {strides = array<i32>} : memref<640xf32, #tpu.memory_space<vmem>>, vector<16xf32>,
    %swap3A_109 = arith.constant 288 : index
    %swap3A_110 = tpu.vector_load %arg5[%swap3A_109] {strides = array<i32>} : memref<640xf32, #tpu.memory_space<vmem>>, vector<16xf32>,
    %swap3A_111 = vector.shape_cast %swap3A_110 : vector<16xf32> to vector<16xf32>
    %swap3A_112 = vector.shape_cast %mul3A_36 : vector<16xf32> to vector<16xf32>
    tpu.vector_store %arg5[%swap3A_109], %swap3A_112 {strides = array<i32>} : memref<640xf32, #tpu.memory_space<vmem>>, vector<16xf32>,
    %swap3A_113 = arith.constant 304 : index
    %swap3A_114 = tpu.vector_load %arg5[%swap3A_113] {strides = array<i32>} : memref<640xf32, #tpu.memory_space<vmem>>, vector<16xf32>,
    %swap3A_115 = vector.shape_cast %swap3A_114 : vector<16xf32> to vector<16xf32>
    %swap3A_116 = vector.shape_cast %mul3A_36 : vector<16xf32> to vector<16xf32>
    tpu.vector_store %arg5[%swap3A_113], %swap3A_116 {strides = array<i32>} : memref<640xf32, #tpu.memory_space<vmem>>, vector<16xf32>,
    %swap3A_117 = arith.constant 320 : index
    %swap3A_118 = tpu.vector_load %arg5[%swap3A_117] {strides = array<i32>} : memref<640xf32, #tpu.memory_space<vmem>>, vector<16xf32>,
    %swap3A_119 = vector.shape_cast %swap3A_118 : vector<16xf32> to vector<16xf32>
    %swap3A_120 = vector.shape_cast %mul3A_36 : vector<16xf32> to vector<16xf32>
    tpu.vector_store %arg5[%swap3A_117], %swap3A_120 {strides = array<i32>} : memref<640xf32, #tpu.memory_space<vmem>>, vector<16xf32>,
    %swap3A_121 = arith.constant 336 : index
    %swap3A_122 = tpu.vector_load %arg5[%swap3A_121] {strides = array<i32>} : memref<640xf32, #tpu.memory_space<vmem>>, vector<16xf32>,
    %swap3A_123 = vector.shape_cast %swap3A_122 : vector<16xf32> to vector<16xf32>
    %swap3A_124 = vector.shape_cast %mul3A_36 : vector<16xf32> to vector<16xf32>
    tpu.vector_store %arg5[%swap3A_121], %swap3A_124 {strides = array<i32>} : memref<640xf32, #tpu.memory_space<vmem>>, vector<16xf32>,
    %swap3A_125 = arith.constant 352 : index
    %swap3A_126 = tpu.vector_load %arg5[%swap3A_125] {strides = array<i32>} : memref<640xf32, #tpu.memory_space<vmem>>, vector<16xf32>,
    %swap3A_127 = vector.shape_cast %swap3A_126 : vector<16xf32> to vector<16xf32>
    %swap3A_128 = vector.shape_cast %mul3A_36 : vector<16xf32> to vector<16xf32>
    tpu.vector_store %arg5[%swap3A_125], %swap3A_128 {strides = array<i32>} : memref<640xf32, #tpu.memory_space<vmem>>, vector<16xf32>,
    %swap3A_129 = arith.constant 368 : index
    %swap3A_130 = tpu.vector_load %arg5[%swap3A_129] {strides = array<i32>} : memref<640xf32, #tpu.memory_space<vmem>>, vector<16xf32>,
    %swap3A_131 = vector.shape_cast %swap3A_130 : vector<16xf32> to vector<16xf32>
    %swap3A_132 = vector.shape_cast %mul3A_36 : vector<16xf32> to vector<16xf32>
    tpu.vector_store %arg5[%swap3A_129], %swap3A_132 {strides = array<i32>} : memref<640xf32, #tpu.memory_space<vmem>>, vector<16xf32>,
    %swap3A_133 = arith.constant 384 : index
    %swap3A_134 = tpu.vector_load %arg5[%swap3A_133] {strides = array<i32>} : memref<640xf32, #tpu.memory_space<vmem>>, vector<16xf32>,
    %swap3A_135 = vector.shape_cast %swap3A_134 : vector<16xf32> to vector<16xf32>
    %swap3A_136 = vector.shape_cast %mul3A_36 : vector<16xf32> to vector<16xf32>
    tpu.vector_store %arg5[%swap3A_133], %swap3A_136 {strides = array<i32>} : memref<640xf32, #tpu.memory_space<vmem>>, vector<16xf32>,
    %swap3A_137 = arith.constant 400 : index
    %swap3A_138 = tpu.vector_load %arg5[%swap3A_137] {strides = array<i32>} : memref<640xf32, #tpu.memory_space<vmem>>, vector<16xf32>,
    %swap3A_139 = vector.shape_cast %swap3A_138 : vector<16xf32> to vector<16xf32>
    %swap3A_140 = vector.shape_cast %mul3A_36 : vector<16xf32> to vector<16xf32>
    tpu.vector_store %arg5[%swap3A_137], %swap3A_140 {strides = array<i32>} : memref<640xf32, #tpu.memory_space<vmem>>, vector<16xf32>,
    %swap3A_141 = arith.constant 416 : index
    %swap3A_142 = tpu.vector_load %arg5[%swap3A_141] {strides = array<i32>} : memref<640xf32, #tpu.memory_space<vmem>>, vector<16xf32>,
    %swap3A_143 = vector.shape_cast %swap3A_142 : vector<16xf32> to vector<16xf32>
    %swap3A_144 = vector.shape_cast %mul3A_36 : vector<16xf32> to vector<16xf32>
    tpu.vector_store %arg5[%swap3A_141], %swap3A_144 {strides = array<i32>} : memref<640xf32, #tpu.memory_space<vmem>>, vector<16xf32>,
    %swap3A_145 = arith.constant 432 : index
    %swap3A_146 = tpu.vector_load %arg5[%swap3A_145] {strides = array<i32>} : memref<640xf32, #tpu.memory_space<vmem>>, vector<16xf32>,
    %swap3A_147 = vector.shape_cast %swap3A_146 : vector<16xf32> to vector<16xf32>
    %swap3A_148 = vector.shape_cast %mul3A_36 : vector<16xf32> to vector<16xf32>
    tpu.vector_store %arg5[%swap3A_145], %swap3A_148 {strides = array<i32>} : memref<640xf32, #tpu.memory_space<vmem>>, vector<16xf32>,
    %swap3A_149 = arith.constant 448 : index
    %swap3A_150 = tpu.vector_load %arg5[%swap3A_149] {strides = array<i32>} : memref<640xf32, #tpu.memory_space<vmem>>, vector<16xf32>,
    %swap3A_151 = vector.shape_cast %swap3A_150 : vector<16xf32> to vector<16xf32>
    %swap3A_152 = vector.shape_cast %mul3A_36 : vector<16xf32> to vector<16xf32>
    tpu.vector_store %arg5[%swap3A_149], %swap3A_152 {strides = array<i32>} : memref<640xf32, #tpu.memory_space<vmem>>, vector<16xf32>,
    %swap3A_153 = arith.constant 464 : index
    %swap3A_154 = tpu.vector_load %arg5[%swap3A_153] {strides = array<i32>} : memref<640xf32, #tpu.memory_space<vmem>>, vector<16xf32>,
    %swap3A_155 = vector.shape_cast %swap3A_154 : vector<16xf32> to vector<16xf32>
    %swap3A_156 = vector.shape_cast %mul3A_36 : vector<16xf32> to vector<16xf32>
    tpu.vector_store %arg5[%swap3A_153], %swap3A_156 {strides = array<i32>} : memref<640xf32, #tpu.memory_space<vmem>>, vector<16xf32>,
    %swap3A_157 = arith.constant 480 : index
    %swap3A_158 = tpu.vector_load %arg5[%swap3A_157] {strides = array<i32>} : memref<640xf32, #tpu.memory_space<vmem>>, vector<16xf32>,
    %swap3A_159 = vector.shape_cast %swap3A_158 : vector<16xf32> to vector<16xf32>
    %swap3A_160 = vector.shape_cast %mul3A_36 : vector<16xf32> to vector<16xf32>
    tpu.vector_store %arg5[%swap3A_157], %swap3A_160 {strides = array<i32>} : memref<640xf32, #tpu.memory_space<vmem>>, vector<16xf32>,
    %swap3A_161 = arith.constant 496 : index
    %swap3A_162 = tpu.vector_load %arg5[%swap3A_161] {strides = array<i32>} : memref<640xf32, #tpu.memory_space<vmem>>, vector<16xf32>,
    %swap3A_163 = vector.shape_cast %swap3A_162 : vector<16xf32> to vector<16xf32>
    %swap3A_164 = vector.shape_cast %mul3A_36 : vector<16xf32> to vector<16xf32>
    tpu.vector_store %arg5[%swap3A_161], %swap3A_164 {strides = array<i32>} : memref<640xf32, #tpu.memory_space<vmem>>, vector<16xf32>,
    %swap3A_165 = arith.constant 512 : index
    %swap3A_166 = tpu.vector_load %arg5[%swap3A_165] {strides = array<i32>} : memref<640xf32, #tpu.memory_space<vmem>>, vector<16xf32>,
    %swap3A_167 = vector.shape_cast %swap3A_166 : vector<16xf32> to vector<16xf32>
    %swap3A_168 = vector.shape_cast %mul3A_36 : vector<16xf32> to vector<16xf32>
    tpu.vector_store %arg5[%swap3A_165], %swap3A_168 {strides = array<i32>} : memref<640xf32, #tpu.memory_space<vmem>>, vector<16xf32>,
    %swap3A_169 = arith.constant 528 : index
    %swap3A_170 = tpu.vector_load %arg5[%swap3A_169] {strides = array<i32>} : memref<640xf32, #tpu.memory_space<vmem>>, vector<16xf32>,
    %swap3A_171 = vector.shape_cast %swap3A_170 : vector<16xf32> to vector<16xf32>
    %swap3A_172 = vector.shape_cast %mul3A_36 : vector<16xf32> to vector<16xf32>
    tpu.vector_store %arg5[%swap3A_169], %swap3A_172 {strides = array<i32>} : memref<640xf32, #tpu.memory_space<vmem>>, vector<16xf32>,
    %swap3A_173 = arith.constant 544 : index
    %swap3A_174 = tpu.vector_load %arg5[%swap3A_173] {strides = array<i32>} : memref<640xf32, #tpu.memory_space<vmem>>, vector<16xf32>,
    %swap3A_175 = vector.shape_cast %swap3A_174 : vector<16xf32> to vector<16xf32>
    %swap3A_176 = vector.shape_cast %mul3A_36 : vector<16xf32> to vector<16xf32>
    tpu.vector_store %arg5[%swap3A_173], %swap3A_176 {strides = array<i32>} : memref<640xf32, #tpu.memory_space<vmem>>, vector<16xf32>,
    %swap3A_177 = arith.constant 560 : index
    %swap3A_178 = tpu.vector_load %arg5[%swap3A_177] {strides = array<i32>} : memref<640xf32, #tpu.memory_space<vmem>>, vector<16xf32>,
    %swap3A_179 = vector.shape_cast %swap3A_178 : vector<16xf32> to vector<16xf32>
    %swap3A_180 = vector.shape_cast %mul3A_36 : vector<16xf32> to vector<16xf32>
    tpu.vector_store %arg5[%swap3A_177], %swap3A_180 {strides = array<i32>} : memref<640xf32, #tpu.memory_space<vmem>>, vector<16xf32>,
    %swap3A_181 = arith.constant 576 : index
    %swap3A_182 = tpu.vector_load %arg5[%swap3A_181] {strides = array<i32>} : memref<640xf32, #tpu.memory_space<vmem>>, vector<16xf32>,
    %swap3A_183 = vector.shape_cast %swap3A_182 : vector<16xf32> to vector<16xf32>
    %swap3A_184 = vector.shape_cast %mul3A_36 : vector<16xf32> to vector<16xf32>
    tpu.vector_store %arg5[%swap3A_181], %swap3A_184 {strides = array<i32>} : memref<640xf32, #tpu.memory_space<vmem>>, vector<16xf32>,
    %swap3A_185 = arith.constant 592 : index
    %swap3A_186 = tpu.vector_load %arg5[%swap3A_185] {strides = array<i32>} : memref<640xf32, #tpu.memory_space<vmem>>, vector<16xf32>,
    %swap3A_187 = vector.shape_cast %swap3A_186 : vector<16xf32> to vector<16xf32>
    %swap3A_188 = vector.shape_cast %mul3A_36 : vector<16xf32> to vector<16xf32>
    tpu.vector_store %arg5[%swap3A_185], %swap3A_188 {strides = array<i32>} : memref<640xf32, #tpu.memory_space<vmem>>, vector<16xf32>,
    %swap3A_189 = arith.constant 608 : index
    %swap3A_190 = tpu.vector_load %arg5[%swap3A_189] {strides = array<i32>} : memref<640xf32, #tpu.memory_space<vmem>>, vector<16xf32>,
    %swap3A_191 = vector.shape_cast %swap3A_190 : vector<16xf32> to vector<16xf32>
    %swap3A_192 = vector.shape_cast %mul3A_36 : vector<16xf32> to vector<16xf32>
    tpu.vector_store %arg5[%swap3A_189], %swap3A_192 {strides = array<i32>} : memref<640xf32, #tpu.memory_space<vmem>>, vector<16xf32>,
    %swap3A_193 = arith.constant 624 : index
    %swap3A_194 = tpu.vector_load %arg5[%swap3A_193] {strides = array<i32>} : memref<640xf32, #tpu.memory_space<vmem>>, vector<16xf32>,
    %swap3A_195 = vector.shape_cast %swap3A_194 : vector<16xf32> to vector<16xf32>
    %swap3A_196 = vector.shape_cast %mul3A_36 : vector<16xf32> to vector<16xf32>
    tpu.vector_store %arg5[%swap3A_193], %swap3A_196 {strides = array<i32>} : memref<640xf32, #tpu.memory_space<vmem>>, vector<16xf32>,
    %mul3A_197 = arith.constant 640 : i32
    %mul3A_198 = arith.muli %arg1, %mul3A_197 : i32
    "tpu.region"() ({
      %run_scoped3A = tpu.sem_alloc : memref<!tpu.dma_semaphore, #tpu.memory_space<semaphore_mem>>
      %dma_start3A_232 = tpu.memref_slice %arg4[%mul3A_198] : memref<10240xf32, #tpu.memory_space<vmem_shared>> -> memref<640xf32, #tpu.memory_space<vmem_shared>>
      %dma_start3A_233 = tpu.memref_slice %arg4[%mul3A_198] : memref<10240xf32, #tpu.memory_space<vmem_shared>> -> memref<640xf32, #tpu.memory_space<vmem_shared>>
      tpu.enqueue_dma source(%arg5 : memref<640xf32, #tpu.memory_space<vmem>>) target(%dma_start3A_233 : memref<640xf32, #tpu.memory_space<vmem_shared>>) target_semaphore(%run_scoped3A : memref<!tpu.dma_semaphore, #tpu.memory_space<semaphore_mem>>)
      %dma_wait3A_234 = tpu.memref_slice %arg4[%mul3A_198] : memref<10240xf32, #tpu.memory_space<vmem_shared>> -> memref<640xf32, #tpu.memory_space<vmem_shared>>
      %dma_wait3A_235 = tpu.memref_slice %arg4[%mul3A_198] : memref<10240xf32, #tpu.memory_space<vmem_shared>> -> memref<640xf32, #tpu.memory_space<vmem_shared>>
      tpu.wait_dma2 semaphore(%run_scoped3A : memref<!tpu.dma_semaphore, #tpu.memory_space<semaphore_mem>>) src(%arg5 : memref<640xf32, #tpu.memory_space<vmem>>) dst(%dma_wait3A_235 : memref<640xf32, #tpu.memory_space<vmem_shared>>)
      tpu.yield
    }) : () -> ()
    %barrier3A = arith.constant 0 : index
    tpu.barrier barrier_id(%barrier3A)
    %add3A_199 = arith.constant 0 : i32
    %add3A_200 = arith.addi %add3A, %add3A_199 : i32
    %mul3A_201 = arith.constant 128 : i32
    %mul3A_202 = arith.muli %add3A_200, %mul3A_201 : i32
    %dma_start3A = tpu.memref_slice %arg2[%mul3A_202] : memref<331776xi32, #tpu.memory_space<hbm>> -> memref<128xi32, #tpu.memory_space<hbm>>
    %dma_start3A_203 = tpu.memref_slice %arg2[%mul3A_202] : memref<331776xi32, #tpu.memory_space<hbm>> -> memref<128xi32, #tpu.memory_space<hbm>>
    tpu.enqueue_dma source(%dma_start3A_203 : memref<128xi32, #tpu.memory_space<hbm>>) target(%arg7 : memref<128xi32, #tpu.memory_space<vmem>>) target_semaphore(%arg11 : memref<!tpu.dma_semaphore, #tpu.memory_space<semaphore_mem>>)
    %add3A_204 = arith.constant 32 : i32
    %add3A_205 = arith.addi %add3A, %add3A_204 : i32
    %mul3A_206 = arith.constant 128 : i32
    %mul3A_207 = arith.muli %add3A_205, %mul3A_206 : i32
    %dma_start3A_208 = tpu.memref_slice %arg2[%mul3A_207] : memref<331776xi32, #tpu.memory_space<hbm>> -> memref<128xi32, #tpu.memory_space<hbm>>
    %dma_start3A_209 = tpu.memref_slice %arg2[%mul3A_207] : memref<331776xi32, #tpu.memory_space<hbm>> -> memref<128xi32, #tpu.memory_space<hbm>>
    tpu.enqueue_dma source(%dma_start3A_209 : memref<128xi32, #tpu.memory_space<hbm>>) target(%arg8 : memref<128xi32, #tpu.memory_space<vmem>>) target_semaphore(%arg12 : memref<!tpu.dma_semaphore, #tpu.memory_space<semaphore_mem>>)
    %scan3A = arith.constant 0 : i32
    %scan3A_210 = arith.constant 0 : i32
    %scan3A_211 = arith.constant 13 : i32
    %scan3A_212 = arith.addi %scan3A_210, %scan3A_211 : i32
    %scan3A_213 = arith.constant 1 : i32
    scf.for %scan3A_232 = %scan3A_210 to %scan3A_212 step %scan3A_213  : i32 {
      %mul3A_233 = arith.constant 6 : i32
      %mul3A_234 = arith.muli %mul3A_233, %scan3A_232 : i32
      %dma_wait3A_235 = arith.constant 0 : i32
      %dma_wait3A_236 = tpu.memref_slice %arg2[%dma_wait3A_235] : memref<331776xi32, #tpu.memory_space<hbm>> -> memref<128xi32, #tpu.memory_space<hbm>>
      %dma_wait3A_237 = arith.constant 0 : i32
      %dma_wait3A_238 = tpu.memref_slice %arg2[%dma_wait3A_237] : memref<331776xi32, #tpu.memory_space<hbm>> -> memref<128xi32, #tpu.memory_space<hbm>>
      tpu.wait_dma2 semaphore(%arg11 : memref<!tpu.dma_semaphore, #tpu.memory_space<semaphore_mem>>) src(%dma_wait3A_238 : memref<128xi32, #tpu.memory_space<hbm>>) dst(%arg7 : memref<128xi32, #tpu.memory_space<vmem>>)
      %get3A = arith.constant 0 : index
      %get3A_239 = tpu.vector_load %arg7[%get3A] {strides = array<i32>} : memref<128xi32, #tpu.memory_space<vmem>>, vector<16xi32>,
      %get3A_240 = vector.shape_cast %get3A_239 : vector<16xi32> to vector<16xi32>
      %swap3A_241 = arith.constant 0 : index
      %swap3A_242 = tpu.vector_load %arg9[%swap3A_241] {strides = array<i32>} : memref<128xi32, #tpu.memory_space<vmem>>, vector<16xi32>,
      %swap3A_243 = vector.shape_cast %swap3A_242 : vector<16xi32> to vector<16xi32>
      %swap3A_244 = vector.shape_cast %get3A_240 : vector<16xi32> to vector<16xi32>
      tpu.vector_store %arg9[%swap3A_241], %swap3A_244 {strides = array<i32>} : memref<128xi32, #tpu.memory_space<vmem>>, vector<16xi32>,
      %get3A_245 = arith.constant 16 : index
      %get3A_246 = tpu.vector_load %arg7[%get3A_245] {strides = array<i32>} : memref<128xi32, #tpu.memory_space<vmem>>, vector<16xi32>,
      %get3A_247 = vector.shape_cast %get3A_246 : vector<16xi32> to vector<16xi32>
      %swap3A_248 = arith.constant 16 : index
      %swap3A_249 = tpu.vector_load %arg9[%swap3A_248] {strides = array<i32>} : memref<128xi32, #tpu.memory_space<vmem>>, vector<16xi32>,
      %swap3A_250 = vector.shape_cast %swap3A_249 : vector<16xi32> to vector<16xi32>
      %swap3A_251 = vector.shape_cast %get3A_247 : vector<16xi32> to vector<16xi32>
      tpu.vector_store %arg9[%swap3A_248], %swap3A_251 {strides = array<i32>} : memref<128xi32, #tpu.memory_space<vmem>>, vector<16xi32>,
      %get3A_252 = arith.constant 32 : index
      %get3A_253 = tpu.vector_load %arg7[%get3A_252] {strides = array<i32>} : memref<128xi32, #tpu.memory_space<vmem>>, vector<16xi32>,
      %get3A_254 = vector.shape_cast %get3A_253 : vector<16xi32> to vector<16xi32>
      %swap3A_255 = arith.constant 32 : index
      %swap3A_256 = tpu.vector_load %arg9[%swap3A_255] {strides = array<i32>} : memref<128xi32, #tpu.memory_space<vmem>>, vector<16xi32>,
      %swap3A_257 = vector.shape_cast %swap3A_256 : vector<16xi32> to vector<16xi32>
      %swap3A_258 = vector.shape_cast %get3A_254 : vector<16xi32> to vector<16xi32>
      tpu.vector_store %arg9[%swap3A_255], %swap3A_258 {strides = array<i32>} : memref<128xi32, #tpu.memory_space<vmem>>, vector<16xi32>,
      %get3A_259 = arith.constant 48 : index
      %get3A_260 = tpu.vector_load %arg7[%get3A_259] {strides = array<i32>} : memref<128xi32, #tpu.memory_space<vmem>>, vector<16xi32>,
      %get3A_261 = vector.shape_cast %get3A_260 : vector<16xi32> to vector<16xi32>
      %swap3A_262 = arith.constant 48 : index
      %swap3A_263 = tpu.vector_load %arg9[%swap3A_262] {strides = array<i32>} : memref<128xi32, #tpu.memory_space<vmem>>, vector<16xi32>,
      %swap3A_264 = vector.shape_cast %swap3A_263 : vector<16xi32> to vector<16xi32>
      %swap3A_265 = vector.shape_cast %get3A_261 : vector<16xi32> to vector<16xi32>
      tpu.vector_store %arg9[%swap3A_262], %swap3A_265 {strides = array<i32>} : memref<128xi32, #tpu.memory_space<vmem>>, vector<16xi32>,
      %get3A_266 = arith.constant 64 : index
      %get3A_267 = tpu.vector_load %arg7[%get3A_266] {strides = array<i32>} : memref<128xi32, #tpu.memory_space<vmem>>, vector<16xi32>,
      %get3A_268 = vector.shape_cast %get3A_267 : vector<16xi32> to vector<16xi32>
      %swap3A_269 = arith.constant 64 : index
      %swap3A_270 = tpu.vector_load %arg9[%swap3A_269] {strides = array<i32>} : memref<128xi32, #tpu.memory_space<vmem>>, vector<16xi32>,
      %swap3A_271 = vector.shape_cast %swap3A_270 : vector<16xi32> to vector<16xi32>
      %swap3A_272 = vector.shape_cast %get3A_268 : vector<16xi32> to vector<16xi32>
      tpu.vector_store %arg9[%swap3A_269], %swap3A_272 {strides = array<i32>} : memref<128xi32, #tpu.memory_space<vmem>>, vector<16xi32>,
      %get3A_273 = arith.constant 80 : index
      %get3A_274 = tpu.vector_load %arg7[%get3A_273] {strides = array<i32>} : memref<128xi32, #tpu.memory_space<vmem>>, vector<16xi32>,
      %get3A_275 = vector.shape_cast %get3A_274 : vector<16xi32> to vector<16xi32>
      %swap3A_276 = arith.constant 80 : index
      %swap3A_277 = tpu.vector_load %arg9[%swap3A_276] {strides = array<i32>} : memref<128xi32, #tpu.memory_space<vmem>>, vector<16xi32>,
      %swap3A_278 = vector.shape_cast %swap3A_277 : vector<16xi32> to vector<16xi32>
      %swap3A_279 = vector.shape_cast %get3A_275 : vector<16xi32> to vector<16xi32>
      tpu.vector_store %arg9[%swap3A_276], %swap3A_279 {strides = array<i32>} : memref<128xi32, #tpu.memory_space<vmem>>, vector<16xi32>,
      %get3A_280 = arith.constant 96 : index
      %get3A_281 = tpu.vector_load %arg7[%get3A_280] {strides = array<i32>} : memref<128xi32, #tpu.memory_space<vmem>>, vector<16xi32>,
      %get3A_282 = vector.shape_cast %get3A_281 : vector<16xi32> to vector<16xi32>
      %swap3A_283 = arith.constant 96 : index
      %swap3A_284 = tpu.vector_load %arg9[%swap3A_283] {strides = array<i32>} : memref<128xi32, #tpu.memory_space<vmem>>, vector<16xi32>,
      %swap3A_285 = vector.shape_cast %swap3A_284 : vector<16xi32> to vector<16xi32>
      %swap3A_286 = vector.shape_cast %get3A_282 : vector<16xi32> to vector<16xi32>
      tpu.vector_store %arg9[%swap3A_283], %swap3A_286 {strides = array<i32>} : memref<128xi32, #tpu.memory_space<vmem>>, vector<16xi32>,
      %get3A_287 = arith.constant 112 : index
      %get3A_288 = tpu.vector_load %arg7[%get3A_287] {strides = array<i32>} : memref<128xi32, #tpu.memory_space<vmem>>, vector<16xi32>,
      %get3A_289 = vector.shape_cast %get3A_288 : vector<16xi32> to vector<16xi32>
      %swap3A_290 = arith.constant 112 : index
      %swap3A_291 = tpu.vector_load %arg9[%swap3A_290] {strides = array<i32>} : memref<128xi32, #tpu.memory_space<vmem>>, vector<16xi32>,
      %swap3A_292 = vector.shape_cast %swap3A_291 : vector<16xi32> to vector<16xi32>
      %swap3A_293 = vector.shape_cast %get3A_289 : vector<16xi32> to vector<16xi32>
      tpu.vector_store %arg9[%swap3A_290], %swap3A_293 {strides = array<i32>} : memref<128xi32, #tpu.memory_space<vmem>>, vector<16xi32>,
      %dma_start3A_294 = arith.constant 0 : i32
      %dma_start3A_295 = tpu.memref_slice %arg4[%dma_start3A_294] : memref<10240xf32, #tpu.memory_space<vmem_shared>> -> memref<10240xf32, #tpu.memory_space<vmem_shared>>
      tpu.enqueue_indirect_dma source(%arg6 : memref<128xf32, #tpu.memory_space<vmem>>) target(%dma_start3A_295 : memref<10240xf32, #tpu.memory_space<vmem_shared>>) offsets(%arg9 : memref<128xi32, #tpu.memory_space<vmem>>) semaphore(%arg13 : memref<!tpu.dma_semaphore, #tpu.memory_space<semaphore_mem>>) {add = true}
      %add3A_296 = arith.constant 0 : i32
      %add3A_297 = arith.addi %mul3A_234, %add3A_296 : i32
      %add3A_298 = arith.constant 2 : i32
      %add3A_299 = arith.addi %add3A_297, %add3A_298 : i32
      %mul3A_300 = arith.constant 32 : i32
      %mul3A_301 = arith.muli %add3A_299, %mul3A_300 : i32
      %add3A_302 = arith.addi %add3A, %mul3A_301 : i32
      %mul3A_303 = arith.constant 128 : i32
      %mul3A_304 = arith.muli %add3A_302, %mul3A_303 : i32
      %dma_start3A_305 = tpu.memref_slice %arg2[%mul3A_304] : memref<331776xi32, #tpu.memory_space<hbm>> -> memref<128xi32, #tpu.memory_space<hbm>>
      %dma_start3A_306 = tpu.memref_slice %arg2[%mul3A_304] : memref<331776xi32, #tpu.memory_space<hbm>> -> memref<128xi32, #tpu.memory_space<hbm>>
      tpu.enqueue_dma source(%dma_start3A_306 : memref<128xi32, #tpu.memory_space<hbm>>) target(%arg7 : memref<128xi32, #tpu.memory_space<vmem>>) target_semaphore(%arg11 : memref<!tpu.dma_semaphore, #tpu.memory_space<semaphore_mem>>)
      %dma_wait3A_307 = arith.constant 0 : i32
      %dma_wait3A_308 = tpu.memref_slice %arg2[%dma_wait3A_307] : memref<331776xi32, #tpu.memory_space<hbm>> -> memref<128xi32, #tpu.memory_space<hbm>>
      %dma_wait3A_309 = arith.constant 0 : i32
      %dma_wait3A_310 = tpu.memref_slice %arg2[%dma_wait3A_309] : memref<331776xi32, #tpu.memory_space<hbm>> -> memref<128xi32, #tpu.memory_space<hbm>>
      tpu.wait_dma2 semaphore(%arg12 : memref<!tpu.dma_semaphore, #tpu.memory_space<semaphore_mem>>) src(%dma_wait3A_310 : memref<128xi32, #tpu.memory_space<hbm>>) dst(%arg8 : memref<128xi32, #tpu.memory_space<vmem>>)
      %get3A_311 = arith.constant 0 : index
      %get3A_312 = tpu.vector_load %arg8[%get3A_311] {strides = array<i32>} : memref<128xi32, #tpu.memory_space<vmem>>, vector<16xi32>,
      %get3A_313 = vector.shape_cast %get3A_312 : vector<16xi32> to vector<16xi32>
      %swap3A_314 = arith.constant 0 : index
      %swap3A_315 = tpu.vector_load %arg10[%swap3A_314] {strides = array<i32>} : memref<128xi32, #tpu.memory_space<vmem>>, vector<16xi32>,
      %swap3A_316 = vector.shape_cast %swap3A_315 : vector<16xi32> to vector<16xi32>
      %swap3A_317 = vector.shape_cast %get3A_313 : vector<16xi32> to vector<16xi32>
      tpu.vector_store %arg10[%swap3A_314], %swap3A_317 {strides = array<i32>} : memref<128xi32, #tpu.memory_space<vmem>>, vector<16xi32>,
      %get3A_318 = arith.constant 16 : index
      %get3A_319 = tpu.vector_load %arg8[%get3A_318] {strides = array<i32>} : memref<128xi32, #tpu.memory_space<vmem>>, vector<16xi32>,
      %get3A_320 = vector.shape_cast %get3A_319 : vector<16xi32> to vector<16xi32>
      %swap3A_321 = arith.constant 16 : index
      %swap3A_322 = tpu.vector_load %arg10[%swap3A_321] {strides = array<i32>} : memref<128xi32, #tpu.memory_space<vmem>>, vector<16xi32>,
      %swap3A_323 = vector.shape_cast %swap3A_322 : vector<16xi32> to vector<16xi32>
      %swap3A_324 = vector.shape_cast %get3A_320 : vector<16xi32> to vector<16xi32>
      tpu.vector_store %arg10[%swap3A_321], %swap3A_324 {strides = array<i32>} : memref<128xi32, #tpu.memory_space<vmem>>, vector<16xi32>,
      %get3A_325 = arith.constant 32 : index
      %get3A_326 = tpu.vector_load %arg8[%get3A_325] {strides = array<i32>} : memref<128xi32, #tpu.memory_space<vmem>>, vector<16xi32>,
      %get3A_327 = vector.shape_cast %get3A_326 : vector<16xi32> to vector<16xi32>
      %swap3A_328 = arith.constant 32 : index
      %swap3A_329 = tpu.vector_load %arg10[%swap3A_328] {strides = array<i32>} : memref<128xi32, #tpu.memory_space<vmem>>, vector<16xi32>,
      %swap3A_330 = vector.shape_cast %swap3A_329 : vector<16xi32> to vector<16xi32>
      %swap3A_331 = vector.shape_cast %get3A_327 : vector<16xi32> to vector<16xi32>
      tpu.vector_store %arg10[%swap3A_328], %swap3A_331 {strides = array<i32>} : memref<128xi32, #tpu.memory_space<vmem>>, vector<16xi32>,
      %get3A_332 = arith.constant 48 : index
      %get3A_333 = tpu.vector_load %arg8[%get3A_332] {strides = array<i32>} : memref<128xi32, #tpu.memory_space<vmem>>, vector<16xi32>,
      %get3A_334 = vector.shape_cast %get3A_333 : vector<16xi32> to vector<16xi32>
      %swap3A_335 = arith.constant 48 : index
      %swap3A_336 = tpu.vector_load %arg10[%swap3A_335] {strides = array<i32>} : memref<128xi32, #tpu.memory_space<vmem>>, vector<16xi32>,
      %swap3A_337 = vector.shape_cast %swap3A_336 : vector<16xi32> to vector<16xi32>
      %swap3A_338 = vector.shape_cast %get3A_334 : vector<16xi32> to vector<16xi32>
      tpu.vector_store %arg10[%swap3A_335], %swap3A_338 {strides = array<i32>} : memref<128xi32, #tpu.memory_space<vmem>>, vector<16xi32>,
      %get3A_339 = arith.constant 64 : index
      %get3A_340 = tpu.vector_load %arg8[%get3A_339] {strides = array<i32>} : memref<128xi32, #tpu.memory_space<vmem>>, vector<16xi32>,
      %get3A_341 = vector.shape_cast %get3A_340 : vector<16xi32> to vector<16xi32>
      %swap3A_342 = arith.constant 64 : index
      %swap3A_343 = tpu.vector_load %arg10[%swap3A_342] {strides = array<i32>} : memref<128xi32, #tpu.memory_space<vmem>>, vector<16xi32>,
      %swap3A_344 = vector.shape_cast %swap3A_343 : vector<16xi32> to vector<16xi32>
      %swap3A_345 = vector.shape_cast %get3A_341 : vector<16xi32> to vector<16xi32>
      tpu.vector_store %arg10[%swap3A_342], %swap3A_345 {strides = array<i32>} : memref<128xi32, #tpu.memory_space<vmem>>, vector<16xi32>,
      %get3A_346 = arith.constant 80 : index
      %get3A_347 = tpu.vector_load %arg8[%get3A_346] {strides = array<i32>} : memref<128xi32, #tpu.memory_space<vmem>>, vector<16xi32>,
      %get3A_348 = vector.shape_cast %get3A_347 : vector<16xi32> to vector<16xi32>
      %swap3A_349 = arith.constant 80 : index
      %swap3A_350 = tpu.vector_load %arg10[%swap3A_349] {strides = array<i32>} : memref<128xi32, #tpu.memory_space<vmem>>, vector<16xi32>,
      %swap3A_351 = vector.shape_cast %swap3A_350 : vector<16xi32> to vector<16xi32>
      %swap3A_352 = vector.shape_cast %get3A_348 : vector<16xi32> to vector<16xi32>
      tpu.vector_store %arg10[%swap3A_349], %swap3A_352 {strides = array<i32>} : memref<128xi32, #tpu.memory_space<vmem>>, vector<16xi32>,
      %get3A_353 = arith.constant 96 : index
      %get3A_354 = tpu.vector_load %arg8[%get3A_353] {strides = array<i32>} : memref<128xi32, #tpu.memory_space<vmem>>, vector<16xi32>,
      %get3A_355 = vector.shape_cast %get3A_354 : vector<16xi32> to vector<16xi32>
      %swap3A_356 = arith.constant 96 : index
      %swap3A_357 = tpu.vector_load %arg10[%swap3A_356] {strides = array<i32>} : memref<128xi32, #tpu.memory_space<vmem>>, vector<16xi32>,
      %swap3A_358 = vector.shape_cast %swap3A_357 : vector<16xi32> to vector<16xi32>
      %swap3A_359 = vector.shape_cast %get3A_355 : vector<16xi32> to vector<16xi32>
      tpu.vector_store %arg10[%swap3A_356], %swap3A_359 {strides = array<i32>} : memref<128xi32, #tpu.memory_space<vmem>>, vector<16xi32>,
      %get3A_360 = arith.constant 112 : index
      %get3A_361 = tpu.vector_load %arg8[%get3A_360] {strides = array<i32>} : memref<128xi32, #tpu.memory_space<vmem>>, vector<16xi32>,
      %get3A_362 = vector.shape_cast %get3A_361 : vector<16xi32> to vector<16xi32>
      %swap3A_363 = arith.constant 112 : index
      %swap3A_364 = tpu.vector_load %arg10[%swap3A_363] {strides = array<i32>} : memref<128xi32, #tpu.memory_space<vmem>>, vector<16xi32>,
      %swap3A_365 = vector.shape_cast %swap3A_364 : vector<16xi32> to vector<16xi32>
      %swap3A_366 = vector.shape_cast %get3A_362 : vector<16xi32> to vector<16xi32>
      tpu.vector_store %arg10[%swap3A_363], %swap3A_366 {strides = array<i32>} : memref<128xi32, #tpu.memory_space<vmem>>, vector<16xi32>,
      %dma_start3A_367 = arith.constant 0 : i32
      %dma_start3A_368 = tpu.memref_slice %arg4[%dma_start3A_367] : memref<10240xf32, #tpu.memory_space<vmem_shared>> -> memref<10240xf32, #tpu.memory_space<vmem_shared>>
      tpu.enqueue_indirect_dma source(%arg6 : memref<128xf32, #tpu.memory_space<vmem>>) target(%dma_start3A_368 : memref<10240xf32, #tpu.memory_space<vmem_shared>>) offsets(%arg10 : memref<128xi32, #tpu.memory_space<vmem>>) semaphore(%arg14 : memref<!tpu.dma_semaphore, #tpu.memory_space<semaphore_mem>>) {add = true}
      %add3A_369 = arith.constant 1 : i32
      %add3A_370 = arith.addi %mul3A_234, %add3A_369 : i32
      %add3A_371 = arith.constant 2 : i32
      %add3A_372 = arith.addi %add3A_370, %add3A_371 : i32
      %mul3A_373 = arith.constant 32 : i32
      %mul3A_374 = arith.muli %add3A_372, %mul3A_373 : i32
      %add3A_375 = arith.addi %add3A, %mul3A_374 : i32
      %mul3A_376 = arith.constant 128 : i32
      %mul3A_377 = arith.muli %add3A_375, %mul3A_376 : i32
      %dma_start3A_378 = tpu.memref_slice %arg2[%mul3A_377] : memref<331776xi32, #tpu.memory_space<hbm>> -> memref<128xi32, #tpu.memory_space<hbm>>
      %dma_start3A_379 = tpu.memref_slice %arg2[%mul3A_377] : memref<331776xi32, #tpu.memory_space<hbm>> -> memref<128xi32, #tpu.memory_space<hbm>>
      tpu.enqueue_dma source(%dma_start3A_379 : memref<128xi32, #tpu.memory_space<hbm>>) target(%arg8 : memref<128xi32, #tpu.memory_space<vmem>>) target_semaphore(%arg12 : memref<!tpu.dma_semaphore, #tpu.memory_space<semaphore_mem>>)
      %dma_wait3A_380 = arith.constant 0 : i32
      %dma_wait3A_381 = tpu.memref_slice %arg2[%dma_wait3A_380] : memref<331776xi32, #tpu.memory_space<hbm>> -> memref<128xi32, #tpu.memory_space<hbm>>
      %dma_wait3A_382 = arith.constant 0 : i32
      %dma_wait3A_383 = tpu.memref_slice %arg2[%dma_wait3A_382] : memref<331776xi32, #tpu.memory_space<hbm>> -> memref<128xi32, #tpu.memory_space<hbm>>
      tpu.wait_dma2 semaphore(%arg11 : memref<!tpu.dma_semaphore, #tpu.memory_space<semaphore_mem>>) src(%dma_wait3A_383 : memref<128xi32, #tpu.memory_space<hbm>>) dst(%arg7 : memref<128xi32, #tpu.memory_space<vmem>>)
      %dma_wait3A_384 = arith.constant 0 : i32
      %dma_wait3A_385 = tpu.memref_slice %arg4[%dma_wait3A_384] : memref<10240xf32, #tpu.memory_space<vmem_shared>> -> memref<10240xf32, #tpu.memory_space<vmem_shared>>
      tpu.wait_indirect_dma semaphore(%arg13 : memref<!tpu.dma_semaphore, #tpu.memory_space<semaphore_mem>>) src(%arg6 : memref<128xf32, #tpu.memory_space<vmem>>) dst(%dma_wait3A_385 : memref<10240xf32, #tpu.memory_space<vmem_shared>>)
      %get3A_386 = arith.constant 0 : index
      %get3A_387 = tpu.vector_load %arg7[%get3A_386] {strides = array<i32>} : memref<128xi32, #tpu.memory_space<vmem>>, vector<16xi32>,
      %get3A_388 = vector.shape_cast %get3A_387 : vector<16xi32> to vector<16xi32>
      %swap3A_389 = arith.constant 0 : index
      %swap3A_390 = tpu.vector_load %arg9[%swap3A_389] {strides = array<i32>} : memref<128xi32, #tpu.memory_space<vmem>>, vector<16xi32>,
      %swap3A_391 = vector.shape_cast %swap3A_390 : vector<16xi32> to vector<16xi32>
      %swap3A_392 = vector.shape_cast %get3A_388 : vector<16xi32> to vector<16xi32>
      tpu.vector_store %arg9[%swap3A_389], %swap3A_392 {strides = array<i32>} : memref<128xi32, #tpu.memory_space<vmem>>, vector<16xi32>,
      %get3A_393 = arith.constant 16 : index
      %get3A_394 = tpu.vector_load %arg7[%get3A_393] {strides = array<i32>} : memref<128xi32, #tpu.memory_space<vmem>>, vector<16xi32>,
      %get3A_395 = vector.shape_cast %get3A_394 : vector<16xi32> to vector<16xi32>
      %swap3A_396 = arith.constant 16 : index
      %swap3A_397 = tpu.vector_load %arg9[%swap3A_396] {strides = array<i32>} : memref<128xi32, #tpu.memory_space<vmem>>, vector<16xi32>,
      %swap3A_398 = vector.shape_cast %swap3A_397 : vector<16xi32> to vector<16xi32>
      %swap3A_399 = vector.shape_cast %get3A_395 : vector<16xi32> to vector<16xi32>
      tpu.vector_store %arg9[%swap3A_396], %swap3A_399 {strides = array<i32>} : memref<128xi32, #tpu.memory_space<vmem>>, vector<16xi32>,
      %get3A_400 = arith.constant 32 : index
      %get3A_401 = tpu.vector_load %arg7[%get3A_400] {strides = array<i32>} : memref<128xi32, #tpu.memory_space<vmem>>, vector<16xi32>,
      %get3A_402 = vector.shape_cast %get3A_401 : vector<16xi32> to vector<16xi32>
      %swap3A_403 = arith.constant 32 : index
      %swap3A_404 = tpu.vector_load %arg9[%swap3A_403] {strides = array<i32>} : memref<128xi32, #tpu.memory_space<vmem>>, vector<16xi32>,
      %swap3A_405 = vector.shape_cast %swap3A_404 : vector<16xi32> to vector<16xi32>
      %swap3A_406 = vector.shape_cast %get3A_402 : vector<16xi32> to vector<16xi32>
      tpu.vector_store %arg9[%swap3A_403], %swap3A_406 {strides = array<i32>} : memref<128xi32, #tpu.memory_space<vmem>>, vector<16xi32>,
      %get3A_407 = arith.constant 48 : index
      %get3A_408 = tpu.vector_load %arg7[%get3A_407] {strides = array<i32>} : memref<128xi32, #tpu.memory_space<vmem>>, vector<16xi32>,
      %get3A_409 = vector.shape_cast %get3A_408 : vector<16xi32> to vector<16xi32>
      %swap3A_410 = arith.constant 48 : index
      %swap3A_411 = tpu.vector_load %arg9[%swap3A_410] {strides = array<i32>} : memref<128xi32, #tpu.memory_space<vmem>>, vector<16xi32>,
      %swap3A_412 = vector.shape_cast %swap3A_411 : vector<16xi32> to vector<16xi32>
      %swap3A_413 = vector.shape_cast %get3A_409 : vector<16xi32> to vector<16xi32>
      tpu.vector_store %arg9[%swap3A_410], %swap3A_413 {strides = array<i32>} : memref<128xi32, #tpu.memory_space<vmem>>, vector<16xi32>,
      %get3A_414 = arith.constant 64 : index
      %get3A_415 = tpu.vector_load %arg7[%get3A_414] {strides = array<i32>} : memref<128xi32, #tpu.memory_space<vmem>>, vector<16xi32>,
      %get3A_416 = vector.shape_cast %get3A_415 : vector<16xi32> to vector<16xi32>
      %swap3A_417 = arith.constant 64 : index
      %swap3A_418 = tpu.vector_load %arg9[%swap3A_417] {strides = array<i32>} : memref<128xi32, #tpu.memory_space<vmem>>, vector<16xi32>,
      %swap3A_419 = vector.shape_cast %swap3A_418 : vector<16xi32> to vector<16xi32>
      %swap3A_420 = vector.shape_cast %get3A_416 : vector<16xi32> to vector<16xi32>
      tpu.vector_store %arg9[%swap3A_417], %swap3A_420 {strides = array<i32>} : memref<128xi32, #tpu.memory_space<vmem>>, vector<16xi32>,
      %get3A_421 = arith.constant 80 : index
      %get3A_422 = tpu.vector_load %arg7[%get3A_421] {strides = array<i32>} : memref<128xi32, #tpu.memory_space<vmem>>, vector<16xi32>,
      %get3A_423 = vector.shape_cast %get3A_422 : vector<16xi32> to vector<16xi32>
      %swap3A_424 = arith.constant 80 : index
      %swap3A_425 = tpu.vector_load %arg9[%swap3A_424] {strides = array<i32>} : memref<128xi32, #tpu.memory_space<vmem>>, vector<16xi32>,
      %swap3A_426 = vector.shape_cast %swap3A_425 : vector<16xi32> to vector<16xi32>
      %swap3A_427 = vector.shape_cast %get3A_423 : vector<16xi32> to vector<16xi32>
      tpu.vector_store %arg9[%swap3A_424], %swap3A_427 {strides = array<i32>} : memref<128xi32, #tpu.memory_space<vmem>>, vector<16xi32>,
      %get3A_428 = arith.constant 96 : index
      %get3A_429 = tpu.vector_load %arg7[%get3A_428] {strides = array<i32>} : memref<128xi32, #tpu.memory_space<vmem>>, vector<16xi32>,
      %get3A_430 = vector.shape_cast %get3A_429 : vector<16xi32> to vector<16xi32>
      %swap3A_431 = arith.constant 96 : index
      %swap3A_432 = tpu.vector_load %arg9[%swap3A_431] {strides = array<i32>} : memref<128xi32, #tpu.memory_space<vmem>>, vector<16xi32>,
      %swap3A_433 = vector.shape_cast %swap3A_432 : vector<16xi32> to vector<16xi32>
      %swap3A_434 = vector.shape_cast %get3A_430 : vector<16xi32> to vector<16xi32>
      tpu.vector_store %arg9[%swap3A_431], %swap3A_434 {strides = array<i32>} : memref<128xi32, #tpu.memory_space<vmem>>, vector<16xi32>,
      %get3A_435 = arith.constant 112 : index
      %get3A_436 = tpu.vector_load %arg7[%get3A_435] {strides = array<i32>} : memref<128xi32, #tpu.memory_space<vmem>>, vector<16xi32>,
      %get3A_437 = vector.shape_cast %get3A_436 : vector<16xi32> to vector<16xi32>
      %swap3A_438 = arith.constant 112 : index
      %swap3A_439 = tpu.vector_load %arg9[%swap3A_438] {strides = array<i32>} : memref<128xi32, #tpu.memory_space<vmem>>, vector<16xi32>,
      %swap3A_440 = vector.shape_cast %swap3A_439 : vector<16xi32> to vector<16xi32>
      %swap3A_441 = vector.shape_cast %get3A_437 : vector<16xi32> to vector<16xi32>
      tpu.vector_store %arg9[%swap3A_438], %swap3A_441 {strides = array<i32>} : memref<128xi32, #tpu.memory_space<vmem>>, vector<16xi32>,
      %dma_start3A_442 = arith.constant 0 : i32
      %dma_start3A_443 = tpu.memref_slice %arg4[%dma_start3A_442] : memref<10240xf32, #tpu.memory_space<vmem_shared>> -> memref<10240xf32, #tpu.memory_space<vmem_shared>>
      tpu.enqueue_indirect_dma source(%arg6 : memref<128xf32, #tpu.memory_space<vmem>>) target(%dma_start3A_443 : memref<10240xf32, #tpu.memory_space<vmem_shared>>) offsets(%arg9 : memref<128xi32, #tpu.memory_space<vmem>>) semaphore(%arg13 : memref<!tpu.dma_semaphore, #tpu.memory_space<semaphore_mem>>) {add = true}
      %add3A_444 = arith.constant 2 : i32
      %add3A_445 = arith.addi %mul3A_234, %add3A_444 : i32
      %add3A_446 = arith.constant 2 : i32
      %add3A_447 = arith.addi %add3A_445, %add3A_446 : i32
      %mul3A_448 = arith.constant 32 : i32
      %mul3A_449 = arith.muli %add3A_447, %mul3A_448 : i32
      %add3A_450 = arith.addi %add3A, %mul3A_449 : i32
      %mul3A_451 = arith.constant 128 : i32
      %mul3A_452 = arith.muli %add3A_450, %mul3A_451 : i32
      %dma_start3A_453 = tpu.memref_slice %arg2[%mul3A_452] : memref<331776xi32, #tpu.memory_space<hbm>> -> memref<128xi32, #tpu.memory_space<hbm>>
      %dma_start3A_454 = tpu.memref_slice %arg2[%mul3A_452] : memref<331776xi32, #tpu.memory_space<hbm>> -> memref<128xi32, #tpu.memory_space<hbm>>
      tpu.enqueue_dma source(%dma_start3A_454 : memref<128xi32, #tpu.memory_space<hbm>>) target(%arg7 : memref<128xi32, #tpu.memory_space<vmem>>) target_semaphore(%arg11 : memref<!tpu.dma_semaphore, #tpu.memory_space<semaphore_mem>>)
      %dma_wait3A_455 = arith.constant 0 : i32
      %dma_wait3A_456 = tpu.memref_slice %arg2[%dma_wait3A_455] : memref<331776xi32, #tpu.memory_space<hbm>> -> memref<128xi32, #tpu.memory_space<hbm>>
      %dma_wait3A_457 = arith.constant 0 : i32
      %dma_wait3A_458 = tpu.memref_slice %arg2[%dma_wait3A_457] : memref<331776xi32, #tpu.memory_space<hbm>> -> memref<128xi32, #tpu.memory_space<hbm>>
      tpu.wait_dma2 semaphore(%arg12 : memref<!tpu.dma_semaphore, #tpu.memory_space<semaphore_mem>>) src(%dma_wait3A_458 : memref<128xi32, #tpu.memory_space<hbm>>) dst(%arg8 : memref<128xi32, #tpu.memory_space<vmem>>)
      %dma_wait3A_459 = arith.constant 0 : i32
      %dma_wait3A_460 = tpu.memref_slice %arg4[%dma_wait3A_459] : memref<10240xf32, #tpu.memory_space<vmem_shared>> -> memref<10240xf32, #tpu.memory_space<vmem_shared>>
      tpu.wait_indirect_dma semaphore(%arg14 : memref<!tpu.dma_semaphore, #tpu.memory_space<semaphore_mem>>) src(%arg6 : memref<128xf32, #tpu.memory_space<vmem>>) dst(%dma_wait3A_460 : memref<10240xf32, #tpu.memory_space<vmem_shared>>)
      %get3A_461 = arith.constant 0 : index
      %get3A_462 = tpu.vector_load %arg8[%get3A_461] {strides = array<i32>} : memref<128xi32, #tpu.memory_space<vmem>>, vector<16xi32>,
      %get3A_463 = vector.shape_cast %get3A_462 : vector<16xi32> to vector<16xi32>
      %swap3A_464 = arith.constant 0 : index
      %swap3A_465 = tpu.vector_load %arg10[%swap3A_464] {strides = array<i32>} : memref<128xi32, #tpu.memory_space<vmem>>, vector<16xi32>,
      %swap3A_466 = vector.shape_cast %swap3A_465 : vector<16xi32> to vector<16xi32>
      %swap3A_467 = vector.shape_cast %get3A_463 : vector<16xi32> to vector<16xi32>
      tpu.vector_store %arg10[%swap3A_464], %swap3A_467 {strides = array<i32>} : memref<128xi32, #tpu.memory_space<vmem>>, vector<16xi32>,
      %get3A_468 = arith.constant 16 : index
      %get3A_469 = tpu.vector_load %arg8[%get3A_468] {strides = array<i32>} : memref<128xi32, #tpu.memory_space<vmem>>, vector<16xi32>,
      %get3A_470 = vector.shape_cast %get3A_469 : vector<16xi32> to vector<16xi32>
      %swap3A_471 = arith.constant 16 : index
      %swap3A_472 = tpu.vector_load %arg10[%swap3A_471] {strides = array<i32>} : memref<128xi32, #tpu.memory_space<vmem>>, vector<16xi32>,
      %swap3A_473 = vector.shape_cast %swap3A_472 : vector<16xi32> to vector<16xi32>
      %swap3A_474 = vector.shape_cast %get3A_470 : vector<16xi32> to vector<16xi32>
      tpu.vector_store %arg10[%swap3A_471], %swap3A_474 {strides = array<i32>} : memref<128xi32, #tpu.memory_space<vmem>>, vector<16xi32>,
      %get3A_475 = arith.constant 32 : index
      %get3A_476 = tpu.vector_load %arg8[%get3A_475] {strides = array<i32>} : memref<128xi32, #tpu.memory_space<vmem>>, vector<16xi32>,
      %get3A_477 = vector.shape_cast %get3A_476 : vector<16xi32> to vector<16xi32>
      %swap3A_478 = arith.constant 32 : index
      %swap3A_479 = tpu.vector_load %arg10[%swap3A_478] {strides = array<i32>} : memref<128xi32, #tpu.memory_space<vmem>>, vector<16xi32>,
      %swap3A_480 = vector.shape_cast %swap3A_479 : vector<16xi32> to vector<16xi32>
      %swap3A_481 = vector.shape_cast %get3A_477 : vector<16xi32> to vector<16xi32>
      tpu.vector_store %arg10[%swap3A_478], %swap3A_481 {strides = array<i32>} : memref<128xi32, #tpu.memory_space<vmem>>, vector<16xi32>,
      %get3A_482 = arith.constant 48 : index
      %get3A_483 = tpu.vector_load %arg8[%get3A_482] {strides = array<i32>} : memref<128xi32, #tpu.memory_space<vmem>>, vector<16xi32>,
      %get3A_484 = vector.shape_cast %get3A_483 : vector<16xi32> to vector<16xi32>
      %swap3A_485 = arith.constant 48 : index
      %swap3A_486 = tpu.vector_load %arg10[%swap3A_485] {strides = array<i32>} : memref<128xi32, #tpu.memory_space<vmem>>, vector<16xi32>,
      %swap3A_487 = vector.shape_cast %swap3A_486 : vector<16xi32> to vector<16xi32>
      %swap3A_488 = vector.shape_cast %get3A_484 : vector<16xi32> to vector<16xi32>
      tpu.vector_store %arg10[%swap3A_485], %swap3A_488 {strides = array<i32>} : memref<128xi32, #tpu.memory_space<vmem>>, vector<16xi32>,
      %get3A_489 = arith.constant 64 : index
      %get3A_490 = tpu.vector_load %arg8[%get3A_489] {strides = array<i32>} : memref<128xi32, #tpu.memory_space<vmem>>, vector<16xi32>,
      %get3A_491 = vector.shape_cast %get3A_490 : vector<16xi32> to vector<16xi32>
      %swap3A_492 = arith.constant 64 : index
      %swap3A_493 = tpu.vector_load %arg10[%swap3A_492] {strides = array<i32>} : memref<128xi32, #tpu.memory_space<vmem>>, vector<16xi32>,
      %swap3A_494 = vector.shape_cast %swap3A_493 : vector<16xi32> to vector<16xi32>
      %swap3A_495 = vector.shape_cast %get3A_491 : vector<16xi32> to vector<16xi32>
      tpu.vector_store %arg10[%swap3A_492], %swap3A_495 {strides = array<i32>} : memref<128xi32, #tpu.memory_space<vmem>>, vector<16xi32>,
      %get3A_496 = arith.constant 80 : index
      %get3A_497 = tpu.vector_load %arg8[%get3A_496] {strides = array<i32>} : memref<128xi32, #tpu.memory_space<vmem>>, vector<16xi32>,
      %get3A_498 = vector.shape_cast %get3A_497 : vector<16xi32> to vector<16xi32>
      %swap3A_499 = arith.constant 80 : index
      %swap3A_500 = tpu.vector_load %arg10[%swap3A_499] {strides = array<i32>} : memref<128xi32, #tpu.memory_space<vmem>>, vector<16xi32>,
      %swap3A_501 = vector.shape_cast %swap3A_500 : vector<16xi32> to vector<16xi32>
      %swap3A_502 = vector.shape_cast %get3A_498 : vector<16xi32> to vector<16xi32>
      tpu.vector_store %arg10[%swap3A_499], %swap3A_502 {strides = array<i32>} : memref<128xi32, #tpu.memory_space<vmem>>, vector<16xi32>,
      %get3A_503 = arith.constant 96 : index
      %get3A_504 = tpu.vector_load %arg8[%get3A_503] {strides = array<i32>} : memref<128xi32, #tpu.memory_space<vmem>>, vector<16xi32>,
      %get3A_505 = vector.shape_cast %get3A_504 : vector<16xi32> to vector<16xi32>
      %swap3A_506 = arith.constant 96 : index
      %swap3A_507 = tpu.vector_load %arg10[%swap3A_506] {strides = array<i32>} : memref<128xi32, #tpu.memory_space<vmem>>, vector<16xi32>,
      %swap3A_508 = vector.shape_cast %swap3A_507 : vector<16xi32> to vector<16xi32>
      %swap3A_509 = vector.shape_cast %get3A_505 : vector<16xi32> to vector<16xi32>
      tpu.vector_store %arg10[%swap3A_506], %swap3A_509 {strides = array<i32>} : memref<128xi32, #tpu.memory_space<vmem>>, vector<16xi32>,
      %get3A_510 = arith.constant 112 : index
      %get3A_511 = tpu.vector_load %arg8[%get3A_510] {strides = array<i32>} : memref<128xi32, #tpu.memory_space<vmem>>, vector<16xi32>,
      %get3A_512 = vector.shape_cast %get3A_511 : vector<16xi32> to vector<16xi32>
      %swap3A_513 = arith.constant 112 : index
      %swap3A_514 = tpu.vector_load %arg10[%swap3A_513] {strides = array<i32>} : memref<128xi32, #tpu.memory_space<vmem>>, vector<16xi32>,
      %swap3A_515 = vector.shape_cast %swap3A_514 : vector<16xi32> to vector<16xi32>
      %swap3A_516 = vector.shape_cast %get3A_512 : vector<16xi32> to vector<16xi32>
      tpu.vector_store %arg10[%swap3A_513], %swap3A_516 {strides = array<i32>} : memref<128xi32, #tpu.memory_space<vmem>>, vector<16xi32>,
      %dma_start3A_517 = arith.constant 0 : i32
      %dma_start3A_518 = tpu.memref_slice %arg4[%dma_start3A_517] : memref<10240xf32, #tpu.memory_space<vmem_shared>> -> memref<10240xf32, #tpu.memory_space<vmem_shared>>
      tpu.enqueue_indirect_dma source(%arg6 : memref<128xf32, #tpu.memory_space<vmem>>) target(%dma_start3A_518 : memref<10240xf32, #tpu.memory_space<vmem_shared>>) offsets(%arg10 : memref<128xi32, #tpu.memory_space<vmem>>) semaphore(%arg14 : memref<!tpu.dma_semaphore, #tpu.memory_space<semaphore_mem>>) {add = true}
      %add3A_519 = arith.constant 3 : i32
      %add3A_520 = arith.addi %mul3A_234, %add3A_519 : i32
      %add3A_521 = arith.constant 2 : i32
      %add3A_522 = arith.addi %add3A_520, %add3A_521 : i32
      %mul3A_523 = arith.constant 32 : i32
      %mul3A_524 = arith.muli %add3A_522, %mul3A_523 : i32
      %add3A_525 = arith.addi %add3A, %mul3A_524 : i32
      %mul3A_526 = arith.constant 128 : i32
      %mul3A_527 = arith.muli %add3A_525, %mul3A_526 : i32
      %dma_start3A_528 = tpu.memref_slice %arg2[%mul3A_527] : memref<331776xi32, #tpu.memory_space<hbm>> -> memref<128xi32, #tpu.memory_space<hbm>>
      %dma_start3A_529 = tpu.memref_slice %arg2[%mul3A_527] : memref<331776xi32, #tpu.memory_space<hbm>> -> memref<128xi32, #tpu.memory_space<hbm>>
      tpu.enqueue_dma source(%dma_start3A_529 : memref<128xi32, #tpu.memory_space<hbm>>) target(%arg8 : memref<128xi32, #tpu.memory_space<vmem>>) target_semaphore(%arg12 : memref<!tpu.dma_semaphore, #tpu.memory_space<semaphore_mem>>)
      %dma_wait3A_530 = arith.constant 0 : i32
      %dma_wait3A_531 = tpu.memref_slice %arg2[%dma_wait3A_530] : memref<331776xi32, #tpu.memory_space<hbm>> -> memref<128xi32, #tpu.memory_space<hbm>>
      %dma_wait3A_532 = arith.constant 0 : i32
      %dma_wait3A_533 = tpu.memref_slice %arg2[%dma_wait3A_532] : memref<331776xi32, #tpu.memory_space<hbm>> -> memref<128xi32, #tpu.memory_space<hbm>>
      tpu.wait_dma2 semaphore(%arg11 : memref<!tpu.dma_semaphore, #tpu.memory_space<semaphore_mem>>) src(%dma_wait3A_533 : memref<128xi32, #tpu.memory_space<hbm>>) dst(%arg7 : memref<128xi32, #tpu.memory_space<vmem>>)
      %dma_wait3A_534 = arith.constant 0 : i32
      %dma_wait3A_535 = tpu.memref_slice %arg4[%dma_wait3A_534] : memref<10240xf32, #tpu.memory_space<vmem_shared>> -> memref<10240xf32, #tpu.memory_space<vmem_shared>>
      tpu.wait_indirect_dma semaphore(%arg13 : memref<!tpu.dma_semaphore, #tpu.memory_space<semaphore_mem>>) src(%arg6 : memref<128xf32, #tpu.memory_space<vmem>>) dst(%dma_wait3A_535 : memref<10240xf32, #tpu.memory_space<vmem_shared>>)
      %get3A_536 = arith.constant 0 : index
      %get3A_537 = tpu.vector_load %arg7[%get3A_536] {strides = array<i32>} : memref<128xi32, #tpu.memory_space<vmem>>, vector<16xi32>,
      %get3A_538 = vector.shape_cast %get3A_537 : vector<16xi32> to vector<16xi32>
      %swap3A_539 = arith.constant 0 : index
      %swap3A_540 = tpu.vector_load %arg9[%swap3A_539] {strides = array<i32>} : memref<128xi32, #tpu.memory_space<vmem>>, vector<16xi32>,
      %swap3A_541 = vector.shape_cast %swap3A_540 : vector<16xi32> to vector<16xi32>
      %swap3A_542 = vector.shape_cast %get3A_538 : vector<16xi32> to vector<16xi32>
      tpu.vector_store %arg9[%swap3A_539], %swap3A_542 {strides = array<i32>} : memref<128xi32, #tpu.memory_space<vmem>>, vector<16xi32>,
      %get3A_543 = arith.constant 16 : index
      %get3A_544 = tpu.vector_load %arg7[%get3A_543] {strides = array<i32>} : memref<128xi32, #tpu.memory_space<vmem>>, vector<16xi32>,
      %get3A_545 = vector.shape_cast %get3A_544 : vector<16xi32> to vector<16xi32>
      %swap3A_546 = arith.constant 16 : index
      %swap3A_547 = tpu.vector_load %arg9[%swap3A_546] {strides = array<i32>} : memref<128xi32, #tpu.memory_space<vmem>>, vector<16xi32>,
      %swap3A_548 = vector.shape_cast %swap3A_547 : vector<16xi32> to vector<16xi32>
      %swap3A_549 = vector.shape_cast %get3A_545 : vector<16xi32> to vector<16xi32>
      tpu.vector_store %arg9[%swap3A_546], %swap3A_549 {strides = array<i32>} : memref<128xi32, #tpu.memory_space<vmem>>, vector<16xi32>,
      %get3A_550 = arith.constant 32 : index
      %get3A_551 = tpu.vector_load %arg7[%get3A_550] {strides = array<i32>} : memref<128xi32, #tpu.memory_space<vmem>>, vector<16xi32>,
      %get3A_552 = vector.shape_cast %get3A_551 : vector<16xi32> to vector<16xi32>
      %swap3A_553 = arith.constant 32 : index
      %swap3A_554 = tpu.vector_load %arg9[%swap3A_553] {strides = array<i32>} : memref<128xi32, #tpu.memory_space<vmem>>, vector<16xi32>,
      %swap3A_555 = vector.shape_cast %swap3A_554 : vector<16xi32> to vector<16xi32>
      %swap3A_556 = vector.shape_cast %get3A_552 : vector<16xi32> to vector<16xi32>
      tpu.vector_store %arg9[%swap3A_553], %swap3A_556 {strides = array<i32>} : memref<128xi32, #tpu.memory_space<vmem>>, vector<16xi32>,
      %get3A_557 = arith.constant 48 : index
      %get3A_558 = tpu.vector_load %arg7[%get3A_557] {strides = array<i32>} : memref<128xi32, #tpu.memory_space<vmem>>, vector<16xi32>,
      %get3A_559 = vector.shape_cast %get3A_558 : vector<16xi32> to vector<16xi32>
      %swap3A_560 = arith.constant 48 : index
      %swap3A_561 = tpu.vector_load %arg9[%swap3A_560] {strides = array<i32>} : memref<128xi32, #tpu.memory_space<vmem>>, vector<16xi32>,
      %swap3A_562 = vector.shape_cast %swap3A_561 : vector<16xi32> to vector<16xi32>
      %swap3A_563 = vector.shape_cast %get3A_559 : vector<16xi32> to vector<16xi32>
      tpu.vector_store %arg9[%swap3A_560], %swap3A_563 {strides = array<i32>} : memref<128xi32, #tpu.memory_space<vmem>>, vector<16xi32>,
      %get3A_564 = arith.constant 64 : index
      %get3A_565 = tpu.vector_load %arg7[%get3A_564] {strides = array<i32>} : memref<128xi32, #tpu.memory_space<vmem>>, vector<16xi32>,
      %get3A_566 = vector.shape_cast %get3A_565 : vector<16xi32> to vector<16xi32>
      %swap3A_567 = arith.constant 64 : index
      %swap3A_568 = tpu.vector_load %arg9[%swap3A_567] {strides = array<i32>} : memref<128xi32, #tpu.memory_space<vmem>>, vector<16xi32>,
      %swap3A_569 = vector.shape_cast %swap3A_568 : vector<16xi32> to vector<16xi32>
      %swap3A_570 = vector.shape_cast %get3A_566 : vector<16xi32> to vector<16xi32>
      tpu.vector_store %arg9[%swap3A_567], %swap3A_570 {strides = array<i32>} : memref<128xi32, #tpu.memory_space<vmem>>, vector<16xi32>,
      %get3A_571 = arith.constant 80 : index
      %get3A_572 = tpu.vector_load %arg7[%get3A_571] {strides = array<i32>} : memref<128xi32, #tpu.memory_space<vmem>>, vector<16xi32>,
      %get3A_573 = vector.shape_cast %get3A_572 : vector<16xi32> to vector<16xi32>
      %swap3A_574 = arith.constant 80 : index
      %swap3A_575 = tpu.vector_load %arg9[%swap3A_574] {strides = array<i32>} : memref<128xi32, #tpu.memory_space<vmem>>, vector<16xi32>,
      %swap3A_576 = vector.shape_cast %swap3A_575 : vector<16xi32> to vector<16xi32>
      %swap3A_577 = vector.shape_cast %get3A_573 : vector<16xi32> to vector<16xi32>
      tpu.vector_store %arg9[%swap3A_574], %swap3A_577 {strides = array<i32>} : memref<128xi32, #tpu.memory_space<vmem>>, vector<16xi32>,
      %get3A_578 = arith.constant 96 : index
      %get3A_579 = tpu.vector_load %arg7[%get3A_578] {strides = array<i32>} : memref<128xi32, #tpu.memory_space<vmem>>, vector<16xi32>,
      %get3A_580 = vector.shape_cast %get3A_579 : vector<16xi32> to vector<16xi32>
      %swap3A_581 = arith.constant 96 : index
      %swap3A_582 = tpu.vector_load %arg9[%swap3A_581] {strides = array<i32>} : memref<128xi32, #tpu.memory_space<vmem>>, vector<16xi32>,
      %swap3A_583 = vector.shape_cast %swap3A_582 : vector<16xi32> to vector<16xi32>
      %swap3A_584 = vector.shape_cast %get3A_580 : vector<16xi32> to vector<16xi32>
      tpu.vector_store %arg9[%swap3A_581], %swap3A_584 {strides = array<i32>} : memref<128xi32, #tpu.memory_space<vmem>>, vector<16xi32>,
      %get3A_585 = arith.constant 112 : index
      %get3A_586 = tpu.vector_load %arg7[%get3A_585] {strides = array<i32>} : memref<128xi32, #tpu.memory_space<vmem>>, vector<16xi32>,
      %get3A_587 = vector.shape_cast %get3A_586 : vector<16xi32> to vector<16xi32>
      %swap3A_588 = arith.constant 112 : index
      %swap3A_589 = tpu.vector_load %arg9[%swap3A_588] {strides = array<i32>} : memref<128xi32, #tpu.memory_space<vmem>>, vector<16xi32>,
      %swap3A_590 = vector.shape_cast %swap3A_589 : vector<16xi32> to vector<16xi32>
      %swap3A_591 = vector.shape_cast %get3A_587 : vector<16xi32> to vector<16xi32>
      tpu.vector_store %arg9[%swap3A_588], %swap3A_591 {strides = array<i32>} : memref<128xi32, #tpu.memory_space<vmem>>, vector<16xi32>,
      %dma_start3A_592 = arith.constant 0 : i32
      %dma_start3A_593 = tpu.memref_slice %arg4[%dma_start3A_592] : memref<10240xf32, #tpu.memory_space<vmem_shared>> -> memref<10240xf32, #tpu.memory_space<vmem_shared>>
      tpu.enqueue_indirect_dma source(%arg6 : memref<128xf32, #tpu.memory_space<vmem>>) target(%dma_start3A_593 : memref<10240xf32, #tpu.memory_space<vmem_shared>>) offsets(%arg9 : memref<128xi32, #tpu.memory_space<vmem>>) semaphore(%arg13 : memref<!tpu.dma_semaphore, #tpu.memory_space<semaphore_mem>>) {add = true}
      %add3A_594 = arith.constant 4 : i32
      %add3A_595 = arith.addi %mul3A_234, %add3A_594 : i32
      %add3A_596 = arith.constant 2 : i32
      %add3A_597 = arith.addi %add3A_595, %add3A_596 : i32
      %mul3A_598 = arith.constant 32 : i32
      %mul3A_599 = arith.muli %add3A_597, %mul3A_598 : i32
      %add3A_600 = arith.addi %add3A, %mul3A_599 : i32
      %mul3A_601 = arith.constant 128 : i32
      %mul3A_602 = arith.muli %add3A_600, %mul3A_601 : i32
      %dma_start3A_603 = tpu.memref_slice %arg2[%mul3A_602] : memref<331776xi32, #tpu.memory_space<hbm>> -> memref<128xi32, #tpu.memory_space<hbm>>
      %dma_start3A_604 = tpu.memref_slice %arg2[%mul3A_602] : memref<331776xi32, #tpu.memory_space<hbm>> -> memref<128xi32, #tpu.memory_space<hbm>>
      tpu.enqueue_dma source(%dma_start3A_604 : memref<128xi32, #tpu.memory_space<hbm>>) target(%arg7 : memref<128xi32, #tpu.memory_space<vmem>>) target_semaphore(%arg11 : memref<!tpu.dma_semaphore, #tpu.memory_space<semaphore_mem>>)
      %dma_wait3A_605 = arith.constant 0 : i32
      %dma_wait3A_606 = tpu.memref_slice %arg2[%dma_wait3A_605] : memref<331776xi32, #tpu.memory_space<hbm>> -> memref<128xi32, #tpu.memory_space<hbm>>
      %dma_wait3A_607 = arith.constant 0 : i32
      %dma_wait3A_608 = tpu.memref_slice %arg2[%dma_wait3A_607] : memref<331776xi32, #tpu.memory_space<hbm>> -> memref<128xi32, #tpu.memory_space<hbm>>
      tpu.wait_dma2 semaphore(%arg12 : memref<!tpu.dma_semaphore, #tpu.memory_space<semaphore_mem>>) src(%dma_wait3A_608 : memref<128xi32, #tpu.memory_space<hbm>>) dst(%arg8 : memref<128xi32, #tpu.memory_space<vmem>>)
      %dma_wait3A_609 = arith.constant 0 : i32
      %dma_wait3A_610 = tpu.memref_slice %arg4[%dma_wait3A_609] : memref<10240xf32, #tpu.memory_space<vmem_shared>> -> memref<10240xf32, #tpu.memory_space<vmem_shared>>
      tpu.wait_indirect_dma semaphore(%arg14 : memref<!tpu.dma_semaphore, #tpu.memory_space<semaphore_mem>>) src(%arg6 : memref<128xf32, #tpu.memory_space<vmem>>) dst(%dma_wait3A_610 : memref<10240xf32, #tpu.memory_space<vmem_shared>>)
      %get3A_611 = arith.constant 0 : index
      %get3A_612 = tpu.vector_load %arg8[%get3A_611] {strides = array<i32>} : memref<128xi32, #tpu.memory_space<vmem>>, vector<16xi32>,
      %get3A_613 = vector.shape_cast %get3A_612 : vector<16xi32> to vector<16xi32>
      %swap3A_614 = arith.constant 0 : index
      %swap3A_615 = tpu.vector_load %arg10[%swap3A_614] {strides = array<i32>} : memref<128xi32, #tpu.memory_space<vmem>>, vector<16xi32>,
      %swap3A_616 = vector.shape_cast %swap3A_615 : vector<16xi32> to vector<16xi32>
      %swap3A_617 = vector.shape_cast %get3A_613 : vector<16xi32> to vector<16xi32>
      tpu.vector_store %arg10[%swap3A_614], %swap3A_617 {strides = array<i32>} : memref<128xi32, #tpu.memory_space<vmem>>, vector<16xi32>,
      %get3A_618 = arith.constant 16 : index
      %get3A_619 = tpu.vector_load %arg8[%get3A_618] {strides = array<i32>} : memref<128xi32, #tpu.memory_space<vmem>>, vector<16xi32>,
      %get3A_620 = vector.shape_cast %get3A_619 : vector<16xi32> to vector<16xi32>
      %swap3A_621 = arith.constant 16 : index
      %swap3A_622 = tpu.vector_load %arg10[%swap3A_621] {strides = array<i32>} : memref<128xi32, #tpu.memory_space<vmem>>, vector<16xi32>,
      %swap3A_623 = vector.shape_cast %swap3A_622 : vector<16xi32> to vector<16xi32>
      %swap3A_624 = vector.shape_cast %get3A_620 : vector<16xi32> to vector<16xi32>
      tpu.vector_store %arg10[%swap3A_621], %swap3A_624 {strides = array<i32>} : memref<128xi32, #tpu.memory_space<vmem>>, vector<16xi32>,
      %get3A_625 = arith.constant 32 : index
      %get3A_626 = tpu.vector_load %arg8[%get3A_625] {strides = array<i32>} : memref<128xi32, #tpu.memory_space<vmem>>, vector<16xi32>,
      %get3A_627 = vector.shape_cast %get3A_626 : vector<16xi32> to vector<16xi32>
      %swap3A_628 = arith.constant 32 : index
      %swap3A_629 = tpu.vector_load %arg10[%swap3A_628] {strides = array<i32>} : memref<128xi32, #tpu.memory_space<vmem>>, vector<16xi32>,
      %swap3A_630 = vector.shape_cast %swap3A_629 : vector<16xi32> to vector<16xi32>
      %swap3A_631 = vector.shape_cast %get3A_627 : vector<16xi32> to vector<16xi32>
      tpu.vector_store %arg10[%swap3A_628], %swap3A_631 {strides = array<i32>} : memref<128xi32, #tpu.memory_space<vmem>>, vector<16xi32>,
      %get3A_632 = arith.constant 48 : index
      %get3A_633 = tpu.vector_load %arg8[%get3A_632] {strides = array<i32>} : memref<128xi32, #tpu.memory_space<vmem>>, vector<16xi32>,
      %get3A_634 = vector.shape_cast %get3A_633 : vector<16xi32> to vector<16xi32>
      %swap3A_635 = arith.constant 48 : index
      %swap3A_636 = tpu.vector_load %arg10[%swap3A_635] {strides = array<i32>} : memref<128xi32, #tpu.memory_space<vmem>>, vector<16xi32>,
      %swap3A_637 = vector.shape_cast %swap3A_636 : vector<16xi32> to vector<16xi32>
      %swap3A_638 = vector.shape_cast %get3A_634 : vector<16xi32> to vector<16xi32>
      tpu.vector_store %arg10[%swap3A_635], %swap3A_638 {strides = array<i32>} : memref<128xi32, #tpu.memory_space<vmem>>, vector<16xi32>,
      %get3A_639 = arith.constant 64 : index
      %get3A_640 = tpu.vector_load %arg8[%get3A_639] {strides = array<i32>} : memref<128xi32, #tpu.memory_space<vmem>>, vector<16xi32>,
      %get3A_641 = vector.shape_cast %get3A_640 : vector<16xi32> to vector<16xi32>
      %swap3A_642 = arith.constant 64 : index
      %swap3A_643 = tpu.vector_load %arg10[%swap3A_642] {strides = array<i32>} : memref<128xi32, #tpu.memory_space<vmem>>, vector<16xi32>,
      %swap3A_644 = vector.shape_cast %swap3A_643 : vector<16xi32> to vector<16xi32>
      %swap3A_645 = vector.shape_cast %get3A_641 : vector<16xi32> to vector<16xi32>
      tpu.vector_store %arg10[%swap3A_642], %swap3A_645 {strides = array<i32>} : memref<128xi32, #tpu.memory_space<vmem>>, vector<16xi32>,
      %get3A_646 = arith.constant 80 : index
      %get3A_647 = tpu.vector_load %arg8[%get3A_646] {strides = array<i32>} : memref<128xi32, #tpu.memory_space<vmem>>, vector<16xi32>,
      %get3A_648 = vector.shape_cast %get3A_647 : vector<16xi32> to vector<16xi32>
      %swap3A_649 = arith.constant 80 : index
      %swap3A_650 = tpu.vector_load %arg10[%swap3A_649] {strides = array<i32>} : memref<128xi32, #tpu.memory_space<vmem>>, vector<16xi32>,
      %swap3A_651 = vector.shape_cast %swap3A_650 : vector<16xi32> to vector<16xi32>
      %swap3A_652 = vector.shape_cast %get3A_648 : vector<16xi32> to vector<16xi32>
      tpu.vector_store %arg10[%swap3A_649], %swap3A_652 {strides = array<i32>} : memref<128xi32, #tpu.memory_space<vmem>>, vector<16xi32>,
      %get3A_653 = arith.constant 96 : index
      %get3A_654 = tpu.vector_load %arg8[%get3A_653] {strides = array<i32>} : memref<128xi32, #tpu.memory_space<vmem>>, vector<16xi32>,
      %get3A_655 = vector.shape_cast %get3A_654 : vector<16xi32> to vector<16xi32>
      %swap3A_656 = arith.constant 96 : index
      %swap3A_657 = tpu.vector_load %arg10[%swap3A_656] {strides = array<i32>} : memref<128xi32, #tpu.memory_space<vmem>>, vector<16xi32>,
      %swap3A_658 = vector.shape_cast %swap3A_657 : vector<16xi32> to vector<16xi32>
      %swap3A_659 = vector.shape_cast %get3A_655 : vector<16xi32> to vector<16xi32>
      tpu.vector_store %arg10[%swap3A_656], %swap3A_659 {strides = array<i32>} : memref<128xi32, #tpu.memory_space<vmem>>, vector<16xi32>,
      %get3A_660 = arith.constant 112 : index
      %get3A_661 = tpu.vector_load %arg8[%get3A_660] {strides = array<i32>} : memref<128xi32, #tpu.memory_space<vmem>>, vector<16xi32>,
      %get3A_662 = vector.shape_cast %get3A_661 : vector<16xi32> to vector<16xi32>
      %swap3A_663 = arith.constant 112 : index
      %swap3A_664 = tpu.vector_load %arg10[%swap3A_663] {strides = array<i32>} : memref<128xi32, #tpu.memory_space<vmem>>, vector<16xi32>,
      %swap3A_665 = vector.shape_cast %swap3A_664 : vector<16xi32> to vector<16xi32>
      %swap3A_666 = vector.shape_cast %get3A_662 : vector<16xi32> to vector<16xi32>
      tpu.vector_store %arg10[%swap3A_663], %swap3A_666 {strides = array<i32>} : memref<128xi32, #tpu.memory_space<vmem>>, vector<16xi32>,
      %dma_start3A_667 = arith.constant 0 : i32
      %dma_start3A_668 = tpu.memref_slice %arg4[%dma_start3A_667] : memref<10240xf32, #tpu.memory_space<vmem_shared>> -> memref<10240xf32, #tpu.memory_space<vmem_shared>>
      tpu.enqueue_indirect_dma source(%arg6 : memref<128xf32, #tpu.memory_space<vmem>>) target(%dma_start3A_668 : memref<10240xf32, #tpu.memory_space<vmem_shared>>) offsets(%arg10 : memref<128xi32, #tpu.memory_space<vmem>>) semaphore(%arg14 : memref<!tpu.dma_semaphore, #tpu.memory_space<semaphore_mem>>) {add = true}
      %add3A_669 = arith.constant 5 : i32
      %add3A_670 = arith.addi %mul3A_234, %add3A_669 : i32
      %add3A_671 = arith.constant 2 : i32
      %add3A_672 = arith.addi %add3A_670, %add3A_671 : i32
      %mul3A_673 = arith.constant 32 : i32
      %mul3A_674 = arith.muli %add3A_672, %mul3A_673 : i32
      %add3A_675 = arith.addi %add3A, %mul3A_674 : i32
      %mul3A_676 = arith.constant 128 : i32
      %mul3A_677 = arith.muli %add3A_675, %mul3A_676 : i32
      %dma_start3A_678 = tpu.memref_slice %arg2[%mul3A_677] : memref<331776xi32, #tpu.memory_space<hbm>> -> memref<128xi32, #tpu.memory_space<hbm>>
      %dma_start3A_679 = tpu.memref_slice %arg2[%mul3A_677] : memref<331776xi32, #tpu.memory_space<hbm>> -> memref<128xi32, #tpu.memory_space<hbm>>
      tpu.enqueue_dma source(%dma_start3A_679 : memref<128xi32, #tpu.memory_space<hbm>>) target(%arg8 : memref<128xi32, #tpu.memory_space<vmem>>) target_semaphore(%arg12 : memref<!tpu.dma_semaphore, #tpu.memory_space<semaphore_mem>>)
      %dma_wait3A_680 = arith.constant 0 : i32
      %dma_wait3A_681 = tpu.memref_slice %arg4[%dma_wait3A_680] : memref<10240xf32, #tpu.memory_space<vmem_shared>> -> memref<10240xf32, #tpu.memory_space<vmem_shared>>
      tpu.wait_indirect_dma semaphore(%arg13 : memref<!tpu.dma_semaphore, #tpu.memory_space<semaphore_mem>>) src(%arg6 : memref<128xf32, #tpu.memory_space<vmem>>) dst(%dma_wait3A_681 : memref<10240xf32, #tpu.memory_space<vmem_shared>>)
      %dma_wait3A_682 = arith.constant 0 : i32
      %dma_wait3A_683 = tpu.memref_slice %arg4[%dma_wait3A_682] : memref<10240xf32, #tpu.memory_space<vmem_shared>> -> memref<10240xf32, #tpu.memory_space<vmem_shared>>
      tpu.wait_indirect_dma semaphore(%arg14 : memref<!tpu.dma_semaphore, #tpu.memory_space<semaphore_mem>>) src(%arg6 : memref<128xf32, #tpu.memory_space<vmem>>) dst(%dma_wait3A_683 : memref<10240xf32, #tpu.memory_space<vmem_shared>>)
    }
    %scan3A_214 = arith.constant 13 : i32
    %dma_wait3A = arith.constant 0 : i32
    %dma_wait3A_215 = tpu.memref_slice %arg2[%dma_wait3A] : memref<331776xi32, #tpu.memory_space<hbm>> -> memref<128xi32, #tpu.memory_space<hbm>>
    %dma_wait3A_216 = arith.constant 0 : i32
    %dma_wait3A_217 = tpu.memref_slice %arg2[%dma_wait3A_216] : memref<331776xi32, #tpu.memory_space<hbm>> -> memref<128xi32, #tpu.memory_space<hbm>>
    tpu.wait_dma2 semaphore(%arg11 : memref<!tpu.dma_semaphore, #tpu.memory_space<semaphore_mem>>) src(%dma_wait3A_217 : memref<128xi32, #tpu.memory_space<hbm>>) dst(%arg7 : memref<128xi32, #tpu.memory_space<vmem>>)
    %dma_wait3A_218 = arith.constant 0 : i32
    %dma_wait3A_219 = tpu.memref_slice %arg2[%dma_wait3A_218] : memref<331776xi32, #tpu.memory_space<hbm>> -> memref<128xi32, #tpu.memory_space<hbm>>
    %dma_wait3A_220 = arith.constant 0 : i32
    %dma_wait3A_221 = tpu.memref_slice %arg2[%dma_wait3A_220] : memref<331776xi32, #tpu.memory_space<hbm>> -> memref<128xi32, #tpu.memory_space<hbm>>
    tpu.wait_dma2 semaphore(%arg12 : memref<!tpu.dma_semaphore, #tpu.memory_space<semaphore_mem>>) src(%dma_wait3A_221 : memref<128xi32, #tpu.memory_space<hbm>>) dst(%arg8 : memref<128xi32, #tpu.memory_space<vmem>>)
    %lt3A = arith.constant 4 : i32
    %lt3A_222 = arith.cmpi slt, %add3A, %lt3A : i32
    %convert_element_type3A = arith.extui %lt3A_222 : i1 to i32
    %cond3A = arith.constant 0 : i32
    %cond3A_223 = arith.cmpi ne, %convert_element_type3A, %cond3A : i32
    scf.if %cond3A_223 {
      "tpu.region"() ({
        %run_scoped3A = tpu.sem_alloc : memref<!tpu.dma_semaphore, #tpu.memory_space<semaphore_mem>>
        %dma_start3A_232 = arith.constant 0 : i32
        %dma_start3A_233 = tpu.memref_slice %arg4[%dma_start3A_232] : memref<10240xf32, #tpu.memory_space<vmem_shared>> -> memref<10240xf32, #tpu.memory_space<vmem_shared>>
        tpu.enqueue_indirect_dma source(%arg6 : memref<128xf32, #tpu.memory_space<vmem>>) target(%dma_start3A_233 : memref<10240xf32, #tpu.memory_space<vmem_shared>>) offsets(%arg7 : memref<128xi32, #tpu.memory_space<vmem>>) semaphore(%run_scoped3A : memref<!tpu.dma_semaphore, #tpu.memory_space<semaphore_mem>>) {add = true}
        %dma_wait3A_234 = arith.constant 0 : i32
        %dma_wait3A_235 = tpu.memref_slice %arg4[%dma_wait3A_234] : memref<10240xf32, #tpu.memory_space<vmem_shared>> -> memref<10240xf32, #tpu.memory_space<vmem_shared>>
        tpu.wait_indirect_dma semaphore(%run_scoped3A : memref<!tpu.dma_semaphore, #tpu.memory_space<semaphore_mem>>) src(%arg6 : memref<128xf32, #tpu.memory_space<vmem>>) dst(%dma_wait3A_235 : memref<10240xf32, #tpu.memory_space<vmem_shared>>)
        tpu.yield
      }) : () -> ()
    } else {
    }
    %barrier3A_224 = arith.constant 0 : index
    tpu.barrier barrier_id(%barrier3A_224)
    %mul3A_225 = arith.constant 640 : i32
    %mul3A_226 = arith.muli %arg1, %mul3A_225 : i32
    "tpu.region"() ({
      %run_scoped3A = tpu.sem_alloc : memref<!tpu.dma_semaphore, #tpu.memory_space<semaphore_mem>>
      %dma_start3A_232 = tpu.memref_slice %arg4[%mul3A_226] : memref<10240xf32, #tpu.memory_space<vmem_shared>> -> memref<640xf32, #tpu.memory_space<vmem_shared>>
      %dma_start3A_233 = tpu.memref_slice %arg4[%mul3A_226] : memref<10240xf32, #tpu.memory_space<vmem_shared>> -> memref<640xf32, #tpu.memory_space<vmem_shared>>
      tpu.enqueue_dma source(%dma_start3A_233 : memref<640xf32, #tpu.memory_space<vmem_shared>>) target(%arg5 : memref<640xf32, #tpu.memory_space<vmem>>) target_semaphore(%run_scoped3A : memref<!tpu.dma_semaphore, #tpu.memory_space<semaphore_mem>>)
      %dma_wait3A_234 = tpu.memref_slice %arg4[%mul3A_226] : memref<10240xf32, #tpu.memory_space<vmem_shared>> -> memref<640xf32, #tpu.memory_space<vmem_shared>>
      %dma_wait3A_235 = tpu.memref_slice %arg4[%mul3A_226] : memref<10240xf32, #tpu.memory_space<vmem_shared>> -> memref<640xf32, #tpu.memory_space<vmem_shared>>
      tpu.wait_dma2 semaphore(%run_scoped3A : memref<!tpu.dma_semaphore, #tpu.memory_space<semaphore_mem>>) src(%dma_wait3A_235 : memref<640xf32, #tpu.memory_space<vmem_shared>>) dst(%arg5 : memref<640xf32, #tpu.memory_space<vmem>>)
      tpu.yield
    }) : () -> ()
    %mul3A_227 = arith.constant 10240 : i32
    %mul3A_228 = arith.muli %arg0, %mul3A_227 : i32
    %mul3A_229 = arith.constant 640 : i32
    %mul3A_230 = arith.muli %arg1, %mul3A_229 : i32
    %add3A_231 = arith.addi %mul3A_228, %mul3A_230 : i32
    "tpu.region"() ({
      %run_scoped3A = tpu.sem_alloc : memref<!tpu.dma_semaphore, #tpu.memory_space<semaphore_mem>>
      %dma_start3A_232 = tpu.memref_slice %arg3[%add3A_231] : memref<20480xf32, #tpu.memory_space<hbm>> -> memref<640xf32, #tpu.memory_space<hbm>>
      %dma_start3A_233 = tpu.memref_slice %arg3[%add3A_231] : memref<20480xf32, #tpu.memory_space<hbm>> -> memref<640xf32, #tpu.memory_space<hbm>>
      tpu.enqueue_dma source(%arg5 : memref<640xf32, #tpu.memory_space<vmem>>) target(%dma_start3A_233 : memref<640xf32, #tpu.memory_space<hbm>>) target_semaphore(%run_scoped3A : memref<!tpu.dma_semaphore, #tpu.memory_space<semaphore_mem>>)
      %dma_wait3A_234 = tpu.memref_slice %arg3[%add3A_231] : memref<20480xf32, #tpu.memory_space<hbm>> -> memref<640xf32, #tpu.memory_space<hbm>>
      %dma_wait3A_235 = tpu.memref_slice %arg3[%add3A_231] : memref<20480xf32, #tpu.memory_space<hbm>> -> memref<640xf32, #tpu.memory_space<hbm>>
      tpu.wait_dma2 semaphore(%run_scoped3A : memref<!tpu.dma_semaphore, #tpu.memory_space<semaphore_mem>>) src(%arg5 : memref<640xf32, #tpu.memory_space<vmem>>) dst(%dma_wait3A_235 : memref<640xf32, #tpu.memory_space<hbm>>)
      tpu.yield
    }) : () -> ()
    return
  }
}

module attributes {stable_mosaic.version = 14 : i64} {
  func.func @_tc1_body(%arg0: memref<10000x128xf32, #tpu.memory_space<vmem>>, %arg1: memref<128x128xf32, #tpu.memory_space<vmem>>, %arg2: memref<20480xf32, #tpu.memory_space<vmem>>, %arg3: memref<10000x128xf32, #tpu.memory_space<vmem>>) attributes {dimension_semantics = [], scalar_prefetch = 0 : i64, scratch_operands = 0 : i64, tpu.core_type = #tpu.core_type<tc>} {
    %get3A = arith.constant 0 : index
    %get3A_0 = vector.load %arg2[%get3A] : memref<20480xf32, #tpu.memory_space<vmem>>, vector<20480xf32>
    %reshape3A = vector.shape_cast %get3A_0 : vector<20480xf32> to vector<2x10240xf32>
    %slice3A = vector.extract_strided_slice %reshape3A {offsets = [0, 0], sizes = [2, 10000], strides = [1, 1]} : vector<2x10240xf32> to vector<2x10000xf32>
    %reduce_sum3A = arith.constant dense<0.000000e+00> : vector<10000xf32>
    %reduce_sum3A_1 = vector.multi_reduction <add>, %slice3A, %reduce_sum3A [0] : vector<2x10000xf32> to vector<10000xf32>
    %rsqrt3A = math.rsqrt %reduce_sum3A_1 : vector<10000xf32>
    %broadcast_in_dim3A = vector.shape_cast %rsqrt3A : vector<10000xf32> to vector<10000x1xf32>
    %get3A_2 = arith.constant 0 : index
    %get3A_3 = arith.constant 0 : index
    %get3A_4 = vector.load %arg0[%get3A_2, %get3A_3] : memref<10000x128xf32, #tpu.memory_space<vmem>>, vector<10000x128xf32>
    %get3A_5 = arith.constant 0 : index
    %get3A_6 = arith.constant 0 : index
    %get3A_7 = vector.load %arg1[%get3A_5, %get3A_6] : memref<128x128xf32, #tpu.memory_space<vmem>>, vector<128x128xf32>
    %dot_general3A = arith.constant dense<0.000000e+00> : vector<10000x128xf32>
    %dot_general3A_8 = tpu.matmul %get3A_4, %get3A_7, %dot_general3A {dimension_numbers = #tpu.dot_dimension_numbers<[1], [0], [0], [1], [0, 0, 1, 1], [], []>, transpose_lhs_hint = false} : vector<10000x128xf32>, vector<128x128xf32>, vector<10000x128xf32> -> vector<10000x128xf32>
    %mul3A = vector.broadcast %broadcast_in_dim3A : vector<10000x1xf32> to vector<10000x128xf32>
    %mul3A_9 = arith.mulf %mul3A, %dot_general3A_8 : vector<10000x128xf32>
    %swap3A = arith.constant 0 : index
    %swap3A_10 = arith.constant 0 : index
    %swap3A_11 = vector.load %arg3[%swap3A, %swap3A_10] : memref<10000x128xf32, #tpu.memory_space<vmem>>, vector<10000x128xf32>
    tpu.vector_store %arg3[%swap3A, %swap3A_10], %mul3A_9 {strides = array<i32>} : memref<10000x128xf32, #tpu.memory_space<vmem>>, vector<10000x128xf32>,
    return
  }
}

module attributes {stable_mosaic.version = 14 : i64} {
  func.func @_tc_mid_body(%arg0: memref<20000x128xf32, #tpu.memory_space<vmem>>, %arg1: memref<10000x128xf32, #tpu.memory_space<vmem>>, %arg2: memref<20480xf32, #tpu.memory_space<vmem>>, %arg3: memref<1x128xf32, #tpu.memory_space<vmem>>, %arg4: memref<1x128xf32, #tpu.memory_space<vmem>>, %arg5: memref<1x128xf32, #tpu.memory_space<vmem>>, %arg6: memref<1x1xf32, #tpu.memory_space<vmem>>, %arg7: memref<128x128xf32, #tpu.memory_space<vmem>>, %arg8: memref<10000x128xf32, #tpu.memory_space<vmem>>) attributes {dimension_semantics = [], scalar_prefetch = 0 : i64, scratch_operands = 0 : i64, tpu.core_type = #tpu.core_type<tc>} {
    %get3A = arith.constant 0 : index
    %get3A_0 = vector.load %arg2[%get3A] : memref<20480xf32, #tpu.memory_space<vmem>>, vector<20480xf32>
    %reshape3A = vector.shape_cast %get3A_0 : vector<20480xf32> to vector<2x10240xf32>
    %slice3A = vector.extract_strided_slice %reshape3A {offsets = [0, 0], sizes = [2, 10000], strides = [1, 1]} : vector<2x10240xf32> to vector<2x10000xf32>
    %reduce_sum3A = arith.constant dense<0.000000e+00> : vector<10000xf32>
    %reduce_sum3A_1 = vector.multi_reduction <add>, %slice3A, %reduce_sum3A [0] : vector<2x10000xf32> to vector<10000xf32>
    %rsqrt3A = math.rsqrt %reduce_sum3A_1 : vector<10000xf32>
    %broadcast_in_dim3A = vector.shape_cast %rsqrt3A : vector<10000xf32> to vector<10000x1xf32>
    %get3A_2 = arith.constant 0 : index
    %get3A_3 = arith.constant 0 : index
    %get3A_4 = vector.load %arg0[%get3A_2, %get3A_3] : memref<20000x128xf32, #tpu.memory_space<vmem>>, vector<20000x128xf32>
    %get3A_5 = arith.constant 0 : index
    %get3A_6 = arith.constant 0 : index
    %get3A_7 = vector.load %arg1[%get3A_5, %get3A_6] : memref<10000x128xf32, #tpu.memory_space<vmem>>, vector<10000x128xf32>
    %get3A_8 = arith.constant 0 : index
    %get3A_9 = arith.constant 0 : index
    %get3A_10 = vector.load %arg3[%get3A_8, %get3A_9] : memref<1x128xf32, #tpu.memory_space<vmem>>, vector<1x128xf32>
    %get3A_11 = arith.constant 0 : index
    %get3A_12 = arith.constant 0 : index
    %get3A_13 = vector.load %arg4[%get3A_11, %get3A_12] : memref<1x128xf32, #tpu.memory_space<vmem>>, vector<1x128xf32>
    %get3A_14 = arith.constant 0 : index
    %get3A_15 = arith.constant 0 : index
    %get3A_16 = vector.load %arg5[%get3A_14, %get3A_15] : memref<1x128xf32, #tpu.memory_space<vmem>>, vector<1x128xf32>
    %get3A_17 = arith.constant 0 : index
    %get3A_18 = arith.constant 0 : index
    %get3A_19 = vector.load %arg6[%get3A_17, %get3A_18] : memref<1x1xf32, #tpu.memory_space<vmem>>, vector<1x1xf32>
    %slice3A_20 = vector.extract_strided_slice %get3A_4 {offsets = [0, 0], sizes = [10000, 128], strides = [1, 1]} : vector<20000x128xf32> to vector<10000x128xf32>
    %slice3A_21 = vector.extract_strided_slice %get3A_4 {offsets = [10000, 0], sizes = [10000, 128], strides = [1, 1]} : vector<20000x128xf32> to vector<10000x128xf32>
    %add3A = arith.addf %slice3A_20, %slice3A_21 : vector<10000x128xf32>
    %sub3A = arith.subf %add3A, %get3A_7 : vector<10000x128xf32>
    %mul3A = vector.broadcast %broadcast_in_dim3A : vector<10000x1xf32> to vector<10000x128xf32>
    %mul3A_22 = arith.mulf %mul3A, %sub3A : vector<10000x128xf32>
    %add3A_23 = vector.broadcast %get3A_10 : vector<1x128xf32> to vector<10000x128xf32>
    %add3A_24 = arith.addf %mul3A_22, %add3A_23 : vector<10000x128xf32>
    %reduce_sum3A_25 = arith.constant dense<0.000000e+00> : vector<128xf32>
    %reduce_sum3A_26 = vector.multi_reduction <add>, %add3A_24, %reduce_sum3A_25 [0] : vector<10000x128xf32> to vector<128xf32>
    %div3A = arith.constant 1.000000e+04 : f32
    %div3A_27 = vector.broadcast %div3A : f32 to vector<128xf32>
    %div3A_28 = arith.divf %reduce_sum3A_26, %div3A_27 : vector<128xf32>
    %broadcast_in_dim3A_29 = vector.shape_cast %div3A_28 : vector<128xf32> to vector<1x128xf32>
    %sub3A_30 = vector.broadcast %broadcast_in_dim3A_29 : vector<1x128xf32> to vector<10000x128xf32>
    %sub3A_31 = arith.subf %add3A_24, %sub3A_30 : vector<10000x128xf32>
    %integer_pow3A = arith.mulf %sub3A_31, %sub3A_31 : vector<10000x128xf32>
    %reduce_sum3A_32 = arith.constant dense<0.000000e+00> : vector<128xf32>
    %reduce_sum3A_33 = vector.multi_reduction <add>, %integer_pow3A, %reduce_sum3A_32 [0] : vector<10000x128xf32> to vector<128xf32>
    %div3A_34 = arith.constant 1.000000e+04 : f32
    %div3A_35 = vector.broadcast %div3A_34 : f32 to vector<128xf32>
    %div3A_36 = arith.divf %reduce_sum3A_33, %div3A_35 : vector<128xf32>
    %broadcast_in_dim3A_37 = vector.shape_cast %div3A_28 : vector<128xf32> to vector<1x128xf32>
    %sub3A_38 = vector.broadcast %broadcast_in_dim3A_37 : vector<1x128xf32> to vector<10000x128xf32>
    %sub3A_39 = arith.subf %add3A_24, %sub3A_38 : vector<10000x128xf32>
    %mul3A_40 = vector.broadcast %get3A_13 : vector<1x128xf32> to vector<10000x128xf32>
    %mul3A_41 = arith.mulf %mul3A_40, %sub3A_39 : vector<10000x128xf32>
    %add3A_42 = arith.constant 9.99999974E-6 : f32
    %add3A_43 = vector.broadcast %add3A_42 : f32 to vector<128xf32>
    %add3A_44 = arith.addf %div3A_36, %add3A_43 : vector<128xf32>
    %sqrt3A = math.sqrt %add3A_44 : vector<128xf32>
    %broadcast_in_dim3A_45 = vector.shape_cast %sqrt3A : vector<128xf32> to vector<1x128xf32>
    %div3A_46 = vector.broadcast %broadcast_in_dim3A_45 : vector<1x128xf32> to vector<10000x128xf32>
    %div3A_47 = arith.divf %mul3A_41, %div3A_46 : vector<10000x128xf32>
    %add3A_48 = vector.broadcast %get3A_16 : vector<1x128xf32> to vector<10000x128xf32>
    %add3A_49 = arith.addf %div3A_47, %add3A_48 : vector<10000x128xf32>
    %ge3A = arith.constant 0.000000e+00 : f32
    %ge3A_50 = vector.broadcast %ge3A : f32 to vector<10000x128xf32>
    %ge3A_51 = arith.cmpf oge, %add3A_49, %ge3A_50 : vector<10000x128xf32>
    %mul3A_52 = vector.broadcast %get3A_19 : vector<1x1xf32> to vector<10000x128xf32>
    %mul3A_53 = arith.mulf %mul3A_52, %add3A_49 : vector<10000x128xf32>
    %select_n3A = arith.select %ge3A_51, %add3A_49, %mul3A_53 : vector<10000x128xi1>, vector<10000x128xf32>
    %get3A_54 = arith.constant 0 : index
    %get3A_55 = arith.constant 0 : index
    %get3A_56 = vector.load %arg7[%get3A_54, %get3A_55] : memref<128x128xf32, #tpu.memory_space<vmem>>, vector<128x128xf32>
    %dot_general3A = arith.constant dense<0.000000e+00> : vector<10000x128xf32>
    %dot_general3A_57 = tpu.matmul %select_n3A, %get3A_56, %dot_general3A {dimension_numbers = #tpu.dot_dimension_numbers<[1], [0], [0], [1], [0, 0, 1, 1], [], []>, transpose_lhs_hint = false} : vector<10000x128xf32>, vector<128x128xf32>, vector<10000x128xf32> -> vector<10000x128xf32>
    %mul3A_58 = vector.broadcast %broadcast_in_dim3A : vector<10000x1xf32> to vector<10000x128xf32>
    %mul3A_59 = arith.mulf %mul3A_58, %dot_general3A_57 : vector<10000x128xf32>
    %swap3A = arith.constant 0 : index
    %swap3A_60 = arith.constant 0 : index
    %swap3A_61 = vector.load %arg8[%swap3A, %swap3A_60] : memref<10000x128xf32, #tpu.memory_space<vmem>>, vector<10000x128xf32>
    tpu.vector_store %arg8[%swap3A, %swap3A_60], %mul3A_59 {strides = array<i32>} : memref<10000x128xf32, #tpu.memory_space<vmem>>, vector<10000x128xf32>,
    return
  }
}

module attributes {stable_mosaic.version = 14 : i64} {
  func.func @_tc_out_body(%arg0: memref<20000x128xf32, #tpu.memory_space<vmem>>, %arg1: memref<10000x128xf32, #tpu.memory_space<vmem>>, %arg2: memref<20480xf32, #tpu.memory_space<vmem>>, %arg3: memref<1x128xf32, #tpu.memory_space<vmem>>, %arg4: memref<1x128xf32, #tpu.memory_space<vmem>>, %arg5: memref<1x128xf32, #tpu.memory_space<vmem>>, %arg6: memref<1x1xf32, #tpu.memory_space<vmem>>, %arg7: memref<10000x128xf32, #tpu.memory_space<vmem>>) attributes {dimension_semantics = [], scalar_prefetch = 0 : i64, scratch_operands = 0 : i64, tpu.core_type = #tpu.core_type<tc>} {
    %get3A = arith.constant 0 : index
    %get3A_0 = vector.load %arg2[%get3A] : memref<20480xf32, #tpu.memory_space<vmem>>, vector<20480xf32>
    %reshape3A = vector.shape_cast %get3A_0 : vector<20480xf32> to vector<2x10240xf32>
    %slice3A = vector.extract_strided_slice %reshape3A {offsets = [0, 0], sizes = [2, 10000], strides = [1, 1]} : vector<2x10240xf32> to vector<2x10000xf32>
    %reduce_sum3A = arith.constant dense<0.000000e+00> : vector<10000xf32>
    %reduce_sum3A_1 = vector.multi_reduction <add>, %slice3A, %reduce_sum3A [0] : vector<2x10000xf32> to vector<10000xf32>
    %rsqrt3A = math.rsqrt %reduce_sum3A_1 : vector<10000xf32>
    %broadcast_in_dim3A = vector.shape_cast %rsqrt3A : vector<10000xf32> to vector<10000x1xf32>
    %get3A_2 = arith.constant 0 : index
    %get3A_3 = arith.constant 0 : index
    %get3A_4 = vector.load %arg0[%get3A_2, %get3A_3] : memref<20000x128xf32, #tpu.memory_space<vmem>>, vector<20000x128xf32>
    %get3A_5 = arith.constant 0 : index
    %get3A_6 = arith.constant 0 : index
    %get3A_7 = vector.load %arg1[%get3A_5, %get3A_6] : memref<10000x128xf32, #tpu.memory_space<vmem>>, vector<10000x128xf32>
    %get3A_8 = arith.constant 0 : index
    %get3A_9 = arith.constant 0 : index
    %get3A_10 = vector.load %arg3[%get3A_8, %get3A_9] : memref<1x128xf32, #tpu.memory_space<vmem>>, vector<1x128xf32>
    %get3A_11 = arith.constant 0 : index
    %get3A_12 = arith.constant 0 : index
    %get3A_13 = vector.load %arg4[%get3A_11, %get3A_12] : memref<1x128xf32, #tpu.memory_space<vmem>>, vector<1x128xf32>
    %get3A_14 = arith.constant 0 : index
    %get3A_15 = arith.constant 0 : index
    %get3A_16 = vector.load %arg5[%get3A_14, %get3A_15] : memref<1x128xf32, #tpu.memory_space<vmem>>, vector<1x128xf32>
    %get3A_17 = arith.constant 0 : index
    %get3A_18 = arith.constant 0 : index
    %get3A_19 = vector.load %arg6[%get3A_17, %get3A_18] : memref<1x1xf32, #tpu.memory_space<vmem>>, vector<1x1xf32>
    %slice3A_20 = vector.extract_strided_slice %get3A_4 {offsets = [0, 0], sizes = [10000, 128], strides = [1, 1]} : vector<20000x128xf32> to vector<10000x128xf32>
    %slice3A_21 = vector.extract_strided_slice %get3A_4 {offsets = [10000, 0], sizes = [10000, 128], strides = [1, 1]} : vector<20000x128xf32> to vector<10000x128xf32>
    %add3A = arith.addf %slice3A_20, %slice3A_21 : vector<10000x128xf32>
    %sub3A = arith.subf %add3A, %get3A_7 : vector<10000x128xf32>
    %mul3A = vector.broadcast %broadcast_in_dim3A : vector<10000x1xf32> to vector<10000x128xf32>
    %mul3A_22 = arith.mulf %mul3A, %sub3A : vector<10000x128xf32>
    %add3A_23 = vector.broadcast %get3A_10 : vector<1x128xf32> to vector<10000x128xf32>
    %add3A_24 = arith.addf %mul3A_22, %add3A_23 : vector<10000x128xf32>
    %reduce_sum3A_25 = arith.constant dense<0.000000e+00> : vector<128xf32>
    %reduce_sum3A_26 = vector.multi_reduction <add>, %add3A_24, %reduce_sum3A_25 [0] : vector<10000x128xf32> to vector<128xf32>
    %div3A = arith.constant 1.000000e+04 : f32
    %div3A_27 = vector.broadcast %div3A : f32 to vector<128xf32>
    %div3A_28 = arith.divf %reduce_sum3A_26, %div3A_27 : vector<128xf32>
    %broadcast_in_dim3A_29 = vector.shape_cast %div3A_28 : vector<128xf32> to vector<1x128xf32>
    %sub3A_30 = vector.broadcast %broadcast_in_dim3A_29 : vector<1x128xf32> to vector<10000x128xf32>
    %sub3A_31 = arith.subf %add3A_24, %sub3A_30 : vector<10000x128xf32>
    %integer_pow3A = arith.mulf %sub3A_31, %sub3A_31 : vector<10000x128xf32>
    %reduce_sum3A_32 = arith.constant dense<0.000000e+00> : vector<128xf32>
    %reduce_sum3A_33 = vector.multi_reduction <add>, %integer_pow3A, %reduce_sum3A_32 [0] : vector<10000x128xf32> to vector<128xf32>
    %div3A_34 = arith.constant 1.000000e+04 : f32
    %div3A_35 = vector.broadcast %div3A_34 : f32 to vector<128xf32>
    %div3A_36 = arith.divf %reduce_sum3A_33, %div3A_35 : vector<128xf32>
    %broadcast_in_dim3A_37 = vector.shape_cast %div3A_28 : vector<128xf32> to vector<1x128xf32>
    %sub3A_38 = vector.broadcast %broadcast_in_dim3A_37 : vector<1x128xf32> to vector<10000x128xf32>
    %sub3A_39 = arith.subf %add3A_24, %sub3A_38 : vector<10000x128xf32>
    %mul3A_40 = vector.broadcast %get3A_13 : vector<1x128xf32> to vector<10000x128xf32>
    %mul3A_41 = arith.mulf %mul3A_40, %sub3A_39 : vector<10000x128xf32>
    %add3A_42 = arith.constant 9.99999974E-6 : f32
    %add3A_43 = vector.broadcast %add3A_42 : f32 to vector<128xf32>
    %add3A_44 = arith.addf %div3A_36, %add3A_43 : vector<128xf32>
    %sqrt3A = math.sqrt %add3A_44 : vector<128xf32>
    %broadcast_in_dim3A_45 = vector.shape_cast %sqrt3A : vector<128xf32> to vector<1x128xf32>
    %div3A_46 = vector.broadcast %broadcast_in_dim3A_45 : vector<1x128xf32> to vector<10000x128xf32>
    %div3A_47 = arith.divf %mul3A_41, %div3A_46 : vector<10000x128xf32>
    %add3A_48 = vector.broadcast %get3A_16 : vector<1x128xf32> to vector<10000x128xf32>
    %add3A_49 = arith.addf %div3A_47, %add3A_48 : vector<10000x128xf32>
    %ge3A = arith.constant 0.000000e+00 : f32
    %ge3A_50 = vector.broadcast %ge3A : f32 to vector<10000x128xf32>
    %ge3A_51 = arith.cmpf oge, %add3A_49, %ge3A_50 : vector<10000x128xf32>
    %mul3A_52 = vector.broadcast %get3A_19 : vector<1x1xf32> to vector<10000x128xf32>
    %mul3A_53 = arith.mulf %mul3A_52, %add3A_49 : vector<10000x128xf32>
    %select_n3A = arith.select %ge3A_51, %add3A_49, %mul3A_53 : vector<10000x128xi1>, vector<10000x128xf32>
    %swap3A = arith.constant 0 : index
    %swap3A_54 = arith.constant 0 : index
    %swap3A_55 = vector.load %arg7[%swap3A, %swap3A_54] : memref<10000x128xf32, #tpu.memory_space<vmem>>, vector<10000x128xf32>
    tpu.vector_store %arg7[%swap3A, %swap3A_54], %select_n3A {strides = array<i32>} : memref<10000x128xf32, #tpu.memory_space<vmem>>, vector<10000x128xf32>,
    return
  }
}

</mosaic_0001>

<sc_bundles>
// kernel: kernel.11.cloned.1.call-start
scs
__scs_entry_jumppad:
0x0: {  	(pc) =	sbr.rel $0x88, $3  }
0x1: {  	(tag) =	ssettag $0x0;
	lr =	simm.s32 $0x1  }
0x2: {  	[smem:$0x3F95] =	sst lr;
	_ =	strace $0xD0000000  }
0x3: {  	_ = 	snop  }
0x4: {  	_ = 	snop  }
0x5: {  	_ = 	snop  }
0x6: {  	_ = 	snop  }
0x7: {  	_ = 	snop  }
__scs_overlays_trampoline_lowered:
0x8: {  	[smem:$0x3FA4] =	sst s0  }
0x9: {  	[smem:$0x3FA5] =	sst s1  }
0xa: {  	[smem:$0x3FA6] =	sst s2  }
0xb: {  	[smem:$0x3FA7] =	sst s3  }
0xc: {  	[smem:$0x3FA8] =	sst s4  }
0xd: {  	[smem:$0x3FA9] =	sst s5  }
0xe: {  	[smem:$0x3FAA] =	sst s6  }
0xf: {  	[smem:$0x3FAB] =	sst s7  }
0x10: {  	[smem:$0x3FAC] =	sst s8  }
0x11: {  	[smem:$0x3FAD] =	sst s9;
	s0 =	simm.s32 @!p0 $0x0  }
0x12: {  	s1 =	sld [smem:$0x3F93];
	s0 =	simm.s32 @p0 $0x1  }
0x13: {  	[smem:$0x3FAE] =	sst s0;
	s0 =	simm.s32 @!p1 $0x0  }
0x14: {  	s2 =	sld [smem:$0x3F92];
	s0 =	simm.s32 @p1 $0x1  }
0x15: {  	[smem:$0x3FAF] =	sst s0;
	s0 =	simm.s32 @!p2 $0x0  }
0x16: {  	s3 =	sld [smem:$0x3FDB];
	s0 =	simm.s32 @p2 $0x1  }
0x17: {  	s4 =	simm.s32 $0x1BF5;
	[smem:$0x3FB1] =	sst s0  }
0x18: {  	s0 =	sld [smem:$0x3F94];
	_ =	swait.ge [sflag:s4], $0x0  }
0x19: {  	s7 =	sld [smem:$0x3F95]  }
0x1a: {  	s8 =	sadd.s32 $0xFFFFE003, lr  }
0x1b: {  	s9 =	sadd.s32 $0xFFFFFEF7, lr;
	s5 =	simm.s32 $0xFFFFFFFF;
	p2 =	slt.u32 s8, $0xFFFFF086  }
0x1c: {  	p1 =	slt.u32 s9, $0xF7A;
	s5 =	simm.s32 @!p2 $0x0  }
0x1d: {  	s5 =	simm.s32 @p1 $0x1;
	p0 =	seq.s32 s7, s2  }
0x1e: {  	s7 =	smul.u32 @!p0 $0xF7A, s2;
	p2 =	seq.s32 @!p0 s5, $0x0  }
0x1f: {  	s9 =	smul.u32 $0xF7A, s1;
	s8 =	simm.s32 @!p0 $0x1BF5;
	p2 =	por !p2, p0  }
0x20: {  	[sflag:s8] =	ssyncset.s32 @!p0 $0xFFFFF086;
	s6 =	sadd.s32 @!p0 s3, s7;
	s7 =	simm.s32 @!p0 $0x108  }
0x21: {  	s3 =	sadd.s32 s3, s9;
	s6 =	sadd.s32 @!p0 $0x88, s6;
	s7 =	simm.s32 @p2 $0x1082  }
0x22: {  	[simem:s7], [sflag:s8] =	dma.local @!p0 [hbm:s6], $0xF7A  }
0x23: {  	s9 =	sor.u32 $0xD0000000, s2;
	s6 =	simm.s32 $0x108;
	_ =	swait.ge @!p0 [sflag:s8], $0x0  }
0x24: {  	s3 =	sadd.s32 $0x88, s3;
	s6 =	simm.s32 @!p1 $0x1082;
	[sflag:s4] =	ssyncset.s32 $0xFFFFF086  }
0x25: {  	[simem:s6], [sflag:s4] =	dma.local [hbm:s3], $0xF7A  }
0x26: {  	[smem:$0x3F95] =	sst s1;
	(tag) =	ssettag s2;
	_ =	strace s9  }
0x27: {  	s1 =	sld [smem:$0x3FA5]  }
0x28: {  	s2 =	sld [smem:$0x3FA6]  }
0x29: {  	s4 =	sld [smem:$0x3FA8]  }
0x2a: {  	p0 =	seq.s32 s5, $0x0;
	s5 =	sld [smem:$0x3FA9]  }
0x2b: {  	s6 =	sld [smem:$0x3FAA]  }
0x2c: {  	s7 =	sld [smem:$0x3FAB]  }
0x2d: {  	s3 =	simm.s32 $0x108;
	s8 =	sld [smem:$0x3FAC]  }
0x2e: {  	s3 =	simm.s32 @!p0 $0x1082;
	s9 =	sld [smem:$0x3FAD]  }
0x2f: {  	lr =	sadd.s32 s0, s3;
	s0 =	sld [smem:$0x3FA4]  }
0x30: {  	s3 =	sld [smem:$0x3FA7]  }
0x31: {  	[smem:$0x3FB0] =	sst s10  }
0x32: {  	s10 =	sld [smem:$0x3FAE];
	_ =	sdelay $0x3  }
0x33: {  	p0 =	seq.s32 s10, $0x1;
	s10 =	sld [smem:$0x3FB0];
	_ =	sdelay $0x3  }
0x34: {  	[smem:$0x3FB0] =	sst s10  }
0x35: {  	s10 =	sld [smem:$0x3FAF];
	_ =	sdelay $0x3  }
0x36: {  	p1 =	seq.s32 s10, $0x1;
	s10 =	sld [smem:$0x3FB0];
	_ =	sdelay $0x3  }
0x37: {  	[smem:$0x3FB0] =	sst s10  }
0x38: {  	s10 =	sld [smem:$0x3FB1]  }
0x39: {  	_ = 	snop;
	(pc) =	sbr.ind lr, $3  }
0x3a: {  	_ = 	snop  }
0x3b: {  	_ = 	snop  }
0x3c: {  	p2 =	seq.s32 s10, $0x1;
	s10 =	sld [smem:$0x3FB0]  }
0x3d: {  	_ =	shalt  }
0x3e: {  	_ =	shalt  }
0x3f: {  	_ =	shalt  }
0x40: {  	_ =	shalt  }
0x41: {  	_ =	shalt  }
0x42: {  	_ =	shalt  }
0x43: {  	_ =	shalt  }
0x44: {  	_ =	shalt  }
0x45: {  	_ =	shalt  }
0x46: {  	_ =	shalt  }
0x47: {  	_ =	shalt  }
0x48: {  	_ =	shalt  }
0x49: {  	_ =	shalt  }
0x4a: {  	_ =	shalt  }
0x4b: {  	_ =	shalt  }
0x4c: {  	_ =	shalt  }
0x4d: {  	_ =	shalt  }
0x4e: {  	_ =	shalt  }
0x4f: {  	_ =	shalt  }
0x50: {  	_ =	shalt  }
0x51: {  	_ =	shalt  }
0x52: {  	_ =	shalt  }
0x53: {  	_ =	shalt  }
0x54: {  	_ =	shalt  }
0x55: {  	_ =	shalt  }
0x56: {  	_ =	shalt  }
0x57: {  	_ =	shalt  }
0x58: {  	_ =	shalt  }
0x59: {  	_ =	shalt  }
0x5a: {  	_ =	shalt  }
0x5b: {  	_ =	shalt  }
0x5c: {  	_ =	shalt  }
0x5d: {  	_ =	shalt  }
0x5e: {  	_ =	shalt  }
0x5f: {  	_ =	shalt  }
0x60: {  	_ =	shalt  }
0x61: {  	_ =	shalt  }
0x62: {  	_ =	shalt  }
0x63: {  	_ =	shalt  }
0x64: {  	_ =	shalt  }
0x65: {  	_ =	shalt  }
0x66: {  	_ =	shalt  }
0x67: {  	_ =	shalt  }
0x68: {  	_ =	shalt  }
0x69: {  	_ =	shalt  }
0x6a: {  	_ =	shalt  }
0x6b: {  	_ =	shalt  }
0x6c: {  	_ =	shalt  }
0x6d: {  	_ =	shalt  }
0x6e: {  	_ =	shalt  }
0x6f: {  	_ =	shalt  }
0x70: {  	_ =	shalt  }
0x71: {  	_ =	shalt  }
0x72: {  	_ =	shalt  }
0x73: {  	_ =	shalt  }
0x74: {  	_ =	shalt  }
0x75: {  	_ =	shalt  }
0x76: {  	_ =	shalt  }
0x77: {  	_ =	shalt  }
0x78: {  	_ =	shalt  }
0x79: {  	_ =	shalt  }
0x7a: {  	_ =	shalt  }
0x7b: {  	_ =	shalt  }
0x7c: {  	_ =	shalt  }
0x7d: {  	_ =	shalt  }
0x7e: {  	_ =	shalt  }
0x7f: {  	_ =	shalt  }
0x80: {  	_ =	shalt  }
0x81: {  	_ =	shalt  }
0x82: {  	_ =	shalt  }
0x83: {  	_ =	shalt  }
0x84: {  	_ =	shalt  }
0x85: {  	_ =	shalt  }
0x86: {  	_ =	shalt  }
0x87: {  	_ =	shalt  }
.Lfunc_end0:
.L_simem_size_0:
called_computation.1_lowered:
.L_overlay_start_0:
0x88: {  	s2 =	sld [smem:$0x3FD9]  }
0x89: {  	s3 =	sld [smem:$0x3FFE];
	_ =	sdelay $0x1  }
0x8a: {  	s1 =	srdreg.scid  }
0x8b: {  	s0 =	sand.u32 $0x1, s1  }
0x8c: {  	s17 =	sshll.u32 s0, $0xA;
	s2 =	sadd.s32 s3, s2  }
0x8d: {  	s2 =	sadd.s32 s2, s17  }
0x8e: {  	[smem:$0x3FBC] =	sst s2  }
0x8f: {  	_ = 	snop  }
0x90: {  	s2 =	sld [smem:$0x3FD0];
	(tm) =	ssettm $0x1  }
0x91: {  	s18 =	sld [smem:$0x3FFB];
	_ =	sdelay $0x3  }
0x92: {  	_ =	strace s18  }
0x93: {  	s3 =	sld [smem:$0x3FFC];
	_ =	sdelay $0x3  }
0x94: {  	_ =	strace s3  }
0x95: {  	s3 =	sld [smem:$0x3FFD];
	_ =	sdelay $0x3  }
0x96: {  	_ =	strace s3  }
0x97: {  	_ =	strace $0x8FFFFFFF  }
0x98: {  	s19 =	sld [smem:$0x3FDB];
	_ =	sdelay $0x1  }
0x99: {  	s4 =	simm.s32 $_scs_section_size  }
0x9a: {  	s5 =	simm.s32 $_size__tile_overlayer_lowered;
	s6 =	simm.s32 $_tile_overlayer_lowered  }
0x9b: {  	s22 =	simm.s32 $0x1BFF;
	s21 =	sshll.u32 s6, $0x1;
	s3 =	sadd.s32 s4, s19  }
0x9c: {  	s7 =	simm.s32 $0x0;
	s20 =	sshll.u32 s5, $0x1;
	s5 =	sadd.s32 s21, s3  }
0x9d: {  	[timem:s7], [sflag:s22] =	dma.local [hbm:s5], s20  }
0x9e: {  	_ =	swait.ge [sflag:s22], s20  }
0x9f: {  	s4 =	ssub.s32 $0x0, s20;
	[sflag:s22] =	ssyncset.done $0x0  }
0xa0: {  	[sflag:s22] =	ssyncadd.s32 s4;
	_ =	sdelay $0x1  }
0xa1: {  	s23 =	simm.s32 $0x1B8B  }
0xa2: {  	_ =	swait.ge [sflag:s23], $0x1  }
0xa3: {  	[sflag:s23] =	ssyncset.done $0x0  }
0xa4: {  	s25 =	simm.s32 $0x1B8E;
	s24 =	sld [smem:$0x3FFE];
	[sflag:s23] =	ssyncadd.s32 $0xFFFFFFFF  }
0xa5: {  	s26 =	simm.s32 $execute0_lowered;
	[smem:$0x3FD2] =	sst s25  }
0xa6: {  	s5 =	sshll.u32 s26, $0x1;
	_ =	strace $0x80000049;
	[dreg:$0x1] =	wrdreg $0xFFFFFFFF  }
0xa7: {  	s28 =	simm.s32 $_size_execute0_lowered;
	s3 =	sadd.s32 s3, s5;
	[dreg:$0x0] =	wrdreg $0x0  }
0xa8: {  	s5 =	sshll.u32 s28, $0x1;
	[dreg:$0x2] =	wrdreg s3  }
0xa9: {  	[dreg:$0x3] =	wrdreg s5  }
0xaa: {  	[dreg:$0x4] =	wrdreg $0xC0  }
0xab: {  	_ =	task [dreg:s7], $0x5FFFF  }
0xac: {  	[dreg:$0x1] =	wrdreg $0xFFFFFFFF  }
0xad: {  	[dreg:$0x0] =	wrdreg $0x60  }
0xae: {  	[dreg:$0x2] =	wrdreg s2  }
0xaf: {  	[dreg:$0x3] =	wrdreg s24  }
0xb0: {  	[dreg:$0x4] =	wrdreg $0x0  }
0xb1: {  	[dreg:$0x5] =	wrdreg $0x9  }
0xb2: {  	_ =	task.clear_ibuf [dreg:s7], $0x6FFFF;
	_ =	strace $0x90000049  }
0xb3: {  	s29 =	simm.s32 $0x9;
	_ =	strace $0x8000004B  }
0xb4: {  	_ =	swait.ge [sflag:s29], $0x1  }
0xb5: {  	[sflag:s29] =	ssyncadd.s32 $0xFFFFFFFF  }
0xb6: {  	_ =	strace $0x9000004B  }
0xb7: {  	_ =	sfence  }
0xb8: {  	s30 =	sld [smem:$0x0];
	_ =	sdelay $0x2  }
0xb9: {  	s31 =	sshll.u32 s1, $0xD;
	s1 =	sshrl.u32 s1, $0x2  }
0xba: {  	s3 =	sand.u32 $0x4000, s31;
	s1 =	sadd.s32 s1, s30  }
0xbb: {  	s0 =	sor.u32 s3, s0;
	s1 =	sshll.u32 s1, $0x11  }
0xbc: {  	s0 =	sor.u32 s1, s0  }
0xbd: {  	s0 =	sadd.s32 $0x8F2B, s0  }
0xbe: {  	[sflag:s0] =	ssyncadd.remote.s32 $0x1  }
0xbf: {  	_ =	sfence.sel $0xFFFF  }
0xc0: {  	[dreg:$0x0] =	wrdreg $0xFFFFFFFF;
	(pc) =	sbr.abs _section_cstart, $3  }
0xc1: {  	[dreg:$0x1] =	wrdreg $0xFFFFFFFF  }
0xc2: {  	_ =	task.clear_ibuf [dreg:s7], $0x2FFFF;
	_ =	strace $0x9FFFFFFF  }
0xc3: {  	(tm) =	ssettm $0x7FFFFFFF  }
tec
execute0_lowered:
.L_overlay_start_1:
0x0: {  	(tag) =	ssettag $0x1  }
0x1: {  	s1 =	rddreg [dreg:$0x0]  }
0x2: {  	s0 =	rddreg [dreg:$0x1]  }
0x3: {  	s2 =	rddreg [dreg:$0x2]  }
0x4: {  	s3 =	simm.s32 $0x0;
	s4 =	srdreg.scid;
	s20 =	stileid.u32  }
0x5: {  	s31 =	simm.s32 $0x13D00;
	s30 =	simm.s32 $0xB;
	s29 =	simm.s32 $0x7  }
0x6: {  	[smem:$0x7FF] =	sst s3;
	s4 =	sand.u32 $0x1, s4;
	s6 =	sadd.s32 $0xCC00, s0  }
0x7: {  	s8 =	sadd.s32 $0x2A00, s0;
	s0 =	sadd.s32 $0x16E00, s0;
	s23 =	sshll.u32 s20, $0xE  }
0x8: {  	s25 =	sor.u32 $0x10, s20;
	s13 =	sshll.u32 s20, $0x4;
	s15 =	sor.u32 $0x20, s20  }
0x9: {  	_ =	strace $0x8000004A;
	s5 =	sshll.u32 s4, $0x4;
	s7 =	ssub.s32 $0x2, s4  }
0xa: {  	s11 =	smul.u32 $0x138800, s4;
	s4 =	sshll.u32 s4, $0x8;
	s14 =	sshll.u32 s25, $0xE  }
0xb: {  	s16 =	sshll.u32 s15, $0xE;
	s5 =	sor.u32 s20, s5;
	s9 =	sshrl.u32 s7, $0x1  }
0xc: {  	s28 =	sadd.s32 s16, s2;
	s10 =	sshll.u32 s5, $0x4;
	s7 =	ssub.s32 s7, s9  }
0xd: {  	s22 =	sshrl.u32 s11, $0x3;
	p0 =	sgt.u32 s5, $0x3;
	s5 =	sshll.u32 s20, $0xB  }
0xe: {  	[dreg:$0x18] =	wrdreg s28;
	s17 =	sadd.s32 s6, s10;
	s18 =	sadd.s32 s8, s10  }
0xf: {  	s19 =	sor.u32 $0x200, s10;
	s21 =	sor.u32 $0x400, s10;
	[dreg:$0x6] =	wrdreg s17  }
0x10: {  	[dreg:$0x7] =	wrdreg s18;
	s12 =	sadd.s32 s6, s19;
	s9 =	sadd.s32 s8, s19  }
0x11: {  	s10 =	sadd.s32 s6, s21;
	s17 =	sor.u32 $0x30, s20;
	[dreg:$0x8] =	wrdreg s12  }
0x12: {  	s18 =	sadd.s32 s11, s23;
	s19 =	sadd.s32 s11, s14;
	[dreg:$0x9] =	wrdreg s9  }
0x13: {  	[dreg:$0xa] =	wrdreg s10;
	s9 =	sadd.s32 s8, s21;
	s8 =	sadd.s32 s4, s8  }
0x14: {  	s4 =	sadd.s32 s4, s6;
	s6 =	sshrl.u32 s19, $0x3;
	s21 =	sor.u32 $0x40, s20  }
0x15: {  	s12 =	sadd.s32 s23, s2;
	s23 =	sadd.s32 s14, s2;
	s10 =	simm.s32 $0x13B00  }
0x16: {  	s14 =	simm.s32 $0x17D00;
	[dreg:$0xb] =	wrdreg s9;
	s9 =	sadd.s32 s0, s22  }
0x17: {  	s8 =	sadd.s32 s13, s8;
	s4 =	sadd.s32 s13, s4;
	s6 =	sadd.s32 s0, s6  }
0x18: {  	s22 =	sshll.u32 s17, $0xE;
	s24 =	sshll.u32 s21, $0xE;
	[dreg:$0x14] =	wrdreg s12  }
0x19: {  	p1 =	sgt.u32 s21, $0x4D;
	s21 =	sshll.u32 s21, $0xB;
	[dreg:$0x16] =	wrdreg s23  }
0x1a: {  	s12 =	simm.s32 $0x80;
	s13 =	simm.s32 $0x2;
	[dreg:$0x4] =	wrdreg s8  }
0x1b: {  	s8 =	sshrl.u32 s18, $0x3;
	[dreg:$0xd] =	wrdreg s6;
	s18 =	sadd.s32 s11, s16  }
0x1c: {  	s19 =	sadd.s32 s11, s22;
	s11 =	sadd.s32 s11, s24;
	[dreg:$0x5] =	wrdreg s4  }
0x1d: {  	s4 =	sadd.s32 $0x27000, s9;
	s9 =	smax.u32 s7, $0x1;
	p2 =	sne.s32 @p1 s20, $0xF  }
0x1e: {  	s6 =	simm.s32 $0x13A00;
	s7 =	simm.s32 $0x13900;
	s16 =	simm.s32 $0x1BD00  }
0x1f: {  	s20 =	simm.s32 $0x5;
	s8 =	sadd.s32 s0, s8;
	s18 =	sshrl.u32 s18, $0x3  }
0x20: {  	s26 =	sshrl.u32 s19, $0x3;
	s11 =	sshrl.u32 s11, $0x3;
	[dreg:$0x11] =	wrdreg s4  }
0x21: {  	[dreg:$0x12] =	wrdreg s9;
	s19 =	sshll.u32 s17, $0xB;
	p2 =	por p2, !p1  }
0x22: {  	s4 =	simm.s32 $0xA;
	[dreg:$0xc] =	wrdreg s8;
	s18 =	sadd.s32 s0, s18  }
0x23: {  	s9 =	simm.s32 $0x13980;
	[dreg:$0xe] =	wrdreg s18;
	s18 =	sadd.s32 s0, s26  }
0x24: {  	s0 =	sadd.s32 s0, s11;
	s11 =	sshll.u32 s25, $0xB;
	[dreg:$0xf] =	wrdreg s18  }
0x25: {  	s25 =	sadd.s32 s22, s2;
	s22 =	sadd.s32 s24, s2;
	[dreg:$0x10] =	wrdreg s0  }
0x26: {  	s17 =	simm.s32 $0x4;
	s24 =	sadd.s32 $0x27000, s1;
	[dreg:$0x1c] =	wrdreg s22  }
0x27: {  	s8 =	simm.s32 $0x13A80;
	s26 =	sadd.s32 $0x138000, s2;
	[dreg:$0x1d] =	wrdreg s24  }
0x28: {  	s0 =	sadd.s32 s1, s5;
	s18 =	sshll.u32 s15, $0xB;
	[dreg:$0x1e] =	wrdreg s26  }
0x29: {  	s5 =	simm.s32 $0x13880;
	s15 =	simm.s32 $0x3;
	[dreg:$0x1a] =	wrdreg s25  }
0x2a: {  	s22 =	simm.s32 $0x13C00;
	[dreg:$0x13] =	wrdreg s0;
	s0 =	sadd.s32 s1, s11  }
0x2b: {  	s24 =	simm.s32 $0x6;
	[dreg:$0x15] =	wrdreg s0;
	s0 =	sadd.s32 s1, s18  }
0x2c: {  	s26 =	simm.s32 $0x13C80;
	[dreg:$0x17] =	wrdreg s0;
	s0 =	sadd.s32 s1, s19  }
0x2d: {  	s11 =	simm.s32 $0x1;
	[dreg:$0x19] =	wrdreg s0;
	s0 =	sadd.s32 s1, s21  }
0x2e: {  	s18 =	simm.s32 $0x13B80;
	[dreg:$0x1b] =	wrdreg s0;
	s0 =	simm.s32 $0x0  }
0x2f: {  	s19 =	simm.s32 $0x8;
	s21 =	simm.s32 $0x9;
	[dreg:$0x1f] =	wrdreg s0  }
.LBB2_1:
0x30: {  	s0 =	rddreg [dreg:$0x13]  }
0x31: {  	[tilespmem:s31], [sflag:$0xB] =	stream.linear.gather [hbm4b:s0+s3], $0x4000, $0x38;
	[tilespmem:$0x1FD00] =	vst v63  }
0x32: {  	_ =	swait.ge [sflag:s30], $0x4000  }
0x33: {  	[sflag:s30] =	ssyncset.done $0x0  }
0x34: {  	s0 =	rddreg [dreg:$0x14];
	[sflag:s30] =	ssyncadd.s32 $0xFFFFC000  }
0x35: {  	[spmem:s0] =	stream.linear.scatter [tilespmem:s31], [sflag:$0xA], $0x4000, $0x38;
	[tilespmem:$0x1FD00] =	vst v63  }
0x36: {  	_ =	swait.ge [sflag:s4], $0x4000  }
0x37: {  	[sflag:s4] =	ssyncset.done $0x0  }
0x38: {  	s0 =	rddreg [dreg:$0x15];
	[sflag:s4] =	ssyncadd.s32 $0xFFFFC000  }
0x39: {  	[tilespmem:s31], [sflag:$0xB] =	stream.linear.gather [hbm4b:s0+s3], $0x4000, $0x38;
	[tilespmem:$0x1FD00] =	vst v63  }
0x3a: {  	_ =	swait.ge [sflag:s30], $0x4000  }
0x3b: {  	[sflag:s30] =	ssyncset.done $0x0  }
0x3c: {  	[sflag:s30] =	ssyncadd.s32 $0xFFFFC000  }
0x3d: {  	[spmem:s23] =	stream.linear.scatter [tilespmem:s31], [sflag:$0xA], $0x4000, $0x38;
	[tilespmem:$0x1FD00] =	vst v63  }
0x3e: {  	_ =	swait.ge [sflag:s4], $0x4000  }
0x3f: {  	[sflag:s4] =	ssyncset.done $0x0  }
0x40: {  	s23 =	rddreg [dreg:$0x17];
	[sflag:s4] =	ssyncadd.s32 $0xFFFFC000  }
0x41: {  	[tilespmem:s31], [sflag:$0xB] =	stream.linear.gather [hbm4b:s23+s3], $0x4000, $0x38;
	[tilespmem:$0x1FD00] =	vst v63  }
0x42: {  	_ =	swait.ge [sflag:s30], $0x4000  }
0x43: {  	[sflag:s30] =	ssyncset.done $0x0  }
0x44: {  	[sflag:s30] =	ssyncadd.s32 $0xFFFFC000  }
0x45: {  	[spmem:s28] =	stream.linear.scatter [tilespmem:s31], [sflag:$0xA], $0x4000, $0x38;
	[tilespmem:$0x1FD00] =	vst v63  }
0x46: {  	_ =	swait.ge [sflag:s4], $0x4000  }
0x47: {  	[sflag:s4] =	ssyncset.done $0x0  }
0x48: {  	s23 =	rddreg [dreg:$0x19];
	[sflag:s4] =	ssyncadd.s32 $0xFFFFC000  }
0x49: {  	[tilespmem:s31], [sflag:$0xB] =	stream.linear.gather [hbm4b:s23+s3], $0x4000, $0x38;
	[tilespmem:$0x1FD00] =	vst v63  }
0x4a: {  	_ =	swait.ge [sflag:s30], $0x4000  }
0x4b: {  	[sflag:s30] =	ssyncset.done $0x0  }
0x4c: {  	[sflag:s30] =	ssyncadd.s32 $0xFFFFC000  }
0x4d: {  	[spmem:s25] =	stream.linear.scatter [tilespmem:s31], [sflag:$0xA], $0x4000, $0x38;
	[tilespmem:$0x1FD00] =	vst v63  }
0x4e: {  	_ =	swait.ge [sflag:s4], $0x4000  }
0x4f: {  	s23 =	simm.s32 @!p2 $0x0;
	[sflag:s4] =	ssyncset.done $0x0  }
0x50: {  	s25 =	simm.s32 @!p2 $0x13D00;
	s0 =	rddreg [dreg:$0x1d];
	[sflag:s4] =	ssyncadd.s32 $0xFFFFC000  }
0x51: {  	[tilespmem:s25], [sflag:$0xA] =	stream.linear.gather @!p2 [hbm4b:s0+s23], $0x800, $0x38;
	[tilespmem:$0x1FD00] =	vst v63  }
0x52: {  	s23 =	simm.s32 @!p2 $0xA  }
0x53: {  	_ =	swait.ge @!p2 [sflag:s23], $0x800  }
0x54: {  	[sflag:s23] =	ssyncset.done @!p2 $0x0  }
0x55: {  	s0 =	rddreg [dreg:$0x1e];
	[sflag:s23] =	ssyncadd.s32 @!p2 $0xFFFFF800  }
0x56: {  	[spmem:s0] =	stream.linear.scatter @!p2 [tilespmem:s25], [sflag:$0xA], $0x800, $0x38;
	[tilespmem:$0x1FD00] =	vst v63  }
0x57: {  	_ =	swait.ge @!p2 [sflag:s23], $0x800  }
0x58: {  	s25 =	simm.s32 @!p1 $0x13D00;
	[sflag:s23] =	ssyncset.done @!p2 $0x0  }
0x59: {  	s0 =	rddreg [dreg:$0x1b];
	[sflag:s23] =	ssyncadd.s32 @!p2 $0xFFFFF800;
	s23 =	simm.s32 @!p1 $0x0  }
0x5a: {  	[tilespmem:s25], [sflag:$0xB] =	stream.linear.gather @!p1 [hbm4b:s0+s23], $0x4000, $0x38;
	[tilespmem:$0x1FD00] =	vst v63  }
0x5b: {  	s23 =	simm.s32 @!p1 $0xB  }
0x5c: {  	_ =	swait.ge @!p1 [sflag:s23], $0x4000  }
0x5d: {  	[sflag:s23] =	ssyncset.done @!p1 $0x0  }
0x5e: {  	s0 =	rddreg [dreg:$0x1c];
	[sflag:s23] =	ssyncadd.s32 @!p1 $0xFFFFC000;
	s23 =	simm.s32 @!p1 $0xA  }
0x5f: {  	[spmem:s0] =	stream.linear.scatter @!p1 [tilespmem:s25], [sflag:$0xA], $0x4000, $0x38;
	[tilespmem:$0x1FD00] =	vst v63  }
0x60: {  	_ =	swait.ge @!p1 [sflag:s23], $0x4000  }
0x61: {  	[sflag:s23] =	ssyncset.done @!p1 $0x0  }
0x62: {  	[sflag:s23] =	ssyncadd.s32 @!p1 $0xFFFFC000  }
0x63: {  	[bflag:$0x0] =	sbarrier.arrive $0xFFFF  }
0x64: {  	s25 =	rddreg [dreg:$0x6]  }
0x65: {  	[tilespmem:s5], [sflag:$0x1] =	stream.linear.gather [hbm4b:s25+s3], $0x80, $0x38;
	[tilespmem:$0x1FD00] =	vst v63  }
0x66: {  	s4 =	rddreg [dreg:$0x7]  }
0x67: {  	[tilespmem:s6], [sflag:$0x1] =	stream.linear.gather [hbm4b:s4+s3], $0x80, $0x38;
	[tilespmem:$0x1FD00] =	vst v63  }
0x68: {  	s23 =	rddreg [dreg:$0x8]  }
0x69: {  	[tilespmem:s7], [sflag:$0x2] =	stream.linear.gather [hbm4b:s23+s3], $0x80, $0x38;
	[tilespmem:$0x1FD00] =	vst v63  }
0x6a: {  	s25 =	rddreg [dreg:$0x9]  }
0x6b: {  	[tilespmem:s8], [sflag:$0x2] =	stream.linear.gather [hbm4b:s25+s3], $0x80, $0x38;
	[tilespmem:$0x1FD00] =	vst v63  }
0x6c: {  	s4 =	rddreg [dreg:$0xa]  }
0x6d: {  	[tilespmem:s9], [sflag:$0x3] =	stream.linear.gather [hbm4b:s4+s3], $0x80, $0x38;
	[tilespmem:$0x1FD00] =	vst v63  }
0x6e: {  	s23 =	rddreg [dreg:$0xb]  }
0x6f: {  	[tilespmem:s10], [sflag:$0x3] =	stream.linear.gather [hbm4b:s23+s3], $0x80, $0x38;
	[tilespmem:$0x1FD00] =	vst v63  }
0x70: {  	_ =	swait.ge [sflag:s11], $0x80  }
0x71: {  	[sflag:s11] =	ssyncset.done $0x0  }
0x72: {  	[sflag:s11] =	ssyncadd.s32 $0xFFFFFF80  }
0x73: {  	_ =	swait.ge [sflag:s11], $0x80  }
0x74: {  	[sflag:s11] =	ssyncset.done $0x0  }
0x75: {  	[sflag:s11] =	ssyncadd.s32 $0xFFFFFF80  }
0x76: {  	[tilespmem:s31], [sflag:$0x4] =	stream.indirect.gather [hbm4b:s1+s12], $0x80, s5, s12, $0xb8;
	[tilespmem:$0x1FD00] =	vst v63  }
0x77: {  	_ =	swait.ge [sflag:s13], $0x80  }
0x78: {  	[sflag:s13] =	ssyncset.done $0x0  }
0x79: {  	[sflag:s13] =	ssyncadd.s32 $0xFFFFFF80  }
0x7a: {  	_ =	swait.ge [sflag:s13], $0x80  }
0x7b: {  	[sflag:s13] =	ssyncset.done $0x0  }
0x7c: {  	[sflag:s13] =	ssyncadd.s32 $0xFFFFFF80  }
0x7d: {  	[tilespmem:s14], [sflag:$0x5] =	stream.indirect.gather [hbm4b:s1+s12], $0x80, s7, s12, $0xb8;
	[tilespmem:$0x1FD00] =	vst v63  }
0x7e: {  	_ =	swait.ge [sflag:s15], $0x80  }
0x7f: {  	[sflag:s15] =	ssyncset.done $0x0  }
0x80: {  	[sflag:s15] =	ssyncadd.s32 $0xFFFFFF80  }
0x81: {  	_ =	swait.ge [sflag:s15], $0x80  }
0x82: {  	[sflag:s15] =	ssyncset.done $0x0  }
0x83: {  	[sflag:s15] =	ssyncadd.s32 $0xFFFFFF80  }
0x84: {  	[tilespmem:s16], [sflag:$0x6] =	stream.indirect.gather [hbm4b:s1+s12], $0x80, s9, s12, $0xb8;
	[tilespmem:$0x1FD00] =	vst v63  }
0x85: {  	_ =	swait.ge [sflag:s17], $0x4000  }
0x86: {  	[sflag:s17] =	ssyncset.done $0x0  }
0x87: {  	[sflag:s17] =	ssyncadd.s32 $0xFFFFC000  }
0x88: {  	v0 =	vld [tilespmem:$0x13A70]  }
0x89: {  	v1 =	vld [tilespmem:$0x13A50]  }
0x8a: {  	v2 =	vld [tilespmem:$0x13A30]  }
0x8b: {  	v3 =	vld [tilespmem:$0x13A60]  }
0x8c: {  	v4 =	vld [tilespmem:$0x13A40]  }
0x8d: {  	v5 =	vld [tilespmem:$0x13A20];
	[tilespmem:$0x13BF0] =	vst v0  }
0x8e: {  	v0 =	vld [tilespmem:$0x13A00];
	[tilespmem:$0x13BD0] =	vst v1  }
0x8f: {  	v1 =	vld [tilespmem:$0x13A10];
	[tilespmem:$0x13BB0] =	vst v2  }
0x90: {  	[tilespmem:$0x13BE0] =	vst v3  }
0x91: {  	[tilespmem:$0x13BC0] =	vst v4  }
0x92: {  	[tilespmem:$0x13BA0] =	vst v5  }
0x93: {  	s25 =	rddreg [dreg:$0x5];
	[tilespmem:$0x13B80] =	vst v0  }
0x94: {  	s0 =	rddreg [dreg:$0x4];
	s28 =	sadd.s32 $0x0, s25;
	[tilespmem:$0x13B90] =	vst v1  }
0x95: {  	[spmem:s2] =	stream.indirect.scatter.add.f32 [tilespmem:s31], [sflag:$0x7], $0x80, s18, s12, $0xb8;
	[tilespmem:$0x1FD00] =	vst v63  }
0x96: {  	s25 =	sadd.s32 $0x0, s0;
	s23 =	sadd.s32 $0x600, s28  }
0x97: {  	[tilespmem:s5], [sflag:$0x1] =	stream.linear.gather [hbm4b:s23+s3], $0x80, $0x38;
	[tilespmem:$0x1FD00] =	vst v63  }
0x98: {  	s4 =	sadd.s32 $0x600, s25  }
0x99: {  	[tilespmem:s6], [sflag:$0x1] =	stream.linear.gather [hbm4b:s4+s3], $0x80, $0x38;
	[tilespmem:$0x1FD00] =	vst v63  }
0x9a: {  	_ =	swait.ge [sflag:s20], $0x4000  }
0x9b: {  	[sflag:s20] =	ssyncset.done $0x0  }
0x9c: {  	[sflag:s20] =	ssyncadd.s32 $0xFFFFC000  }
0x9d: {  	v0 =	vld [tilespmem:$0x13AE0]  }
0x9e: {  	v1 =	vld [tilespmem:$0x13AD0]  }
0x9f: {  	v2 =	vld [tilespmem:$0x13AA0]  }
0xa0: {  	v3 =	vld [tilespmem:$0x13AF0]  }
0xa1: {  	v4 =	vld [tilespmem:$0x13AC0]  }
0xa2: {  	v5 =	vld [tilespmem:$0x13A90];
	[tilespmem:$0x13C60] =	vst v0  }
0xa3: {  	v0 =	vld [tilespmem:$0x13AB0];
	[tilespmem:$0x13C50] =	vst v1  }
0xa4: {  	v1 =	vld [tilespmem:$0x13A80];
	[tilespmem:$0x13C20] =	vst v2  }
0xa5: {  	[tilespmem:$0x13C70] =	vst v3  }
0xa6: {  	[tilespmem:$0x13C40] =	vst v4  }
0xa7: {  	[tilespmem:$0x13C10] =	vst v5  }
0xa8: {  	[tilespmem:$0x13C30] =	vst v0  }
0xa9: {  	[tilespmem:$0x13C00] =	vst v1  }
0xaa: {  	[spmem:s2] =	stream.indirect.scatter.add.f32 [tilespmem:s14], [sflag:$0x8], $0x80, s22, s12, $0xb8;
	[tilespmem:$0x1FD00] =	vst v63  }
0xab: {  	s0 =	sadd.s32 $0x800, s28  }
0xac: {  	[tilespmem:s7], [sflag:$0x2] =	stream.linear.gather [hbm4b:s0+s3], $0x80, $0x38;
	[tilespmem:$0x1FD00] =	vst v63  }
0xad: {  	s4 =	sadd.s32 $0x800, s25  }
0xae: {  	[tilespmem:s8], [sflag:$0x2] =	stream.linear.gather [hbm4b:s4+s3], $0x80, $0x38;
	[tilespmem:$0x1FD00] =	vst v63  }
0xaf: {  	_ =	swait.ge [sflag:s24], $0x4000  }
0xb0: {  	[sflag:s24] =	ssyncset.done $0x0  }
0xb1: {  	[sflag:s24] =	ssyncadd.s32 $0xFFFFC000  }
0xb2: {  	v0 =	vld [tilespmem:$0x13B60]  }
0xb3: {  	v1 =	vld [tilespmem:$0x13B70]  }
0xb4: {  	v2 =	vld [tilespmem:$0x13B00]  }
0xb5: {  	v3 =	vld [tilespmem:$0x13B20]  }
0xb6: {  	v4 =	vld [tilespmem:$0x13B30]  }
0xb7: {  	v5 =	vld [tilespmem:$0x13B50];
	[tilespmem:$0x13CE0] =	vst v0  }
0xb8: {  	v0 =	vld [tilespmem:$0x13B10];
	[tilespmem:$0x13CF0] =	vst v1  }
0xb9: {  	[tilespmem:$0x13C80] =	vst v2;
	v1 =	vld [tilespmem:$0x13B40]  }
0xba: {  	[tilespmem:$0x13CA0] =	vst v3  }
0xbb: {  	[tilespmem:$0x13CB0] =	vst v4  }
0xbc: {  	[tilespmem:$0x13CD0] =	vst v5  }
0xbd: {  	[tilespmem:$0x13C90] =	vst v0  }
0xbe: {  	[tilespmem:$0x13CC0] =	vst v1  }
0xbf: {  	[spmem:s2] =	stream.indirect.scatter.add.f32 [tilespmem:s16], [sflag:$0x9], $0x80, s26, s12, $0xb8;
	[tilespmem:$0x1FD00] =	vst v63  }
0xc0: {  	s0 =	sadd.s32 $0xA00, s28  }
0xc1: {  	[tilespmem:s9], [sflag:$0x3] =	stream.linear.gather [hbm4b:s0+s3], $0x80, $0x38;
	[tilespmem:$0x1FD00] =	vst v63  }
0xc2: {  	s4 =	sadd.s32 $0xA00, s25  }
0xc3: {  	[tilespmem:s10], [sflag:$0x3] =	stream.linear.gather [hbm4b:s4+s3], $0x80, $0x38;
	[tilespmem:$0x1FD00] =	vst v63  }
0xc4: {  	_ =	swait.ge [sflag:s11], $0x80  }
0xc5: {  	[sflag:s11] =	ssyncset.done $0x0  }
0xc6: {  	[sflag:s11] =	ssyncadd.s32 $0xFFFFFF80  }
0xc7: {  	_ =	swait.ge [sflag:s11], $0x80  }
0xc8: {  	[sflag:s11] =	ssyncset.done $0x0  }
0xc9: {  	[sflag:s11] =	ssyncadd.s32 $0xFFFFFF80  }
0xca: {  	_ =	swait.ge [sflag:s29], $0x4000  }
0xcb: {  	[sflag:s29] =	ssyncset.done $0x0  }
0xcc: {  	[sflag:s29] =	ssyncadd.s32 $0xFFFFC000  }
0xcd: {  	[tilespmem:s31], [sflag:$0x4] =	stream.indirect.gather [hbm4b:s1+s12], $0x80, s5, s12, $0xb8;
	[tilespmem:$0x1FD00] =	vst v63  }
0xce: {  	_ =	swait.ge [sflag:s13], $0x80  }
0xcf: {  	[sflag:s13] =	ssyncset.done $0x0  }
0xd0: {  	[sflag:s13] =	ssyncadd.s32 $0xFFFFFF80  }
0xd1: {  	_ =	swait.ge [sflag:s13], $0x80  }
0xd2: {  	[sflag:s13] =	ssyncset.done $0x0  }
0xd3: {  	[sflag:s13] =	ssyncadd.s32 $0xFFFFFF80  }
0xd4: {  	_ =	swait.ge [sflag:s19], $0x4000  }
0xd5: {  	[sflag:s19] =	ssyncset.done $0x0  }
0xd6: {  	[sflag:s19] =	ssyncadd.s32 $0xFFFFC000  }
0xd7: {  	[tilespmem:s14], [sflag:$0x5] =	stream.indirect.gather [hbm4b:s1+s12], $0x80, s7, s12, $0xb8;
	[tilespmem:$0x1FD00] =	vst v63  }
0xd8: {  	_ =	swait.ge [sflag:s15], $0x80  }
0xd9: {  	[sflag:s15] =	ssyncset.done $0x0  }
0xda: {  	[sflag:s15] =	ssyncadd.s32 $0xFFFFFF80  }
0xdb: {  	_ =	swait.ge [sflag:s15], $0x80  }
0xdc: {  	[sflag:s15] =	ssyncset.done $0x0  }
0xdd: {  	[sflag:s15] =	ssyncadd.s32 $0xFFFFFF80  }
0xde: {  	_ =	swait.ge [sflag:s21], $0x4000  }
0xdf: {  	[sflag:s21] =	ssyncset.done $0x0  }
0xe0: {  	[sflag:s21] =	ssyncadd.s32 $0xFFFFC000  }
0xe1: {  	[tilespmem:s16], [sflag:$0x6] =	stream.indirect.gather [hbm4b:s1+s12], $0x80, s9, s12, $0xb8;
	[tilespmem:$0x1FD00] =	vst v63  }
0xe2: {  	_ =	swait.ge [sflag:s17], $0x4000  }
0xe3: {  	[sflag:s17] =	ssyncset.done $0x0  }
0xe4: {  	[sflag:s17] =	ssyncadd.s32 $0xFFFFC000  }
0xe5: {  	v0 =	vld [tilespmem:$0x13A60]  }
0xe6: {  	v1 =	vld [tilespmem:$0x13A50]  }
0xe7: {  	v2 =	vld [tilespmem:$0x13A40]  }
0xe8: {  	v3 =	vld [tilespmem:$0x13A70]  }
0xe9: {  	v4 =	vld [tilespmem:$0x13A20]  }
0xea: {  	v5 =	vld [tilespmem:$0x13A30];
	[tilespmem:$0x13BE0] =	vst v0  }
0xeb: {  	v0 =	vld [tilespmem:$0x13A10];
	[tilespmem:$0x13BD0] =	vst v1  }
0xec: {  	v1 =	vld [tilespmem:$0x13A00];
	[tilespmem:$0x13BC0] =	vst v2  }
0xed: {  	[tilespmem:$0x13BF0] =	vst v3  }
0xee: {  	[tilespmem:$0x13BA0] =	vst v4  }
0xef: {  	[tilespmem:$0x13BB0] =	vst v5  }
0xf0: {  	[tilespmem:$0x13B90] =	vst v0  }
0xf1: {  	[tilespmem:$0x13B80] =	vst v1  }
0xf2: {  	[spmem:s2] =	stream.indirect.scatter.add.f32 [tilespmem:s31], [sflag:$0x7], $0x80, s18, s12, $0xb8;
	[tilespmem:$0x1FD00] =	vst v63  }
0xf3: {  	s0 =	sadd.s32 $0xC00, s28  }
0xf4: {  	[tilespmem:s5], [sflag:$0x1] =	stream.linear.gather [hbm4b:s0+s3], $0x80, $0x38;
	[tilespmem:$0x1FD00] =	vst v63  }
0xf5: {  	s4 =	sadd.s32 $0xC00, s25  }
0xf6: {  	[tilespmem:s6], [sflag:$0x1] =	stream.linear.gather [hbm4b:s4+s3], $0x80, $0x38;
	[tilespmem:$0x1FD00] =	vst v63  }
0xf7: {  	_ =	swait.ge [sflag:s20], $0x4000  }
0xf8: {  	[sflag:s20] =	ssyncset.done $0x0  }
0xf9: {  	[sflag:s20] =	ssyncadd.s32 $0xFFFFC000  }
0xfa: {  	v3 =	vld [tilespmem:$0x13AF0]  }
0xfb: {  	v2 =	vld [tilespmem:$0x13AE0]  }
0xfc: {  	v0 =	vld [tilespmem:$0x13AB0]  }
0xfd: {  	s30 =	simm.s32 $0xC00;
	s4 =	simm.s32 $0xB;
	v1 =	vld [tilespmem:$0x13AA0]  }
.LBB2_2:
0xfe: {  	v4 =	vld [tilespmem:$0x13AC0]  }
0xff: {  	v5 =	vld [tilespmem:$0x13AD0];
	[tilespmem:$0x13C70] =	vst v3  }
0x100: {  	v3 =	vld [tilespmem:$0x13A80];
	[tilespmem:$0x13C60] =	vst v2  }
0x101: {  	v2 =	vld [tilespmem:$0x13A90];
	[tilespmem:$0x13C30] =	vst v0  }
0x102: {  	[tilespmem:$0x13C20] =	vst v1  }
0x103: {  	[tilespmem:$0x13C40] =	vst v4  }
0x104: {  	[tilespmem:$0x13C50] =	vst v5  }
0x105: {  	[tilespmem:$0x13C00] =	vst v3  }
0x106: {  	[tilespmem:$0x13C10] =	vst v2  }
0x107: {  	[spmem:s2] =	stream.indirect.scatter.add.f32 [tilespmem:s14], [sflag:$0x8], $0x80, s22, s12, $0xb8;
	[tilespmem:$0x1FD00] =	vst v63  }
0x108: {  	s0 =	sadd.s32 $0xE00, s28  }
0x109: {  	[tilespmem:s7], [sflag:$0x2] =	stream.linear.gather [hbm4b:s0+s3], $0x80, $0x38;
	[tilespmem:$0x1FD00] =	vst v63  }
0x10a: {  	s0 =	sadd.s32 $0xE00, s25  }
0x10b: {  	[tilespmem:s8], [sflag:$0x2] =	stream.linear.gather [hbm4b:s0+s3], $0x80, $0x38;
	[tilespmem:$0x1FD00] =	vst v63  }
0x10c: {  	_ =	swait.ge [sflag:s24], $0x4000  }
0x10d: {  	[sflag:s24] =	ssyncset.done $0x0  }
0x10e: {  	[sflag:s24] =	ssyncadd.s32 $0xFFFFC000  }
0x10f: {  	v0 =	vld [tilespmem:$0x13B70]  }
0x110: {  	v1 =	vld [tilespmem:$0x13B10]  }
0x111: {  	v2 =	vld [tilespmem:$0x13B00]  }
0x112: {  	v3 =	vld [tilespmem:$0x13B40]  }
0x113: {  	v4 =	vld [tilespmem:$0x13B60]  }
0x114: {  	v5 =	vld [tilespmem:$0x13B50];
	[tilespmem:$0x13CF0] =	vst v0  }
0x115: {  	[tilespmem:$0x13C90] =	vst v1;
	v0 =	vld [tilespmem:$0x13B30]  }
0x116: {  	[tilespmem:$0x13C80] =	vst v2;
	v1 =	vld [tilespmem:$0x13B20]  }
0x117: {  	[tilespmem:$0x13CC0] =	vst v3  }
0x118: {  	[tilespmem:$0x13CE0] =	vst v4  }
0x119: {  	[tilespmem:$0x13CD0] =	vst v5  }
0x11a: {  	[tilespmem:$0x13CB0] =	vst v0  }
0x11b: {  	[tilespmem:$0x13CA0] =	vst v1  }
0x11c: {  	[spmem:s2] =	stream.indirect.scatter.add.f32 [tilespmem:s16], [sflag:$0x9], $0x80, s26, s12, $0xb8;
	[tilespmem:$0x1FD00] =	vst v63  }
0x11d: {  	s0 =	sadd.s32 $0x1000, s28  }
0x11e: {  	[tilespmem:s9], [sflag:$0x3] =	stream.linear.gather [hbm4b:s0+s3], $0x80, $0x38;
	[tilespmem:$0x1FD00] =	vst v63  }
0x11f: {  	s25 =	sadd.s32 $0x1000, s25  }
0x120: {  	[tilespmem:s10], [sflag:$0x3] =	stream.linear.gather [hbm4b:s25+s3], $0x80, $0x38;
	[tilespmem:$0x1FD00] =	vst v63  }
0x121: {  	_ =	swait.ge [sflag:s29], $0x4000  }
0x122: {  	[sflag:s29] =	ssyncset.done $0x0  }
0x123: {  	[sflag:s29] =	ssyncadd.s32 $0xFFFFC000  }
0x124: {  	_ =	swait.ge [sflag:s19], $0x4000  }
0x125: {  	[sflag:s19] =	ssyncset.done $0x0  }
0x126: {  	[sflag:s19] =	ssyncadd.s32 $0xFFFFC000  }
0x127: {  	_ =	swait.ge [sflag:s21], $0x4000  }
0x128: {  	[sflag:s21] =	ssyncset.done $0x0  }
0x129: {  	[sflag:s21] =	ssyncadd.s32 $0xFFFFC000  }
0x12a: {  	_ =	swait.ge [sflag:s11], $0x80  }
0x12b: {  	[sflag:s11] =	ssyncset.done $0x0  }
0x12c: {  	[sflag:s11] =	ssyncadd.s32 $0xFFFFFF80  }
0x12d: {  	_ =	swait.ge [sflag:s11], $0x80  }
0x12e: {  	[sflag:s11] =	ssyncset.done $0x0  }
0x12f: {  	[sflag:s11] =	ssyncadd.s32 $0xFFFFFF80  }
0x130: {  	[tilespmem:s31], [sflag:$0x4] =	stream.indirect.gather [hbm4b:s1+s12], $0x80, s5, s12, $0xb8;
	[tilespmem:$0x1FD00] =	vst v63  }
0x131: {  	_ =	swait.ge [sflag:s13], $0x80  }
0x132: {  	[sflag:s13] =	ssyncset.done $0x0  }
0x133: {  	[sflag:s13] =	ssyncadd.s32 $0xFFFFFF80  }
0x134: {  	_ =	swait.ge [sflag:s13], $0x80  }
0x135: {  	[sflag:s13] =	ssyncset.done $0x0  }
0x136: {  	[sflag:s13] =	ssyncadd.s32 $0xFFFFFF80  }
0x137: {  	[tilespmem:s14], [sflag:$0x5] =	stream.indirect.gather [hbm4b:s1+s12], $0x80, s7, s12, $0xb8;
	[tilespmem:$0x1FD00] =	vst v63  }
0x138: {  	_ =	swait.ge [sflag:s15], $0x80  }
0x139: {  	[sflag:s15] =	ssyncset.done $0x0  }
0x13a: {  	[sflag:s15] =	ssyncadd.s32 $0xFFFFFF80  }
0x13b: {  	_ =	swait.ge [sflag:s15], $0x80  }
0x13c: {  	[sflag:s15] =	ssyncset.done $0x0  }
0x13d: {  	[sflag:s15] =	ssyncadd.s32 $0xFFFFFF80  }
0x13e: {  	[tilespmem:s16], [sflag:$0x6] =	stream.indirect.gather [hbm4b:s1+s12], $0x80, s9, s12, $0xb8;
	[tilespmem:$0x1FD00] =	vst v63  }
0x13f: {  	_ =	swait.ge [sflag:s17], $0x4000  }
0x140: {  	[sflag:s17] =	ssyncset.done $0x0  }
0x141: {  	[sflag:s17] =	ssyncadd.s32 $0xFFFFC000  }
0x142: {  	v0 =	vld [tilespmem:$0x13A70]  }
0x143: {  	v1 =	vld [tilespmem:$0x13A50]  }
0x144: {  	v2 =	vld [tilespmem:$0x13A30]  }
0x145: {  	v3 =	vld [tilespmem:$0x13A60]  }
0x146: {  	v4 =	vld [tilespmem:$0x13A40]  }
0x147: {  	v5 =	vld [tilespmem:$0x13A20];
	[tilespmem:$0x13BF0] =	vst v0  }
0x148: {  	v0 =	vld [tilespmem:$0x13A00];
	[tilespmem:$0x13BD0] =	vst v1  }
0x149: {  	v1 =	vld [tilespmem:$0x13A10];
	[tilespmem:$0x13BB0] =	vst v2  }
0x14a: {  	[tilespmem:$0x13BE0] =	vst v3  }
0x14b: {  	[tilespmem:$0x13BC0] =	vst v4  }
0x14c: {  	[tilespmem:$0x13BA0] =	vst v5  }
0x14d: {  	s23 =	smov.u32 s30;
	s0 =	rddreg [dreg:$0x5];
	[tilespmem:$0x13B80] =	vst v0  }
0x14e: {  	s25 =	rddreg [dreg:$0x4];
	s28 =	sadd.s32 s23, s0;
	[tilespmem:$0x13B90] =	vst v1  }
0x14f: {  	[spmem:s2] =	stream.indirect.scatter.add.f32 [tilespmem:s31], [sflag:$0x7], $0x80, s18, s12, $0xb8;
	[tilespmem:$0x1FD00] =	vst v63  }
0x150: {  	s25 =	sadd.s32 s23, s25;
	s0 =	sadd.s32 $0x600, s28  }
0x151: {  	[tilespmem:s5], [sflag:$0x1] =	stream.linear.gather [hbm4b:s0+s3], $0x80, $0x38;
	[tilespmem:$0x1FD00] =	vst v63  }
0x152: {  	s23 =	sadd.s32 $0x600, s25  }
0x153: {  	[tilespmem:s6], [sflag:$0x1] =	stream.linear.gather [hbm4b:s23+s3], $0x80, $0x38;
	[tilespmem:$0x1FD00] =	vst v63  }
0x154: {  	_ =	swait.ge [sflag:s20], $0x4000  }
0x155: {  	[sflag:s20] =	ssyncset.done $0x0  }
0x156: {  	[sflag:s20] =	ssyncadd.s32 $0xFFFFC000  }
0x157: {  	v0 =	vld [tilespmem:$0x13AE0]  }
0x158: {  	v1 =	vld [tilespmem:$0x13AD0]  }
0x159: {  	v2 =	vld [tilespmem:$0x13AA0]  }
0x15a: {  	v3 =	vld [tilespmem:$0x13AF0]  }
0x15b: {  	v4 =	vld [tilespmem:$0x13AC0]  }
0x15c: {  	v5 =	vld [tilespmem:$0x13A90];
	[tilespmem:$0x13C60] =	vst v0  }
0x15d: {  	v0 =	vld [tilespmem:$0x13AB0];
	[tilespmem:$0x13C50] =	vst v1  }
0x15e: {  	v1 =	vld [tilespmem:$0x13A80];
	[tilespmem:$0x13C20] =	vst v2  }
0x15f: {  	[tilespmem:$0x13C70] =	vst v3  }
0x160: {  	[tilespmem:$0x13C40] =	vst v4  }
0x161: {  	[tilespmem:$0x13C10] =	vst v5  }
0x162: {  	[tilespmem:$0x13C30] =	vst v0  }
0x163: {  	[tilespmem:$0x13C00] =	vst v1  }
0x164: {  	[spmem:s2] =	stream.indirect.scatter.add.f32 [tilespmem:s14], [sflag:$0x8], $0x80, s22, s12, $0xb8;
	[tilespmem:$0x1FD00] =	vst v63  }
0x165: {  	s23 =	sadd.s32 $0x800, s28  }
0x166: {  	[tilespmem:s7], [sflag:$0x2] =	stream.linear.gather [hbm4b:s23+s3], $0x80, $0x38;
	[tilespmem:$0x1FD00] =	vst v63  }
0x167: {  	s23 =	sadd.s32 $0x800, s25  }
0x168: {  	[tilespmem:s8], [sflag:$0x2] =	stream.linear.gather [hbm4b:s23+s3], $0x80, $0x38;
	[tilespmem:$0x1FD00] =	vst v63  }
0x169: {  	_ =	swait.ge [sflag:s24], $0x4000  }
0x16a: {  	[sflag:s24] =	ssyncset.done $0x0  }
0x16b: {  	[sflag:s24] =	ssyncadd.s32 $0xFFFFC000  }
0x16c: {  	v0 =	vld [tilespmem:$0x13B60]  }
0x16d: {  	v1 =	vld [tilespmem:$0x13B70]  }
0x16e: {  	v2 =	vld [tilespmem:$0x13B00]  }
0x16f: {  	v3 =	vld [tilespmem:$0x13B20]  }
0x170: {  	v4 =	vld [tilespmem:$0x13B30]  }
0x171: {  	v5 =	vld [tilespmem:$0x13B50];
	[tilespmem:$0x13CE0] =	vst v0  }
0x172: {  	v0 =	vld [tilespmem:$0x13B10];
	[tilespmem:$0x13CF0] =	vst v1  }
0x173: {  	[tilespmem:$0x13C80] =	vst v2;
	v1 =	vld [tilespmem:$0x13B40]  }
0x174: {  	[tilespmem:$0x13CA0] =	vst v3  }
0x175: {  	[tilespmem:$0x13CB0] =	vst v4  }
0x176: {  	[tilespmem:$0x13CD0] =	vst v5  }
0x177: {  	[tilespmem:$0x13C90] =	vst v0  }
0x178: {  	[tilespmem:$0x13CC0] =	vst v1  }
0x179: {  	[spmem:s2] =	stream.indirect.scatter.add.f32 [tilespmem:s16], [sflag:$0x9], $0x80, s26, s12, $0xb8;
	[tilespmem:$0x1FD00] =	vst v63  }
0x17a: {  	s23 =	sadd.s32 $0xA00, s28  }
0x17b: {  	[tilespmem:s9], [sflag:$0x3] =	stream.linear.gather [hbm4b:s23+s3], $0x80, $0x38;
	[tilespmem:$0x1FD00] =	vst v63  }
0x17c: {  	s23 =	sadd.s32 $0xA00, s25  }
0x17d: {  	[tilespmem:s10], [sflag:$0x3] =	stream.linear.gather [hbm4b:s23+s3], $0x80, $0x38;
	[tilespmem:$0x1FD00] =	vst v63  }
0x17e: {  	_ =	swait.ge [sflag:s11], $0x80  }
0x17f: {  	[sflag:s11] =	ssyncset.done $0x0  }
0x180: {  	[sflag:s11] =	ssyncadd.s32 $0xFFFFFF80  }
0x181: {  	_ =	swait.ge [sflag:s11], $0x80  }
0x182: {  	[sflag:s11] =	ssyncset.done $0x0  }
0x183: {  	[sflag:s11] =	ssyncadd.s32 $0xFFFFFF80  }
0x184: {  	_ =	swait.ge [sflag:s29], $0x4000  }
0x185: {  	[sflag:s29] =	ssyncset.done $0x0  }
0x186: {  	[sflag:s29] =	ssyncadd.s32 $0xFFFFC000  }
0x187: {  	[tilespmem:s31], [sflag:$0x4] =	stream.indirect.gather [hbm4b:s1+s12], $0x80, s5, s12, $0xb8;
	[tilespmem:$0x1FD00] =	vst v63  }
0x188: {  	_ =	swait.ge [sflag:s13], $0x80  }
0x189: {  	[sflag:s13] =	ssyncset.done $0x0  }
0x18a: {  	[sflag:s13] =	ssyncadd.s32 $0xFFFFFF80  }
0x18b: {  	_ =	swait.ge [sflag:s13], $0x80  }
0x18c: {  	[sflag:s13] =	ssyncset.done $0x0  }
0x18d: {  	[sflag:s13] =	ssyncadd.s32 $0xFFFFFF80  }
0x18e: {  	_ =	swait.ge [sflag:s19], $0x4000  }
0x18f: {  	[sflag:s19] =	ssyncset.done $0x0  }
0x190: {  	[sflag:s19] =	ssyncadd.s32 $0xFFFFC000  }
0x191: {  	[tilespmem:s14], [sflag:$0x5] =	stream.indirect.gather [hbm4b:s1+s12], $0x80, s7, s12, $0xb8;
	[tilespmem:$0x1FD00] =	vst v63  }
0x192: {  	_ =	swait.ge [sflag:s15], $0x80  }
0x193: {  	[sflag:s15] =	ssyncset.done $0x0  }
0x194: {  	[sflag:s15] =	ssyncadd.s32 $0xFFFFFF80  }
0x195: {  	_ =	swait.ge [sflag:s15], $0x80  }
0x196: {  	[sflag:s15] =	ssyncset.done $0x0  }
0x197: {  	[sflag:s15] =	ssyncadd.s32 $0xFFFFFF80  }
0x198: {  	_ =	swait.ge [sflag:s21], $0x4000  }
0x199: {  	[sflag:s21] =	ssyncset.done $0x0  }
0x19a: {  	[sflag:s21] =	ssyncadd.s32 $0xFFFFC000  }
0x19b: {  	[tilespmem:s16], [sflag:$0x6] =	stream.indirect.gather [hbm4b:s1+s12], $0x80, s9, s12, $0xb8;
	[tilespmem:$0x1FD00] =	vst v63  }
0x19c: {  	_ =	swait.ge [sflag:s17], $0x4000  }
0x19d: {  	[sflag:s17] =	ssyncset.done $0x0  }
0x19e: {  	[sflag:s17] =	ssyncadd.s32 $0xFFFFC000  }
0x19f: {  	v0 =	vld [tilespmem:$0x13A60]  }
0x1a0: {  	v1 =	vld [tilespmem:$0x13A50]  }
0x1a1: {  	v2 =	vld [tilespmem:$0x13A40]  }
0x1a2: {  	v3 =	vld [tilespmem:$0x13A70]  }
0x1a3: {  	v4 =	vld [tilespmem:$0x13A20]  }
0x1a4: {  	v5 =	vld [tilespmem:$0x13A30];
	[tilespmem:$0x13BE0] =	vst v0  }
0x1a5: {  	v0 =	vld [tilespmem:$0x13A10];
	[tilespmem:$0x13BD0] =	vst v1  }
0x1a6: {  	v1 =	vld [tilespmem:$0x13A00];
	[tilespmem:$0x13BC0] =	vst v2  }
0x1a7: {  	[tilespmem:$0x13BF0] =	vst v3  }
0x1a8: {  	[tilespmem:$0x13BA0] =	vst v4  }
0x1a9: {  	[tilespmem:$0x13BB0] =	vst v5  }
0x1aa: {  	[tilespmem:$0x13B90] =	vst v0  }
0x1ab: {  	[tilespmem:$0x13B80] =	vst v1  }
0x1ac: {  	[spmem:s2] =	stream.indirect.scatter.add.f32 [tilespmem:s31], [sflag:$0x7], $0x80, s18, s12, $0xb8;
	[tilespmem:$0x1FD00] =	vst v63  }
0x1ad: {  	s23 =	sadd.s32 $0xC00, s28  }
0x1ae: {  	[tilespmem:s5], [sflag:$0x1] =	stream.linear.gather [hbm4b:s23+s3], $0x80, $0x38;
	[tilespmem:$0x1FD00] =	vst v63  }
0x1af: {  	s23 =	sadd.s32 $0xC00, s25  }
0x1b0: {  	[tilespmem:s6], [sflag:$0x1] =	stream.linear.gather [hbm4b:s23+s3], $0x80, $0x38;
	[tilespmem:$0x1FD00] =	vst v63  }
0x1b1: {  	_ =	swait.ge [sflag:s20], $0x4000  }
0x1b2: {  	p3 =	sne.s32 s30, $0x9000;
	[sflag:s20] =	ssyncset.done $0x0  }
.Ltmp0:
0x1b3: {  	[sflag:s20] =	ssyncadd.s32 $0xFFFFC000;
	(pc) =	sbr.rel @p3 .LBB2_2-.Ltmp0, $4  }
0x1b4: {  	v3 =	vld [tilespmem:$0x13AF0]  }
0x1b5: {  	v2 =	vld [tilespmem:$0x13AE0]  }
0x1b6: {  	v0 =	vld [tilespmem:$0x13AB0]  }
0x1b7: {  	s30 =	sadd.s32 $0xC00, s30;
	v1 =	vld [tilespmem:$0x13AA0]  }
0x1b8: {  	v4 =	vld [tilespmem:$0x13AC0]  }
0x1b9: {  	v5 =	vld [tilespmem:$0x13AD0];
	[tilespmem:$0x13C70] =	vst v3  }
0x1ba: {  	v54 =	vld [tilespmem:$0x13A80];
	[tilespmem:$0x13C60] =	vst v2  }
0x1bb: {  	v55 =	vld [tilespmem:$0x13A90];
	[tilespmem:$0x13C30] =	vst v0  }
0x1bc: {  	[tilespmem:$0x13C20] =	vst v1  }
0x1bd: {  	[tilespmem:$0x13C40] =	vst v4  }
0x1be: {  	[tilespmem:$0x13C50] =	vst v5  }
0x1bf: {  	[tilespmem:$0x13C00] =	vst v54  }
0x1c0: {  	[tilespmem:$0x13C10] =	vst v55  }
0x1c1: {  	[spmem:s2] =	stream.indirect.scatter.add.f32 [tilespmem:s14], [sflag:$0x8], $0x80, s22, s12, $0xb8;
	[tilespmem:$0x1FD00] =	vst v63  }
0x1c2: {  	s0 =	sadd.s32 $0xE00, s28  }
0x1c3: {  	[tilespmem:s7], [sflag:$0x2] =	stream.linear.gather [hbm4b:s0+s3], $0x80, $0x38;
	[tilespmem:$0x1FD00] =	vst v63  }
0x1c4: {  	s23 =	sadd.s32 $0xE00, s25  }
0x1c5: {  	[tilespmem:s8], [sflag:$0x2] =	stream.linear.gather [hbm4b:s23+s3], $0x80, $0x38;
	[tilespmem:$0x1FD00] =	vst v63  }
0x1c6: {  	_ =	swait.ge [sflag:s24], $0x4000  }
0x1c7: {  	[sflag:s24] =	ssyncset.done $0x0  }
0x1c8: {  	[sflag:s24] =	ssyncadd.s32 $0xFFFFC000  }
0x1c9: {  	v56 =	vld [tilespmem:$0x13B70]  }
0x1ca: {  	v57 =	vld [tilespmem:$0x13B10]  }
0x1cb: {  	v58 =	vld [tilespmem:$0x13B00]  }
0x1cc: {  	v59 =	vld [tilespmem:$0x13B40]  }
0x1cd: {  	v60 =	vld [tilespmem:$0x13B60]  }
0x1ce: {  	v61 =	vld [tilespmem:$0x13B50];
	[tilespmem:$0x13CF0] =	vst v56  }
0x1cf: {  	v62 =	vld [tilespmem:$0x13B30];
	[tilespmem:$0x13C90] =	vst v57  }
0x1d0: {  	v63 =	vld [tilespmem:$0x13B20];
	[tilespmem:$0x13C80] =	vst v58  }
0x1d1: {  	[tilespmem:$0x13CC0] =	vst v59  }
0x1d2: {  	[tilespmem:$0x13CE0] =	vst v60  }
0x1d3: {  	[tilespmem:$0x13CD0] =	vst v61  }
0x1d4: {  	[tilespmem:$0x13CB0] =	vst v62  }
0x1d5: {  	[tilespmem:$0x13CA0] =	vst v63  }
0x1d6: {  	[spmem:s2] =	stream.indirect.scatter.add.f32 [tilespmem:s16], [sflag:$0x9], $0x80, s26, s12, $0xb8;
	[tilespmem:$0x1FD00] =	vst v63  }
0x1d7: {  	s23 =	sadd.s32 $0x1000, s28  }
0x1d8: {  	[tilespmem:s9], [sflag:$0x3] =	stream.linear.gather [hbm4b:s23+s3], $0x80, $0x38;
	[tilespmem:$0x1FD00] =	vst v63  }
0x1d9: {  	s23 =	sadd.s32 $0x1000, s25  }
0x1da: {  	[tilespmem:s10], [sflag:$0x3] =	stream.linear.gather [hbm4b:s23+s3], $0x80, $0x38;
	[tilespmem:$0x1FD00] =	vst v63  }
0x1db: {  	_ =	swait.ge [sflag:s29], $0x4000  }
0x1dc: {  	[sflag:s29] =	ssyncset.done $0x0  }
0x1dd: {  	[sflag:s29] =	ssyncadd.s32 $0xFFFFC000  }
0x1de: {  	_ =	swait.ge [sflag:s19], $0x4000  }
0x1df: {  	[sflag:s19] =	ssyncset.done $0x0  }
0x1e0: {  	[sflag:s19] =	ssyncadd.s32 $0xFFFFC000  }
0x1e1: {  	_ =	swait.ge [sflag:s21], $0x4000  }
0x1e2: {  	[sflag:s21] =	ssyncset.done $0x0  }
0x1e3: {  	[sflag:s21] =	ssyncadd.s32 $0xFFFFC000  }
0x1e4: {  	_ =	swait.ge [sflag:s11], $0x80  }
0x1e5: {  	[sflag:s11] =	ssyncset.done $0x0  }
0x1e6: {  	[sflag:s11] =	ssyncadd.s32 $0xFFFFFF80  }
0x1e7: {  	_ =	swait.ge [sflag:s11], $0x80  }
0x1e8: {  	[sflag:s11] =	ssyncset.done $0x0  }
0x1e9: {  	[sflag:s11] =	ssyncadd.s32 $0xFFFFFF80  }
0x1ea: {  	_ =	swait.ge [sflag:s13], $0x80  }
0x1eb: {  	[sflag:s13] =	ssyncset.done $0x0  }
0x1ec: {  	[sflag:s13] =	ssyncadd.s32 $0xFFFFFF80  }
0x1ed: {  	_ =	swait.ge [sflag:s13], $0x80  }
0x1ee: {  	[sflag:s13] =	ssyncset.done $0x0  }
0x1ef: {  	[sflag:s13] =	ssyncadd.s32 $0xFFFFFF80  }
0x1f0: {  	_ =	swait.ge [sflag:s15], $0x80  }
0x1f1: {  	[sflag:s15] =	ssyncset.done $0x0  }
0x1f2: {  	[sflag:s15] =	ssyncadd.s32 $0xFFFFFF80  }
0x1f3: {  	_ =	swait.ge [sflag:s15], $0x80  }
0x1f4: {  	s0 =	simm.s32 @!p0 $0x80;
	[sflag:s15] =	ssyncset.done $0x0  }
0x1f5: {  	s25 =	simm.s32 @!p0 $0x13D00;
	s23 =	simm.s32 @!p0 $0x13880;
	[sflag:s15] =	ssyncadd.s32 $0xFFFFFF80  }
0x1f6: {  	[tilespmem:s25], [sflag:$0x4] =	stream.indirect.gather @!p0 [hbm4b:s1+s0], $0x80, s23, s0, $0xb8;
	[tilespmem:$0x1FD00] =	vst v63  }
0x1f7: {  	s23 =	simm.s32 @!p0 $0x4  }
0x1f8: {  	_ =	swait.ge @!p0 [sflag:s23], $0x4000  }
0x1f9: {  	[sflag:s23] =	ssyncset.done @!p0 $0x0  }
0x1fa: {  	[sflag:s23] =	ssyncadd.s32 @!p0 $0xFFFFC000;
	s23 =	simm.s32 @!p0 $0x13A00  }
0x1fb: {  	[spmem:s2] =	stream.indirect.scatter.add.f32 @!p0 [tilespmem:s25], [sflag:$0xA], $0x80, s23, s0, $0xb8;
	[tilespmem:$0x1FD00] =	vst v63  }
0x1fc: {  	s0 =	simm.s32 @!p0 $0xA  }
0x1fd: {  	_ =	swait.ge @!p0 [sflag:s0], $0x4000  }
0x1fe: {  	[sflag:s0] =	ssyncset.done @!p0 $0x0  }
0x1ff: {  	[sflag:s0] =	ssyncadd.s32 @!p0 $0xFFFFC000  }
0x200: {  	[bflag:$0x0] =	sbarrier.arrive $0xFFFF  }
0x201: {  	s25 =	rddreg [dreg:$0x14]  }
0x202: {  	[tilespmem:s31], [sflag:$0xB] =	stream.linear.gather [spmem:s25], $0x4000, $0x38;
	[tilespmem:$0x1FD00] =	vst v63  }
0x203: {  	_ =	swait.ge [sflag:s4], $0x4000  }
0x204: {  	[sflag:s4] =	ssyncset.done $0x0  }
0x205: {  	s23 =	rddreg [dreg:$0xc];
	[sflag:s4] =	ssyncadd.s32 $0xFFFFC000;
	s4 =	simm.s32 $0xA  }
0x206: {  	[hbm4b:s23+s3] =	stream.linear.scatter [tilespmem:s31], [sflag:$0xA], $0x4000, $0x38;
	[tilespmem:$0x1FD00] =	vst v63  }
0x207: {  	_ =	swait.ge [sflag:s4], $0x4000  }
0x208: {  	[sflag:s4] =	ssyncset.done $0x0  }
0x209: {  	s23 =	simm.s32 $0xB;
	s25 =	rddreg [dreg:$0x16];
	[sflag:s4] =	ssyncadd.s32 $0xFFFFC000  }
0x20a: {  	[tilespmem:s31], [sflag:$0xB] =	stream.linear.gather [spmem:s25], $0x4000, $0x38;
	[tilespmem:$0x1FD00] =	vst v63  }
0x20b: {  	_ =	swait.ge [sflag:s23], $0x4000  }
0x20c: {  	[sflag:s23] =	ssyncset.done $0x0  }
0x20d: {  	s25 =	rddreg [dreg:$0xd];
	[sflag:s23] =	ssyncadd.s32 $0xFFFFC000  }
0x20e: {  	[hbm4b:s25+s3] =	stream.linear.scatter [tilespmem:s31], [sflag:$0xA], $0x4000, $0x38;
	[tilespmem:$0x1FD00] =	vst v63  }
0x20f: {  	_ =	swait.ge [sflag:s4], $0x4000  }
0x210: {  	[sflag:s4] =	ssyncset.done $0x0  }
0x211: {  	s25 =	rddreg [dreg:$0x18];
	[sflag:s4] =	ssyncadd.s32 $0xFFFFC000  }
0x212: {  	[tilespmem:s31], [sflag:$0xB] =	stream.linear.gather [spmem:s25], $0x4000, $0x38;
	[tilespmem:$0x1FD00] =	vst v63  }
0x213: {  	_ =	swait.ge [sflag:s23], $0x4000  }
0x214: {  	[sflag:s23] =	ssyncset.done $0x0  }
0x215: {  	s25 =	rddreg [dreg:$0xe];
	[sflag:s23] =	ssyncadd.s32 $0xFFFFC000  }
0x216: {  	[hbm4b:s25+s3] =	stream.linear.scatter [tilespmem:s31], [sflag:$0xA], $0x4000, $0x38;
	[tilespmem:$0x1FD00] =	vst v63  }
0x217: {  	_ =	swait.ge [sflag:s4], $0x4000  }
0x218: {  	[sflag:s4] =	ssyncset.done $0x0  }
0x219: {  	s30 =	simm.s32 $0xB;
	s23 =	rddreg [dreg:$0x1a];
	[sflag:s4] =	ssyncadd.s32 $0xFFFFC000  }
0x21a: {  	[tilespmem:s31], [sflag:$0xB] =	stream.linear.gather [spmem:s23], $0x4000, $0x38;
	[tilespmem:$0x1FD00] =	vst v63  }
0x21b: {  	_ =	swait.ge [sflag:s30], $0x4000  }
0x21c: {  	[sflag:s30] =	ssyncset.done $0x0  }
0x21d: {  	s25 =	rddreg [dreg:$0xf];
	[sflag:s30] =	ssyncadd.s32 $0xFFFFC000  }
0x21e: {  	[hbm4b:s25+s3] =	stream.linear.scatter [tilespmem:s31], [sflag:$0xA], $0x4000, $0x38;
	[tilespmem:$0x1FD00] =	vst v63  }
0x21f: {  	_ =	swait.ge [sflag:s4], $0x4000  }
0x220: {  	[sflag:s4] =	ssyncset.done $0x0  }
0x221: {  	s23 =	simm.s32 @!p2 $0x13D00;
	s0 =	rddreg [dreg:$0x1e];
	[sflag:s4] =	ssyncadd.s32 $0xFFFFC000  }
0x222: {  	[tilespmem:s23], [sflag:$0xA] =	stream.linear.gather @!p2 [spmem:s0], $0x800, $0x38;
	[tilespmem:$0x1FD00] =	vst v63  }
0x223: {  	s23 =	simm.s32 @!p2 $0xA  }
0x224: {  	_ =	swait.ge @!p2 [sflag:s23], $0x800  }
0x225: {  	s25 =	simm.s32 @!p2 $0x0;
	[sflag:s23] =	ssyncset.done @!p2 $0x0  }
0x226: {  	s0 =	simm.s32 @!p2 $0x13D00;
	s28 =	rddreg [dreg:$0x11];
	[sflag:s23] =	ssyncadd.s32 @!p2 $0xFFFFF800  }
0x227: {  	[hbm4b:s28+s25] =	stream.linear.scatter @!p2 [tilespmem:s0], [sflag:$0xA], $0x800, $0x38;
	[tilespmem:$0x1FD00] =	vst v63  }
0x228: {  	_ =	swait.ge @!p2 [sflag:s23], $0x800  }
0x229: {  	[sflag:s23] =	ssyncset.done @!p2 $0x0  }
0x22a: {  	s28 =	simm.s32 @!p1 $0x13D00;
	[sflag:s23] =	ssyncadd.s32 @!p2 $0xFFFFF800;
	s23 =	rddreg [dreg:$0x1c]  }
0x22b: {  	[tilespmem:s28], [sflag:$0xB] =	stream.linear.gather @!p1 [spmem:s23], $0x4000, $0x38;
	[tilespmem:$0x1FD00] =	vst v63  }
0x22c: {  	s23 =	simm.s32 @!p1 $0xB  }
0x22d: {  	_ =	swait.ge @!p1 [sflag:s23], $0x4000  }
0x22e: {  	s0 =	simm.s32 @!p1 $0xA;
	[sflag:s23] =	ssyncset.done @!p1 $0x0  }
0x22f: {  	s25 =	rddreg [dreg:$0x10];
	[sflag:s23] =	ssyncadd.s32 @!p1 $0xFFFFC000;
	s23 =	simm.s32 @!p1 $0x0  }
0x230: {  	[hbm4b:s25+s23] =	stream.linear.scatter @!p1 [tilespmem:s28], [sflag:$0xA], $0x4000, $0x38;
	[tilespmem:$0x1FD00] =	vst v63  }
0x231: {  	s25 =	rddreg [dreg:$0x1a];
	_ =	swait.ge @!p1 [sflag:s0], $0x4000  }
0x232: {  	s28 =	rddreg [dreg:$0x1f]  }
0x233: {  	s23 =	rddreg [dreg:$0x12];
	s28 =	sadd.s32 $0x1, s28  }
0x234: {  	p3 =	sne.s32 s28, s23  }
.Ltmp1:
0x235: {  	_ = 	snop;
	(pc) =	sbr.rel @p3 .LBB2_1-.Ltmp1, $4  }
0x236: {  	_ = 	snop  }
0x237: {  	[dreg:$0x1f] =	wrdreg s28  }
0x238: {  	[sflag:s0] =	ssyncset.done @!p1 $0x0;
	s23 =	rddreg [dreg:$0x16]  }
0x239: {  	[sflag:s0] =	ssyncadd.s32 @!p1 $0xFFFFC000;
	s28 =	rddreg [dreg:$0x18]  }
0x23a: {  	_ =	sfence.sel $0x180000  }
0x23b: {  	[bflag:$0x0] =	sbarrier.arrive $0xFFFF  }
0x23c: {  	_ =	strace $0x9000004A  }
0x23d: {  	s0 =	stileid.u32;
	[bflag:$0x2] =	sbarrier.arrive $0xFFFF  }
0x23e: {  	p0 =	sne.s32 s0, $0x0;
	s0 =	rddreg [dreg:$0x3]  }
0x23f: {  	s0 =	sadd.s32 @!p0 $0x100000, s0  }
0x240: {  	[sflag:s0] =	ssyncadd.tile.s32 @!p0 $0x1;
	_ =	shalt  }
.Lfunc_end2:
_tile_overlayer_lowered:
.L_overlay_start_2:
0x241: {  	(tag) =	ssettag $0x2  }
0x242: {  	s0 =	rddreg [dreg:$0x0];
	s2 =	stileid.u32  }
0x243: {  	s1 =	rddreg [dreg:$0x1];
	p0 =	sne.s32 s2, $0x0  }
0x244: {  	s3 =	rddreg [dreg:$0x2];
	[bflag:$0x3] =	sbarrier.arrive $0xFFFF;
	s2 =	simm.s32 @!p0 $0x1C0A  }
0x245: {  	[timem:s3], [sflag:s2] =	dma.local @!p0 [hbm:s0], s1  }
0x246: {  	s0 =	simm.s32 @!p0 $0xA  }
0x247: {  	_ =	swait.ge @!p0 [sflag:s0], s1  }
0x248: {  	s1 =	ssub.s32 @!p0 $0x0, s1;
	[sflag:s0] =	ssyncset.done @!p0 $0x0  }
0x249: {  	[sflag:s0] =	ssyncadd.s32 @!p0 s1  }
0x24a: {  	[bflag:$0x3] =	sbarrier.arrive $0xFFFF  }
0x24b: {  	_ =	shalt  }

// kernel: kernel.14.cloned.1.call-start
scs
__scs_entry_jumppad:
0x0: {  	(pc) =	sbr.rel $0x88, $3  }
0x1: {  	(tag) =	ssettag $0x0;
	lr =	simm.s32 $0x1  }
0x2: {  	[smem:$0x3F95] =	sst lr;
	_ =	strace $0xD0000000  }
0x3: {  	_ = 	snop  }
0x4: {  	_ = 	snop  }
0x5: {  	_ = 	snop  }
0x6: {  	_ = 	snop  }
0x7: {  	_ = 	snop  }
__scs_overlays_trampoline_lowered:
0x8: {  	[smem:$0x3FA4] =	sst s0  }
0x9: {  	[smem:$0x3FA5] =	sst s1  }
0xa: {  	[smem:$0x3FA6] =	sst s2  }
0xb: {  	[smem:$0x3FA7] =	sst s3  }
0xc: {  	[smem:$0x3FA8] =	sst s4  }
0xd: {  	[smem:$0x3FA9] =	sst s5  }
0xe: {  	[smem:$0x3FAA] =	sst s6  }
0xf: {  	[smem:$0x3FAB] =	sst s7  }
0x10: {  	[smem:$0x3FAC] =	sst s8  }
0x11: {  	[smem:$0x3FAD] =	sst s9;
	s0 =	simm.s32 @!p0 $0x0  }
0x12: {  	s1 =	sld [smem:$0x3F93];
	s0 =	simm.s32 @p0 $0x1  }
0x13: {  	[smem:$0x3FAE] =	sst s0;
	s0 =	simm.s32 @!p1 $0x0  }
0x14: {  	s2 =	sld [smem:$0x3F92];
	s0 =	simm.s32 @p1 $0x1  }
0x15: {  	[smem:$0x3FAF] =	sst s0;
	s0 =	simm.s32 @!p2 $0x0  }
0x16: {  	s3 =	sld [smem:$0x3FDB];
	s0 =	simm.s32 @p2 $0x1  }
0x17: {  	s4 =	simm.s32 $0x1BF5;
	[smem:$0x3FB1] =	sst s0  }
0x18: {  	s0 =	sld [smem:$0x3F94];
	_ =	swait.ge [sflag:s4], $0x0  }
0x19: {  	s7 =	sld [smem:$0x3F95]  }
0x1a: {  	s8 =	sadd.s32 $0xFFFFE003, lr  }
0x1b: {  	s9 =	sadd.s32 $0xFFFFFEF7, lr;
	s5 =	simm.s32 $0xFFFFFFFF;
	p2 =	slt.u32 s8, $0xFFFFF086  }
0x1c: {  	p1 =	slt.u32 s9, $0xF7A;
	s5 =	simm.s32 @!p2 $0x0  }
0x1d: {  	s5 =	simm.s32 @p1 $0x1;
	p0 =	seq.s32 s7, s2  }
0x1e: {  	s7 =	smul.u32 @!p0 $0xF7A, s2;
	p2 =	seq.s32 @!p0 s5, $0x0  }
0x1f: {  	s9 =	smul.u32 $0xF7A, s1;
	s8 =	simm.s32 @!p0 $0x1BF5;
	p2 =	por !p2, p0  }
0x20: {  	[sflag:s8] =	ssyncset.s32 @!p0 $0xFFFFF086;
	s6 =	sadd.s32 @!p0 s3, s7;
	s7 =	simm.s32 @!p0 $0x108  }
0x21: {  	s3 =	sadd.s32 s3, s9;
	s6 =	sadd.s32 @!p0 $0x88, s6;
	s7 =	simm.s32 @p2 $0x1082  }
0x22: {  	[simem:s7], [sflag:s8] =	dma.local @!p0 [hbm:s6], $0xF7A  }
0x23: {  	s9 =	sor.u32 $0xD0000000, s2;
	s6 =	simm.s32 $0x108;
	_ =	swait.ge @!p0 [sflag:s8], $0x0  }
0x24: {  	s3 =	sadd.s32 $0x88, s3;
	s6 =	simm.s32 @!p1 $0x1082;
	[sflag:s4] =	ssyncset.s32 $0xFFFFF086  }
0x25: {  	[simem:s6], [sflag:s4] =	dma.local [hbm:s3], $0xF7A  }
0x26: {  	[smem:$0x3F95] =	sst s1;
	(tag) =	ssettag s2;
	_ =	strace s9  }
0x27: {  	s1 =	sld [smem:$0x3FA5]  }
0x28: {  	s2 =	sld [smem:$0x3FA6]  }
0x29: {  	s4 =	sld [smem:$0x3FA8]  }
0x2a: {  	p0 =	seq.s32 s5, $0x0;
	s5 =	sld [smem:$0x3FA9]  }
0x2b: {  	s6 =	sld [smem:$0x3FAA]  }
0x2c: {  	s7 =	sld [smem:$0x3FAB]  }
0x2d: {  	s3 =	simm.s32 $0x108;
	s8 =	sld [smem:$0x3FAC]  }
0x2e: {  	s3 =	simm.s32 @!p0 $0x1082;
	s9 =	sld [smem:$0x3FAD]  }
0x2f: {  	lr =	sadd.s32 s0, s3;
	s0 =	sld [smem:$0x3FA4]  }
0x30: {  	s3 =	sld [smem:$0x3FA7]  }
0x31: {  	[smem:$0x3FB0] =	sst s10  }
0x32: {  	s10 =	sld [smem:$0x3FAE];
	_ =	sdelay $0x3  }
0x33: {  	p0 =	seq.s32 s10, $0x1;
	s10 =	sld [smem:$0x3FB0];
	_ =	sdelay $0x3  }
0x34: {  	[smem:$0x3FB0] =	sst s10  }
0x35: {  	s10 =	sld [smem:$0x3FAF];
	_ =	sdelay $0x3  }
0x36: {  	p1 =	seq.s32 s10, $0x1;
	s10 =	sld [smem:$0x3FB0];
	_ =	sdelay $0x3  }
0x37: {  	[smem:$0x3FB0] =	sst s10  }
0x38: {  	s10 =	sld [smem:$0x3FB1]  }
0x39: {  	_ = 	snop;
	(pc) =	sbr.ind lr, $3  }
0x3a: {  	_ = 	snop  }
0x3b: {  	_ = 	snop  }
0x3c: {  	p2 =	seq.s32 s10, $0x1;
	s10 =	sld [smem:$0x3FB0]  }
0x3d: {  	_ =	shalt  }
0x3e: {  	_ =	shalt  }
0x3f: {  	_ =	shalt  }
0x40: {  	_ =	shalt  }
0x41: {  	_ =	shalt  }
0x42: {  	_ =	shalt  }
0x43: {  	_ =	shalt  }
0x44: {  	_ =	shalt  }
0x45: {  	_ =	shalt  }
0x46: {  	_ =	shalt  }
0x47: {  	_ =	shalt  }
0x48: {  	_ =	shalt  }
0x49: {  	_ =	shalt  }
0x4a: {  	_ =	shalt  }
0x4b: {  	_ =	shalt  }
0x4c: {  	_ =	shalt  }
0x4d: {  	_ =	shalt  }
0x4e: {  	_ =	shalt  }
0x4f: {  	_ =	shalt  }
0x50: {  	_ =	shalt  }
0x51: {  	_ =	shalt  }
0x52: {  	_ =	shalt  }
0x53: {  	_ =	shalt  }
0x54: {  	_ =	shalt  }
0x55: {  	_ =	shalt  }
0x56: {  	_ =	shalt  }
0x57: {  	_ =	shalt  }
0x58: {  	_ =	shalt  }
0x59: {  	_ =	shalt  }
0x5a: {  	_ =	shalt  }
0x5b: {  	_ =	shalt  }
0x5c: {  	_ =	shalt  }
0x5d: {  	_ =	shalt  }
0x5e: {  	_ =	shalt  }
0x5f: {  	_ =	shalt  }
0x60: {  	_ =	shalt  }
0x61: {  	_ =	shalt  }
0x62: {  	_ =	shalt  }
0x63: {  	_ =	shalt  }
0x64: {  	_ =	shalt  }
0x65: {  	_ =	shalt  }
0x66: {  	_ =	shalt  }
0x67: {  	_ =	shalt  }
0x68: {  	_ =	shalt  }
0x69: {  	_ =	shalt  }
0x6a: {  	_ =	shalt  }
0x6b: {  	_ =	shalt  }
0x6c: {  	_ =	shalt  }
0x6d: {  	_ =	shalt  }
0x6e: {  	_ =	shalt  }
0x6f: {  	_ =	shalt  }
0x70: {  	_ =	shalt  }
0x71: {  	_ =	shalt  }
0x72: {  	_ =	shalt  }
0x73: {  	_ =	shalt  }
0x74: {  	_ =	shalt  }
0x75: {  	_ =	shalt  }
0x76: {  	_ =	shalt  }
0x77: {  	_ =	shalt  }
0x78: {  	_ =	shalt  }
0x79: {  	_ =	shalt  }
0x7a: {  	_ =	shalt  }
0x7b: {  	_ =	shalt  }
0x7c: {  	_ =	shalt  }
0x7d: {  	_ =	shalt  }
0x7e: {  	_ =	shalt  }
0x7f: {  	_ =	shalt  }
0x80: {  	_ =	shalt  }
0x81: {  	_ =	shalt  }
0x82: {  	_ =	shalt  }
0x83: {  	_ =	shalt  }
0x84: {  	_ =	shalt  }
0x85: {  	_ =	shalt  }
0x86: {  	_ =	shalt  }
0x87: {  	_ =	shalt  }
.Lfunc_end0:
.L_simem_size_0:
called_computation.2_lowered:
.L_overlay_start_0:
0x88: {  	s2 =	sld [smem:$0x3FD9]  }
0x89: {  	s3 =	sld [smem:$0x3FFE];
	_ =	sdelay $0x1  }
0x8a: {  	s1 =	srdreg.scid  }
0x8b: {  	s0 =	sand.u32 $0x1, s1  }
0x8c: {  	s17 =	sshll.u32 s0, $0xA;
	s2 =	sadd.s32 s3, s2  }
0x8d: {  	s2 =	sadd.s32 s2, s17  }
0x8e: {  	[smem:$0x3FBC] =	sst s2  }
0x8f: {  	_ = 	snop  }
0x90: {  	s2 =	sld [smem:$0x3FD0];
	(tm) =	ssettm $0x1  }
0x91: {  	s18 =	sld [smem:$0x3FFB];
	_ =	sdelay $0x3  }
0x92: {  	_ =	strace s18  }
0x93: {  	s3 =	sld [smem:$0x3FFC];
	_ =	sdelay $0x3  }
0x94: {  	_ =	strace s3  }
0x95: {  	s3 =	sld [smem:$0x3FFD];
	_ =	sdelay $0x3  }
0x96: {  	_ =	strace s3  }
0x97: {  	_ =	strace $0x8FFFFFFF  }
0x98: {  	s19 =	sld [smem:$0x3FDB];
	_ =	sdelay $0x1  }
0x99: {  	s4 =	simm.s32 $_scs_section_size  }
0x9a: {  	s5 =	simm.s32 $_size__tile_overlayer_lowered;
	s6 =	simm.s32 $_tile_overlayer_lowered  }
0x9b: {  	s22 =	simm.s32 $0x1BFF;
	s21 =	sshll.u32 s6, $0x1;
	s3 =	sadd.s32 s4, s19  }
0x9c: {  	s7 =	simm.s32 $0x0;
	s20 =	sshll.u32 s5, $0x1;
	s5 =	sadd.s32 s21, s3  }
0x9d: {  	[timem:s7], [sflag:s22] =	dma.local [hbm:s5], s20  }
0x9e: {  	_ =	swait.ge [sflag:s22], s20  }
0x9f: {  	s4 =	ssub.s32 $0x0, s20;
	[sflag:s22] =	ssyncset.done $0x0  }
0xa0: {  	[sflag:s22] =	ssyncadd.s32 s4;
	_ =	sdelay $0x1  }
0xa1: {  	s23 =	simm.s32 $0x1B8B  }
0xa2: {  	_ =	swait.ge [sflag:s23], $0x1  }
0xa3: {  	[sflag:s23] =	ssyncset.done $0x0  }
0xa4: {  	s25 =	simm.s32 $0x1B8E;
	s24 =	sld [smem:$0x3FFE];
	[sflag:s23] =	ssyncadd.s32 $0xFFFFFFFF  }
0xa5: {  	s26 =	simm.s32 $execute0_lowered;
	[smem:$0x3FD2] =	sst s25  }
0xa6: {  	s5 =	sshll.u32 s26, $0x1;
	_ =	strace $0x8000004C;
	[dreg:$0x1] =	wrdreg $0xFFFFFFFF  }
0xa7: {  	s28 =	simm.s32 $_size_execute0_lowered;
	s3 =	sadd.s32 s3, s5;
	[dreg:$0x0] =	wrdreg $0x0  }
0xa8: {  	s5 =	sshll.u32 s28, $0x1;
	[dreg:$0x2] =	wrdreg s3  }
0xa9: {  	[dreg:$0x3] =	wrdreg s5  }
0xaa: {  	[dreg:$0x4] =	wrdreg $0xC0  }
0xab: {  	_ =	task [dreg:s7], $0x5FFFF  }
0xac: {  	[dreg:$0x1] =	wrdreg $0xFFFFFFFF  }
0xad: {  	[dreg:$0x0] =	wrdreg $0x60  }
0xae: {  	[dreg:$0x2] =	wrdreg s2  }
0xaf: {  	[dreg:$0x3] =	wrdreg s24  }
0xb0: {  	[dreg:$0x4] =	wrdreg $0x0  }
0xb1: {  	[dreg:$0x5] =	wrdreg $0x9  }
0xb2: {  	_ =	task.clear_ibuf [dreg:s7], $0x6FFFF;
	_ =	strace $0x9000004C  }
0xb3: {  	s29 =	simm.s32 $0x9;
	_ =	strace $0x8000004E  }
0xb4: {  	_ =	swait.ge [sflag:s29], $0x1  }
0xb5: {  	[sflag:s29] =	ssyncadd.s32 $0xFFFFFFFF  }
0xb6: {  	_ =	strace $0x9000004E  }
0xb7: {  	_ =	sfence  }
0xb8: {  	s30 =	sld [smem:$0x0];
	_ =	sdelay $0x2  }
0xb9: {  	s31 =	sshll.u32 s1, $0xD;
	s1 =	sshrl.u32 s1, $0x2  }
0xba: {  	s3 =	sand.u32 $0x4000, s31;
	s1 =	sadd.s32 s1, s30  }
0xbb: {  	s0 =	sor.u32 s3, s0;
	s1 =	sshll.u32 s1, $0x11  }
0xbc: {  	s0 =	sor.u32 s1, s0  }
0xbd: {  	s0 =	sadd.s32 $0x8F2B, s0  }
0xbe: {  	[sflag:s0] =	ssyncadd.remote.s32 $0x1  }
0xbf: {  	_ =	sfence.sel $0xFFFF  }
0xc0: {  	[dreg:$0x0] =	wrdreg $0xFFFFFFFF;
	(pc) =	sbr.abs _section_cstart, $3  }
0xc1: {  	[dreg:$0x1] =	wrdreg $0xFFFFFFFF  }
0xc2: {  	_ =	task.clear_ibuf [dreg:s7], $0x2FFFF;
	_ =	strace $0x9FFFFFFF  }
0xc3: {  	(tm) =	ssettm $0x7FFFFFFF  }
tec
execute0_lowered:
.L_overlay_start_1:
0x0: {  	(tag) =	ssettag $0x1  }
0x1: {  	s1 =	rddreg [dreg:$0x0]  }
0x2: {  	s0 =	rddreg [dreg:$0x1]  }
0x3: {  	s2 =	rddreg [dreg:$0x2]  }
0x4: {  	s3 =	simm.s32 $0x0;
	s4 =	srdreg.scid;
	s20 =	stileid.u32  }
0x5: {  	s31 =	simm.s32 $0x13D00;
	s30 =	simm.s32 $0xB;
	s29 =	simm.s32 $0x7  }
0x6: {  	[smem:$0x7FF] =	sst s3;
	s4 =	sand.u32 $0x1, s4;
	s6 =	sadd.s32 $0xCC00, s0  }
0x7: {  	s8 =	sadd.s32 $0x2A00, s0;
	s0 =	sadd.s32 $0x16E00, s0;
	s23 =	sshll.u32 s20, $0xE  }
0x8: {  	s25 =	sor.u32 $0x10, s20;
	s13 =	sshll.u32 s20, $0x4;
	s15 =	sor.u32 $0x20, s20  }
0x9: {  	_ =	strace $0x8000004D;
	s5 =	sshll.u32 s4, $0x4;
	s7 =	ssub.s32 $0x2, s4  }
0xa: {  	s11 =	smul.u32 $0x138800, s4;
	s4 =	sshll.u32 s4, $0x8;
	s14 =	sshll.u32 s25, $0xE  }
0xb: {  	s16 =	sshll.u32 s15, $0xE;
	s5 =	sor.u32 s20, s5;
	s9 =	sshrl.u32 s7, $0x1  }
0xc: {  	s28 =	sadd.s32 s16, s2;
	s10 =	sshll.u32 s5, $0x4;
	s7 =	ssub.s32 s7, s9  }
0xd: {  	s22 =	sshrl.u32 s11, $0x3;
	p0 =	sgt.u32 s5, $0x3;
	s5 =	sshll.u32 s20, $0xB  }
0xe: {  	[dreg:$0x18] =	wrdreg s28;
	s17 =	sadd.s32 s6, s10;
	s18 =	sadd.s32 s8, s10  }
0xf: {  	s19 =	sor.u32 $0x200, s10;
	s21 =	sor.u32 $0x400, s10;
	[dreg:$0x6] =	wrdreg s17  }
0x10: {  	[dreg:$0x7] =	wrdreg s18;
	s12 =	sadd.s32 s6, s19;
	s9 =	sadd.s32 s8, s19  }
0x11: {  	s10 =	sadd.s32 s6, s21;
	s17 =	sor.u32 $0x30, s20;
	[dreg:$0x8] =	wrdreg s12  }
0x12: {  	s18 =	sadd.s32 s11, s23;
	s19 =	sadd.s32 s11, s14;
	[dreg:$0x9] =	wrdreg s9  }
0x13: {  	[dreg:$0xa] =	wrdreg s10;
	s9 =	sadd.s32 s8, s21;
	s8 =	sadd.s32 s4, s8  }
0x14: {  	s4 =	sadd.s32 s4, s6;
	s6 =	sshrl.u32 s19, $0x3;
	s21 =	sor.u32 $0x40, s20  }
0x15: {  	s12 =	sadd.s32 s23, s2;
	s23 =	sadd.s32 s14, s2;
	s10 =	simm.s32 $0x13B00  }
0x16: {  	s14 =	simm.s32 $0x17D00;
	[dreg:$0xb] =	wrdreg s9;
	s9 =	sadd.s32 s0, s22  }
0x17: {  	s8 =	sadd.s32 s13, s8;
	s4 =	sadd.s32 s13, s4;
	s6 =	sadd.s32 s0, s6  }
0x18: {  	s22 =	sshll.u32 s17, $0xE;
	s24 =	sshll.u32 s21, $0xE;
	[dreg:$0x14] =	wrdreg s12  }
0x19: {  	p1 =	sgt.u32 s21, $0x4D;
	s21 =	sshll.u32 s21, $0xB;
	[dreg:$0x16] =	wrdreg s23  }
0x1a: {  	s12 =	simm.s32 $0x80;
	s13 =	simm.s32 $0x2;
	[dreg:$0x4] =	wrdreg s8  }
0x1b: {  	s8 =	sshrl.u32 s18, $0x3;
	[dreg:$0xd] =	wrdreg s6;
	s18 =	sadd.s32 s11, s16  }
0x1c: {  	s19 =	sadd.s32 s11, s22;
	s11 =	sadd.s32 s11, s24;
	[dreg:$0x5] =	wrdreg s4  }
0x1d: {  	s4 =	sadd.s32 $0x27000, s9;
	s9 =	smax.u32 s7, $0x1;
	p2 =	sne.s32 @p1 s20, $0xF  }
0x1e: {  	s6 =	simm.s32 $0x13A00;
	s7 =	simm.s32 $0x13900;
	s16 =	simm.s32 $0x1BD00  }
0x1f: {  	s20 =	simm.s32 $0x5;
	s8 =	sadd.s32 s0, s8;
	s18 =	sshrl.u32 s18, $0x3  }
0x20: {  	s26 =	sshrl.u32 s19, $0x3;
	s11 =	sshrl.u32 s11, $0x3;
	[dreg:$0x11] =	wrdreg s4  }
0x21: {  	[dreg:$0x12] =	wrdreg s9;
	s19 =	sshll.u32 s17, $0xB;
	p2 =	por p2, !p1  }
0x22: {  	s4 =	simm.s32 $0xA;
	[dreg:$0xc] =	wrdreg s8;
	s18 =	sadd.s32 s0, s18  }
0x23: {  	s9 =	simm.s32 $0x13980;
	[dreg:$0xe] =	wrdreg s18;
	s18 =	sadd.s32 s0, s26  }
0x24: {  	s0 =	sadd.s32 s0, s11;
	s11 =	sshll.u32 s25, $0xB;
	[dreg:$0xf] =	wrdreg s18  }
0x25: {  	s25 =	sadd.s32 s22, s2;
	s22 =	sadd.s32 s24, s2;
	[dreg:$0x10] =	wrdreg s0  }
0x26: {  	s17 =	simm.s32 $0x4;
	s24 =	sadd.s32 $0x27000, s1;
	[dreg:$0x1c] =	wrdreg s22  }
0x27: {  	s8 =	simm.s32 $0x13A80;
	s26 =	sadd.s32 $0x138000, s2;
	[dreg:$0x1d] =	wrdreg s24  }
0x28: {  	s0 =	sadd.s32 s1, s5;
	s18 =	sshll.u32 s15, $0xB;
	[dreg:$0x1e] =	wrdreg s26  }
0x29: {  	s5 =	simm.s32 $0x13880;
	s15 =	simm.s32 $0x3;
	[dreg:$0x1a] =	wrdreg s25  }
0x2a: {  	s22 =	simm.s32 $0x13C00;
	[dreg:$0x13] =	wrdreg s0;
	s0 =	sadd.s32 s1, s11  }
0x2b: {  	s24 =	simm.s32 $0x6;
	[dreg:$0x15] =	wrdreg s0;
	s0 =	sadd.s32 s1, s18  }
0x2c: {  	s26 =	simm.s32 $0x13C80;
	[dreg:$0x17] =	wrdreg s0;
	s0 =	sadd.s32 s1, s19  }
0x2d: {  	s11 =	simm.s32 $0x1;
	[dreg:$0x19] =	wrdreg s0;
	s0 =	sadd.s32 s1, s21  }
0x2e: {  	s18 =	simm.s32 $0x13B80;
	[dreg:$0x1b] =	wrdreg s0;
	s0 =	simm.s32 $0x0  }
0x2f: {  	s19 =	simm.s32 $0x8;
	s21 =	simm.s32 $0x9;
	[dreg:$0x1f] =	wrdreg s0  }
.LBB2_1:
0x30: {  	s0 =	rddreg [dreg:$0x13]  }
0x31: {  	[tilespmem:s31], [sflag:$0xB] =	stream.linear.gather [hbm4b:s0+s3], $0x4000, $0x38;
	[tilespmem:$0x1FD00] =	vst v63  }
0x32: {  	_ =	swait.ge [sflag:s30], $0x4000  }
0x33: {  	[sflag:s30] =	ssyncset.done $0x0  }
0x34: {  	s0 =	rddreg [dreg:$0x14];
	[sflag:s30] =	ssyncadd.s32 $0xFFFFC000  }
0x35: {  	[spmem:s0] =	stream.linear.scatter [tilespmem:s31], [sflag:$0xA], $0x4000, $0x38;
	[tilespmem:$0x1FD00] =	vst v63  }
0x36: {  	_ =	swait.ge [sflag:s4], $0x4000  }
0x37: {  	[sflag:s4] =	ssyncset.done $0x0  }
0x38: {  	s0 =	rddreg [dreg:$0x15];
	[sflag:s4] =	ssyncadd.s32 $0xFFFFC000  }
0x39: {  	[tilespmem:s31], [sflag:$0xB] =	stream.linear.gather [hbm4b:s0+s3], $0x4000, $0x38;
	[tilespmem:$0x1FD00] =	vst v63  }
0x3a: {  	_ =	swait.ge [sflag:s30], $0x4000  }
0x3b: {  	[sflag:s30] =	ssyncset.done $0x0  }
0x3c: {  	[sflag:s30] =	ssyncadd.s32 $0xFFFFC000  }
0x3d: {  	[spmem:s23] =	stream.linear.scatter [tilespmem:s31], [sflag:$0xA], $0x4000, $0x38;
	[tilespmem:$0x1FD00] =	vst v63  }
0x3e: {  	_ =	swait.ge [sflag:s4], $0x4000  }
0x3f: {  	[sflag:s4] =	ssyncset.done $0x0  }
0x40: {  	s23 =	rddreg [dreg:$0x17];
	[sflag:s4] =	ssyncadd.s32 $0xFFFFC000  }
0x41: {  	[tilespmem:s31], [sflag:$0xB] =	stream.linear.gather [hbm4b:s23+s3], $0x4000, $0x38;
	[tilespmem:$0x1FD00] =	vst v63  }
0x42: {  	_ =	swait.ge [sflag:s30], $0x4000  }
0x43: {  	[sflag:s30] =	ssyncset.done $0x0  }
0x44: {  	[sflag:s30] =	ssyncadd.s32 $0xFFFFC000  }
0x45: {  	[spmem:s28] =	stream.linear.scatter [tilespmem:s31], [sflag:$0xA], $0x4000, $0x38;
	[tilespmem:$0x1FD00] =	vst v63  }
0x46: {  	_ =	swait.ge [sflag:s4], $0x4000  }
0x47: {  	[sflag:s4] =	ssyncset.done $0x0  }
0x48: {  	s23 =	rddreg [dreg:$0x19];
	[sflag:s4] =	ssyncadd.s32 $0xFFFFC000  }
0x49: {  	[tilespmem:s31], [sflag:$0xB] =	stream.linear.gather [hbm4b:s23+s3], $0x4000, $0x38;
	[tilespmem:$0x1FD00] =	vst v63  }
0x4a: {  	_ =	swait.ge [sflag:s30], $0x4000  }
0x4b: {  	[sflag:s30] =	ssyncset.done $0x0  }
0x4c: {  	[sflag:s30] =	ssyncadd.s32 $0xFFFFC000  }
0x4d: {  	[spmem:s25] =	stream.linear.scatter [tilespmem:s31], [sflag:$0xA], $0x4000, $0x38;
	[tilespmem:$0x1FD00] =	vst v63  }
0x4e: {  	_ =	swait.ge [sflag:s4], $0x4000  }
0x4f: {  	s23 =	simm.s32 @!p2 $0x0;
	[sflag:s4] =	ssyncset.done $0x0  }
0x50: {  	s25 =	simm.s32 @!p2 $0x13D00;
	s0 =	rddreg [dreg:$0x1d];
	[sflag:s4] =	ssyncadd.s32 $0xFFFFC000  }
0x51: {  	[tilespmem:s25], [sflag:$0xA] =	stream.linear.gather @!p2 [hbm4b:s0+s23], $0x800, $0x38;
	[tilespmem:$0x1FD00] =	vst v63  }
0x52: {  	s23 =	simm.s32 @!p2 $0xA  }
0x53: {  	_ =	swait.ge @!p2 [sflag:s23], $0x800  }
0x54: {  	[sflag:s23] =	ssyncset.done @!p2 $0x0  }
0x55: {  	s0 =	rddreg [dreg:$0x1e];
	[sflag:s23] =	ssyncadd.s32 @!p2 $0xFFFFF800  }
0x56: {  	[spmem:s0] =	stream.linear.scatter @!p2 [tilespmem:s25], [sflag:$0xA], $0x800, $0x38;
	[tilespmem:$0x1FD00] =	vst v63  }
0x57: {  	_ =	swait.ge @!p2 [sflag:s23], $0x800  }
0x58: {  	s25 =	simm.s32 @!p1 $0x13D00;
	[sflag:s23] =	ssyncset.done @!p2 $0x0  }
0x59: {  	s0 =	rddreg [dreg:$0x1b];
	[sflag:s23] =	ssyncadd.s32 @!p2 $0xFFFFF800;
	s23 =	simm.s32 @!p1 $0x0  }
0x5a: {  	[tilespmem:s25], [sflag:$0xB] =	stream.linear.gather @!p1 [hbm4b:s0+s23], $0x4000, $0x38;
	[tilespmem:$0x1FD00] =	vst v63  }
0x5b: {  	s23 =	simm.s32 @!p1 $0xB  }
0x5c: {  	_ =	swait.ge @!p1 [sflag:s23], $0x4000  }
0x5d: {  	[sflag:s23] =	ssyncset.done @!p1 $0x0  }
0x5e: {  	s0 =	rddreg [dreg:$0x1c];
	[sflag:s23] =	ssyncadd.s32 @!p1 $0xFFFFC000;
	s23 =	simm.s32 @!p1 $0xA  }
0x5f: {  	[spmem:s0] =	stream.linear.scatter @!p1 [tilespmem:s25], [sflag:$0xA], $0x4000, $0x38;
	[tilespmem:$0x1FD00] =	vst v63  }
0x60: {  	_ =	swait.ge @!p1 [sflag:s23], $0x4000  }
0x61: {  	[sflag:s23] =	ssyncset.done @!p1 $0x0  }
0x62: {  	[sflag:s23] =	ssyncadd.s32 @!p1 $0xFFFFC000  }
0x63: {  	[bflag:$0x0] =	sbarrier.arrive $0xFFFF  }
0x64: {  	s25 =	rddreg [dreg:$0x6]  }
0x65: {  	[tilespmem:s5], [sflag:$0x1] =	stream.linear.gather [hbm4b:s25+s3], $0x80, $0x38;
	[tilespmem:$0x1FD00] =	vst v63  }
0x66: {  	s4 =	rddreg [dreg:$0x7]  }
0x67: {  	[tilespmem:s6], [sflag:$0x1] =	stream.linear.gather [hbm4b:s4+s3], $0x80, $0x38;
	[tilespmem:$0x1FD00] =	vst v63  }
0x68: {  	s23 =	rddreg [dreg:$0x8]  }
0x69: {  	[tilespmem:s7], [sflag:$0x2] =	stream.linear.gather [hbm4b:s23+s3], $0x80, $0x38;
	[tilespmem:$0x1FD00] =	vst v63  }
0x6a: {  	s25 =	rddreg [dreg:$0x9]  }
0x6b: {  	[tilespmem:s8], [sflag:$0x2] =	stream.linear.gather [hbm4b:s25+s3], $0x80, $0x38;
	[tilespmem:$0x1FD00] =	vst v63  }
0x6c: {  	s4 =	rddreg [dreg:$0xa]  }
0x6d: {  	[tilespmem:s9], [sflag:$0x3] =	stream.linear.gather [hbm4b:s4+s3], $0x80, $0x38;
	[tilespmem:$0x1FD00] =	vst v63  }
0x6e: {  	s23 =	rddreg [dreg:$0xb]  }
0x6f: {  	[tilespmem:s10], [sflag:$0x3] =	stream.linear.gather [hbm4b:s23+s3], $0x80, $0x38;
	[tilespmem:$0x1FD00] =	vst v63  }
0x70: {  	_ =	swait.ge [sflag:s11], $0x80  }
0x71: {  	[sflag:s11] =	ssyncset.done $0x0  }
0x72: {  	[sflag:s11] =	ssyncadd.s32 $0xFFFFFF80  }
0x73: {  	_ =	swait.ge [sflag:s11], $0x80  }
0x74: {  	[sflag:s11] =	ssyncset.done $0x0  }
0x75: {  	[sflag:s11] =	ssyncadd.s32 $0xFFFFFF80  }
0x76: {  	[tilespmem:s31], [sflag:$0x4] =	stream.indirect.gather [hbm4b:s1+s12], $0x80, s5, s12, $0xb8;
	[tilespmem:$0x1FD00] =	vst v63  }
0x77: {  	_ =	swait.ge [sflag:s13], $0x80  }
0x78: {  	[sflag:s13] =	ssyncset.done $0x0  }
0x79: {  	[sflag:s13] =	ssyncadd.s32 $0xFFFFFF80  }
0x7a: {  	_ =	swait.ge [sflag:s13], $0x80  }
0x7b: {  	[sflag:s13] =	ssyncset.done $0x0  }
0x7c: {  	[sflag:s13] =	ssyncadd.s32 $0xFFFFFF80  }
0x7d: {  	[tilespmem:s14], [sflag:$0x5] =	stream.indirect.gather [hbm4b:s1+s12], $0x80, s7, s12, $0xb8;
	[tilespmem:$0x1FD00] =	vst v63  }
0x7e: {  	_ =	swait.ge [sflag:s15], $0x80  }
0x7f: {  	[sflag:s15] =	ssyncset.done $0x0  }
0x80: {  	[sflag:s15] =	ssyncadd.s32 $0xFFFFFF80  }
0x81: {  	_ =	swait.ge [sflag:s15], $0x80  }
0x82: {  	[sflag:s15] =	ssyncset.done $0x0  }
0x83: {  	[sflag:s15] =	ssyncadd.s32 $0xFFFFFF80  }
0x84: {  	[tilespmem:s16], [sflag:$0x6] =	stream.indirect.gather [hbm4b:s1+s12], $0x80, s9, s12, $0xb8;
	[tilespmem:$0x1FD00] =	vst v63  }
0x85: {  	_ =	swait.ge [sflag:s17], $0x4000  }
0x86: {  	[sflag:s17] =	ssyncset.done $0x0  }
0x87: {  	[sflag:s17] =	ssyncadd.s32 $0xFFFFC000  }
0x88: {  	v0 =	vld [tilespmem:$0x13A70]  }
0x89: {  	v1 =	vld [tilespmem:$0x13A50]  }
0x8a: {  	v2 =	vld [tilespmem:$0x13A30]  }
0x8b: {  	v3 =	vld [tilespmem:$0x13A60]  }
0x8c: {  	v4 =	vld [tilespmem:$0x13A40]  }
0x8d: {  	v5 =	vld [tilespmem:$0x13A20];
	[tilespmem:$0x13BF0] =	vst v0  }
0x8e: {  	v0 =	vld [tilespmem:$0x13A00];
	[tilespmem:$0x13BD0] =	vst v1  }
0x8f: {  	v1 =	vld [tilespmem:$0x13A10];
	[tilespmem:$0x13BB0] =	vst v2  }
0x90: {  	[tilespmem:$0x13BE0] =	vst v3  }
0x91: {  	[tilespmem:$0x13BC0] =	vst v4  }
0x92: {  	[tilespmem:$0x13BA0] =	vst v5  }
0x93: {  	s25 =	rddreg [dreg:$0x5];
	[tilespmem:$0x13B80] =	vst v0  }
0x94: {  	s0 =	rddreg [dreg:$0x4];
	s28 =	sadd.s32 $0x0, s25;
	[tilespmem:$0x13B90] =	vst v1  }
0x95: {  	[spmem:s2] =	stream.indirect.scatter.add.f32 [tilespmem:s31], [sflag:$0x7], $0x80, s18, s12, $0xb8;
	[tilespmem:$0x1FD00] =	vst v63  }
0x96: {  	s25 =	sadd.s32 $0x0, s0;
	s23 =	sadd.s32 $0x600, s28  }
0x97: {  	[tilespmem:s5], [sflag:$0x1] =	stream.linear.gather [hbm4b:s23+s3], $0x80, $0x38;
	[tilespmem:$0x1FD00] =	vst v63  }
0x98: {  	s4 =	sadd.s32 $0x600, s25  }
0x99: {  	[tilespmem:s6], [sflag:$0x1] =	stream.linear.gather [hbm4b:s4+s3], $0x80, $0x38;
	[tilespmem:$0x1FD00] =	vst v63  }
0x9a: {  	_ =	swait.ge [sflag:s20], $0x4000  }
0x9b: {  	[sflag:s20] =	ssyncset.done $0x0  }
0x9c: {  	[sflag:s20] =	ssyncadd.s32 $0xFFFFC000  }
0x9d: {  	v0 =	vld [tilespmem:$0x13AE0]  }
0x9e: {  	v1 =	vld [tilespmem:$0x13AD0]  }
0x9f: {  	v2 =	vld [tilespmem:$0x13AA0]  }
0xa0: {  	v3 =	vld [tilespmem:$0x13AF0]  }
0xa1: {  	v4 =	vld [tilespmem:$0x13AC0]  }
0xa2: {  	v5 =	vld [tilespmem:$0x13A90];
	[tilespmem:$0x13C60] =	vst v0  }
0xa3: {  	v0 =	vld [tilespmem:$0x13AB0];
	[tilespmem:$0x13C50] =	vst v1  }
0xa4: {  	v1 =	vld [tilespmem:$0x13A80];
	[tilespmem:$0x13C20] =	vst v2  }
0xa5: {  	[tilespmem:$0x13C70] =	vst v3  }
0xa6: {  	[tilespmem:$0x13C40] =	vst v4  }
0xa7: {  	[tilespmem:$0x13C10] =	vst v5  }
0xa8: {  	[tilespmem:$0x13C30] =	vst v0  }
0xa9: {  	[tilespmem:$0x13C00] =	vst v1  }
0xaa: {  	[spmem:s2] =	stream.indirect.scatter.add.f32 [tilespmem:s14], [sflag:$0x8], $0x80, s22, s12, $0xb8;
	[tilespmem:$0x1FD00] =	vst v63  }
0xab: {  	s0 =	sadd.s32 $0x800, s28  }
0xac: {  	[tilespmem:s7], [sflag:$0x2] =	stream.linear.gather [hbm4b:s0+s3], $0x80, $0x38;
	[tilespmem:$0x1FD00] =	vst v63  }
0xad: {  	s4 =	sadd.s32 $0x800, s25  }
0xae: {  	[tilespmem:s8], [sflag:$0x2] =	stream.linear.gather [hbm4b:s4+s3], $0x80, $0x38;
	[tilespmem:$0x1FD00] =	vst v63  }
0xaf: {  	_ =	swait.ge [sflag:s24], $0x4000  }
0xb0: {  	[sflag:s24] =	ssyncset.done $0x0  }
0xb1: {  	[sflag:s24] =	ssyncadd.s32 $0xFFFFC000  }
0xb2: {  	v0 =	vld [tilespmem:$0x13B60]  }
0xb3: {  	v1 =	vld [tilespmem:$0x13B70]  }
0xb4: {  	v2 =	vld [tilespmem:$0x13B00]  }
0xb5: {  	v3 =	vld [tilespmem:$0x13B20]  }
0xb6: {  	v4 =	vld [tilespmem:$0x13B30]  }
0xb7: {  	v5 =	vld [tilespmem:$0x13B50];
	[tilespmem:$0x13CE0] =	vst v0  }
0xb8: {  	v0 =	vld [tilespmem:$0x13B10];
	[tilespmem:$0x13CF0] =	vst v1  }
0xb9: {  	[tilespmem:$0x13C80] =	vst v2;
	v1 =	vld [tilespmem:$0x13B40]  }
0xba: {  	[tilespmem:$0x13CA0] =	vst v3  }
0xbb: {  	[tilespmem:$0x13CB0] =	vst v4  }
0xbc: {  	[tilespmem:$0x13CD0] =	vst v5  }
0xbd: {  	[tilespmem:$0x13C90] =	vst v0  }
0xbe: {  	[tilespmem:$0x13CC0] =	vst v1  }
0xbf: {  	[spmem:s2] =	stream.indirect.scatter.add.f32 [tilespmem:s16], [sflag:$0x9], $0x80, s26, s12, $0xb8;
	[tilespmem:$0x1FD00] =	vst v63  }
0xc0: {  	s0 =	sadd.s32 $0xA00, s28  }
0xc1: {  	[tilespmem:s9], [sflag:$0x3] =	stream.linear.gather [hbm4b:s0+s3], $0x80, $0x38;
	[tilespmem:$0x1FD00] =	vst v63  }
0xc2: {  	s4 =	sadd.s32 $0xA00, s25  }
0xc3: {  	[tilespmem:s10], [sflag:$0x3] =	stream.linear.gather [hbm4b:s4+s3], $0x80, $0x38;
	[tilespmem:$0x1FD00] =	vst v63  }
0xc4: {  	_ =	swait.ge [sflag:s11], $0x80  }
0xc5: {  	[sflag:s11] =	ssyncset.done $0x0  }
0xc6: {  	[sflag:s11] =	ssyncadd.s32 $0xFFFFFF80  }
0xc7: {  	_ =	swait.ge [sflag:s11], $0x80  }
0xc8: {  	[sflag:s11] =	ssyncset.done $0x0  }
0xc9: {  	[sflag:s11] =	ssyncadd.s32 $0xFFFFFF80  }
0xca: {  	_ =	swait.ge [sflag:s29], $0x4000  }
0xcb: {  	[sflag:s29] =	ssyncset.done $0x0  }
0xcc: {  	[sflag:s29] =	ssyncadd.s32 $0xFFFFC000  }
0xcd: {  	[tilespmem:s31], [sflag:$0x4] =	stream.indirect.gather [hbm4b:s1+s12], $0x80, s5, s12, $0xb8;
	[tilespmem:$0x1FD00] =	vst v63  }
0xce: {  	_ =	swait.ge [sflag:s13], $0x80  }
0xcf: {  	[sflag:s13] =	ssyncset.done $0x0  }
0xd0: {  	[sflag:s13] =	ssyncadd.s32 $0xFFFFFF80  }
0xd1: {  	_ =	swait.ge [sflag:s13], $0x80  }
0xd2: {  	[sflag:s13] =	ssyncset.done $0x0  }
0xd3: {  	[sflag:s13] =	ssyncadd.s32 $0xFFFFFF80  }
0xd4: {  	_ =	swait.ge [sflag:s19], $0x4000  }
0xd5: {  	[sflag:s19] =	ssyncset.done $0x0  }
0xd6: {  	[sflag:s19] =	ssyncadd.s32 $0xFFFFC000  }
0xd7: {  	[tilespmem:s14], [sflag:$0x5] =	stream.indirect.gather [hbm4b:s1+s12], $0x80, s7, s12, $0xb8;
	[tilespmem:$0x1FD00] =	vst v63  }
0xd8: {  	_ =	swait.ge [sflag:s15], $0x80  }
0xd9: {  	[sflag:s15] =	ssyncset.done $0x0  }
0xda: {  	[sflag:s15] =	ssyncadd.s32 $0xFFFFFF80  }
0xdb: {  	_ =	swait.ge [sflag:s15], $0x80  }
0xdc: {  	[sflag:s15] =	ssyncset.done $0x0  }
0xdd: {  	[sflag:s15] =	ssyncadd.s32 $0xFFFFFF80  }
0xde: {  	_ =	swait.ge [sflag:s21], $0x4000  }
0xdf: {  	[sflag:s21] =	ssyncset.done $0x0  }
0xe0: {  	[sflag:s21] =	ssyncadd.s32 $0xFFFFC000  }
0xe1: {  	[tilespmem:s16], [sflag:$0x6] =	stream.indirect.gather [hbm4b:s1+s12], $0x80, s9, s12, $0xb8;
	[tilespmem:$0x1FD00] =	vst v63  }
0xe2: {  	_ =	swait.ge [sflag:s17], $0x4000  }
0xe3: {  	[sflag:s17] =	ssyncset.done $0x0  }
0xe4: {  	[sflag:s17] =	ssyncadd.s32 $0xFFFFC000  }
0xe5: {  	v0 =	vld [tilespmem:$0x13A60]  }
0xe6: {  	v1 =	vld [tilespmem:$0x13A50]  }
0xe7: {  	v2 =	vld [tilespmem:$0x13A40]  }
0xe8: {  	v3 =	vld [tilespmem:$0x13A70]  }
0xe9: {  	v4 =	vld [tilespmem:$0x13A20]  }
0xea: {  	v5 =	vld [tilespmem:$0x13A30];
	[tilespmem:$0x13BE0] =	vst v0  }
0xeb: {  	v0 =	vld [tilespmem:$0x13A10];
	[tilespmem:$0x13BD0] =	vst v1  }
0xec: {  	v1 =	vld [tilespmem:$0x13A00];
	[tilespmem:$0x13BC0] =	vst v2  }
0xed: {  	[tilespmem:$0x13BF0] =	vst v3  }
0xee: {  	[tilespmem:$0x13BA0] =	vst v4  }
0xef: {  	[tilespmem:$0x13BB0] =	vst v5  }
0xf0: {  	[tilespmem:$0x13B90] =	vst v0  }
0xf1: {  	[tilespmem:$0x13B80] =	vst v1  }
0xf2: {  	[spmem:s2] =	stream.indirect.scatter.add.f32 [tilespmem:s31], [sflag:$0x7], $0x80, s18, s12, $0xb8;
	[tilespmem:$0x1FD00] =	vst v63  }
0xf3: {  	s0 =	sadd.s32 $0xC00, s28  }
0xf4: {  	[tilespmem:s5], [sflag:$0x1] =	stream.linear.gather [hbm4b:s0+s3], $0x80, $0x38;
	[tilespmem:$0x1FD00] =	vst v63  }
0xf5: {  	s4 =	sadd.s32 $0xC00, s25  }
0xf6: {  	[tilespmem:s6], [sflag:$0x1] =	stream.linear.gather [hbm4b:s4+s3], $0x80, $0x38;
	[tilespmem:$0x1FD00] =	vst v63  }
0xf7: {  	_ =	swait.ge [sflag:s20], $0x4000  }
0xf8: {  	[sflag:s20] =	ssyncset.done $0x0  }
0xf9: {  	[sflag:s20] =	ssyncadd.s32 $0xFFFFC000  }
0xfa: {  	v3 =	vld [tilespmem:$0x13AF0]  }
0xfb: {  	v2 =	vld [tilespmem:$0x13AE0]  }
0xfc: {  	v0 =	vld [tilespmem:$0x13AB0]  }
0xfd: {  	s30 =	simm.s32 $0xC00;
	s4 =	simm.s32 $0xB;
	v1 =	vld [tilespmem:$0x13AA0]  }
.LBB2_2:
0xfe: {  	v4 =	vld [tilespmem:$0x13AC0]  }
0xff: {  	v5 =	vld [tilespmem:$0x13AD0];
	[tilespmem:$0x13C70] =	vst v3  }
0x100: {  	v3 =	vld [tilespmem:$0x13A80];
	[tilespmem:$0x13C60] =	vst v2  }
0x101: {  	v2 =	vld [tilespmem:$0x13A90];
	[tilespmem:$0x13C30] =	vst v0  }
0x102: {  	[tilespmem:$0x13C20] =	vst v1  }
0x103: {  	[tilespmem:$0x13C40] =	vst v4  }
0x104: {  	[tilespmem:$0x13C50] =	vst v5  }
0x105: {  	[tilespmem:$0x13C00] =	vst v3  }
0x106: {  	[tilespmem:$0x13C10] =	vst v2  }
0x107: {  	[spmem:s2] =	stream.indirect.scatter.add.f32 [tilespmem:s14], [sflag:$0x8], $0x80, s22, s12, $0xb8;
	[tilespmem:$0x1FD00] =	vst v63  }
0x108: {  	s0 =	sadd.s32 $0xE00, s28  }
0x109: {  	[tilespmem:s7], [sflag:$0x2] =	stream.linear.gather [hbm4b:s0+s3], $0x80, $0x38;
	[tilespmem:$0x1FD00] =	vst v63  }
0x10a: {  	s0 =	sadd.s32 $0xE00, s25  }
0x10b: {  	[tilespmem:s8], [sflag:$0x2] =	stream.linear.gather [hbm4b:s0+s3], $0x80, $0x38;
	[tilespmem:$0x1FD00] =	vst v63  }
0x10c: {  	_ =	swait.ge [sflag:s24], $0x4000  }
0x10d: {  	[sflag:s24] =	ssyncset.done $0x0  }
0x10e: {  	[sflag:s24] =	ssyncadd.s32 $0xFFFFC000  }
0x10f: {  	v0 =	vld [tilespmem:$0x13B70]  }
0x110: {  	v1 =	vld [tilespmem:$0x13B10]  }
0x111: {  	v2 =	vld [tilespmem:$0x13B00]  }
0x112: {  	v3 =	vld [tilespmem:$0x13B40]  }
0x113: {  	v4 =	vld [tilespmem:$0x13B60]  }
0x114: {  	v5 =	vld [tilespmem:$0x13B50];
	[tilespmem:$0x13CF0] =	vst v0  }
0x115: {  	[tilespmem:$0x13C90] =	vst v1;
	v0 =	vld [tilespmem:$0x13B30]  }
0x116: {  	[tilespmem:$0x13C80] =	vst v2;
	v1 =	vld [tilespmem:$0x13B20]  }
0x117: {  	[tilespmem:$0x13CC0] =	vst v3  }
0x118: {  	[tilespmem:$0x13CE0] =	vst v4  }
0x119: {  	[tilespmem:$0x13CD0] =	vst v5  }
0x11a: {  	[tilespmem:$0x13CB0] =	vst v0  }
0x11b: {  	[tilespmem:$0x13CA0] =	vst v1  }
0x11c: {  	[spmem:s2] =	stream.indirect.scatter.add.f32 [tilespmem:s16], [sflag:$0x9], $0x80, s26, s12, $0xb8;
	[tilespmem:$0x1FD00] =	vst v63  }
0x11d: {  	s0 =	sadd.s32 $0x1000, s28  }
0x11e: {  	[tilespmem:s9], [sflag:$0x3] =	stream.linear.gather [hbm4b:s0+s3], $0x80, $0x38;
	[tilespmem:$0x1FD00] =	vst v63  }
0x11f: {  	s25 =	sadd.s32 $0x1000, s25  }
0x120: {  	[tilespmem:s10], [sflag:$0x3] =	stream.linear.gather [hbm4b:s25+s3], $0x80, $0x38;
	[tilespmem:$0x1FD00] =	vst v63  }
0x121: {  	_ =	swait.ge [sflag:s29], $0x4000  }
0x122: {  	[sflag:s29] =	ssyncset.done $0x0  }
0x123: {  	[sflag:s29] =	ssyncadd.s32 $0xFFFFC000  }
0x124: {  	_ =	swait.ge [sflag:s19], $0x4000  }
0x125: {  	[sflag:s19] =	ssyncset.done $0x0  }
0x126: {  	[sflag:s19] =	ssyncadd.s32 $0xFFFFC000  }
0x127: {  	_ =	swait.ge [sflag:s21], $0x4000  }
0x128: {  	[sflag:s21] =	ssyncset.done $0x0  }
0x129: {  	[sflag:s21] =	ssyncadd.s32 $0xFFFFC000  }
0x12a: {  	_ =	swait.ge [sflag:s11], $0x80  }
0x12b: {  	[sflag:s11] =	ssyncset.done $0x0  }
0x12c: {  	[sflag:s11] =	ssyncadd.s32 $0xFFFFFF80  }
0x12d: {  	_ =	swait.ge [sflag:s11], $0x80  }
0x12e: {  	[sflag:s11] =	ssyncset.done $0x0  }
0x12f: {  	[sflag:s11] =	ssyncadd.s32 $0xFFFFFF80  }
0x130: {  	[tilespmem:s31], [sflag:$0x4] =	stream.indirect.gather [hbm4b:s1+s12], $0x80, s5, s12, $0xb8;
	[tilespmem:$0x1FD00] =	vst v63  }
0x131: {  	_ =	swait.ge [sflag:s13], $0x80  }
0x132: {  	[sflag:s13] =	ssyncset.done $0x0  }
0x133: {  	[sflag:s13] =	ssyncadd.s32 $0xFFFFFF80  }
0x134: {  	_ =	swait.ge [sflag:s13], $0x80  }
0x135: {  	[sflag:s13] =	ssyncset.done $0x0  }
0x136: {  	[sflag:s13] =	ssyncadd.s32 $0xFFFFFF80  }
0x137: {  	[tilespmem:s14], [sflag:$0x5] =	stream.indirect.gather [hbm4b:s1+s12], $0x80, s7, s12, $0xb8;
	[tilespmem:$0x1FD00] =	vst v63  }
0x138: {  	_ =	swait.ge [sflag:s15], $0x80  }
0x139: {  	[sflag:s15] =	ssyncset.done $0x0  }
0x13a: {  	[sflag:s15] =	ssyncadd.s32 $0xFFFFFF80  }
0x13b: {  	_ =	swait.ge [sflag:s15], $0x80  }
0x13c: {  	[sflag:s15] =	ssyncset.done $0x0  }
0x13d: {  	[sflag:s15] =	ssyncadd.s32 $0xFFFFFF80  }
0x13e: {  	[tilespmem:s16], [sflag:$0x6] =	stream.indirect.gather [hbm4b:s1+s12], $0x80, s9, s12, $0xb8;
	[tilespmem:$0x1FD00] =	vst v63  }
0x13f: {  	_ =	swait.ge [sflag:s17], $0x4000  }
0x140: {  	[sflag:s17] =	ssyncset.done $0x0  }
0x141: {  	[sflag:s17] =	ssyncadd.s32 $0xFFFFC000  }
0x142: {  	v0 =	vld [tilespmem:$0x13A70]  }
0x143: {  	v1 =	vld [tilespmem:$0x13A50]  }
0x144: {  	v2 =	vld [tilespmem:$0x13A30]  }
0x145: {  	v3 =	vld [tilespmem:$0x13A60]  }
0x146: {  	v4 =	vld [tilespmem:$0x13A40]  }
0x147: {  	v5 =	vld [tilespmem:$0x13A20];
	[tilespmem:$0x13BF0] =	vst v0  }
0x148: {  	v0 =	vld [tilespmem:$0x13A00];
	[tilespmem:$0x13BD0] =	vst v1  }
0x149: {  	v1 =	vld [tilespmem:$0x13A10];
	[tilespmem:$0x13BB0] =	vst v2  }
0x14a: {  	[tilespmem:$0x13BE0] =	vst v3  }
0x14b: {  	[tilespmem:$0x13BC0] =	vst v4  }
0x14c: {  	[tilespmem:$0x13BA0] =	vst v5  }
0x14d: {  	s23 =	smov.u32 s30;
	s0 =	rddreg [dreg:$0x5];
	[tilespmem:$0x13B80] =	vst v0  }
0x14e: {  	s25 =	rddreg [dreg:$0x4];
	s28 =	sadd.s32 s23, s0;
	[tilespmem:$0x13B90] =	vst v1  }
0x14f: {  	[spmem:s2] =	stream.indirect.scatter.add.f32 [tilespmem:s31], [sflag:$0x7], $0x80, s18, s12, $0xb8;
	[tilespmem:$0x1FD00] =	vst v63  }
0x150: {  	s25 =	sadd.s32 s23, s25;
	s0 =	sadd.s32 $0x600, s28  }
0x151: {  	[tilespmem:s5], [sflag:$0x1] =	stream.linear.gather [hbm4b:s0+s3], $0x80, $0x38;
	[tilespmem:$0x1FD00] =	vst v63  }
0x152: {  	s23 =	sadd.s32 $0x600, s25  }
0x153: {  	[tilespmem:s6], [sflag:$0x1] =	stream.linear.gather [hbm4b:s23+s3], $0x80, $0x38;
	[tilespmem:$0x1FD00] =	vst v63  }
0x154: {  	_ =	swait.ge [sflag:s20], $0x4000  }
0x155: {  	[sflag:s20] =	ssyncset.done $0x0  }
0x156: {  	[sflag:s20] =	ssyncadd.s32 $0xFFFFC000  }
0x157: {  	v0 =	vld [tilespmem:$0x13AE0]  }
0x158: {  	v1 =	vld [tilespmem:$0x13AD0]  }
0x159: {  	v2 =	vld [tilespmem:$0x13AA0]  }
0x15a: {  	v3 =	vld [tilespmem:$0x13AF0]  }
0x15b: {  	v4 =	vld [tilespmem:$0x13AC0]  }
0x15c: {  	v5 =	vld [tilespmem:$0x13A90];
	[tilespmem:$0x13C60] =	vst v0  }
0x15d: {  	v0 =	vld [tilespmem:$0x13AB0];
	[tilespmem:$0x13C50] =	vst v1  }
0x15e: {  	v1 =	vld [tilespmem:$0x13A80];
	[tilespmem:$0x13C20] =	vst v2  }
0x15f: {  	[tilespmem:$0x13C70] =	vst v3  }
0x160: {  	[tilespmem:$0x13C40] =	vst v4  }
0x161: {  	[tilespmem:$0x13C10] =	vst v5  }
0x162: {  	[tilespmem:$0x13C30] =	vst v0  }
0x163: {  	[tilespmem:$0x13C00] =	vst v1  }
0x164: {  	[spmem:s2] =	stream.indirect.scatter.add.f32 [tilespmem:s14], [sflag:$0x8], $0x80, s22, s12, $0xb8;
	[tilespmem:$0x1FD00] =	vst v63  }
0x165: {  	s23 =	sadd.s32 $0x800, s28  }
0x166: {  	[tilespmem:s7], [sflag:$0x2] =	stream.linear.gather [hbm4b:s23+s3], $0x80, $0x38;
	[tilespmem:$0x1FD00] =	vst v63  }
0x167: {  	s23 =	sadd.s32 $0x800, s25  }
0x168: {  	[tilespmem:s8], [sflag:$0x2] =	stream.linear.gather [hbm4b:s23+s3], $0x80, $0x38;
	[tilespmem:$0x1FD00] =	vst v63  }
0x169: {  	_ =	swait.ge [sflag:s24], $0x4000  }
0x16a: {  	[sflag:s24] =	ssyncset.done $0x0  }
0x16b: {  	[sflag:s24] =	ssyncadd.s32 $0xFFFFC000  }
0x16c: {  	v0 =	vld [tilespmem:$0x13B60]  }
0x16d: {  	v1 =	vld [tilespmem:$0x13B70]  }
0x16e: {  	v2 =	vld [tilespmem:$0x13B00]  }
0x16f: {  	v3 =	vld [tilespmem:$0x13B20]  }
0x170: {  	v4 =	vld [tilespmem:$0x13B30]  }
0x171: {  	v5 =	vld [tilespmem:$0x13B50];
	[tilespmem:$0x13CE0] =	vst v0  }
0x172: {  	v0 =	vld [tilespmem:$0x13B10];
	[tilespmem:$0x13CF0] =	vst v1  }
0x173: {  	[tilespmem:$0x13C80] =	vst v2;
	v1 =	vld [tilespmem:$0x13B40]  }
0x174: {  	[tilespmem:$0x13CA0] =	vst v3  }
0x175: {  	[tilespmem:$0x13CB0] =	vst v4  }
0x176: {  	[tilespmem:$0x13CD0] =	vst v5  }
0x177: {  	[tilespmem:$0x13C90] =	vst v0  }
0x178: {  	[tilespmem:$0x13CC0] =	vst v1  }
0x179: {  	[spmem:s2] =	stream.indirect.scatter.add.f32 [tilespmem:s16], [sflag:$0x9], $0x80, s26, s12, $0xb8;
	[tilespmem:$0x1FD00] =	vst v63  }
0x17a: {  	s23 =	sadd.s32 $0xA00, s28  }
0x17b: {  	[tilespmem:s9], [sflag:$0x3] =	stream.linear.gather [hbm4b:s23+s3], $0x80, $0x38;
	[tilespmem:$0x1FD00] =	vst v63  }
0x17c: {  	s23 =	sadd.s32 $0xA00, s25  }
0x17d: {  	[tilespmem:s10], [sflag:$0x3] =	stream.linear.gather [hbm4b:s23+s3], $0x80, $0x38;
	[tilespmem:$0x1FD00] =	vst v63  }
0x17e: {  	_ =	swait.ge [sflag:s11], $0x80  }
0x17f: {  	[sflag:s11] =	ssyncset.done $0x0  }
0x180: {  	[sflag:s11] =	ssyncadd.s32 $0xFFFFFF80  }
0x181: {  	_ =	swait.ge [sflag:s11], $0x80  }
0x182: {  	[sflag:s11] =	ssyncset.done $0x0  }
0x183: {  	[sflag:s11] =	ssyncadd.s32 $0xFFFFFF80  }
0x184: {  	_ =	swait.ge [sflag:s29], $0x4000  }
0x185: {  	[sflag:s29] =	ssyncset.done $0x0  }
0x186: {  	[sflag:s29] =	ssyncadd.s32 $0xFFFFC000  }
0x187: {  	[tilespmem:s31], [sflag:$0x4] =	stream.indirect.gather [hbm4b:s1+s12], $0x80, s5, s12, $0xb8;
	[tilespmem:$0x1FD00] =	vst v63  }
0x188: {  	_ =	swait.ge [sflag:s13], $0x80  }
0x189: {  	[sflag:s13] =	ssyncset.done $0x0  }
0x18a: {  	[sflag:s13] =	ssyncadd.s32 $0xFFFFFF80  }
0x18b: {  	_ =	swait.ge [sflag:s13], $0x80  }
0x18c: {  	[sflag:s13] =	ssyncset.done $0x0  }
0x18d: {  	[sflag:s13] =	ssyncadd.s32 $0xFFFFFF80  }
0x18e: {  	_ =	swait.ge [sflag:s19], $0x4000  }
0x18f: {  	[sflag:s19] =	ssyncset.done $0x0  }
0x190: {  	[sflag:s19] =	ssyncadd.s32 $0xFFFFC000  }
0x191: {  	[tilespmem:s14], [sflag:$0x5] =	stream.indirect.gather [hbm4b:s1+s12], $0x80, s7, s12, $0xb8;
	[tilespmem:$0x1FD00] =	vst v63  }
0x192: {  	_ =	swait.ge [sflag:s15], $0x80  }
0x193: {  	[sflag:s15] =	ssyncset.done $0x0  }
0x194: {  	[sflag:s15] =	ssyncadd.s32 $0xFFFFFF80  }
0x195: {  	_ =	swait.ge [sflag:s15], $0x80  }
0x196: {  	[sflag:s15] =	ssyncset.done $0x0  }
0x197: {  	[sflag:s15] =	ssyncadd.s32 $0xFFFFFF80  }
0x198: {  	_ =	swait.ge [sflag:s21], $0x4000  }
0x199: {  	[sflag:s21] =	ssyncset.done $0x0  }
0x19a: {  	[sflag:s21] =	ssyncadd.s32 $0xFFFFC000  }
0x19b: {  	[tilespmem:s16], [sflag:$0x6] =	stream.indirect.gather [hbm4b:s1+s12], $0x80, s9, s12, $0xb8;
	[tilespmem:$0x1FD00] =	vst v63  }
0x19c: {  	_ =	swait.ge [sflag:s17], $0x4000  }
0x19d: {  	[sflag:s17] =	ssyncset.done $0x0  }
0x19e: {  	[sflag:s17] =	ssyncadd.s32 $0xFFFFC000  }
0x19f: {  	v0 =	vld [tilespmem:$0x13A60]  }
0x1a0: {  	v1 =	vld [tilespmem:$0x13A50]  }
0x1a1: {  	v2 =	vld [tilespmem:$0x13A40]  }
0x1a2: {  	v3 =	vld [tilespmem:$0x13A70]  }
0x1a3: {  	v4 =	vld [tilespmem:$0x13A20]  }
0x1a4: {  	v5 =	vld [tilespmem:$0x13A30];
	[tilespmem:$0x13BE0] =	vst v0  }
0x1a5: {  	v0 =	vld [tilespmem:$0x13A10];
	[tilespmem:$0x13BD0] =	vst v1  }
0x1a6: {  	v1 =	vld [tilespmem:$0x13A00];
	[tilespmem:$0x13BC0] =	vst v2  }
0x1a7: {  	[tilespmem:$0x13BF0] =	vst v3  }
0x1a8: {  	[tilespmem:$0x13BA0] =	vst v4  }
0x1a9: {  	[tilespmem:$0x13BB0] =	vst v5  }
0x1aa: {  	[tilespmem:$0x13B90] =	vst v0  }
0x1ab: {  	[tilespmem:$0x13B80] =	vst v1  }
0x1ac: {  	[spmem:s2] =	stream.indirect.scatter.add.f32 [tilespmem:s31], [sflag:$0x7], $0x80, s18, s12, $0xb8;
	[tilespmem:$0x1FD00] =	vst v63  }
0x1ad: {  	s23 =	sadd.s32 $0xC00, s28  }
0x1ae: {  	[tilespmem:s5], [sflag:$0x1] =	stream.linear.gather [hbm4b:s23+s3], $0x80, $0x38;
	[tilespmem:$0x1FD00] =	vst v63  }
0x1af: {  	s23 =	sadd.s32 $0xC00, s25  }
0x1b0: {  	[tilespmem:s6], [sflag:$0x1] =	stream.linear.gather [hbm4b:s23+s3], $0x80, $0x38;
	[tilespmem:$0x1FD00] =	vst v63  }
0x1b1: {  	_ =	swait.ge [sflag:s20], $0x4000  }
0x1b2: {  	p3 =	sne.s32 s30, $0x9000;
	[sflag:s20] =	ssyncset.done $0x0  }
.Ltmp0:
0x1b3: {  	[sflag:s20] =	ssyncadd.s32 $0xFFFFC000;
	(pc) =	sbr.rel @p3 .LBB2_2-.Ltmp0, $4  }
0x1b4: {  	v3 =	vld [tilespmem:$0x13AF0]  }
0x1b5: {  	v2 =	vld [tilespmem:$0x13AE0]  }
0x1b6: {  	v0 =	vld [tilespmem:$0x13AB0]  }
0x1b7: {  	s30 =	sadd.s32 $0xC00, s30;
	v1 =	vld [tilespmem:$0x13AA0]  }
0x1b8: {  	v4 =	vld [tilespmem:$0x13AC0]  }
0x1b9: {  	v5 =	vld [tilespmem:$0x13AD0];
	[tilespmem:$0x13C70] =	vst v3  }
0x1ba: {  	v54 =	vld [tilespmem:$0x13A80];
	[tilespmem:$0x13C60] =	vst v2  }
0x1bb: {  	v55 =	vld [tilespmem:$0x13A90];
	[tilespmem:$0x13C30] =	vst v0  }
0x1bc: {  	[tilespmem:$0x13C20] =	vst v1  }
0x1bd: {  	[tilespmem:$0x13C40] =	vst v4  }
0x1be: {  	[tilespmem:$0x13C50] =	vst v5  }
0x1bf: {  	[tilespmem:$0x13C00] =	vst v54  }
0x1c0: {  	[tilespmem:$0x13C10] =	vst v55  }
0x1c1: {  	[spmem:s2] =	stream.indirect.scatter.add.f32 [tilespmem:s14], [sflag:$0x8], $0x80, s22, s12, $0xb8;
	[tilespmem:$0x1FD00] =	vst v63  }
0x1c2: {  	s0 =	sadd.s32 $0xE00, s28  }
0x1c3: {  	[tilespmem:s7], [sflag:$0x2] =	stream.linear.gather [hbm4b:s0+s3], $0x80, $0x38;
	[tilespmem:$0x1FD00] =	vst v63  }
0x1c4: {  	s23 =	sadd.s32 $0xE00, s25  }
0x1c5: {  	[tilespmem:s8], [sflag:$0x2] =	stream.linear.gather [hbm4b:s23+s3], $0x80, $0x38;
	[tilespmem:$0x1FD00] =	vst v63  }
0x1c6: {  	_ =	swait.ge [sflag:s24], $0x4000  }
0x1c7: {  	[sflag:s24] =	ssyncset.done $0x0  }
0x1c8: {  	[sflag:s24] =	ssyncadd.s32 $0xFFFFC000  }
0x1c9: {  	v56 =	vld [tilespmem:$0x13B70]  }
0x1ca: {  	v57 =	vld [tilespmem:$0x13B10]  }
0x1cb: {  	v58 =	vld [tilespmem:$0x13B00]  }
0x1cc: {  	v59 =	vld [tilespmem:$0x13B40]  }
0x1cd: {  	v60 =	vld [tilespmem:$0x13B60]  }
0x1ce: {  	v61 =	vld [tilespmem:$0x13B50];
	[tilespmem:$0x13CF0] =	vst v56  }
0x1cf: {  	v62 =	vld [tilespmem:$0x13B30];
	[tilespmem:$0x13C90] =	vst v57  }
0x1d0: {  	v63 =	vld [tilespmem:$0x13B20];
	[tilespmem:$0x13C80] =	vst v58  }
0x1d1: {  	[tilespmem:$0x13CC0] =	vst v59  }
0x1d2: {  	[tilespmem:$0x13CE0] =	vst v60  }
0x1d3: {  	[tilespmem:$0x13CD0] =	vst v61  }
0x1d4: {  	[tilespmem:$0x13CB0] =	vst v62  }
0x1d5: {  	[tilespmem:$0x13CA0] =	vst v63  }
0x1d6: {  	[spmem:s2] =	stream.indirect.scatter.add.f32 [tilespmem:s16], [sflag:$0x9], $0x80, s26, s12, $0xb8;
	[tilespmem:$0x1FD00] =	vst v63  }
0x1d7: {  	s23 =	sadd.s32 $0x1000, s28  }
0x1d8: {  	[tilespmem:s9], [sflag:$0x3] =	stream.linear.gather [hbm4b:s23+s3], $0x80, $0x38;
	[tilespmem:$0x1FD00] =	vst v63  }
0x1d9: {  	s23 =	sadd.s32 $0x1000, s25  }
0x1da: {  	[tilespmem:s10], [sflag:$0x3] =	stream.linear.gather [hbm4b:s23+s3], $0x80, $0x38;
	[tilespmem:$0x1FD00] =	vst v63  }
0x1db: {  	_ =	swait.ge [sflag:s29], $0x4000  }
0x1dc: {  	[sflag:s29] =	ssyncset.done $0x0  }
0x1dd: {  	[sflag:s29] =	ssyncadd.s32 $0xFFFFC000  }
0x1de: {  	_ =	swait.ge [sflag:s19], $0x4000  }
0x1df: {  	[sflag:s19] =	ssyncset.done $0x0  }
0x1e0: {  	[sflag:s19] =	ssyncadd.s32 $0xFFFFC000  }
0x1e1: {  	_ =	swait.ge [sflag:s21], $0x4000  }
0x1e2: {  	[sflag:s21] =	ssyncset.done $0x0  }
0x1e3: {  	[sflag:s21] =	ssyncadd.s32 $0xFFFFC000  }
0x1e4: {  	_ =	swait.ge [sflag:s11], $0x80  }
0x1e5: {  	[sflag:s11] =	ssyncset.done $0x0  }
0x1e6: {  	[sflag:s11] =	ssyncadd.s32 $0xFFFFFF80  }
0x1e7: {  	_ =	swait.ge [sflag:s11], $0x80  }
0x1e8: {  	[sflag:s11] =	ssyncset.done $0x0  }
0x1e9: {  	[sflag:s11] =	ssyncadd.s32 $0xFFFFFF80  }
0x1ea: {  	_ =	swait.ge [sflag:s13], $0x80  }
0x1eb: {  	[sflag:s13] =	ssyncset.done $0x0  }
0x1ec: {  	[sflag:s13] =	ssyncadd.s32 $0xFFFFFF80  }
0x1ed: {  	_ =	swait.ge [sflag:s13], $0x80  }
0x1ee: {  	[sflag:s13] =	ssyncset.done $0x0  }
0x1ef: {  	[sflag:s13] =	ssyncadd.s32 $0xFFFFFF80  }
0x1f0: {  	_ =	swait.ge [sflag:s15], $0x80  }
0x1f1: {  	[sflag:s15] =	ssyncset.done $0x0  }
0x1f2: {  	[sflag:s15] =	ssyncadd.s32 $0xFFFFFF80  }
0x1f3: {  	_ =	swait.ge [sflag:s15], $0x80  }
0x1f4: {  	s0 =	simm.s32 @!p0 $0x80;
	[sflag:s15] =	ssyncset.done $0x0  }
0x1f5: {  	s25 =	simm.s32 @!p0 $0x13D00;
	s23 =	simm.s32 @!p0 $0x13880;
	[sflag:s15] =	ssyncadd.s32 $0xFFFFFF80  }
0x1f6: {  	[tilespmem:s25], [sflag:$0x4] =	stream.indirect.gather @!p0 [hbm4b:s1+s0], $0x80, s23, s0, $0xb8;
	[tilespmem:$0x1FD00] =	vst v63  }
0x1f7: {  	s23 =	simm.s32 @!p0 $0x4  }
0x1f8: {  	_ =	swait.ge @!p0 [sflag:s23], $0x4000  }
0x1f9: {  	[sflag:s23] =	ssyncset.done @!p0 $0x0  }
0x1fa: {  	[sflag:s23] =	ssyncadd.s32 @!p0 $0xFFFFC000;
	s23 =	simm.s32 @!p0 $0x13A00  }
0x1fb: {  	[spmem:s2] =	stream.indirect.scatter.add.f32 @!p0 [tilespmem:s25], [sflag:$0xA], $0x80, s23, s0, $0xb8;
	[tilespmem:$0x1FD00] =	vst v63  }
0x1fc: {  	s0 =	simm.s32 @!p0 $0xA  }
0x1fd: {  	_ =	swait.ge @!p0 [sflag:s0], $0x4000  }
0x1fe: {  	[sflag:s0] =	ssyncset.done @!p0 $0x0  }
0x1ff: {  	[sflag:s0] =	ssyncadd.s32 @!p0 $0xFFFFC000  }
0x200: {  	[bflag:$0x0] =	sbarrier.arrive $0xFFFF  }
0x201: {  	s25 =	rddreg [dreg:$0x14]  }
0x202: {  	[tilespmem:s31], [sflag:$0xB] =	stream.linear.gather [spmem:s25], $0x4000, $0x38;
	[tilespmem:$0x1FD00] =	vst v63  }
0x203: {  	_ =	swait.ge [sflag:s4], $0x4000  }
0x204: {  	[sflag:s4] =	ssyncset.done $0x0  }
0x205: {  	s23 =	rddreg [dreg:$0xc];
	[sflag:s4] =	ssyncadd.s32 $0xFFFFC000;
	s4 =	simm.s32 $0xA  }
0x206: {  	[hbm4b:s23+s3] =	stream.linear.scatter [tilespmem:s31], [sflag:$0xA], $0x4000, $0x38;
	[tilespmem:$0x1FD00] =	vst v63  }
0x207: {  	_ =	swait.ge [sflag:s4], $0x4000  }
0x208: {  	[sflag:s4] =	ssyncset.done $0x0  }
0x209: {  	s23 =	simm.s32 $0xB;
	s25 =	rddreg [dreg:$0x16];
	[sflag:s4] =	ssyncadd.s32 $0xFFFFC000  }
0x20a: {  	[tilespmem:s31], [sflag:$0xB] =	stream.linear.gather [spmem:s25], $0x4000, $0x38;
	[tilespmem:$0x1FD00] =	vst v63  }
0x20b: {  	_ =	swait.ge [sflag:s23], $0x4000  }
0x20c: {  	[sflag:s23] =	ssyncset.done $0x0  }
0x20d: {  	s25 =	rddreg [dreg:$0xd];
	[sflag:s23] =	ssyncadd.s32 $0xFFFFC000  }
0x20e: {  	[hbm4b:s25+s3] =	stream.linear.scatter [tilespmem:s31], [sflag:$0xA], $0x4000, $0x38;
	[tilespmem:$0x1FD00] =	vst v63  }
0x20f: {  	_ =	swait.ge [sflag:s4], $0x4000  }
0x210: {  	[sflag:s4] =	ssyncset.done $0x0  }
0x211: {  	s25 =	rddreg [dreg:$0x18];
	[sflag:s4] =	ssyncadd.s32 $0xFFFFC000  }
0x212: {  	[tilespmem:s31], [sflag:$0xB] =	stream.linear.gather [spmem:s25], $0x4000, $0x38;
	[tilespmem:$0x1FD00] =	vst v63  }
0x213: {  	_ =	swait.ge [sflag:s23], $0x4000  }
0x214: {  	[sflag:s23] =	ssyncset.done $0x0  }
0x215: {  	s25 =	rddreg [dreg:$0xe];
	[sflag:s23] =	ssyncadd.s32 $0xFFFFC000  }
0x216: {  	[hbm4b:s25+s3] =	stream.linear.scatter [tilespmem:s31], [sflag:$0xA], $0x4000, $0x38;
	[tilespmem:$0x1FD00] =	vst v63  }
0x217: {  	_ =	swait.ge [sflag:s4], $0x4000  }
0x218: {  	[sflag:s4] =	ssyncset.done $0x0  }
0x219: {  	s30 =	simm.s32 $0xB;
	s23 =	rddreg [dreg:$0x1a];
	[sflag:s4] =	ssyncadd.s32 $0xFFFFC000  }
0x21a: {  	[tilespmem:s31], [sflag:$0xB] =	stream.linear.gather [spmem:s23], $0x4000, $0x38;
	[tilespmem:$0x1FD00] =	vst v63  }
0x21b: {  	_ =	swait.ge [sflag:s30], $0x4000  }
0x21c: {  	[sflag:s30] =	ssyncset.done $0x0  }
0x21d: {  	s25 =	rddreg [dreg:$0xf];
	[sflag:s30] =	ssyncadd.s32 $0xFFFFC000  }
0x21e: {  	[hbm4b:s25+s3] =	stream.linear.scatter [tilespmem:s31], [sflag:$0xA], $0x4000, $0x38;
	[tilespmem:$0x1FD00] =	vst v63  }
0x21f: {  	_ =	swait.ge [sflag:s4], $0x4000  }
0x220: {  	[sflag:s4] =	ssyncset.done $0x0  }
0x221: {  	s23 =	simm.s32 @!p2 $0x13D00;
	s0 =	rddreg [dreg:$0x1e];
	[sflag:s4] =	ssyncadd.s32 $0xFFFFC000  }
0x222: {  	[tilespmem:s23], [sflag:$0xA] =	stream.linear.gather @!p2 [spmem:s0], $0x800, $0x38;
	[tilespmem:$0x1FD00] =	vst v63  }
0x223: {  	s23 =	simm.s32 @!p2 $0xA  }
0x224: {  	_ =	swait.ge @!p2 [sflag:s23], $0x800  }
0x225: {  	s25 =	simm.s32 @!p2 $0x0;
	[sflag:s23] =	ssyncset.done @!p2 $0x0  }
0x226: {  	s0 =	simm.s32 @!p2 $0x13D00;
	s28 =	rddreg [dreg:$0x11];
	[sflag:s23] =	ssyncadd.s32 @!p2 $0xFFFFF800  }
0x227: {  	[hbm4b:s28+s25] =	stream.linear.scatter @!p2 [tilespmem:s0], [sflag:$0xA], $0x800, $0x38;
	[tilespmem:$0x1FD00] =	vst v63  }
0x228: {  	_ =	swait.ge @!p2 [sflag:s23], $0x800  }
0x229: {  	[sflag:s23] =	ssyncset.done @!p2 $0x0  }
0x22a: {  	s28 =	simm.s32 @!p1 $0x13D00;
	[sflag:s23] =	ssyncadd.s32 @!p2 $0xFFFFF800;
	s23 =	rddreg [dreg:$0x1c]  }
0x22b: {  	[tilespmem:s28], [sflag:$0xB] =	stream.linear.gather @!p1 [spmem:s23], $0x4000, $0x38;
	[tilespmem:$0x1FD00] =	vst v63  }
0x22c: {  	s23 =	simm.s32 @!p1 $0xB  }
0x22d: {  	_ =	swait.ge @!p1 [sflag:s23], $0x4000  }
0x22e: {  	s0 =	simm.s32 @!p1 $0xA;
	[sflag:s23] =	ssyncset.done @!p1 $0x0  }
0x22f: {  	s25 =	rddreg [dreg:$0x10];
	[sflag:s23] =	ssyncadd.s32 @!p1 $0xFFFFC000;
	s23 =	simm.s32 @!p1 $0x0  }
0x230: {  	[hbm4b:s25+s23] =	stream.linear.scatter @!p1 [tilespmem:s28], [sflag:$0xA], $0x4000, $0x38;
	[tilespmem:$0x1FD00] =	vst v63  }
0x231: {  	s25 =	rddreg [dreg:$0x1a];
	_ =	swait.ge @!p1 [sflag:s0], $0x4000  }
0x232: {  	s28 =	rddreg [dreg:$0x1f]  }
0x233: {  	s23 =	rddreg [dreg:$0x12];
	s28 =	sadd.s32 $0x1, s28  }
0x234: {  	p3 =	sne.s32 s28, s23  }
.Ltmp1:
0x235: {  	_ = 	snop;
	(pc) =	sbr.rel @p3 .LBB2_1-.Ltmp1, $4  }
0x236: {  	_ = 	snop  }
0x237: {  	[dreg:$0x1f] =	wrdreg s28  }
0x238: {  	[sflag:s0] =	ssyncset.done @!p1 $0x0;
	s23 =	rddreg [dreg:$0x16]  }
0x239: {  	[sflag:s0] =	ssyncadd.s32 @!p1 $0xFFFFC000;
	s28 =	rddreg [dreg:$0x18]  }
0x23a: {  	_ =	sfence.sel $0x180000  }
0x23b: {  	[bflag:$0x0] =	sbarrier.arrive $0xFFFF  }
0x23c: {  	_ =	strace $0x9000004D  }
0x23d: {  	s0 =	stileid.u32;
	[bflag:$0x2] =	sbarrier.arrive $0xFFFF  }
0x23e: {  	p0 =	sne.s32 s0, $0x0;
	s0 =	rddreg [dreg:$0x3]  }
0x23f: {  	s0 =	sadd.s32 @!p0 $0x100000, s0  }
0x240: {  	[sflag:s0] =	ssyncadd.tile.s32 @!p0 $0x1;
	_ =	shalt  }
.Lfunc_end2:
_tile_overlayer_lowered:
.L_overlay_start_2:
0x241: {  	(tag) =	ssettag $0x2  }
0x242: {  	s0 =	rddreg [dreg:$0x0];
	s2 =	stileid.u32  }
0x243: {  	s1 =	rddreg [dreg:$0x1];
	p0 =	sne.s32 s2, $0x0  }
0x244: {  	s3 =	rddreg [dreg:$0x2];
	[bflag:$0x3] =	sbarrier.arrive $0xFFFF;
	s2 =	simm.s32 @!p0 $0x1C0A  }
0x245: {  	[timem:s3], [sflag:s2] =	dma.local @!p0 [hbm:s0], s1  }
0x246: {  	s0 =	simm.s32 @!p0 $0xA  }
0x247: {  	_ =	swait.ge @!p0 [sflag:s0], s1  }
0x248: {  	s1 =	ssub.s32 @!p0 $0x0, s1;
	[sflag:s0] =	ssyncset.done @!p0 $0x0  }
0x249: {  	[sflag:s0] =	ssyncadd.s32 @!p0 s1  }
0x24a: {  	[bflag:$0x3] =	sbarrier.arrive $0xFFFF  }
0x24b: {  	_ =	shalt  }

// kernel: kernel.8.cloned.1.call-start
scs
__scs_entry_jumppad:
0x0: {  	(pc) =	sbr.rel $0x88, $3  }
0x1: {  	(tag) =	ssettag $0x0;
	lr =	simm.s32 $0x1  }
0x2: {  	[smem:$0x3F95] =	sst lr;
	_ =	strace $0xD0000000  }
0x3: {  	_ = 	snop  }
0x4: {  	_ = 	snop  }
0x5: {  	_ = 	snop  }
0x6: {  	_ = 	snop  }
0x7: {  	_ = 	snop  }
__scs_overlays_trampoline_lowered:
0x8: {  	[smem:$0x3FA4] =	sst s0  }
0x9: {  	[smem:$0x3FA5] =	sst s1  }
0xa: {  	[smem:$0x3FA6] =	sst s2  }
0xb: {  	[smem:$0x3FA7] =	sst s3  }
0xc: {  	[smem:$0x3FA8] =	sst s4  }
0xd: {  	[smem:$0x3FA9] =	sst s5  }
0xe: {  	[smem:$0x3FAA] =	sst s6  }
0xf: {  	[smem:$0x3FAB] =	sst s7  }
0x10: {  	[smem:$0x3FAC] =	sst s8  }
0x11: {  	[smem:$0x3FAD] =	sst s9;
	s0 =	simm.s32 @!p0 $0x0  }
0x12: {  	s1 =	sld [smem:$0x3F93];
	s0 =	simm.s32 @p0 $0x1  }
0x13: {  	[smem:$0x3FAE] =	sst s0;
	s0 =	simm.s32 @!p1 $0x0  }
0x14: {  	s2 =	sld [smem:$0x3F92];
	s0 =	simm.s32 @p1 $0x1  }
0x15: {  	[smem:$0x3FAF] =	sst s0;
	s0 =	simm.s32 @!p2 $0x0  }
0x16: {  	s3 =	sld [smem:$0x3FDB];
	s0 =	simm.s32 @p2 $0x1  }
0x17: {  	s4 =	simm.s32 $0x1BF5;
	[smem:$0x3FB1] =	sst s0  }
0x18: {  	s0 =	sld [smem:$0x3F94];
	_ =	swait.ge [sflag:s4], $0x0  }
0x19: {  	s7 =	sld [smem:$0x3F95]  }
0x1a: {  	s8 =	sadd.s32 $0xFFFFE003, lr  }
0x1b: {  	s9 =	sadd.s32 $0xFFFFFEF7, lr;
	s5 =	simm.s32 $0xFFFFFFFF;
	p2 =	slt.u32 s8, $0xFFFFF086  }
0x1c: {  	p1 =	slt.u32 s9, $0xF7A;
	s5 =	simm.s32 @!p2 $0x0  }
0x1d: {  	s5 =	simm.s32 @p1 $0x1;
	p0 =	seq.s32 s7, s2  }
0x1e: {  	s7 =	smul.u32 @!p0 $0xF7A, s2;
	p2 =	seq.s32 @!p0 s5, $0x0  }
0x1f: {  	s9 =	smul.u32 $0xF7A, s1;
	s8 =	simm.s32 @!p0 $0x1BF5;
	p2 =	por !p2, p0  }
0x20: {  	[sflag:s8] =	ssyncset.s32 @!p0 $0xFFFFF086;
	s6 =	sadd.s32 @!p0 s3, s7;
	s7 =	simm.s32 @!p0 $0x108  }
0x21: {  	s3 =	sadd.s32 s3, s9;
	s6 =	sadd.s32 @!p0 $0x88, s6;
	s7 =	simm.s32 @p2 $0x1082  }
0x22: {  	[simem:s7], [sflag:s8] =	dma.local @!p0 [hbm:s6], $0xF7A  }
0x23: {  	s9 =	sor.u32 $0xD0000000, s2;
	s6 =	simm.s32 $0x108;
	_ =	swait.ge @!p0 [sflag:s8], $0x0  }
0x24: {  	s3 =	sadd.s32 $0x88, s3;
	s6 =	simm.s32 @!p1 $0x1082;
	[sflag:s4] =	ssyncset.s32 $0xFFFFF086  }
0x25: {  	[simem:s6], [sflag:s4] =	dma.local [hbm:s3], $0xF7A  }
0x26: {  	[smem:$0x3F95] =	sst s1;
	(tag) =	ssettag s2;
	_ =	strace s9  }
0x27: {  	s1 =	sld [smem:$0x3FA5]  }
0x28: {  	s2 =	sld [smem:$0x3FA6]  }
0x29: {  	s4 =	sld [smem:$0x3FA8]  }
0x2a: {  	p0 =	seq.s32 s5, $0x0;
	s5 =	sld [smem:$0x3FA9]  }
0x2b: {  	s6 =	sld [smem:$0x3FAA]  }
0x2c: {  	s7 =	sld [smem:$0x3FAB]  }
0x2d: {  	s3 =	simm.s32 $0x108;
	s8 =	sld [smem:$0x3FAC]  }
0x2e: {  	s3 =	simm.s32 @!p0 $0x1082;
	s9 =	sld [smem:$0x3FAD]  }
0x2f: {  	lr =	sadd.s32 s0, s3;
	s0 =	sld [smem:$0x3FA4]  }
0x30: {  	s3 =	sld [smem:$0x3FA7]  }
0x31: {  	[smem:$0x3FB0] =	sst s10  }
0x32: {  	s10 =	sld [smem:$0x3FAE];
	_ =	sdelay $0x3  }
0x33: {  	p0 =	seq.s32 s10, $0x1;
	s10 =	sld [smem:$0x3FB0];
	_ =	sdelay $0x3  }
0x34: {  	[smem:$0x3FB0] =	sst s10  }
0x35: {  	s10 =	sld [smem:$0x3FAF];
	_ =	sdelay $0x3  }
0x36: {  	p1 =	seq.s32 s10, $0x1;
	s10 =	sld [smem:$0x3FB0];
	_ =	sdelay $0x3  }
0x37: {  	[smem:$0x3FB0] =	sst s10  }
0x38: {  	s10 =	sld [smem:$0x3FB1]  }
0x39: {  	_ = 	snop;
	(pc) =	sbr.ind lr, $3  }
0x3a: {  	_ = 	snop  }
0x3b: {  	_ = 	snop  }
0x3c: {  	p2 =	seq.s32 s10, $0x1;
	s10 =	sld [smem:$0x3FB0]  }
0x3d: {  	_ =	shalt  }
0x3e: {  	_ =	shalt  }
0x3f: {  	_ =	shalt  }
0x40: {  	_ =	shalt  }
0x41: {  	_ =	shalt  }
0x42: {  	_ =	shalt  }
0x43: {  	_ =	shalt  }
0x44: {  	_ =	shalt  }
0x45: {  	_ =	shalt  }
0x46: {  	_ =	shalt  }
0x47: {  	_ =	shalt  }
0x48: {  	_ =	shalt  }
0x49: {  	_ =	shalt  }
0x4a: {  	_ =	shalt  }
0x4b: {  	_ =	shalt  }
0x4c: {  	_ =	shalt  }
0x4d: {  	_ =	shalt  }
0x4e: {  	_ =	shalt  }
0x4f: {  	_ =	shalt  }
0x50: {  	_ =	shalt  }
0x51: {  	_ =	shalt  }
0x52: {  	_ =	shalt  }
0x53: {  	_ =	shalt  }
0x54: {  	_ =	shalt  }
0x55: {  	_ =	shalt  }
0x56: {  	_ =	shalt  }
0x57: {  	_ =	shalt  }
0x58: {  	_ =	shalt  }
0x59: {  	_ =	shalt  }
0x5a: {  	_ =	shalt  }
0x5b: {  	_ =	shalt  }
0x5c: {  	_ =	shalt  }
0x5d: {  	_ =	shalt  }
0x5e: {  	_ =	shalt  }
0x5f: {  	_ =	shalt  }
0x60: {  	_ =	shalt  }
0x61: {  	_ =	shalt  }
0x62: {  	_ =	shalt  }
0x63: {  	_ =	shalt  }
0x64: {  	_ =	shalt  }
0x65: {  	_ =	shalt  }
0x66: {  	_ =	shalt  }
0x67: {  	_ =	shalt  }
0x68: {  	_ =	shalt  }
0x69: {  	_ =	shalt  }
0x6a: {  	_ =	shalt  }
0x6b: {  	_ =	shalt  }
0x6c: {  	_ =	shalt  }
0x6d: {  	_ =	shalt  }
0x6e: {  	_ =	shalt  }
0x6f: {  	_ =	shalt  }
0x70: {  	_ =	shalt  }
0x71: {  	_ =	shalt  }
0x72: {  	_ =	shalt  }
0x73: {  	_ =	shalt  }
0x74: {  	_ =	shalt  }
0x75: {  	_ =	shalt  }
0x76: {  	_ =	shalt  }
0x77: {  	_ =	shalt  }
0x78: {  	_ =	shalt  }
0x79: {  	_ =	shalt  }
0x7a: {  	_ =	shalt  }
0x7b: {  	_ =	shalt  }
0x7c: {  	_ =	shalt  }
0x7d: {  	_ =	shalt  }
0x7e: {  	_ =	shalt  }
0x7f: {  	_ =	shalt  }
0x80: {  	_ =	shalt  }
0x81: {  	_ =	shalt  }
0x82: {  	_ =	shalt  }
0x83: {  	_ =	shalt  }
0x84: {  	_ =	shalt  }
0x85: {  	_ =	shalt  }
0x86: {  	_ =	shalt  }
0x87: {  	_ =	shalt  }
.Lfunc_end0:
.L_simem_size_0:
called_computation_lowered:
.L_overlay_start_0:
0x88: {  	s2 =	sld [smem:$0x3FD9]  }
0x89: {  	s3 =	sld [smem:$0x3FFE];
	_ =	sdelay $0x1  }
0x8a: {  	s1 =	srdreg.scid  }
0x8b: {  	s0 =	sand.u32 $0x1, s1  }
0x8c: {  	s17 =	sshll.u32 s0, $0xA;
	s2 =	sadd.s32 s3, s2  }
0x8d: {  	s2 =	sadd.s32 s2, s17  }
0x8e: {  	[smem:$0x3FBC] =	sst s2  }
0x8f: {  	_ = 	snop  }
0x90: {  	s2 =	sld [smem:$0x3FD0];
	(tm) =	ssettm $0x1  }
0x91: {  	s18 =	sld [smem:$0x3FFB];
	_ =	sdelay $0x3  }
0x92: {  	_ =	strace s18  }
0x93: {  	s3 =	sld [smem:$0x3FFC];
	_ =	sdelay $0x3  }
0x94: {  	_ =	strace s3  }
0x95: {  	s3 =	sld [smem:$0x3FFD];
	_ =	sdelay $0x3  }
0x96: {  	_ =	strace s3  }
0x97: {  	_ =	strace $0x8FFFFFFF  }
0x98: {  	s19 =	sld [smem:$0x3FDB];
	_ =	sdelay $0x1  }
0x99: {  	s4 =	simm.s32 $_scs_section_size  }
0x9a: {  	s5 =	simm.s32 $_size__tile_overlayer_lowered;
	s6 =	simm.s32 $_tile_overlayer_lowered  }
0x9b: {  	s22 =	simm.s32 $0x1BFF;
	s21 =	sshll.u32 s6, $0x1;
	s3 =	sadd.s32 s4, s19  }
0x9c: {  	s7 =	simm.s32 $0x0;
	s20 =	sshll.u32 s5, $0x1;
	s5 =	sadd.s32 s21, s3  }
0x9d: {  	[timem:s7], [sflag:s22] =	dma.local [hbm:s5], s20  }
0x9e: {  	_ =	swait.ge [sflag:s22], s20  }
0x9f: {  	s4 =	ssub.s32 $0x0, s20;
	[sflag:s22] =	ssyncset.done $0x0  }
0xa0: {  	[sflag:s22] =	ssyncadd.s32 s4;
	_ =	sdelay $0x1  }
0xa1: {  	s23 =	simm.s32 $0x1B8B  }
0xa2: {  	_ =	swait.ge [sflag:s23], $0x1  }
0xa3: {  	[sflag:s23] =	ssyncset.done $0x0  }
0xa4: {  	s25 =	simm.s32 $0x1B8E;
	s24 =	sld [smem:$0x3FFE];
	[sflag:s23] =	ssyncadd.s32 $0xFFFFFFFF  }
0xa5: {  	s26 =	simm.s32 $execute0_lowered;
	[smem:$0x3FD2] =	sst s25  }
0xa6: {  	s5 =	sshll.u32 s26, $0x1;
	_ =	strace $0x80000046;
	[dreg:$0x1] =	wrdreg $0xFFFFFFFF  }
0xa7: {  	s28 =	simm.s32 $_size_execute0_lowered;
	s3 =	sadd.s32 s3, s5;
	[dreg:$0x0] =	wrdreg $0x0  }
0xa8: {  	s5 =	sshll.u32 s28, $0x1;
	[dreg:$0x2] =	wrdreg s3  }
0xa9: {  	[dreg:$0x3] =	wrdreg s5  }
0xaa: {  	[dreg:$0x4] =	wrdreg $0xC0  }
0xab: {  	_ =	task [dreg:s7], $0x5FFFF  }
0xac: {  	[dreg:$0x1] =	wrdreg $0xFFFFFFFF  }
0xad: {  	[dreg:$0x0] =	wrdreg $0x60  }
0xae: {  	[dreg:$0x2] =	wrdreg s24  }
0xaf: {  	[dreg:$0x3] =	wrdreg s2  }
0xb0: {  	[dreg:$0x4] =	wrdreg $0x0  }
0xb1: {  	[dreg:$0x5] =	wrdreg $0x9  }
0xb2: {  	_ =	task.clear_ibuf [dreg:s7], $0x6FFFF;
	_ =	strace $0x90000046  }
0xb3: {  	s29 =	simm.s32 $0x9;
	_ =	strace $0x80000048  }
0xb4: {  	_ =	swait.ge [sflag:s29], $0x1  }
0xb5: {  	[sflag:s29] =	ssyncadd.s32 $0xFFFFFFFF  }
0xb6: {  	_ =	strace $0x90000048  }
0xb7: {  	_ =	sfence  }
0xb8: {  	s30 =	sld [smem:$0x0];
	_ =	sdelay $0x2  }
0xb9: {  	s31 =	sshll.u32 s1, $0xD;
	s1 =	sshrl.u32 s1, $0x2  }
0xba: {  	s3 =	sand.u32 $0x4000, s31;
	s1 =	sadd.s32 s1, s30  }
0xbb: {  	s0 =	sor.u32 s3, s0;
	s1 =	sshll.u32 s1, $0x11  }
0xbc: {  	s0 =	sor.u32 s1, s0  }
0xbd: {  	s0 =	sadd.s32 $0x8F2B, s0  }
0xbe: {  	[sflag:s0] =	ssyncadd.remote.s32 $0x1  }
0xbf: {  	_ =	sfence.sel $0xFFFF  }
0xc0: {  	[dreg:$0x0] =	wrdreg $0xFFFFFFFF;
	(pc) =	sbr.abs _section_cstart, $3  }
0xc1: {  	[dreg:$0x1] =	wrdreg $0xFFFFFFFF  }
0xc2: {  	_ =	task.clear_ibuf [dreg:s7], $0x2FFFF;
	_ =	strace $0x9FFFFFFF  }
0xc3: {  	(tm) =	ssettm $0x7FFFFFFF  }
tec
execute0_lowered:
.L_overlay_start_1:
0x0: {  	(tag) =	ssettag $0x1  }
0x1: {  	s4 =	rddreg [dreg:$0x0]  }
0x2: {  	s7 =	rddreg [dreg:$0x1]  }
0x3: {  	s1 =	rddreg [dreg:$0x2]  }
0x4: {  	s0 =	rddreg [dreg:$0x3];
	s2 =	simm.s32 $0x0  }
0x5: {  	s3 =	srdreg.scid;
	s21 =	simm.f32 $1.000000000e+00;
	s13 =	simm.s32 $0x600  }
0x6: {  	s14 =	simm.s32 $0x1;
	s15 =	simm.s32 $0x80;
	s16 =	simm.s32 $0x680  }
0x7: {  	s17 =	simm.s32 $0x500;
	s18 =	simm.s32 $0x2;
	s19 =	simm.s32 $0x700  }
0x8: {  	s20 =	simm.s32 $0x3;
	[smem:$0x7FF] =	sst s2;
	s8 =	sand.u32 $0x1, s3  }
0x9: {  	s3 =	stileid.u32;
	s9 =	sadd.s32 $0x2A00, s4;
	_ =	strace $0x80000047  }
0xa: {  	s5 =	ssub.s32 $0x2, s8;
	s6 =	smul.u32 $0x280, s3;
	s26 =	sshll.u32 s8, $0x4  }
0xb: {  	s28 =	smul.u32 $0x2800, s8;
	p0 =	seq.s32 s8, $0x0;
	s30 =	sshll.u32 s8, $0x8  }
0xc: {  	s31 =	sshll.u32 s3, $0x4;
	s25 =	sshrl.u32 s5, $0x1;
	s22 =	sor.u32 s3, s26  }
0xd: {  	s21 =	simm.s32 @!p0 $0x0;
	s10 =	ssub.s32 s5, s25;
	s11 =	sshll.u32 s22, $0x4  }
0xe: {  	s12 =	sadd.s32 s6, s28;
	s4 =	sadd.s32 s6, s1;
	v0 =	vmov s21;
	s21 =	simm.s32 $0x4  }
0xf: {  	p0 =	sgt.u32 s22, $0x3;
	s22 =	simm.s32 $0x0;
	s5 =	sadd.s32 s9, s11  }
0x10: {  	s29 =	sshrl.u32 s12, $0x3;
	s8 =	smax.u32 s10, $0x1;
	s9 =	sadd.s32 s30, s9  }
0x11: {  	s10 =	simm.s32 $0x280;
	s11 =	simm.s32 $0x5;
	s12 =	simm.s32 $0x580  }
0x12: {  	v1 =	vimm.f32 $1.000000000e+00;
	s6 =	sadd.s32 $0x200, s5;
	s7 =	sadd.s32 s7, s29;
	s9 =	sadd.s32 s31, s9  }
.LBB2_1:
0x13: {  	[tilespmem:$0x500] =	vst v1  }
0x14: {  	[tilespmem:$0x510] =	vst v1  }
0x15: {  	[tilespmem:$0x520] =	vst v1  }
0x16: {  	[tilespmem:$0x530] =	vst v1  }
0x17: {  	[tilespmem:$0x540] =	vst v1  }
0x18: {  	[tilespmem:$0x550] =	vst v1  }
0x19: {  	[tilespmem:$0x560] =	vst v1  }
0x1a: {  	[tilespmem:$0x570] =	vst v1  }
0x1b: {  	[tilespmem:$0x280] =	vst v0  }
0x1c: {  	[tilespmem:$0x290] =	vst v0  }
0x1d: {  	[tilespmem:$0x2A0] =	vst v0  }
0x1e: {  	[tilespmem:$0x2B0] =	vst v0  }
0x1f: {  	[tilespmem:$0x2C0] =	vst v0  }
0x20: {  	[tilespmem:$0x2D0] =	vst v0  }
0x21: {  	[tilespmem:$0x2E0] =	vst v0  }
0x22: {  	[tilespmem:$0x2F0] =	vst v0  }
0x23: {  	[tilespmem:$0x300] =	vst v0  }
0x24: {  	[tilespmem:$0x310] =	vst v0  }
0x25: {  	[tilespmem:$0x320] =	vst v0  }
0x26: {  	[tilespmem:$0x330] =	vst v0  }
0x27: {  	[tilespmem:$0x340] =	vst v0  }
0x28: {  	[tilespmem:$0x350] =	vst v0  }
0x29: {  	[tilespmem:$0x360] =	vst v0  }
0x2a: {  	[tilespmem:$0x370] =	vst v0  }
0x2b: {  	[tilespmem:$0x380] =	vst v0  }
0x2c: {  	[tilespmem:$0x390] =	vst v0  }
0x2d: {  	[tilespmem:$0x3A0] =	vst v0  }
0x2e: {  	[tilespmem:$0x3B0] =	vst v0  }
0x2f: {  	[tilespmem:$0x3C0] =	vst v0  }
0x30: {  	[tilespmem:$0x3D0] =	vst v0  }
0x31: {  	[tilespmem:$0x3E0] =	vst v0  }
0x32: {  	[tilespmem:$0x3F0] =	vst v0  }
0x33: {  	[tilespmem:$0x400] =	vst v0  }
0x34: {  	[tilespmem:$0x410] =	vst v0  }
0x35: {  	[tilespmem:$0x420] =	vst v0  }
0x36: {  	[tilespmem:$0x430] =	vst v0  }
0x37: {  	[tilespmem:$0x440] =	vst v0  }
0x38: {  	[tilespmem:$0x450] =	vst v0  }
0x39: {  	[tilespmem:$0x460] =	vst v0  }
0x3a: {  	[tilespmem:$0x470] =	vst v0  }
0x3b: {  	[tilespmem:$0x480] =	vst v0  }
0x3c: {  	[tilespmem:$0x490] =	vst v0  }
0x3d: {  	[tilespmem:$0x4A0] =	vst v0  }
0x3e: {  	[tilespmem:$0x4B0] =	vst v0  }
0x3f: {  	[tilespmem:$0x4C0] =	vst v0  }
0x40: {  	[tilespmem:$0x4D0] =	vst v0  }
0x41: {  	[tilespmem:$0x4E0] =	vst v0  }
0x42: {  	[tilespmem:$0x4F0] =	vst v0  }
0x43: {  	[spmem:s4] =	stream.linear.scatter [tilespmem:s10], [sflag:$0x5], $0x280, $0x38;
	[tilespmem:$0x780] =	vst v63  }
0x44: {  	_ =	swait.ge [sflag:s11], $0x280  }
0x45: {  	[sflag:s11] =	ssyncset.done $0x0  }
0x46: {  	[sflag:s11] =	ssyncadd.s32 $0xFFFFFD80  }
0x47: {  	[bflag:$0x0] =	sbarrier.arrive $0xFFFF  }
0x48: {  	[tilespmem:s12], [sflag:$0x1] =	stream.linear.gather [hbm4b:s5+s2], $0x80, $0x38;
	[tilespmem:$0x780] =	vst v63  }
0x49: {  	_ = 	snop  }
0x4a: {  	[tilespmem:s13], [sflag:$0x2] =	stream.linear.gather [hbm4b:s6+s2], $0x80, $0x38;
	[tilespmem:$0x780] =	vst v63  }
0x4b: {  	_ =	swait.ge [sflag:s14], $0x80  }
0x4c: {  	[sflag:s14] =	ssyncset.done $0x0  }
0x4d: {  	[sflag:s14] =	ssyncadd.s32 $0xFFFFFF80  }
0x4e: {  	v2 =	vld [tilespmem:$0x5F0]  }
0x4f: {  	v3 =	vld [tilespmem:$0x5D0]  }
0x50: {  	v4 =	vld [tilespmem:$0x5E0]  }
0x51: {  	v5 =	vld [tilespmem:$0x5B0]  }
0x52: {  	v6 =	vld [tilespmem:$0x5C0]  }
0x53: {  	v7 =	vld [tilespmem:$0x5A0];
	[tilespmem:$0x6F0] =	vst v2  }
0x54: {  	v2 =	vld [tilespmem:$0x580];
	[tilespmem:$0x6D0] =	vst v3  }
0x55: {  	v3 =	vld [tilespmem:$0x590];
	[tilespmem:$0x6E0] =	vst v4  }
0x56: {  	[tilespmem:$0x6B0] =	vst v5  }
0x57: {  	[tilespmem:$0x6C0] =	vst v6  }
0x58: {  	[tilespmem:$0x6A0] =	vst v7  }
0x59: {  	[tilespmem:$0x680] =	vst v2  }
0x5a: {  	s23 =	sadd.s32 $0x0, s9;
	[tilespmem:$0x690] =	vst v3  }
0x5b: {  	[spmem:s1] =	stream.indirect.scatter.add.f32 [tilespmem:s17], [sflag:$0x3], $0x1, s16, s15, $0xb8;
	[tilespmem:$0x780] =	vst v63  }
0x5c: {  	s24 =	sadd.s32 $0x400, s23  }
0x5d: {  	[tilespmem:s12], [sflag:$0x1] =	stream.linear.gather [hbm4b:s24+s2], $0x80, $0x38;
	[tilespmem:$0x780] =	vst v63  }
0x5e: {  	_ =	swait.ge [sflag:s18], $0x80  }
0x5f: {  	[sflag:s18] =	ssyncset.done $0x0  }
0x60: {  	[sflag:s18] =	ssyncadd.s32 $0xFFFFFF80  }
0x61: {  	v2 =	vld [tilespmem:$0x660]  }
0x62: {  	v3 =	vld [tilespmem:$0x670]  }
0x63: {  	v52 =	vld [tilespmem:$0x650]  }
0x64: {  	v53 =	vld [tilespmem:$0x610]  }
0x65: {  	v54 =	vld [tilespmem:$0x630]  }
0x66: {  	v55 =	vld [tilespmem:$0x620];
	[tilespmem:$0x760] =	vst v2  }
0x67: {  	v2 =	vld [tilespmem:$0x640];
	[tilespmem:$0x770] =	vst v3  }
0x68: {  	v3 =	vld [tilespmem:$0x600];
	[tilespmem:$0x750] =	vst v52  }
0x69: {  	[tilespmem:$0x710] =	vst v53  }
0x6a: {  	[tilespmem:$0x730] =	vst v54  }
0x6b: {  	[tilespmem:$0x720] =	vst v55  }
0x6c: {  	[tilespmem:$0x740] =	vst v2  }
0x6d: {  	[tilespmem:$0x700] =	vst v3  }
0x6e: {  	[spmem:s1] =	stream.indirect.scatter.add.f32 [tilespmem:s17], [sflag:$0x4], $0x1, s19, s15, $0xb8;
	[tilespmem:$0x780] =	vst v63  }
0x6f: {  	s29 =	sadd.s32 $0x600, s23  }
0x70: {  	[tilespmem:s13], [sflag:$0x2] =	stream.linear.gather [hbm4b:s29+s2], $0x80, $0x38;
	[tilespmem:$0x780] =	vst v63  }
0x71: {  	_ =	swait.ge [sflag:s14], $0x80  }
0x72: {  	[sflag:s14] =	ssyncset.done $0x0  }
0x73: {  	[sflag:s14] =	ssyncadd.s32 $0xFFFFFF80  }
0x74: {  	_ =	swait.ge [sflag:s20], $0x80  }
0x75: {  	[sflag:s20] =	ssyncset.done $0x0  }
0x76: {  	[sflag:s20] =	ssyncadd.s32 $0xFFFFFF80  }
0x77: {  	v2 =	vld [tilespmem:$0x5F0]  }
0x78: {  	v3 =	vld [tilespmem:$0x5E0]  }
0x79: {  	v56 =	vld [tilespmem:$0x5D0]  }
0x7a: {  	v57 =	vld [tilespmem:$0x5A0]  }
0x7b: {  	v58 =	vld [tilespmem:$0x590]  }
0x7c: {  	v59 =	vld [tilespmem:$0x5B0];
	[tilespmem:$0x6F0] =	vst v2  }
0x7d: {  	v2 =	vld [tilespmem:$0x580];
	[tilespmem:$0x6E0] =	vst v3  }
0x7e: {  	v3 =	vld [tilespmem:$0x5C0];
	[tilespmem:$0x6D0] =	vst v56  }
0x7f: {  	[tilespmem:$0x6A0] =	vst v57  }
0x80: {  	[tilespmem:$0x690] =	vst v58  }
0x81: {  	[tilespmem:$0x6B0] =	vst v59  }
0x82: {  	[tilespmem:$0x680] =	vst v2  }
0x83: {  	[tilespmem:$0x6C0] =	vst v3  }
0x84: {  	[spmem:s1] =	stream.indirect.scatter.add.f32 [tilespmem:s17], [sflag:$0x3], $0x1, s16, s15, $0xb8;
	[tilespmem:$0x780] =	vst v63  }
0x85: {  	s30 =	sadd.s32 $0x800, s23  }
0x86: {  	[tilespmem:s12], [sflag:$0x1] =	stream.linear.gather [hbm4b:s30+s2], $0x80, $0x38;
	[tilespmem:$0x780] =	vst v63  }
0x87: {  	_ =	swait.ge [sflag:s18], $0x80  }
0x88: {  	[sflag:s18] =	ssyncset.done $0x0  }
0x89: {  	[sflag:s18] =	ssyncadd.s32 $0xFFFFFF80  }
0x8a: {  	_ =	swait.ge [sflag:s21], $0x80  }
0x8b: {  	[sflag:s21] =	ssyncset.done $0x0  }
0x8c: {  	[sflag:s21] =	ssyncadd.s32 $0xFFFFFF80  }
0x8d: {  	v2 =	vld [tilespmem:$0x670]  }
0x8e: {  	v3 =	vld [tilespmem:$0x650]  }
0x8f: {  	v60 =	vld [tilespmem:$0x610]  }
0x90: {  	v61 =	vld [tilespmem:$0x660]  }
0x91: {  	v62 =	vld [tilespmem:$0x640]  }
0x92: {  	v63 =	vld [tilespmem:$0x620];
	[tilespmem:$0x770] =	vst v2  }
0x93: {  	v2 =	vld [tilespmem:$0x600];
	[tilespmem:$0x750] =	vst v3  }
0x94: {  	[tilespmem:$0x710] =	vst v60;
	v3 =	vld [tilespmem:$0x630]  }
0x95: {  	[tilespmem:$0x760] =	vst v61  }
0x96: {  	[tilespmem:$0x740] =	vst v62  }
0x97: {  	[tilespmem:$0x720] =	vst v63  }
0x98: {  	[tilespmem:$0x700] =	vst v2  }
0x99: {  	[tilespmem:$0x730] =	vst v3  }
0x9a: {  	[spmem:s1] =	stream.indirect.scatter.add.f32 [tilespmem:s17], [sflag:$0x4], $0x1, s19, s15, $0xb8;
	[tilespmem:$0x780] =	vst v63  }
0x9b: {  	s31 =	sadd.s32 $0xA00, s23  }
0x9c: {  	[tilespmem:s13], [sflag:$0x2] =	stream.linear.gather [hbm4b:s31+s2], $0x80, $0x38;
	[tilespmem:$0x780] =	vst v63  }
0x9d: {  	_ =	swait.ge [sflag:s14], $0x80  }
0x9e: {  	[sflag:s14] =	ssyncset.done $0x0  }
0x9f: {  	[sflag:s14] =	ssyncadd.s32 $0xFFFFFF80  }
0xa0: {  	_ =	swait.ge [sflag:s20], $0x80  }
0xa1: {  	[sflag:s20] =	ssyncset.done $0x0  }
0xa2: {  	[sflag:s20] =	ssyncadd.s32 $0xFFFFFF80  }
0xa3: {  	s24 =	simm.s32 $0xC00;
	v2 =	vld [tilespmem:$0x5F0]  }
.LBB2_2:
0xa4: {  	p1 =	sne.s32 s24, $0x9000;
	v3 =	vld [tilespmem:$0x5E0];
	s25 =	smov.u32 s24;
	s24 =	sadd.s32 $0xC00, s24  }
0xa5: {  	v4 =	vld [tilespmem:$0x5A0]  }
0xa6: {  	v5 =	vld [tilespmem:$0x5D0]  }
0xa7: {  	v6 =	vld [tilespmem:$0x5B0]  }
0xa8: {  	v7 =	vld [tilespmem:$0x5C0];
	[tilespmem:$0x6F0] =	vst v2  }
0xa9: {  	v2 =	vld [tilespmem:$0x590];
	[tilespmem:$0x6E0] =	vst v3  }
0xaa: {  	v3 =	vld [tilespmem:$0x580];
	[tilespmem:$0x6A0] =	vst v4  }
0xab: {  	[tilespmem:$0x6D0] =	vst v5  }
0xac: {  	[tilespmem:$0x6B0] =	vst v6  }
0xad: {  	[tilespmem:$0x6C0] =	vst v7  }
0xae: {  	[tilespmem:$0x690] =	vst v2  }
0xaf: {  	[tilespmem:$0x680] =	vst v3  }
0xb0: {  	[spmem:s1] =	stream.indirect.scatter.add.f32 [tilespmem:s17], [sflag:$0x3], $0x1, s16, s15, $0xb8;
	[tilespmem:$0x780] =	vst v63  }
0xb1: {  	s26 =	sadd.s32 $0xC00, s23  }
0xb2: {  	[tilespmem:s12], [sflag:$0x1] =	stream.linear.gather [hbm4b:s26+s2], $0x80, $0x38;
	[tilespmem:$0x780] =	vst v63  }
0xb3: {  	_ =	swait.ge [sflag:s18], $0x80  }
0xb4: {  	[sflag:s18] =	ssyncset.done $0x0  }
0xb5: {  	[sflag:s18] =	ssyncadd.s32 $0xFFFFFF80  }
0xb6: {  	_ =	swait.ge [sflag:s21], $0x80  }
0xb7: {  	[sflag:s21] =	ssyncset.done $0x0  }
0xb8: {  	[sflag:s21] =	ssyncadd.s32 $0xFFFFFF80  }
0xb9: {  	v2 =	vld [tilespmem:$0x640]  }
0xba: {  	v3 =	vld [tilespmem:$0x660]  }
0xbb: {  	v4 =	vld [tilespmem:$0x620]  }
0xbc: {  	v5 =	vld [tilespmem:$0x630]  }
0xbd: {  	v6 =	vld [tilespmem:$0x610]  }
0xbe: {  	v7 =	vld [tilespmem:$0x600];
	[tilespmem:$0x740] =	vst v2  }
0xbf: {  	[tilespmem:$0x760] =	vst v3;
	v2 =	vld [tilespmem:$0x670]  }
0xc0: {  	[tilespmem:$0x720] =	vst v4;
	v3 =	vld [tilespmem:$0x650]  }
0xc1: {  	[tilespmem:$0x730] =	vst v5  }
0xc2: {  	[tilespmem:$0x710] =	vst v6  }
0xc3: {  	[tilespmem:$0x700] =	vst v7  }
0xc4: {  	[tilespmem:$0x770] =	vst v2  }
0xc5: {  	s23 =	sadd.s32 $0xE00, s23;
	[tilespmem:$0x750] =	vst v3  }
0xc6: {  	[spmem:s1] =	stream.indirect.scatter.add.f32 [tilespmem:s17], [sflag:$0x4], $0x1, s19, s15, $0xb8;
	[tilespmem:$0x780] =	vst v63  }
0xc7: {  	_ = 	snop  }
0xc8: {  	[tilespmem:s13], [sflag:$0x2] =	stream.linear.gather [hbm4b:s23+s2], $0x80, $0x38;
	[tilespmem:$0x780] =	vst v63  }
0xc9: {  	_ =	swait.ge [sflag:s20], $0x80  }
0xca: {  	[sflag:s20] =	ssyncset.done $0x0  }
0xcb: {  	[sflag:s20] =	ssyncadd.s32 $0xFFFFFF80  }
0xcc: {  	_ =	swait.ge [sflag:s21], $0x80  }
0xcd: {  	[sflag:s21] =	ssyncset.done $0x0  }
0xce: {  	[sflag:s21] =	ssyncadd.s32 $0xFFFFFF80  }
0xcf: {  	_ =	swait.ge [sflag:s14], $0x80  }
0xd0: {  	[sflag:s14] =	ssyncset.done $0x0  }
0xd1: {  	[sflag:s14] =	ssyncadd.s32 $0xFFFFFF80  }
0xd2: {  	v2 =	vld [tilespmem:$0x5F0]  }
0xd3: {  	v3 =	vld [tilespmem:$0x5D0]  }
0xd4: {  	v4 =	vld [tilespmem:$0x5E0]  }
0xd5: {  	v5 =	vld [tilespmem:$0x5B0]  }
0xd6: {  	v6 =	vld [tilespmem:$0x5C0]  }
0xd7: {  	v7 =	vld [tilespmem:$0x5A0];
	[tilespmem:$0x6F0] =	vst v2  }
0xd8: {  	v2 =	vld [tilespmem:$0x580];
	[tilespmem:$0x6D0] =	vst v3  }
0xd9: {  	v3 =	vld [tilespmem:$0x590];
	[tilespmem:$0x6E0] =	vst v4  }
0xda: {  	[tilespmem:$0x6B0] =	vst v5  }
0xdb: {  	[tilespmem:$0x6C0] =	vst v6  }
0xdc: {  	[tilespmem:$0x6A0] =	vst v7  }
0xdd: {  	[tilespmem:$0x680] =	vst v2  }
0xde: {  	s23 =	sadd.s32 s25, s9;
	[tilespmem:$0x690] =	vst v3  }
0xdf: {  	[spmem:s1] =	stream.indirect.scatter.add.f32 [tilespmem:s17], [sflag:$0x3], $0x1, s16, s15, $0xb8;
	[tilespmem:$0x780] =	vst v63  }
0xe0: {  	s25 =	sadd.s32 $0x400, s23  }
0xe1: {  	[tilespmem:s12], [sflag:$0x1] =	stream.linear.gather [hbm4b:s25+s2], $0x80, $0x38;
	[tilespmem:$0x780] =	vst v63  }
0xe2: {  	_ =	swait.ge [sflag:s18], $0x80  }
0xe3: {  	[sflag:s18] =	ssyncset.done $0x0  }
0xe4: {  	[sflag:s18] =	ssyncadd.s32 $0xFFFFFF80  }
0xe5: {  	v2 =	vld [tilespmem:$0x660]  }
0xe6: {  	v3 =	vld [tilespmem:$0x670]  }
0xe7: {  	v4 =	vld [tilespmem:$0x650]  }
0xe8: {  	v5 =	vld [tilespmem:$0x610]  }
0xe9: {  	v6 =	vld [tilespmem:$0x630]  }
0xea: {  	v7 =	vld [tilespmem:$0x620];
	[tilespmem:$0x760] =	vst v2  }
0xeb: {  	v2 =	vld [tilespmem:$0x640];
	[tilespmem:$0x770] =	vst v3  }
0xec: {  	v3 =	vld [tilespmem:$0x600];
	[tilespmem:$0x750] =	vst v4  }
0xed: {  	[tilespmem:$0x710] =	vst v5  }
0xee: {  	[tilespmem:$0x730] =	vst v6  }
0xef: {  	[tilespmem:$0x720] =	vst v7  }
0xf0: {  	[tilespmem:$0x740] =	vst v2  }
0xf1: {  	[tilespmem:$0x700] =	vst v3  }
0xf2: {  	[spmem:s1] =	stream.indirect.scatter.add.f32 [tilespmem:s17], [sflag:$0x4], $0x1, s19, s15, $0xb8;
	[tilespmem:$0x780] =	vst v63  }
0xf3: {  	s25 =	sadd.s32 $0x600, s23  }
0xf4: {  	[tilespmem:s13], [sflag:$0x2] =	stream.linear.gather [hbm4b:s25+s2], $0x80, $0x38;
	[tilespmem:$0x780] =	vst v63  }
0xf5: {  	_ =	swait.ge [sflag:s14], $0x80  }
0xf6: {  	[sflag:s14] =	ssyncset.done $0x0  }
0xf7: {  	[sflag:s14] =	ssyncadd.s32 $0xFFFFFF80  }
0xf8: {  	_ =	swait.ge [sflag:s20], $0x80  }
0xf9: {  	[sflag:s20] =	ssyncset.done $0x0  }
0xfa: {  	[sflag:s20] =	ssyncadd.s32 $0xFFFFFF80  }
0xfb: {  	v2 =	vld [tilespmem:$0x5F0]  }
0xfc: {  	v3 =	vld [tilespmem:$0x5E0]  }
0xfd: {  	v4 =	vld [tilespmem:$0x5D0]  }
0xfe: {  	v5 =	vld [tilespmem:$0x5A0]  }
0xff: {  	v6 =	vld [tilespmem:$0x590]  }
0x100: {  	v7 =	vld [tilespmem:$0x5B0];
	[tilespmem:$0x6F0] =	vst v2  }
0x101: {  	v2 =	vld [tilespmem:$0x580];
	[tilespmem:$0x6E0] =	vst v3  }
0x102: {  	v3 =	vld [tilespmem:$0x5C0];
	[tilespmem:$0x6D0] =	vst v4  }
0x103: {  	[tilespmem:$0x6A0] =	vst v5  }
0x104: {  	[tilespmem:$0x690] =	vst v6  }
0x105: {  	[tilespmem:$0x6B0] =	vst v7  }
0x106: {  	[tilespmem:$0x680] =	vst v2  }
0x107: {  	[tilespmem:$0x6C0] =	vst v3  }
0x108: {  	[spmem:s1] =	stream.indirect.scatter.add.f32 [tilespmem:s17], [sflag:$0x3], $0x1, s16, s15, $0xb8;
	[tilespmem:$0x780] =	vst v63  }
0x109: {  	s25 =	sadd.s32 $0x800, s23  }
0x10a: {  	[tilespmem:s12], [sflag:$0x1] =	stream.linear.gather [hbm4b:s25+s2], $0x80, $0x38;
	[tilespmem:$0x780] =	vst v63  }
0x10b: {  	_ =	swait.ge [sflag:s18], $0x80  }
0x10c: {  	[sflag:s18] =	ssyncset.done $0x0  }
0x10d: {  	[sflag:s18] =	ssyncadd.s32 $0xFFFFFF80  }
0x10e: {  	_ =	swait.ge [sflag:s21], $0x80  }
0x10f: {  	[sflag:s21] =	ssyncset.done $0x0  }
0x110: {  	[sflag:s21] =	ssyncadd.s32 $0xFFFFFF80  }
0x111: {  	v2 =	vld [tilespmem:$0x670]  }
0x112: {  	v3 =	vld [tilespmem:$0x650]  }
0x113: {  	v4 =	vld [tilespmem:$0x610]  }
0x114: {  	v5 =	vld [tilespmem:$0x660]  }
0x115: {  	v6 =	vld [tilespmem:$0x640]  }
0x116: {  	v7 =	vld [tilespmem:$0x620];
	[tilespmem:$0x770] =	vst v2  }
0x117: {  	v2 =	vld [tilespmem:$0x600];
	[tilespmem:$0x750] =	vst v3  }
0x118: {  	[tilespmem:$0x710] =	vst v4;
	v3 =	vld [tilespmem:$0x630]  }
0x119: {  	[tilespmem:$0x760] =	vst v5  }
0x11a: {  	[tilespmem:$0x740] =	vst v6  }
0x11b: {  	[tilespmem:$0x720] =	vst v7  }
0x11c: {  	[tilespmem:$0x700] =	vst v2  }
0x11d: {  	[tilespmem:$0x730] =	vst v3  }
0x11e: {  	[spmem:s1] =	stream.indirect.scatter.add.f32 [tilespmem:s17], [sflag:$0x4], $0x1, s19, s15, $0xb8;
	[tilespmem:$0x780] =	vst v63  }
0x11f: {  	s25 =	sadd.s32 $0xA00, s23  }
0x120: {  	[tilespmem:s13], [sflag:$0x2] =	stream.linear.gather [hbm4b:s25+s2], $0x80, $0x38;
	[tilespmem:$0x780] =	vst v63  }
0x121: {  	_ =	swait.ge [sflag:s14], $0x80  }
0x122: {  	[sflag:s14] =	ssyncset.done $0x0  }
.Ltmp0:
0x123: {  	[sflag:s14] =	ssyncadd.s32 $0xFFFFFF80;
	(pc) =	sbr.rel @p1 .LBB2_2-.Ltmp0, $4  }
0x124: {  	_ =	swait.ge [sflag:s20], $0x80  }
0x125: {  	[sflag:s20] =	ssyncset.done $0x0  }
0x126: {  	[sflag:s20] =	ssyncadd.s32 $0xFFFFFF80  }
0x127: {  	v2 =	vld [tilespmem:$0x5F0]  }
0x128: {  	v3 =	vld [tilespmem:$0x5E0]  }
0x129: {  	v4 =	vld [tilespmem:$0x5A0]  }
0x12a: {  	v5 =	vld [tilespmem:$0x5D0]  }
0x12b: {  	v6 =	vld [tilespmem:$0x5B0]  }
0x12c: {  	v7 =	vld [tilespmem:$0x5C0];
	[tilespmem:$0x6F0] =	vst v2  }
0x12d: {  	v2 =	vld [tilespmem:$0x590];
	[tilespmem:$0x6E0] =	vst v3  }
0x12e: {  	v3 =	vld [tilespmem:$0x580];
	[tilespmem:$0x6A0] =	vst v4  }
0x12f: {  	[tilespmem:$0x6D0] =	vst v5  }
0x130: {  	[tilespmem:$0x6B0] =	vst v6  }
0x131: {  	[tilespmem:$0x6C0] =	vst v7  }
0x132: {  	[tilespmem:$0x690] =	vst v2  }
0x133: {  	[tilespmem:$0x680] =	vst v3  }
0x134: {  	[spmem:s1] =	stream.indirect.scatter.add.f32 [tilespmem:s17], [sflag:$0x3], $0x1, s16, s15, $0xb8;
	[tilespmem:$0x780] =	vst v63  }
0x135: {  	s24 =	sadd.s32 $0xC00, s23  }
0x136: {  	[tilespmem:s12], [sflag:$0x1] =	stream.linear.gather [hbm4b:s24+s2], $0x80, $0x38;
	[tilespmem:$0x780] =	vst v63  }
0x137: {  	_ =	swait.ge [sflag:s18], $0x80  }
0x138: {  	[sflag:s18] =	ssyncset.done $0x0  }
0x139: {  	[sflag:s18] =	ssyncadd.s32 $0xFFFFFF80  }
0x13a: {  	_ =	swait.ge [sflag:s21], $0x80  }
0x13b: {  	[sflag:s21] =	ssyncset.done $0x0  }
0x13c: {  	[sflag:s21] =	ssyncadd.s32 $0xFFFFFF80  }
0x13d: {  	v2 =	vld [tilespmem:$0x640]  }
0x13e: {  	v3 =	vld [tilespmem:$0x660]  }
0x13f: {  	v60 =	vld [tilespmem:$0x620]  }
0x140: {  	v61 =	vld [tilespmem:$0x630]  }
0x141: {  	v62 =	vld [tilespmem:$0x610]  }
0x142: {  	v63 =	vld [tilespmem:$0x600];
	[tilespmem:$0x740] =	vst v2  }
0x143: {  	[tilespmem:$0x760] =	vst v3;
	v2 =	vld [tilespmem:$0x670]  }
0x144: {  	[tilespmem:$0x720] =	vst v60;
	v3 =	vld [tilespmem:$0x650]  }
0x145: {  	[tilespmem:$0x730] =	vst v61  }
0x146: {  	[tilespmem:$0x710] =	vst v62  }
0x147: {  	[tilespmem:$0x700] =	vst v63  }
0x148: {  	[tilespmem:$0x770] =	vst v2  }
0x149: {  	[tilespmem:$0x750] =	vst v3  }
0x14a: {  	[spmem:s1] =	stream.indirect.scatter.add.f32 [tilespmem:s17], [sflag:$0x4], $0x1, s19, s15, $0xb8;
	[tilespmem:$0x780] =	vst v63  }
0x14b: {  	s31 =	sadd.s32 $0xE00, s23  }
0x14c: {  	[tilespmem:s13], [sflag:$0x2] =	stream.linear.gather [hbm4b:s31+s2], $0x80, $0x38;
	[tilespmem:$0x780] =	vst v63  }
0x14d: {  	_ =	swait.ge [sflag:s20], $0x80  }
0x14e: {  	[sflag:s20] =	ssyncset.done $0x0  }
0x14f: {  	[sflag:s20] =	ssyncadd.s32 $0xFFFFFF80  }
0x150: {  	_ =	swait.ge [sflag:s21], $0x80  }
0x151: {  	[sflag:s21] =	ssyncset.done $0x0  }
0x152: {  	[sflag:s21] =	ssyncadd.s32 $0xFFFFFF80  }
0x153: {  	_ =	swait.ge [sflag:s14], $0x80  }
0x154: {  	[sflag:s14] =	ssyncset.done $0x0  }
0x155: {  	[sflag:s14] =	ssyncadd.s32 $0xFFFFFF80  }
0x156: {  	_ =	swait.ge [sflag:s18], $0x80  }
0x157: {  	s23 =	simm.s32 @!p0 $0x80;
	[sflag:s18] =	ssyncset.done $0x0  }
0x158: {  	s25 =	simm.s32 @!p0 $0x500;
	s24 =	simm.s32 @!p0 $0x580;
	[sflag:s18] =	ssyncadd.s32 $0xFFFFFF80  }
0x159: {  	[spmem:s1] =	stream.indirect.scatter.add.f32 @!p0 [tilespmem:s25], [sflag:$0x5], $0x1, s24, s23, $0xb8;
	[tilespmem:$0x780] =	vst v63  }
0x15a: {  	s23 =	simm.s32 @!p0 $0x5  }
0x15b: {  	_ =	swait.ge @!p0 [sflag:s23], $0x80  }
0x15c: {  	[sflag:s23] =	ssyncset.done @!p0 $0x0  }
0x15d: {  	[sflag:s23] =	ssyncadd.s32 @!p0 $0xFFFFFF80  }
0x15e: {  	[bflag:$0x0] =	sbarrier.arrive $0xFFFF  }
0x15f: {  	[tilespmem:s10], [sflag:$0x5] =	stream.linear.gather [spmem:s4], $0x280, $0x38;
	[tilespmem:$0x780] =	vst v63  }
0x160: {  	s22 =	sadd.s32 $0x1, s22;
	_ =	swait.ge [sflag:s11], $0x280  }
0x161: {  	p1 =	sne.s32 s22, s8;
	[sflag:s11] =	ssyncset.done $0x0  }
.Ltmp1:
0x162: {  	[sflag:s11] =	ssyncadd.s32 $0xFFFFFD80;
	(pc) =	sbr.rel @p1 .LBB2_1-.Ltmp1, $4  }
0x163: {  	[hbm4b:s7+s2] =	stream.linear.scatter [tilespmem:s10], [sflag:$0x5], $0x280, $0x38;
	[tilespmem:$0x780] =	vst v63  }
0x164: {  	_ =	swait.ge [sflag:s11], $0x280  }
0x165: {  	[sflag:s11] =	ssyncset.done $0x0  }
0x166: {  	[sflag:s11] =	ssyncadd.s32 $0xFFFFFD80  }
0x167: {  	_ =	sfence.sel $0x180000  }
0x168: {  	[bflag:$0x0] =	sbarrier.arrive $0xFFFF  }
0x169: {  	p0 =	sne.s32 s3, $0x0;
	_ =	strace $0x90000047  }
0x16a: {  	s0 =	sadd.s32 @!p0 $0x100000, s0;
	[bflag:$0x2] =	sbarrier.arrive $0xFFFF  }
0x16b: {  	[sflag:s0] =	ssyncadd.tile.s32 @!p0 $0x1;
	_ =	shalt  }
.Lfunc_end2:
_tile_overlayer_lowered:
.L_overlay_start_2:
0x16c: {  	(tag) =	ssettag $0x2  }
0x16d: {  	s0 =	rddreg [dreg:$0x0];
	s2 =	stileid.u32  }
0x16e: {  	s1 =	rddreg [dreg:$0x1];
	p0 =	sne.s32 s2, $0x0  }
0x16f: {  	s3 =	rddreg [dreg:$0x2];
	[bflag:$0x3] =	sbarrier.arrive $0xFFFF;
	s2 =	simm.s32 @!p0 $0x1C05  }
0x170: {  	[timem:s3], [sflag:s2] =	dma.local @!p0 [hbm:s0], s1  }
0x171: {  	s0 =	simm.s32 @!p0 $0x5  }
0x172: {  	_ =	swait.ge @!p0 [sflag:s0], s1  }
0x173: {  	s1 =	ssub.s32 @!p0 $0x0, s1;
	[sflag:s0] =	ssyncset.done @!p0 $0x0  }
0x174: {  	[sflag:s0] =	ssyncadd.s32 @!p0 s1  }
0x175: {  	[bflag:$0x3] =	sbarrier.arrive $0xFFFF  }
0x176: {  	_ =	shalt  }

</sc_bundles>
